<compile_context>
chip_gen: v7x
topology: tpu7x:2x2x1
jax: 0.10.2.dev20260603
libtpu: 0.0.44.dev20260713+nightly
codegen_flags: <defaults>
</compile_context>

<pallas_src>
import functools
import jax
import jax.numpy as jnp
from jax import lax
from jax.experimental import pallas as pl
from jax.experimental.pallas import tpu as pltpu, tpu_sc as plsc

SEQ = 2048
D = 2048
CHUNK_ROWS = 16
NBUF = 3
LANES = 16
GROUP = 32
TC_BLOCK_ROWS = 512


def _make_sc_kernel(nc, ns):
    nw = nc * ns
    rows_per_worker = SEQ // nw
    n_chunks = rows_per_worker // CHUNK_ROWS
    n_groups = D // (GROUP * LANES)

    mesh = plsc.VectorSubcoreMesh(core_axis_name="c", subcore_axis_name="s")

    @functools.partial(
        pl.kernel,
        out_type=jax.ShapeDtypeStruct((SEQ, D), jnp.float32),
        mesh=mesh,
        scratch_types=(
            pltpu.VMEM((D,), jnp.float32),
            [pltpu.VMEM((CHUNK_ROWS, D), jnp.float32) for _ in range(NBUF)],
            [pltpu.SemaphoreType.DMA for _ in range(NBUF)],
            [pltpu.SemaphoreType.DMA for _ in range(NBUF)],
        ),
    )
    def sc_kernel(feat_hbm, tab_hbm, out_hbm, feat_v, bufs, in_sems, out_sems):
        wid = lax.axis_index("s") * nc + lax.axis_index("c")
        base_row = wid * rows_per_worker

        rows = [base_row + ci * CHUNK_ROWS for ci in range(n_chunks)]
        nk = len(rows)

        def start_in(k):
            return pltpu.async_copy(
                tab_hbm.at[pl.ds(rows[k], CHUNK_ROWS)], bufs[k % NBUF],
                in_sems[k % NBUF])

        def start_out(k):
            return pltpu.async_copy(
                bufs[k % NBUF], out_hbm.at[pl.ds(rows[k], CHUNK_ROWS)],
                out_sems[k % NBUF])

        def compute(k):
            buf = bufs[k % NBUF]

            def gbody(g, _):
                base_col = g * GROUP * LANES
                fj = [feat_v[pl.ds(base_col + c * LANES, LANES)]
                      for c in range(GROUP)]

                @plsc.parallel_loop(0, CHUNK_ROWS, step=1, unroll=4)
                def rbody(r):
                    for c in range(GROUP):
                        sl = pl.ds(base_col + c * LANES, LANES)
                        buf[r, sl] = buf[r, sl] + fj[c]

                return 0

            lax.fori_loop(0, n_groups, gbody, 0)

        in_fly = {0: start_in(0), 1: start_in(1)}
        pltpu.sync_copy(feat_hbm, feat_v)
        out_fly = {}
        for k in range(nk):
            nxt = k + 2
            if nxt < nk:
                prev = nxt - NBUF
                if prev >= 0:
                    out_fly[prev].wait()
                in_fly[nxt] = start_in(nxt)
            in_fly[k].wait()
            compute(k)
            out_fly[k] = start_out(k)
        for k in range(max(0, nk - NBUF), nk):
            out_fly[k].wait()

    return sc_kernel


def _tc_add_kernel(feat_ref, tab_ref, out_ref):
    out_ref[...] = tab_ref[...] + feat_ref[...]


def _tc_add(feat2d, table):
    return pl.pallas_call(
        _tc_add_kernel,
        grid=(SEQ // TC_BLOCK_ROWS,),
        in_specs=[
            pl.BlockSpec((1, D), lambda i: (0, 0)),
            pl.BlockSpec((TC_BLOCK_ROWS, D), lambda i: (i, 0)),
        ],
        out_specs=pl.BlockSpec((TC_BLOCK_ROWS, D), lambda i: (i, 0)),
        out_shape=jax.ShapeDtypeStruct((SEQ, D), jnp.float32),
    )(feat2d, table)


def kernel(text, image, pos_table, text_pos_table, image_pos_table):
    del pos_table
    info = plsc.get_sparse_core_info()
    sc_k = _make_sc_kernel(info.num_cores, info.num_subcores)

    tout = _tc_add(text, text_pos_table)
    iout = sc_k(image.reshape(-1), image_pos_table)
    return (tout[None], iout[None])

# --- scband reference (transcript-rebuilt; emitter-appended) ---
"""Pipeline reference for scband-qwen3-vl2-bposition-encoding-kernel-88725434401149 (READ-ONLY COPY).

The authoritative reference and input builder live on the scoring server;
editing this copy changes nothing except your own understanding.
"""

import jax, jax.numpy as jnp
import numpy as np

MAX_POS = 32768
D_MODEL = 2048
SEQ_LEN = 2048
BATCH = 1


def setup_inputs(seed: int = 0) -> dict:
    key = jax.random.key(seed)
    k1, k2, k3, k4, k5 = jax.random.split(key, 5)
    return {
        "text": jax.random.normal(k1, (BATCH, SEQ_LEN), dtype=jnp.float32),
        "image": jax.random.normal(k2, (BATCH, SEQ_LEN), dtype=jnp.float32),
        "pos_table": jax.random.normal(k3, (MAX_POS, D_MODEL), dtype=jnp.float32) * 0.02,
        "text_pos_table": jax.random.normal(k4, (MAX_POS, D_MODEL), dtype=jnp.float32) * 0.02,
        "image_pos_table": jax.random.normal(k5, (MAX_POS, D_MODEL), dtype=jnp.float32) * 0.02,
    }


def reference(text, image, pos_table, text_pos_table, image_pos_table):
    # Faithful translation of Qwen3VL2BPositionEncodingKernel.forward for the
    # dict features = {"text": text, "image": image} with 2-D feature tensors.
    outputs = []
    for modality, feat in (("text", text), ("image", image)):
        batch_size, seq_len = feat.shape[0], feat.shape[1]
        pos_ids = jnp.arange(seq_len, dtype=jnp.int32)
        pos_ids = jnp.broadcast_to(pos_ids[None, :], (batch_size, seq_len))
        if modality == "text":
            table = text_pos_table
        elif modality == "image":
            table = image_pos_table
        else:
            table = pos_table
        pos_emb = jnp.take(table, pos_ids, axis=0)  # (B, S, D) embedding gather
        # feat is 2-D so the torch code does a broadcasted add: (B, S) + (B, S, D)
        outputs.append(feat + pos_emb)
    return tuple(outputs)

if __name__ == "__main__":
    import jax
    _d = setup_inputs()
    print(jax.jit(kernel)(*tuple(_d.values())))

</pallas_src>

<mosaic_0001>
#map = affine_map<(d0, d1) -> (0)>
#map1 = affine_map<(d0, d1) -> (0, 0)>
module attributes {stable_mosaic.version = 14 : i64} {
  func.func @sc_kernel(%arg0: i32, %arg1: i32, %arg2: memref<2048xf32, #tpu.memory_space<hbm>>, %arg3: memref<32768x2048xf32, #tpu.memory_space<hbm>>, %arg4: memref<2048x2048xf32, #tpu.memory_space<hbm>>, %arg5: memref<2048xf32, #tpu.memory_space<vmem>>, %arg6: memref<16x2048xf32, #tpu.memory_space<vmem>>, %arg7: memref<16x2048xf32, #tpu.memory_space<vmem>>, %arg8: memref<16x2048xf32, #tpu.memory_space<vmem>>, %arg9: memref<!tpu.dma_semaphore, #tpu.memory_space<semaphore_mem>>, %arg10: memref<!tpu.dma_semaphore, #tpu.memory_space<semaphore_mem>>, %arg11: memref<!tpu.dma_semaphore, #tpu.memory_space<semaphore_mem>>, %arg12: memref<!tpu.dma_semaphore, #tpu.memory_space<semaphore_mem>>, %arg13: memref<!tpu.dma_semaphore, #tpu.memory_space<semaphore_mem>>, %arg14: memref<!tpu.dma_semaphore, #tpu.memory_space<semaphore_mem>>) attributes {dimension_semantics = [#tpu.dimension_semantics<core_parallel>, #tpu.dimension_semantics<subcore_parallel>], iteration_bounds = array<i64: 2, 16>, scalar_prefetch = 0 : i64, scratch_operands = 10 : i64, tpu.core_type = #tpu.core_type<sc_vector_subcore>, window_params = [{transform_indices = #map}, {transform_indices = #map1}, {transform_indices = #map1}]} {
    %mul3A = arith.constant 2 : i32
    %mul3A_0 = arith.muli %arg1, %mul3A : i32
    %add3A = arith.addi %mul3A_0, %arg0 : i32
    %mul3A_1 = arith.constant 64 : i32
    %mul3A_2 = arith.muli %add3A, %mul3A_1 : i32
    %add3A_3 = arith.constant 0 : i32
    %add3A_4 = arith.addi %mul3A_2, %add3A_3 : i32
    %add3A_5 = arith.constant 16 : i32
    %add3A_6 = arith.addi %mul3A_2, %add3A_5 : i32
    %add3A_7 = arith.constant 32 : i32
    %add3A_8 = arith.addi %mul3A_2, %add3A_7 : i32
    %add3A_9 = arith.constant 48 : i32
    %add3A_10 = arith.addi %mul3A_2, %add3A_9 : i32
    %dma_start3A = arith.constant 0 : i32
    %dma_start3A_11 = tpu.memref_slice %arg3[%add3A_4, %dma_start3A] : memref<32768x2048xf32, #tpu.memory_space<hbm>> -> memref<16x2048xf32, #tpu.memory_space<hbm>>
    %dma_start3A_12 = arith.constant 0 : i32
    %dma_start3A_13 = tpu.memref_slice %arg3[%add3A_4, %dma_start3A_12] : memref<32768x2048xf32, #tpu.memory_space<hbm>> -> memref<16x2048xf32, #tpu.memory_space<hbm>>
    tpu.enqueue_dma source(%dma_start3A_13 : memref<16x2048xf32, #tpu.memory_space<hbm>>) target(%arg6 : memref<16x2048xf32, #tpu.memory_space<vmem>>) target_semaphore(%arg9 : memref<!tpu.dma_semaphore, #tpu.memory_space<semaphore_mem>>)
    %dma_start3A_14 = arith.constant 0 : i32
    %dma_start3A_15 = tpu.memref_slice %arg3[%add3A_6, %dma_start3A_14] : memref<32768x2048xf32, #tpu.memory_space<hbm>> -> memref<16x2048xf32, #tpu.memory_space<hbm>>
    %dma_start3A_16 = arith.constant 0 : i32
    %dma_start3A_17 = tpu.memref_slice %arg3[%add3A_6, %dma_start3A_16] : memref<32768x2048xf32, #tpu.memory_space<hbm>> -> memref<16x2048xf32, #tpu.memory_space<hbm>>
    tpu.enqueue_dma source(%dma_start3A_17 : memref<16x2048xf32, #tpu.memory_space<hbm>>) target(%arg7 : memref<16x2048xf32, #tpu.memory_space<vmem>>) target_semaphore(%arg10 : memref<!tpu.dma_semaphore, #tpu.memory_space<semaphore_mem>>)
    "tpu.region"() ({
      %run_scoped3A = tpu.sem_alloc : memref<!tpu.dma_semaphore, #tpu.memory_space<semaphore_mem>>
      tpu.enqueue_dma source(%arg2 : memref<2048xf32, #tpu.memory_space<hbm>>) target(%arg5 : memref<2048xf32, #tpu.memory_space<vmem>>) target_semaphore(%run_scoped3A : memref<!tpu.dma_semaphore, #tpu.memory_space<semaphore_mem>>)
      tpu.wait_dma2 semaphore(%run_scoped3A : memref<!tpu.dma_semaphore, #tpu.memory_space<semaphore_mem>>) src(%arg2 : memref<2048xf32, #tpu.memory_space<hbm>>) dst(%arg5 : memref<2048xf32, #tpu.memory_space<vmem>>)
      tpu.yield
    }) : () -> ()
    %dma_start3A_18 = arith.constant 0 : i32
    %dma_start3A_19 = tpu.memref_slice %arg3[%add3A_8, %dma_start3A_18] : memref<32768x2048xf32, #tpu.memory_space<hbm>> -> memref<16x2048xf32, #tpu.memory_space<hbm>>
    %dma_start3A_20 = arith.constant 0 : i32
    %dma_start3A_21 = tpu.memref_slice %arg3[%add3A_8, %dma_start3A_20] : memref<32768x2048xf32, #tpu.memory_space<hbm>> -> memref<16x2048xf32, #tpu.memory_space<hbm>>
    tpu.enqueue_dma source(%dma_start3A_21 : memref<16x2048xf32, #tpu.memory_space<hbm>>) target(%arg8 : memref<16x2048xf32, #tpu.memory_space<vmem>>) target_semaphore(%arg11 : memref<!tpu.dma_semaphore, #tpu.memory_space<semaphore_mem>>)
    %dma_wait3A = arith.constant 0 : i32
    %dma_wait3A_22 = tpu.memref_slice %arg3[%add3A_4, %dma_wait3A] : memref<32768x2048xf32, #tpu.memory_space<hbm>> -> memref<16x2048xf32, #tpu.memory_space<hbm>>
    %dma_wait3A_23 = arith.constant 0 : i32
    %dma_wait3A_24 = tpu.memref_slice %arg3[%add3A_4, %dma_wait3A_23] : memref<32768x2048xf32, #tpu.memory_space<hbm>> -> memref<16x2048xf32, #tpu.memory_space<hbm>>
    tpu.wait_dma2 semaphore(%arg9 : memref<!tpu.dma_semaphore, #tpu.memory_space<semaphore_mem>>) src(%dma_wait3A_24 : memref<16x2048xf32, #tpu.memory_space<hbm>>) dst(%arg6 : memref<16x2048xf32, #tpu.memory_space<vmem>>)
    %scan3A = arith.constant 0 : i32
    %scan3A_25 = arith.constant 0 : i32
    %scan3A_26 = arith.constant 4 : i32
    %scan3A_27 = arith.addi %scan3A_25, %scan3A_26 : i32
    %scan3A_28 = arith.constant 1 : i32
    %scan3A_29 = scf.for %scan3A_100 = %scan3A_25 to %scan3A_27 step %scan3A_28 iter_args(%scan3A_101 = %scan3A) -> (i32)  : i32 {
      %mul3A_102 = arith.constant 32 : i32
      %mul3A_103 = arith.muli %scan3A_100, %mul3A_102 : i32
      %mul3A_104 = arith.constant 16 : i32
      %mul3A_105 = arith.muli %mul3A_103, %mul3A_104 : i32
      %add3A_106 = arith.constant 0 : i32
      %add3A_107 = arith.addi %mul3A_105, %add3A_106 : i32
      %get3A = arith.index_cast %add3A_107 : i32 to index
      %get3A_108 = tpu.vector_load %arg5[%get3A] {strides = array<i32>} : memref<2048xf32, #tpu.memory_space<vmem>>, vector<16xf32>,
      %get3A_109 = vector.shape_cast %get3A_108 : vector<16xf32> to vector<16xf32>
      %add3A_110 = arith.constant 16 : i32
      %add3A_111 = arith.addi %mul3A_105, %add3A_110 : i32
      %get3A_112 = arith.index_cast %add3A_111 : i32 to index
      %get3A_113 = tpu.vector_load %arg5[%get3A_112] {strides = array<i32>} : memref<2048xf32, #tpu.memory_space<vmem>>, vector<16xf32>,
      %get3A_114 = vector.shape_cast %get3A_113 : vector<16xf32> to vector<16xf32>
      %add3A_115 = arith.constant 32 : i32
      %add3A_116 = arith.addi %mul3A_105, %add3A_115 : i32
      %get3A_117 = arith.index_cast %add3A_116 : i32 to index
      %get3A_118 = tpu.vector_load %arg5[%get3A_117] {strides = array<i32>} : memref<2048xf32, #tpu.memory_space<vmem>>, vector<16xf32>,
      %get3A_119 = vector.shape_cast %get3A_118 : vector<16xf32> to vector<16xf32>
      %add3A_120 = arith.constant 48 : i32
      %add3A_121 = arith.addi %mul3A_105, %add3A_120 : i32
      %get3A_122 = arith.index_cast %add3A_121 : i32 to index
      %get3A_123 = tpu.vector_load %arg5[%get3A_122] {strides = array<i32>} : memref<2048xf32, #tpu.memory_space<vmem>>, vector<16xf32>,
      %get3A_124 = vector.shape_cast %get3A_123 : vector<16xf32> to vector<16xf32>
      %add3A_125 = arith.constant 64 : i32
      %add3A_126 = arith.addi %mul3A_105, %add3A_125 : i32
      %get3A_127 = arith.index_cast %add3A_126 : i32 to index
      %get3A_128 = tpu.vector_load %arg5[%get3A_127] {strides = array<i32>} : memref<2048xf32, #tpu.memory_space<vmem>>, vector<16xf32>,
      %get3A_129 = vector.shape_cast %get3A_128 : vector<16xf32> to vector<16xf32>
      %add3A_130 = arith.constant 80 : i32
      %add3A_131 = arith.addi %mul3A_105, %add3A_130 : i32
      %get3A_132 = arith.index_cast %add3A_131 : i32 to index
      %get3A_133 = tpu.vector_load %arg5[%get3A_132] {strides = array<i32>} : memref<2048xf32, #tpu.memory_space<vmem>>, vector<16xf32>,
      %get3A_134 = vector.shape_cast %get3A_133 : vector<16xf32> to vector<16xf32>
      %add3A_135 = arith.constant 96 : i32
      %add3A_136 = arith.addi %mul3A_105, %add3A_135 : i32
      %get3A_137 = arith.index_cast %add3A_136 : i32 to index
      %get3A_138 = tpu.vector_load %arg5[%get3A_137] {strides = array<i32>} : memref<2048xf32, #tpu.memory_space<vmem>>, vector<16xf32>,
      %get3A_139 = vector.shape_cast %get3A_138 : vector<16xf32> to vector<16xf32>
      %add3A_140 = arith.constant 112 : i32
      %add3A_141 = arith.addi %mul3A_105, %add3A_140 : i32
      %get3A_142 = arith.index_cast %add3A_141 : i32 to index
      %get3A_143 = tpu.vector_load %arg5[%get3A_142] {strides = array<i32>} : memref<2048xf32, #tpu.memory_space<vmem>>, vector<16xf32>,
      %get3A_144 = vector.shape_cast %get3A_143 : vector<16xf32> to vector<16xf32>
      %add3A_145 = arith.constant 128 : i32
      %add3A_146 = arith.addi %mul3A_105, %add3A_145 : i32
      %get3A_147 = arith.index_cast %add3A_146 : i32 to index
      %get3A_148 = tpu.vector_load %arg5[%get3A_147] {strides = array<i32>} : memref<2048xf32, #tpu.memory_space<vmem>>, vector<16xf32>,
      %get3A_149 = vector.shape_cast %get3A_148 : vector<16xf32> to vector<16xf32>
      %add3A_150 = arith.constant 144 : i32
      %add3A_151 = arith.addi %mul3A_105, %add3A_150 : i32
      %get3A_152 = arith.index_cast %add3A_151 : i32 to index
      %get3A_153 = tpu.vector_load %arg5[%get3A_152] {strides = array<i32>} : memref<2048xf32, #tpu.memory_space<vmem>>, vector<16xf32>,
      %get3A_154 = vector.shape_cast %get3A_153 : vector<16xf32> to vector<16xf32>
      %add3A_155 = arith.constant 160 : i32
      %add3A_156 = arith.addi %mul3A_105, %add3A_155 : i32
      %get3A_157 = arith.index_cast %add3A_156 : i32 to index
      %get3A_158 = tpu.vector_load %arg5[%get3A_157] {strides = array<i32>} : memref<2048xf32, #tpu.memory_space<vmem>>, vector<16xf32>,
      %get3A_159 = vector.shape_cast %get3A_158 : vector<16xf32> to vector<16xf32>
      %add3A_160 = arith.constant 176 : i32
      %add3A_161 = arith.addi %mul3A_105, %add3A_160 : i32
      %get3A_162 = arith.index_cast %add3A_161 : i32 to index
      %get3A_163 = tpu.vector_load %arg5[%get3A_162] {strides = array<i32>} : memref<2048xf32, #tpu.memory_space<vmem>>, vector<16xf32>,
      %get3A_164 = vector.shape_cast %get3A_163 : vector<16xf32> to vector<16xf32>
      %add3A_165 = arith.constant 192 : i32
      %add3A_166 = arith.addi %mul3A_105, %add3A_165 : i32
      %get3A_167 = arith.index_cast %add3A_166 : i32 to index
      %get3A_168 = tpu.vector_load %arg5[%get3A_167] {strides = array<i32>} : memref<2048xf32, #tpu.memory_space<vmem>>, vector<16xf32>,
      %get3A_169 = vector.shape_cast %get3A_168 : vector<16xf32> to vector<16xf32>
      %add3A_170 = arith.constant 208 : i32
      %add3A_171 = arith.addi %mul3A_105, %add3A_170 : i32
      %get3A_172 = arith.index_cast %add3A_171 : i32 to index
      %get3A_173 = tpu.vector_load %arg5[%get3A_172] {strides = array<i32>} : memref<2048xf32, #tpu.memory_space<vmem>>, vector<16xf32>,
      %get3A_174 = vector.shape_cast %get3A_173 : vector<16xf32> to vector<16xf32>
      %add3A_175 = arith.constant 224 : i32
      %add3A_176 = arith.addi %mul3A_105, %add3A_175 : i32
      %get3A_177 = arith.index_cast %add3A_176 : i32 to index
      %get3A_178 = tpu.vector_load %arg5[%get3A_177] {strides = array<i32>} : memref<2048xf32, #tpu.memory_space<vmem>>, vector<16xf32>,
      %get3A_179 = vector.shape_cast %get3A_178 : vector<16xf32> to vector<16xf32>
      %add3A_180 = arith.constant 240 : i32
      %add3A_181 = arith.addi %mul3A_105, %add3A_180 : i32
      %get3A_182 = arith.index_cast %add3A_181 : i32 to index
      %get3A_183 = tpu.vector_load %arg5[%get3A_182] {strides = array<i32>} : memref<2048xf32, #tpu.memory_space<vmem>>, vector<16xf32>,
      %get3A_184 = vector.shape_cast %get3A_183 : vector<16xf32> to vector<16xf32>
      %add3A_185 = arith.constant 256 : i32
      %add3A_186 = arith.addi %mul3A_105, %add3A_185 : i32
      %get3A_187 = arith.index_cast %add3A_186 : i32 to index
      %get3A_188 = tpu.vector_load %arg5[%get3A_187] {strides = array<i32>} : memref<2048xf32, #tpu.memory_space<vmem>>, vector<16xf32>,
      %get3A_189 = vector.shape_cast %get3A_188 : vector<16xf32> to vector<16xf32>
      %add3A_190 = arith.constant 272 : i32
      %add3A_191 = arith.addi %mul3A_105, %add3A_190 : i32
      %get3A_192 = arith.index_cast %add3A_191 : i32 to index
      %get3A_193 = tpu.vector_load %arg5[%get3A_192] {strides = array<i32>} : memref<2048xf32, #tpu.memory_space<vmem>>, vector<16xf32>,
      %get3A_194 = vector.shape_cast %get3A_193 : vector<16xf32> to vector<16xf32>
      %add3A_195 = arith.constant 288 : i32
      %add3A_196 = arith.addi %mul3A_105, %add3A_195 : i32
      %get3A_197 = arith.index_cast %add3A_196 : i32 to index
      %get3A_198 = tpu.vector_load %arg5[%get3A_197] {strides = array<i32>} : memref<2048xf32, #tpu.memory_space<vmem>>, vector<16xf32>,
      %get3A_199 = vector.shape_cast %get3A_198 : vector<16xf32> to vector<16xf32>
      %add3A_200 = arith.constant 304 : i32
      %add3A_201 = arith.addi %mul3A_105, %add3A_200 : i32
      %get3A_202 = arith.index_cast %add3A_201 : i32 to index
      %get3A_203 = tpu.vector_load %arg5[%get3A_202] {strides = array<i32>} : memref<2048xf32, #tpu.memory_space<vmem>>, vector<16xf32>,
      %get3A_204 = vector.shape_cast %get3A_203 : vector<16xf32> to vector<16xf32>
      %add3A_205 = arith.constant 320 : i32
      %add3A_206 = arith.addi %mul3A_105, %add3A_205 : i32
      %get3A_207 = arith.index_cast %add3A_206 : i32 to index
      %get3A_208 = tpu.vector_load %arg5[%get3A_207] {strides = array<i32>} : memref<2048xf32, #tpu.memory_space<vmem>>, vector<16xf32>,
      %get3A_209 = vector.shape_cast %get3A_208 : vector<16xf32> to vector<16xf32>
      %add3A_210 = arith.constant 336 : i32
      %add3A_211 = arith.addi %mul3A_105, %add3A_210 : i32
      %get3A_212 = arith.index_cast %add3A_211 : i32 to index
      %get3A_213 = tpu.vector_load %arg5[%get3A_212] {strides = array<i32>} : memref<2048xf32, #tpu.memory_space<vmem>>, vector<16xf32>,
      %get3A_214 = vector.shape_cast %get3A_213 : vector<16xf32> to vector<16xf32>
      %add3A_215 = arith.constant 352 : i32
      %add3A_216 = arith.addi %mul3A_105, %add3A_215 : i32
      %get3A_217 = arith.index_cast %add3A_216 : i32 to index
      %get3A_218 = tpu.vector_load %arg5[%get3A_217] {strides = array<i32>} : memref<2048xf32, #tpu.memory_space<vmem>>, vector<16xf32>,
      %get3A_219 = vector.shape_cast %get3A_218 : vector<16xf32> to vector<16xf32>
      %add3A_220 = arith.constant 368 : i32
      %add3A_221 = arith.addi %mul3A_105, %add3A_220 : i32
      %get3A_222 = arith.index_cast %add3A_221 : i32 to index
      %get3A_223 = tpu.vector_load %arg5[%get3A_222] {strides = array<i32>} : memref<2048xf32, #tpu.memory_space<vmem>>, vector<16xf32>,
      %get3A_224 = vector.shape_cast %get3A_223 : vector<16xf32> to vector<16xf32>
      %add3A_225 = arith.constant 384 : i32
      %add3A_226 = arith.addi %mul3A_105, %add3A_225 : i32
      %get3A_227 = arith.index_cast %add3A_226 : i32 to index
      %get3A_228 = tpu.vector_load %arg5[%get3A_227] {strides = array<i32>} : memref<2048xf32, #tpu.memory_space<vmem>>, vector<16xf32>,
      %get3A_229 = vector.shape_cast %get3A_228 : vector<16xf32> to vector<16xf32>
      %add3A_230 = arith.constant 400 : i32
      %add3A_231 = arith.addi %mul3A_105, %add3A_230 : i32
      %get3A_232 = arith.index_cast %add3A_231 : i32 to index
      %get3A_233 = tpu.vector_load %arg5[%get3A_232] {strides = array<i32>} : memref<2048xf32, #tpu.memory_space<vmem>>, vector<16xf32>,
      %get3A_234 = vector.shape_cast %get3A_233 : vector<16xf32> to vector<16xf32>
      %add3A_235 = arith.constant 416 : i32
      %add3A_236 = arith.addi %mul3A_105, %add3A_235 : i32
      %get3A_237 = arith.index_cast %add3A_236 : i32 to index
      %get3A_238 = tpu.vector_load %arg5[%get3A_237] {strides = array<i32>} : memref<2048xf32, #tpu.memory_space<vmem>>, vector<16xf32>,
      %get3A_239 = vector.shape_cast %get3A_238 : vector<16xf32> to vector<16xf32>
      %add3A_240 = arith.constant 432 : i32
      %add3A_241 = arith.addi %mul3A_105, %add3A_240 : i32
      %get3A_242 = arith.index_cast %add3A_241 : i32 to index
      %get3A_243 = tpu.vector_load %arg5[%get3A_242] {strides = array<i32>} : memref<2048xf32, #tpu.memory_space<vmem>>, vector<16xf32>,
      %get3A_244 = vector.shape_cast %get3A_243 : vector<16xf32> to vector<16xf32>
      %add3A_245 = arith.constant 448 : i32
      %add3A_246 = arith.addi %mul3A_105, %add3A_245 : i32
      %get3A_247 = arith.index_cast %add3A_246 : i32 to index
      %get3A_248 = tpu.vector_load %arg5[%get3A_247] {strides = array<i32>} : memref<2048xf32, #tpu.memory_space<vmem>>, vector<16xf32>,
      %get3A_249 = vector.shape_cast %get3A_248 : vector<16xf32> to vector<16xf32>
      %add3A_250 = arith.constant 464 : i32
      %add3A_251 = arith.addi %mul3A_105, %add3A_250 : i32
      %get3A_252 = arith.index_cast %add3A_251 : i32 to index
      %get3A_253 = tpu.vector_load %arg5[%get3A_252] {strides = array<i32>} : memref<2048xf32, #tpu.memory_space<vmem>>, vector<16xf32>,
      %get3A_254 = vector.shape_cast %get3A_253 : vector<16xf32> to vector<16xf32>
      %add3A_255 = arith.constant 480 : i32
      %add3A_256 = arith.addi %mul3A_105, %add3A_255 : i32
      %get3A_257 = arith.index_cast %add3A_256 : i32 to index
      %get3A_258 = tpu.vector_load %arg5[%get3A_257] {strides = array<i32>} : memref<2048xf32, #tpu.memory_space<vmem>>, vector<16xf32>,
      %get3A_259 = vector.shape_cast %get3A_258 : vector<16xf32> to vector<16xf32>
      %add3A_260 = arith.constant 496 : i32
      %add3A_261 = arith.addi %mul3A_105, %add3A_260 : i32
      %get3A_262 = arith.index_cast %add3A_261 : i32 to index
      %get3A_263 = tpu.vector_load %arg5[%get3A_262] {strides = array<i32>} : memref<2048xf32, #tpu.memory_space<vmem>>, vector<16xf32>,
      %get3A_264 = vector.shape_cast %get3A_263 : vector<16xf32> to vector<16xf32>
      %parallel_loop3A = arith.constant 0 : i32
      %parallel_loop3A_265 = arith.constant 16 : i32
      %parallel_loop3A_266 = arith.constant 1 : i32
      scf.for %parallel_loop3A_268 = %parallel_loop3A to %parallel_loop3A_265 step %parallel_loop3A_266  : i32 {
        %parallel_loop3A_269 = arith.constant 0 : i32
        %parallel_loop3A_270 = arith.addi %mul3A_105, %parallel_loop3A_269 : i32
        %parallel_loop3A_271 = arith.index_cast %parallel_loop3A_268 : i32 to index
        %parallel_loop3A_272 = arith.index_cast %parallel_loop3A_270 : i32 to index
        %parallel_loop3A_273 = tpu.vector_load %arg6[%parallel_loop3A_271, %parallel_loop3A_272] {strides = array<i32>} : memref<16x2048xf32, #tpu.memory_space<vmem>>, vector<1x16xf32>,
        %parallel_loop3A_274 = vector.shape_cast %parallel_loop3A_273 : vector<1x16xf32> to vector<16xf32>
        %parallel_loop3A_275 = arith.addf %parallel_loop3A_274, %get3A_109 : vector<16xf32>
        %parallel_loop3A_276 = arith.index_cast %parallel_loop3A_268 : i32 to index
        %parallel_loop3A_277 = arith.index_cast %parallel_loop3A_270 : i32 to index
        %parallel_loop3A_278 = tpu.vector_load %arg6[%parallel_loop3A_276, %parallel_loop3A_277] {strides = array<i32>} : memref<16x2048xf32, #tpu.memory_space<vmem>>, vector<1x16xf32>,
        %parallel_loop3A_279 = vector.shape_cast %parallel_loop3A_278 : vector<1x16xf32> to vector<16xf32>
        %parallel_loop3A_280 = vector.shape_cast %parallel_loop3A_275 : vector<16xf32> to vector<1x16xf32>
        tpu.vector_store %arg6[%parallel_loop3A_276, %parallel_loop3A_277], %parallel_loop3A_280 {strides = array<i32>} : memref<16x2048xf32, #tpu.memory_space<vmem>>, vector<1x16xf32>,
        %parallel_loop3A_281 = arith.constant 16 : i32
        %parallel_loop3A_282 = arith.addi %mul3A_105, %parallel_loop3A_281 : i32
        %parallel_loop3A_283 = arith.index_cast %parallel_loop3A_268 : i32 to index
        %parallel_loop3A_284 = arith.index_cast %parallel_loop3A_282 : i32 to index
        %parallel_loop3A_285 = tpu.vector_load %arg6[%parallel_loop3A_283, %parallel_loop3A_284] {strides = array<i32>} : memref<16x2048xf32, #tpu.memory_space<vmem>>, vector<1x16xf32>,
        %parallel_loop3A_286 = vector.shape_cast %parallel_loop3A_285 : vector<1x16xf32> to vector<16xf32>
        %parallel_loop3A_287 = arith.addf %parallel_loop3A_286, %get3A_114 : vector<16xf32>
        %parallel_loop3A_288 = arith.index_cast %parallel_loop3A_268 : i32 to index
        %parallel_loop3A_289 = arith.index_cast %parallel_loop3A_282 : i32 to index
        %parallel_loop3A_290 = tpu.vector_load %arg6[%parallel_loop3A_288, %parallel_loop3A_289] {strides = array<i32>} : memref<16x2048xf32, #tpu.memory_space<vmem>>, vector<1x16xf32>,
        %parallel_loop3A_291 = vector.shape_cast %parallel_loop3A_290 : vector<1x16xf32> to vector<16xf32>
        %parallel_loop3A_292 = vector.shape_cast %parallel_loop3A_287 : vector<16xf32> to vector<1x16xf32>
        tpu.vector_store %arg6[%parallel_loop3A_288, %parallel_loop3A_289], %parallel_loop3A_292 {strides = array<i32>} : memref<16x2048xf32, #tpu.memory_space<vmem>>, vector<1x16xf32>,
        %parallel_loop3A_293 = arith.constant 32 : i32
        %parallel_loop3A_294 = arith.addi %mul3A_105, %parallel_loop3A_293 : i32
        %parallel_loop3A_295 = arith.index_cast %parallel_loop3A_268 : i32 to index
        %parallel_loop3A_296 = arith.index_cast %parallel_loop3A_294 : i32 to index
        %parallel_loop3A_297 = tpu.vector_load %arg6[%parallel_loop3A_295, %parallel_loop3A_296] {strides = array<i32>} : memref<16x2048xf32, #tpu.memory_space<vmem>>, vector<1x16xf32>,
        %parallel_loop3A_298 = vector.shape_cast %parallel_loop3A_297 : vector<1x16xf32> to vector<16xf32>
        %parallel_loop3A_299 = arith.addf %parallel_loop3A_298, %get3A_119 : vector<16xf32>
        %parallel_loop3A_300 = arith.index_cast %parallel_loop3A_268 : i32 to index
        %parallel_loop3A_301 = arith.index_cast %parallel_loop3A_294 : i32 to index
        %parallel_loop3A_302 = tpu.vector_load %arg6[%parallel_loop3A_300, %parallel_loop3A_301] {strides = array<i32>} : memref<16x2048xf32, #tpu.memory_space<vmem>>, vector<1x16xf32>,
        %parallel_loop3A_303 = vector.shape_cast %parallel_loop3A_302 : vector<1x16xf32> to vector<16xf32>
        %parallel_loop3A_304 = vector.shape_cast %parallel_loop3A_299 : vector<16xf32> to vector<1x16xf32>
        tpu.vector_store %arg6[%parallel_loop3A_300, %parallel_loop3A_301], %parallel_loop3A_304 {strides = array<i32>} : memref<16x2048xf32, #tpu.memory_space<vmem>>, vector<1x16xf32>,
        %parallel_loop3A_305 = arith.constant 48 : i32
        %parallel_loop3A_306 = arith.addi %mul3A_105, %parallel_loop3A_305 : i32
        %parallel_loop3A_307 = arith.index_cast %parallel_loop3A_268 : i32 to index
        %parallel_loop3A_308 = arith.index_cast %parallel_loop3A_306 : i32 to index
        %parallel_loop3A_309 = tpu.vector_load %arg6[%parallel_loop3A_307, %parallel_loop3A_308] {strides = array<i32>} : memref<16x2048xf32, #tpu.memory_space<vmem>>, vector<1x16xf32>,
        %parallel_loop3A_310 = vector.shape_cast %parallel_loop3A_309 : vector<1x16xf32> to vector<16xf32>
        %parallel_loop3A_311 = arith.addf %parallel_loop3A_310, %get3A_124 : vector<16xf32>
        %parallel_loop3A_312 = arith.index_cast %parallel_loop3A_268 : i32 to index
        %parallel_loop3A_313 = arith.index_cast %parallel_loop3A_306 : i32 to index
        %parallel_loop3A_314 = tpu.vector_load %arg6[%parallel_loop3A_312, %parallel_loop3A_313] {strides = array<i32>} : memref<16x2048xf32, #tpu.memory_space<vmem>>, vector<1x16xf32>,
        %parallel_loop3A_315 = vector.shape_cast %parallel_loop3A_314 : vector<1x16xf32> to vector<16xf32>
        %parallel_loop3A_316 = vector.shape_cast %parallel_loop3A_311 : vector<16xf32> to vector<1x16xf32>
        tpu.vector_store %arg6[%parallel_loop3A_312, %parallel_loop3A_313], %parallel_loop3A_316 {strides = array<i32>} : memref<16x2048xf32, #tpu.memory_space<vmem>>, vector<1x16xf32>,
        %parallel_loop3A_317 = arith.constant 64 : i32
        %parallel_loop3A_318 = arith.addi %mul3A_105, %parallel_loop3A_317 : i32
        %parallel_loop3A_319 = arith.index_cast %parallel_loop3A_268 : i32 to index
        %parallel_loop3A_320 = arith.index_cast %parallel_loop3A_318 : i32 to index
        %parallel_loop3A_321 = tpu.vector_load %arg6[%parallel_loop3A_319, %parallel_loop3A_320] {strides = array<i32>} : memref<16x2048xf32, #tpu.memory_space<vmem>>, vector<1x16xf32>,
        %parallel_loop3A_322 = vector.shape_cast %parallel_loop3A_321 : vector<1x16xf32> to vector<16xf32>
        %parallel_loop3A_323 = arith.addf %parallel_loop3A_322, %get3A_129 : vector<16xf32>
        %parallel_loop3A_324 = arith.index_cast %parallel_loop3A_268 : i32 to index
        %parallel_loop3A_325 = arith.index_cast %parallel_loop3A_318 : i32 to index
        %parallel_loop3A_326 = tpu.vector_load %arg6[%parallel_loop3A_324, %parallel_loop3A_325] {strides = array<i32>} : memref<16x2048xf32, #tpu.memory_space<vmem>>, vector<1x16xf32>,
        %parallel_loop3A_327 = vector.shape_cast %parallel_loop3A_326 : vector<1x16xf32> to vector<16xf32>
        %parallel_loop3A_328 = vector.shape_cast %parallel_loop3A_323 : vector<16xf32> to vector<1x16xf32>
        tpu.vector_store %arg6[%parallel_loop3A_324, %parallel_loop3A_325], %parallel_loop3A_328 {strides = array<i32>} : memref<16x2048xf32, #tpu.memory_space<vmem>>, vector<1x16xf32>,
        %parallel_loop3A_329 = arith.constant 80 : i32
        %parallel_loop3A_330 = arith.addi %mul3A_105, %parallel_loop3A_329 : i32
        %parallel_loop3A_331 = arith.index_cast %parallel_loop3A_268 : i32 to index
        %parallel_loop3A_332 = arith.index_cast %parallel_loop3A_330 : i32 to index
        %parallel_loop3A_333 = tpu.vector_load %arg6[%parallel_loop3A_331, %parallel_loop3A_332] {strides = array<i32>} : memref<16x2048xf32, #tpu.memory_space<vmem>>, vector<1x16xf32>,
        %parallel_loop3A_334 = vector.shape_cast %parallel_loop3A_333 : vector<1x16xf32> to vector<16xf32>
        %parallel_loop3A_335 = arith.addf %parallel_loop3A_334, %get3A_134 : vector<16xf32>
        %parallel_loop3A_336 = arith.index_cast %parallel_loop3A_268 : i32 to index
        %parallel_loop3A_337 = arith.index_cast %parallel_loop3A_330 : i32 to index
        %parallel_loop3A_338 = tpu.vector_load %arg6[%parallel_loop3A_336, %parallel_loop3A_337] {strides = array<i32>} : memref<16x2048xf32, #tpu.memory_space<vmem>>, vector<1x16xf32>,
        %parallel_loop3A_339 = vector.shape_cast %parallel_loop3A_338 : vector<1x16xf32> to vector<16xf32>
        %parallel_loop3A_340 = vector.shape_cast %parallel_loop3A_335 : vector<16xf32> to vector<1x16xf32>
        tpu.vector_store %arg6[%parallel_loop3A_336, %parallel_loop3A_337], %parallel_loop3A_340 {strides = array<i32>} : memref<16x2048xf32, #tpu.memory_space<vmem>>, vector<1x16xf32>,
        %parallel_loop3A_341 = arith.constant 96 : i32
        %parallel_loop3A_342 = arith.addi %mul3A_105, %parallel_loop3A_341 : i32
        %parallel_loop3A_343 = arith.index_cast %parallel_loop3A_268 : i32 to index
        %parallel_loop3A_344 = arith.index_cast %parallel_loop3A_342 : i32 to index
        %parallel_loop3A_345 = tpu.vector_load %arg6[%parallel_loop3A_343, %parallel_loop3A_344] {strides = array<i32>} : memref<16x2048xf32, #tpu.memory_space<vmem>>, vector<1x16xf32>,
        %parallel_loop3A_346 = vector.shape_cast %parallel_loop3A_345 : vector<1x16xf32> to vector<16xf32>
        %parallel_loop3A_347 = arith.addf %parallel_loop3A_346, %get3A_139 : vector<16xf32>
        %parallel_loop3A_348 = arith.index_cast %parallel_loop3A_268 : i32 to index
        %parallel_loop3A_349 = arith.index_cast %parallel_loop3A_342 : i32 to index
        %parallel_loop3A_350 = tpu.vector_load %arg6[%parallel_loop3A_348, %parallel_loop3A_349] {strides = array<i32>} : memref<16x2048xf32, #tpu.memory_space<vmem>>, vector<1x16xf32>,
        %parallel_loop3A_351 = vector.shape_cast %parallel_loop3A_350 : vector<1x16xf32> to vector<16xf32>
        %parallel_loop3A_352 = vector.shape_cast %parallel_loop3A_347 : vector<16xf32> to vector<1x16xf32>
        tpu.vector_store %arg6[%parallel_loop3A_348, %parallel_loop3A_349], %parallel_loop3A_352 {strides = array<i32>} : memref<16x2048xf32, #tpu.memory_space<vmem>>, vector<1x16xf32>,
        %parallel_loop3A_353 = arith.constant 112 : i32
        %parallel_loop3A_354 = arith.addi %mul3A_105, %parallel_loop3A_353 : i32
        %parallel_loop3A_355 = arith.index_cast %parallel_loop3A_268 : i32 to index
        %parallel_loop3A_356 = arith.index_cast %parallel_loop3A_354 : i32 to index
        %parallel_loop3A_357 = tpu.vector_load %arg6[%parallel_loop3A_355, %parallel_loop3A_356] {strides = array<i32>} : memref<16x2048xf32, #tpu.memory_space<vmem>>, vector<1x16xf32>,
        %parallel_loop3A_358 = vector.shape_cast %parallel_loop3A_357 : vector<1x16xf32> to vector<16xf32>
        %parallel_loop3A_359 = arith.addf %parallel_loop3A_358, %get3A_144 : vector<16xf32>
        %parallel_loop3A_360 = arith.index_cast %parallel_loop3A_268 : i32 to index
        %parallel_loop3A_361 = arith.index_cast %parallel_loop3A_354 : i32 to index
        %parallel_loop3A_362 = tpu.vector_load %arg6[%parallel_loop3A_360, %parallel_loop3A_361] {strides = array<i32>} : memref<16x2048xf32, #tpu.memory_space<vmem>>, vector<1x16xf32>,
        %parallel_loop3A_363 = vector.shape_cast %parallel_loop3A_362 : vector<1x16xf32> to vector<16xf32>
        %parallel_loop3A_364 = vector.shape_cast %parallel_loop3A_359 : vector<16xf32> to vector<1x16xf32>
        tpu.vector_store %arg6[%parallel_loop3A_360, %parallel_loop3A_361], %parallel_loop3A_364 {strides = array<i32>} : memref<16x2048xf32, #tpu.memory_space<vmem>>, vector<1x16xf32>,
        %parallel_loop3A_365 = arith.constant 128 : i32
        %parallel_loop3A_366 = arith.addi %mul3A_105, %parallel_loop3A_365 : i32
        %parallel_loop3A_367 = arith.index_cast %parallel_loop3A_268 : i32 to index
        %parallel_loop3A_368 = arith.index_cast %parallel_loop3A_366 : i32 to index
        %parallel_loop3A_369 = tpu.vector_load %arg6[%parallel_loop3A_367, %parallel_loop3A_368] {strides = array<i32>} : memref<16x2048xf32, #tpu.memory_space<vmem>>, vector<1x16xf32>,
        %parallel_loop3A_370 = vector.shape_cast %parallel_loop3A_369 : vector<1x16xf32> to vector<16xf32>
        %parallel_loop3A_371 = arith.addf %parallel_loop3A_370, %get3A_149 : vector<16xf32>
        %parallel_loop3A_372 = arith.index_cast %parallel_loop3A_268 : i32 to index
        %parallel_loop3A_373 = arith.index_cast %parallel_loop3A_366 : i32 to index
        %parallel_loop3A_374 = tpu.vector_load %arg6[%parallel_loop3A_372, %parallel_loop3A_373] {strides = array<i32>} : memref<16x2048xf32, #tpu.memory_space<vmem>>, vector<1x16xf32>,
        %parallel_loop3A_375 = vector.shape_cast %parallel_loop3A_374 : vector<1x16xf32> to vector<16xf32>
        %parallel_loop3A_376 = vector.shape_cast %parallel_loop3A_371 : vector<16xf32> to vector<1x16xf32>
        tpu.vector_store %arg6[%parallel_loop3A_372, %parallel_loop3A_373], %parallel_loop3A_376 {strides = array<i32>} : memref<16x2048xf32, #tpu.memory_space<vmem>>, vector<1x16xf32>,
        %parallel_loop3A_377 = arith.constant 144 : i32
        %parallel_loop3A_378 = arith.addi %mul3A_105, %parallel_loop3A_377 : i32
        %parallel_loop3A_379 = arith.index_cast %parallel_loop3A_268 : i32 to index
        %parallel_loop3A_380 = arith.index_cast %parallel_loop3A_378 : i32 to index
        %parallel_loop3A_381 = tpu.vector_load %arg6[%parallel_loop3A_379, %parallel_loop3A_380] {strides = array<i32>} : memref<16x2048xf32, #tpu.memory_space<vmem>>, vector<1x16xf32>,
        %parallel_loop3A_382 = vector.shape_cast %parallel_loop3A_381 : vector<1x16xf32> to vector<16xf32>
        %parallel_loop3A_383 = arith.addf %parallel_loop3A_382, %get3A_154 : vector<16xf32>
        %parallel_loop3A_384 = arith.index_cast %parallel_loop3A_268 : i32 to index
        %parallel_loop3A_385 = arith.index_cast %parallel_loop3A_378 : i32 to index
        %parallel_loop3A_386 = tpu.vector_load %arg6[%parallel_loop3A_384, %parallel_loop3A_385] {strides = array<i32>} : memref<16x2048xf32, #tpu.memory_space<vmem>>, vector<1x16xf32>,
        %parallel_loop3A_387 = vector.shape_cast %parallel_loop3A_386 : vector<1x16xf32> to vector<16xf32>
        %parallel_loop3A_388 = vector.shape_cast %parallel_loop3A_383 : vector<16xf32> to vector<1x16xf32>
        tpu.vector_store %arg6[%parallel_loop3A_384, %parallel_loop3A_385], %parallel_loop3A_388 {strides = array<i32>} : memref<16x2048xf32, #tpu.memory_space<vmem>>, vector<1x16xf32>,
        %parallel_loop3A_389 = arith.constant 160 : i32
        %parallel_loop3A_390 = arith.addi %mul3A_105, %parallel_loop3A_389 : i32
        %parallel_loop3A_391 = arith.index_cast %parallel_loop3A_268 : i32 to index
        %parallel_loop3A_392 = arith.index_cast %parallel_loop3A_390 : i32 to index
        %parallel_loop3A_393 = tpu.vector_load %arg6[%parallel_loop3A_391, %parallel_loop3A_392] {strides = array<i32>} : memref<16x2048xf32, #tpu.memory_space<vmem>>, vector<1x16xf32>,
        %parallel_loop3A_394 = vector.shape_cast %parallel_loop3A_393 : vector<1x16xf32> to vector<16xf32>
        %parallel_loop3A_395 = arith.addf %parallel_loop3A_394, %get3A_159 : vector<16xf32>
        %parallel_loop3A_396 = arith.index_cast %parallel_loop3A_268 : i32 to index
        %parallel_loop3A_397 = arith.index_cast %parallel_loop3A_390 : i32 to index
        %parallel_loop3A_398 = tpu.vector_load %arg6[%parallel_loop3A_396, %parallel_loop3A_397] {strides = array<i32>} : memref<16x2048xf32, #tpu.memory_space<vmem>>, vector<1x16xf32>,
        %parallel_loop3A_399 = vector.shape_cast %parallel_loop3A_398 : vector<1x16xf32> to vector<16xf32>
        %parallel_loop3A_400 = vector.shape_cast %parallel_loop3A_395 : vector<16xf32> to vector<1x16xf32>
        tpu.vector_store %arg6[%parallel_loop3A_396, %parallel_loop3A_397], %parallel_loop3A_400 {strides = array<i32>} : memref<16x2048xf32, #tpu.memory_space<vmem>>, vector<1x16xf32>,
        %parallel_loop3A_401 = arith.constant 176 : i32
        %parallel_loop3A_402 = arith.addi %mul3A_105, %parallel_loop3A_401 : i32
        %parallel_loop3A_403 = arith.index_cast %parallel_loop3A_268 : i32 to index
        %parallel_loop3A_404 = arith.index_cast %parallel_loop3A_402 : i32 to index
        %parallel_loop3A_405 = tpu.vector_load %arg6[%parallel_loop3A_403, %parallel_loop3A_404] {strides = array<i32>} : memref<16x2048xf32, #tpu.memory_space<vmem>>, vector<1x16xf32>,
        %parallel_loop3A_406 = vector.shape_cast %parallel_loop3A_405 : vector<1x16xf32> to vector<16xf32>
        %parallel_loop3A_407 = arith.addf %parallel_loop3A_406, %get3A_164 : vector<16xf32>
        %parallel_loop3A_408 = arith.index_cast %parallel_loop3A_268 : i32 to index
        %parallel_loop3A_409 = arith.index_cast %parallel_loop3A_402 : i32 to index
        %parallel_loop3A_410 = tpu.vector_load %arg6[%parallel_loop3A_408, %parallel_loop3A_409] {strides = array<i32>} : memref<16x2048xf32, #tpu.memory_space<vmem>>, vector<1x16xf32>,
        %parallel_loop3A_411 = vector.shape_cast %parallel_loop3A_410 : vector<1x16xf32> to vector<16xf32>
        %parallel_loop3A_412 = vector.shape_cast %parallel_loop3A_407 : vector<16xf32> to vector<1x16xf32>
        tpu.vector_store %arg6[%parallel_loop3A_408, %parallel_loop3A_409], %parallel_loop3A_412 {strides = array<i32>} : memref<16x2048xf32, #tpu.memory_space<vmem>>, vector<1x16xf32>,
        %parallel_loop3A_413 = arith.constant 192 : i32
        %parallel_loop3A_414 = arith.addi %mul3A_105, %parallel_loop3A_413 : i32
        %parallel_loop3A_415 = arith.index_cast %parallel_loop3A_268 : i32 to index
        %parallel_loop3A_416 = arith.index_cast %parallel_loop3A_414 : i32 to index
        %parallel_loop3A_417 = tpu.vector_load %arg6[%parallel_loop3A_415, %parallel_loop3A_416] {strides = array<i32>} : memref<16x2048xf32, #tpu.memory_space<vmem>>, vector<1x16xf32>,
        %parallel_loop3A_418 = vector.shape_cast %parallel_loop3A_417 : vector<1x16xf32> to vector<16xf32>
        %parallel_loop3A_419 = arith.addf %parallel_loop3A_418, %get3A_169 : vector<16xf32>
        %parallel_loop3A_420 = arith.index_cast %parallel_loop3A_268 : i32 to index
        %parallel_loop3A_421 = arith.index_cast %parallel_loop3A_414 : i32 to index
        %parallel_loop3A_422 = tpu.vector_load %arg6[%parallel_loop3A_420, %parallel_loop3A_421] {strides = array<i32>} : memref<16x2048xf32, #tpu.memory_space<vmem>>, vector<1x16xf32>,
        %parallel_loop3A_423 = vector.shape_cast %parallel_loop3A_422 : vector<1x16xf32> to vector<16xf32>
        %parallel_loop3A_424 = vector.shape_cast %parallel_loop3A_419 : vector<16xf32> to vector<1x16xf32>
        tpu.vector_store %arg6[%parallel_loop3A_420, %parallel_loop3A_421], %parallel_loop3A_424 {strides = array<i32>} : memref<16x2048xf32, #tpu.memory_space<vmem>>, vector<1x16xf32>,
        %parallel_loop3A_425 = arith.constant 208 : i32
        %parallel_loop3A_426 = arith.addi %mul3A_105, %parallel_loop3A_425 : i32
        %parallel_loop3A_427 = arith.index_cast %parallel_loop3A_268 : i32 to index
        %parallel_loop3A_428 = arith.index_cast %parallel_loop3A_426 : i32 to index
        %parallel_loop3A_429 = tpu.vector_load %arg6[%parallel_loop3A_427, %parallel_loop3A_428] {strides = array<i32>} : memref<16x2048xf32, #tpu.memory_space<vmem>>, vector<1x16xf32>,
        %parallel_loop3A_430 = vector.shape_cast %parallel_loop3A_429 : vector<1x16xf32> to vector<16xf32>
        %parallel_loop3A_431 = arith.addf %parallel_loop3A_430, %get3A_174 : vector<16xf32>
        %parallel_loop3A_432 = arith.index_cast %parallel_loop3A_268 : i32 to index
        %parallel_loop3A_433 = arith.index_cast %parallel_loop3A_426 : i32 to index
        %parallel_loop3A_434 = tpu.vector_load %arg6[%parallel_loop3A_432, %parallel_loop3A_433] {strides = array<i32>} : memref<16x2048xf32, #tpu.memory_space<vmem>>, vector<1x16xf32>,
        %parallel_loop3A_435 = vector.shape_cast %parallel_loop3A_434 : vector<1x16xf32> to vector<16xf32>
        %parallel_loop3A_436 = vector.shape_cast %parallel_loop3A_431 : vector<16xf32> to vector<1x16xf32>
        tpu.vector_store %arg6[%parallel_loop3A_432, %parallel_loop3A_433], %parallel_loop3A_436 {strides = array<i32>} : memref<16x2048xf32, #tpu.memory_space<vmem>>, vector<1x16xf32>,
        %parallel_loop3A_437 = arith.constant 224 : i32
        %parallel_loop3A_438 = arith.addi %mul3A_105, %parallel_loop3A_437 : i32
        %parallel_loop3A_439 = arith.index_cast %parallel_loop3A_268 : i32 to index
        %parallel_loop3A_440 = arith.index_cast %parallel_loop3A_438 : i32 to index
        %parallel_loop3A_441 = tpu.vector_load %arg6[%parallel_loop3A_439, %parallel_loop3A_440] {strides = array<i32>} : memref<16x2048xf32, #tpu.memory_space<vmem>>, vector<1x16xf32>,
        %parallel_loop3A_442 = vector.shape_cast %parallel_loop3A_441 : vector<1x16xf32> to vector<16xf32>
        %parallel_loop3A_443 = arith.addf %parallel_loop3A_442, %get3A_179 : vector<16xf32>
        %parallel_loop3A_444 = arith.index_cast %parallel_loop3A_268 : i32 to index
        %parallel_loop3A_445 = arith.index_cast %parallel_loop3A_438 : i32 to index
        %parallel_loop3A_446 = tpu.vector_load %arg6[%parallel_loop3A_444, %parallel_loop3A_445] {strides = array<i32>} : memref<16x2048xf32, #tpu.memory_space<vmem>>, vector<1x16xf32>,
        %parallel_loop3A_447 = vector.shape_cast %parallel_loop3A_446 : vector<1x16xf32> to vector<16xf32>
        %parallel_loop3A_448 = vector.shape_cast %parallel_loop3A_443 : vector<16xf32> to vector<1x16xf32>
        tpu.vector_store %arg6[%parallel_loop3A_444, %parallel_loop3A_445], %parallel_loop3A_448 {strides = array<i32>} : memref<16x2048xf32, #tpu.memory_space<vmem>>, vector<1x16xf32>,
        %parallel_loop3A_449 = arith.constant 240 : i32
        %parallel_loop3A_450 = arith.addi %mul3A_105, %parallel_loop3A_449 : i32
        %parallel_loop3A_451 = arith.index_cast %parallel_loop3A_268 : i32 to index
        %parallel_loop3A_452 = arith.index_cast %parallel_loop3A_450 : i32 to index
        %parallel_loop3A_453 = tpu.vector_load %arg6[%parallel_loop3A_451, %parallel_loop3A_452] {strides = array<i32>} : memref<16x2048xf32, #tpu.memory_space<vmem>>, vector<1x16xf32>,
        %parallel_loop3A_454 = vector.shape_cast %parallel_loop3A_453 : vector<1x16xf32> to vector<16xf32>
        %parallel_loop3A_455 = arith.addf %parallel_loop3A_454, %get3A_184 : vector<16xf32>
        %parallel_loop3A_456 = arith.index_cast %parallel_loop3A_268 : i32 to index
        %parallel_loop3A_457 = arith.index_cast %parallel_loop3A_450 : i32 to index
        %parallel_loop3A_458 = tpu.vector_load %arg6[%parallel_loop3A_456, %parallel_loop3A_457] {strides = array<i32>} : memref<16x2048xf32, #tpu.memory_space<vmem>>, vector<1x16xf32>,
        %parallel_loop3A_459 = vector.shape_cast %parallel_loop3A_458 : vector<1x16xf32> to vector<16xf32>
        %parallel_loop3A_460 = vector.shape_cast %parallel_loop3A_455 : vector<16xf32> to vector<1x16xf32>
        tpu.vector_store %arg6[%parallel_loop3A_456, %parallel_loop3A_457], %parallel_loop3A_460 {strides = array<i32>} : memref<16x2048xf32, #tpu.memory_space<vmem>>, vector<1x16xf32>,
        %parallel_loop3A_461 = arith.constant 256 : i32
        %parallel_loop3A_462 = arith.addi %mul3A_105, %parallel_loop3A_461 : i32
        %parallel_loop3A_463 = arith.index_cast %parallel_loop3A_268 : i32 to index
        %parallel_loop3A_464 = arith.index_cast %parallel_loop3A_462 : i32 to index
        %parallel_loop3A_465 = tpu.vector_load %arg6[%parallel_loop3A_463, %parallel_loop3A_464] {strides = array<i32>} : memref<16x2048xf32, #tpu.memory_space<vmem>>, vector<1x16xf32>,
        %parallel_loop3A_466 = vector.shape_cast %parallel_loop3A_465 : vector<1x16xf32> to vector<16xf32>
        %parallel_loop3A_467 = arith.addf %parallel_loop3A_466, %get3A_189 : vector<16xf32>
        %parallel_loop3A_468 = arith.index_cast %parallel_loop3A_268 : i32 to index
        %parallel_loop3A_469 = arith.index_cast %parallel_loop3A_462 : i32 to index
        %parallel_loop3A_470 = tpu.vector_load %arg6[%parallel_loop3A_468, %parallel_loop3A_469] {strides = array<i32>} : memref<16x2048xf32, #tpu.memory_space<vmem>>, vector<1x16xf32>,
        %parallel_loop3A_471 = vector.shape_cast %parallel_loop3A_470 : vector<1x16xf32> to vector<16xf32>
        %parallel_loop3A_472 = vector.shape_cast %parallel_loop3A_467 : vector<16xf32> to vector<1x16xf32>
        tpu.vector_store %arg6[%parallel_loop3A_468, %parallel_loop3A_469], %parallel_loop3A_472 {strides = array<i32>} : memref<16x2048xf32, #tpu.memory_space<vmem>>, vector<1x16xf32>,
        %parallel_loop3A_473 = arith.constant 272 : i32
        %parallel_loop3A_474 = arith.addi %mul3A_105, %parallel_loop3A_473 : i32
        %parallel_loop3A_475 = arith.index_cast %parallel_loop3A_268 : i32 to index
        %parallel_loop3A_476 = arith.index_cast %parallel_loop3A_474 : i32 to index
        %parallel_loop3A_477 = tpu.vector_load %arg6[%parallel_loop3A_475, %parallel_loop3A_476] {strides = array<i32>} : memref<16x2048xf32, #tpu.memory_space<vmem>>, vector<1x16xf32>,
        %parallel_loop3A_478 = vector.shape_cast %parallel_loop3A_477 : vector<1x16xf32> to vector<16xf32>
        %parallel_loop3A_479 = arith.addf %parallel_loop3A_478, %get3A_194 : vector<16xf32>
        %parallel_loop3A_480 = arith.index_cast %parallel_loop3A_268 : i32 to index
        %parallel_loop3A_481 = arith.index_cast %parallel_loop3A_474 : i32 to index
        %parallel_loop3A_482 = tpu.vector_load %arg6[%parallel_loop3A_480, %parallel_loop3A_481] {strides = array<i32>} : memref<16x2048xf32, #tpu.memory_space<vmem>>, vector<1x16xf32>,
        %parallel_loop3A_483 = vector.shape_cast %parallel_loop3A_482 : vector<1x16xf32> to vector<16xf32>
        %parallel_loop3A_484 = vector.shape_cast %parallel_loop3A_479 : vector<16xf32> to vector<1x16xf32>
        tpu.vector_store %arg6[%parallel_loop3A_480, %parallel_loop3A_481], %parallel_loop3A_484 {strides = array<i32>} : memref<16x2048xf32, #tpu.memory_space<vmem>>, vector<1x16xf32>,
        %parallel_loop3A_485 = arith.constant 288 : i32
        %parallel_loop3A_486 = arith.addi %mul3A_105, %parallel_loop3A_485 : i32
        %parallel_loop3A_487 = arith.index_cast %parallel_loop3A_268 : i32 to index
        %parallel_loop3A_488 = arith.index_cast %parallel_loop3A_486 : i32 to index
        %parallel_loop3A_489 = tpu.vector_load %arg6[%parallel_loop3A_487, %parallel_loop3A_488] {strides = array<i32>} : memref<16x2048xf32, #tpu.memory_space<vmem>>, vector<1x16xf32>,
        %parallel_loop3A_490 = vector.shape_cast %parallel_loop3A_489 : vector<1x16xf32> to vector<16xf32>
        %parallel_loop3A_491 = arith.addf %parallel_loop3A_490, %get3A_199 : vector<16xf32>
        %parallel_loop3A_492 = arith.index_cast %parallel_loop3A_268 : i32 to index
        %parallel_loop3A_493 = arith.index_cast %parallel_loop3A_486 : i32 to index
        %parallel_loop3A_494 = tpu.vector_load %arg6[%parallel_loop3A_492, %parallel_loop3A_493] {strides = array<i32>} : memref<16x2048xf32, #tpu.memory_space<vmem>>, vector<1x16xf32>,
        %parallel_loop3A_495 = vector.shape_cast %parallel_loop3A_494 : vector<1x16xf32> to vector<16xf32>
        %parallel_loop3A_496 = vector.shape_cast %parallel_loop3A_491 : vector<16xf32> to vector<1x16xf32>
        tpu.vector_store %arg6[%parallel_loop3A_492, %parallel_loop3A_493], %parallel_loop3A_496 {strides = array<i32>} : memref<16x2048xf32, #tpu.memory_space<vmem>>, vector<1x16xf32>,
        %parallel_loop3A_497 = arith.constant 304 : i32
        %parallel_loop3A_498 = arith.addi %mul3A_105, %parallel_loop3A_497 : i32
        %parallel_loop3A_499 = arith.index_cast %parallel_loop3A_268 : i32 to index
        %parallel_loop3A_500 = arith.index_cast %parallel_loop3A_498 : i32 to index
        %parallel_loop3A_501 = tpu.vector_load %arg6[%parallel_loop3A_499, %parallel_loop3A_500] {strides = array<i32>} : memref<16x2048xf32, #tpu.memory_space<vmem>>, vector<1x16xf32>,
        %parallel_loop3A_502 = vector.shape_cast %parallel_loop3A_501 : vector<1x16xf32> to vector<16xf32>
        %parallel_loop3A_503 = arith.addf %parallel_loop3A_502, %get3A_204 : vector<16xf32>
        %parallel_loop3A_504 = arith.index_cast %parallel_loop3A_268 : i32 to index
        %parallel_loop3A_505 = arith.index_cast %parallel_loop3A_498 : i32 to index
        %parallel_loop3A_506 = tpu.vector_load %arg6[%parallel_loop3A_504, %parallel_loop3A_505] {strides = array<i32>} : memref<16x2048xf32, #tpu.memory_space<vmem>>, vector<1x16xf32>,
        %parallel_loop3A_507 = vector.shape_cast %parallel_loop3A_506 : vector<1x16xf32> to vector<16xf32>
        %parallel_loop3A_508 = vector.shape_cast %parallel_loop3A_503 : vector<16xf32> to vector<1x16xf32>
        tpu.vector_store %arg6[%parallel_loop3A_504, %parallel_loop3A_505], %parallel_loop3A_508 {strides = array<i32>} : memref<16x2048xf32, #tpu.memory_space<vmem>>, vector<1x16xf32>,
        %parallel_loop3A_509 = arith.constant 320 : i32
        %parallel_loop3A_510 = arith.addi %mul3A_105, %parallel_loop3A_509 : i32
        %parallel_loop3A_511 = arith.index_cast %parallel_loop3A_268 : i32 to index
        %parallel_loop3A_512 = arith.index_cast %parallel_loop3A_510 : i32 to index
        %parallel_loop3A_513 = tpu.vector_load %arg6[%parallel_loop3A_511, %parallel_loop3A_512] {strides = array<i32>} : memref<16x2048xf32, #tpu.memory_space<vmem>>, vector<1x16xf32>,
        %parallel_loop3A_514 = vector.shape_cast %parallel_loop3A_513 : vector<1x16xf32> to vector<16xf32>
        %parallel_loop3A_515 = arith.addf %parallel_loop3A_514, %get3A_209 : vector<16xf32>
        %parallel_loop3A_516 = arith.index_cast %parallel_loop3A_268 : i32 to index
        %parallel_loop3A_517 = arith.index_cast %parallel_loop3A_510 : i32 to index
        %parallel_loop3A_518 = tpu.vector_load %arg6[%parallel_loop3A_516, %parallel_loop3A_517] {strides = array<i32>} : memref<16x2048xf32, #tpu.memory_space<vmem>>, vector<1x16xf32>,
        %parallel_loop3A_519 = vector.shape_cast %parallel_loop3A_518 : vector<1x16xf32> to vector<16xf32>
        %parallel_loop3A_520 = vector.shape_cast %parallel_loop3A_515 : vector<16xf32> to vector<1x16xf32>
        tpu.vector_store %arg6[%parallel_loop3A_516, %parallel_loop3A_517], %parallel_loop3A_520 {strides = array<i32>} : memref<16x2048xf32, #tpu.memory_space<vmem>>, vector<1x16xf32>,
        %parallel_loop3A_521 = arith.constant 336 : i32
        %parallel_loop3A_522 = arith.addi %mul3A_105, %parallel_loop3A_521 : i32
        %parallel_loop3A_523 = arith.index_cast %parallel_loop3A_268 : i32 to index
        %parallel_loop3A_524 = arith.index_cast %parallel_loop3A_522 : i32 to index
        %parallel_loop3A_525 = tpu.vector_load %arg6[%parallel_loop3A_523, %parallel_loop3A_524] {strides = array<i32>} : memref<16x2048xf32, #tpu.memory_space<vmem>>, vector<1x16xf32>,
        %parallel_loop3A_526 = vector.shape_cast %parallel_loop3A_525 : vector<1x16xf32> to vector<16xf32>
        %parallel_loop3A_527 = arith.addf %parallel_loop3A_526, %get3A_214 : vector<16xf32>
        %parallel_loop3A_528 = arith.index_cast %parallel_loop3A_268 : i32 to index
        %parallel_loop3A_529 = arith.index_cast %parallel_loop3A_522 : i32 to index
        %parallel_loop3A_530 = tpu.vector_load %arg6[%parallel_loop3A_528, %parallel_loop3A_529] {strides = array<i32>} : memref<16x2048xf32, #tpu.memory_space<vmem>>, vector<1x16xf32>,
        %parallel_loop3A_531 = vector.shape_cast %parallel_loop3A_530 : vector<1x16xf32> to vector<16xf32>
        %parallel_loop3A_532 = vector.shape_cast %parallel_loop3A_527 : vector<16xf32> to vector<1x16xf32>
        tpu.vector_store %arg6[%parallel_loop3A_528, %parallel_loop3A_529], %parallel_loop3A_532 {strides = array<i32>} : memref<16x2048xf32, #tpu.memory_space<vmem>>, vector<1x16xf32>,
        %parallel_loop3A_533 = arith.constant 352 : i32
        %parallel_loop3A_534 = arith.addi %mul3A_105, %parallel_loop3A_533 : i32
        %parallel_loop3A_535 = arith.index_cast %parallel_loop3A_268 : i32 to index
        %parallel_loop3A_536 = arith.index_cast %parallel_loop3A_534 : i32 to index
        %parallel_loop3A_537 = tpu.vector_load %arg6[%parallel_loop3A_535, %parallel_loop3A_536] {strides = array<i32>} : memref<16x2048xf32, #tpu.memory_space<vmem>>, vector<1x16xf32>,
        %parallel_loop3A_538 = vector.shape_cast %parallel_loop3A_537 : vector<1x16xf32> to vector<16xf32>
        %parallel_loop3A_539 = arith.addf %parallel_loop3A_538, %get3A_219 : vector<16xf32>
        %parallel_loop3A_540 = arith.index_cast %parallel_loop3A_268 : i32 to index
        %parallel_loop3A_541 = arith.index_cast %parallel_loop3A_534 : i32 to index
        %parallel_loop3A_542 = tpu.vector_load %arg6[%parallel_loop3A_540, %parallel_loop3A_541] {strides = array<i32>} : memref<16x2048xf32, #tpu.memory_space<vmem>>, vector<1x16xf32>,
        %parallel_loop3A_543 = vector.shape_cast %parallel_loop3A_542 : vector<1x16xf32> to vector<16xf32>
        %parallel_loop3A_544 = vector.shape_cast %parallel_loop3A_539 : vector<16xf32> to vector<1x16xf32>
        tpu.vector_store %arg6[%parallel_loop3A_540, %parallel_loop3A_541], %parallel_loop3A_544 {strides = array<i32>} : memref<16x2048xf32, #tpu.memory_space<vmem>>, vector<1x16xf32>,
        %parallel_loop3A_545 = arith.constant 368 : i32
        %parallel_loop3A_546 = arith.addi %mul3A_105, %parallel_loop3A_545 : i32
        %parallel_loop3A_547 = arith.index_cast %parallel_loop3A_268 : i32 to index
        %parallel_loop3A_548 = arith.index_cast %parallel_loop3A_546 : i32 to index
        %parallel_loop3A_549 = tpu.vector_load %arg6[%parallel_loop3A_547, %parallel_loop3A_548] {strides = array<i32>} : memref<16x2048xf32, #tpu.memory_space<vmem>>, vector<1x16xf32>,
        %parallel_loop3A_550 = vector.shape_cast %parallel_loop3A_549 : vector<1x16xf32> to vector<16xf32>
        %parallel_loop3A_551 = arith.addf %parallel_loop3A_550, %get3A_224 : vector<16xf32>
        %parallel_loop3A_552 = arith.index_cast %parallel_loop3A_268 : i32 to index
        %parallel_loop3A_553 = arith.index_cast %parallel_loop3A_546 : i32 to index
        %parallel_loop3A_554 = tpu.vector_load %arg6[%parallel_loop3A_552, %parallel_loop3A_553] {strides = array<i32>} : memref<16x2048xf32, #tpu.memory_space<vmem>>, vector<1x16xf32>,
        %parallel_loop3A_555 = vector.shape_cast %parallel_loop3A_554 : vector<1x16xf32> to vector<16xf32>
        %parallel_loop3A_556 = vector.shape_cast %parallel_loop3A_551 : vector<16xf32> to vector<1x16xf32>
        tpu.vector_store %arg6[%parallel_loop3A_552, %parallel_loop3A_553], %parallel_loop3A_556 {strides = array<i32>} : memref<16x2048xf32, #tpu.memory_space<vmem>>, vector<1x16xf32>,
        %parallel_loop3A_557 = arith.constant 384 : i32
        %parallel_loop3A_558 = arith.addi %mul3A_105, %parallel_loop3A_557 : i32
        %parallel_loop3A_559 = arith.index_cast %parallel_loop3A_268 : i32 to index
        %parallel_loop3A_560 = arith.index_cast %parallel_loop3A_558 : i32 to index
        %parallel_loop3A_561 = tpu.vector_load %arg6[%parallel_loop3A_559, %parallel_loop3A_560] {strides = array<i32>} : memref<16x2048xf32, #tpu.memory_space<vmem>>, vector<1x16xf32>,
        %parallel_loop3A_562 = vector.shape_cast %parallel_loop3A_561 : vector<1x16xf32> to vector<16xf32>
        %parallel_loop3A_563 = arith.addf %parallel_loop3A_562, %get3A_229 : vector<16xf32>
        %parallel_loop3A_564 = arith.index_cast %parallel_loop3A_268 : i32 to index
        %parallel_loop3A_565 = arith.index_cast %parallel_loop3A_558 : i32 to index
        %parallel_loop3A_566 = tpu.vector_load %arg6[%parallel_loop3A_564, %parallel_loop3A_565] {strides = array<i32>} : memref<16x2048xf32, #tpu.memory_space<vmem>>, vector<1x16xf32>,
        %parallel_loop3A_567 = vector.shape_cast %parallel_loop3A_566 : vector<1x16xf32> to vector<16xf32>
        %parallel_loop3A_568 = vector.shape_cast %parallel_loop3A_563 : vector<16xf32> to vector<1x16xf32>
        tpu.vector_store %arg6[%parallel_loop3A_564, %parallel_loop3A_565], %parallel_loop3A_568 {strides = array<i32>} : memref<16x2048xf32, #tpu.memory_space<vmem>>, vector<1x16xf32>,
        %parallel_loop3A_569 = arith.constant 400 : i32
        %parallel_loop3A_570 = arith.addi %mul3A_105, %parallel_loop3A_569 : i32
        %parallel_loop3A_571 = arith.index_cast %parallel_loop3A_268 : i32 to index
        %parallel_loop3A_572 = arith.index_cast %parallel_loop3A_570 : i32 to index
        %parallel_loop3A_573 = tpu.vector_load %arg6[%parallel_loop3A_571, %parallel_loop3A_572] {strides = array<i32>} : memref<16x2048xf32, #tpu.memory_space<vmem>>, vector<1x16xf32>,
        %parallel_loop3A_574 = vector.shape_cast %parallel_loop3A_573 : vector<1x16xf32> to vector<16xf32>
        %parallel_loop3A_575 = arith.addf %parallel_loop3A_574, %get3A_234 : vector<16xf32>
        %parallel_loop3A_576 = arith.index_cast %parallel_loop3A_268 : i32 to index
        %parallel_loop3A_577 = arith.index_cast %parallel_loop3A_570 : i32 to index
        %parallel_loop3A_578 = tpu.vector_load %arg6[%parallel_loop3A_576, %parallel_loop3A_577] {strides = array<i32>} : memref<16x2048xf32, #tpu.memory_space<vmem>>, vector<1x16xf32>,
        %parallel_loop3A_579 = vector.shape_cast %parallel_loop3A_578 : vector<1x16xf32> to vector<16xf32>
        %parallel_loop3A_580 = vector.shape_cast %parallel_loop3A_575 : vector<16xf32> to vector<1x16xf32>
        tpu.vector_store %arg6[%parallel_loop3A_576, %parallel_loop3A_577], %parallel_loop3A_580 {strides = array<i32>} : memref<16x2048xf32, #tpu.memory_space<vmem>>, vector<1x16xf32>,
        %parallel_loop3A_581 = arith.constant 416 : i32
        %parallel_loop3A_582 = arith.addi %mul3A_105, %parallel_loop3A_581 : i32
        %parallel_loop3A_583 = arith.index_cast %parallel_loop3A_268 : i32 to index
        %parallel_loop3A_584 = arith.index_cast %parallel_loop3A_582 : i32 to index
        %parallel_loop3A_585 = tpu.vector_load %arg6[%parallel_loop3A_583, %parallel_loop3A_584] {strides = array<i32>} : memref<16x2048xf32, #tpu.memory_space<vmem>>, vector<1x16xf32>,
        %parallel_loop3A_586 = vector.shape_cast %parallel_loop3A_585 : vector<1x16xf32> to vector<16xf32>
        %parallel_loop3A_587 = arith.addf %parallel_loop3A_586, %get3A_239 : vector<16xf32>
        %parallel_loop3A_588 = arith.index_cast %parallel_loop3A_268 : i32 to index
        %parallel_loop3A_589 = arith.index_cast %parallel_loop3A_582 : i32 to index
        %parallel_loop3A_590 = tpu.vector_load %arg6[%parallel_loop3A_588, %parallel_loop3A_589] {strides = array<i32>} : memref<16x2048xf32, #tpu.memory_space<vmem>>, vector<1x16xf32>,
        %parallel_loop3A_591 = vector.shape_cast %parallel_loop3A_590 : vector<1x16xf32> to vector<16xf32>
        %parallel_loop3A_592 = vector.shape_cast %parallel_loop3A_587 : vector<16xf32> to vector<1x16xf32>
        tpu.vector_store %arg6[%parallel_loop3A_588, %parallel_loop3A_589], %parallel_loop3A_592 {strides = array<i32>} : memref<16x2048xf32, #tpu.memory_space<vmem>>, vector<1x16xf32>,
        %parallel_loop3A_593 = arith.constant 432 : i32
        %parallel_loop3A_594 = arith.addi %mul3A_105, %parallel_loop3A_593 : i32
        %parallel_loop3A_595 = arith.index_cast %parallel_loop3A_268 : i32 to index
        %parallel_loop3A_596 = arith.index_cast %parallel_loop3A_594 : i32 to index
        %parallel_loop3A_597 = tpu.vector_load %arg6[%parallel_loop3A_595, %parallel_loop3A_596] {strides = array<i32>} : memref<16x2048xf32, #tpu.memory_space<vmem>>, vector<1x16xf32>,
        %parallel_loop3A_598 = vector.shape_cast %parallel_loop3A_597 : vector<1x16xf32> to vector<16xf32>
        %parallel_loop3A_599 = arith.addf %parallel_loop3A_598, %get3A_244 : vector<16xf32>
        %parallel_loop3A_600 = arith.index_cast %parallel_loop3A_268 : i32 to index
        %parallel_loop3A_601 = arith.index_cast %parallel_loop3A_594 : i32 to index
        %parallel_loop3A_602 = tpu.vector_load %arg6[%parallel_loop3A_600, %parallel_loop3A_601] {strides = array<i32>} : memref<16x2048xf32, #tpu.memory_space<vmem>>, vector<1x16xf32>,
        %parallel_loop3A_603 = vector.shape_cast %parallel_loop3A_602 : vector<1x16xf32> to vector<16xf32>
        %parallel_loop3A_604 = vector.shape_cast %parallel_loop3A_599 : vector<16xf32> to vector<1x16xf32>
        tpu.vector_store %arg6[%parallel_loop3A_600, %parallel_loop3A_601], %parallel_loop3A_604 {strides = array<i32>} : memref<16x2048xf32, #tpu.memory_space<vmem>>, vector<1x16xf32>,
        %parallel_loop3A_605 = arith.constant 448 : i32
        %parallel_loop3A_606 = arith.addi %mul3A_105, %parallel_loop3A_605 : i32
        %parallel_loop3A_607 = arith.index_cast %parallel_loop3A_268 : i32 to index
        %parallel_loop3A_608 = arith.index_cast %parallel_loop3A_606 : i32 to index
        %parallel_loop3A_609 = tpu.vector_load %arg6[%parallel_loop3A_607, %parallel_loop3A_608] {strides = array<i32>} : memref<16x2048xf32, #tpu.memory_space<vmem>>, vector<1x16xf32>,
        %parallel_loop3A_610 = vector.shape_cast %parallel_loop3A_609 : vector<1x16xf32> to vector<16xf32>
        %parallel_loop3A_611 = arith.addf %parallel_loop3A_610, %get3A_249 : vector<16xf32>
        %parallel_loop3A_612 = arith.index_cast %parallel_loop3A_268 : i32 to index
        %parallel_loop3A_613 = arith.index_cast %parallel_loop3A_606 : i32 to index
        %parallel_loop3A_614 = tpu.vector_load %arg6[%parallel_loop3A_612, %parallel_loop3A_613] {strides = array<i32>} : memref<16x2048xf32, #tpu.memory_space<vmem>>, vector<1x16xf32>,
        %parallel_loop3A_615 = vector.shape_cast %parallel_loop3A_614 : vector<1x16xf32> to vector<16xf32>
        %parallel_loop3A_616 = vector.shape_cast %parallel_loop3A_611 : vector<16xf32> to vector<1x16xf32>
        tpu.vector_store %arg6[%parallel_loop3A_612, %parallel_loop3A_613], %parallel_loop3A_616 {strides = array<i32>} : memref<16x2048xf32, #tpu.memory_space<vmem>>, vector<1x16xf32>,
        %parallel_loop3A_617 = arith.constant 464 : i32
        %parallel_loop3A_618 = arith.addi %mul3A_105, %parallel_loop3A_617 : i32
        %parallel_loop3A_619 = arith.index_cast %parallel_loop3A_268 : i32 to index
        %parallel_loop3A_620 = arith.index_cast %parallel_loop3A_618 : i32 to index
        %parallel_loop3A_621 = tpu.vector_load %arg6[%parallel_loop3A_619, %parallel_loop3A_620] {strides = array<i32>} : memref<16x2048xf32, #tpu.memory_space<vmem>>, vector<1x16xf32>,
        %parallel_loop3A_622 = vector.shape_cast %parallel_loop3A_621 : vector<1x16xf32> to vector<16xf32>
        %parallel_loop3A_623 = arith.addf %parallel_loop3A_622, %get3A_254 : vector<16xf32>
        %parallel_loop3A_624 = arith.index_cast %parallel_loop3A_268 : i32 to index
        %parallel_loop3A_625 = arith.index_cast %parallel_loop3A_618 : i32 to index
        %parallel_loop3A_626 = tpu.vector_load %arg6[%parallel_loop3A_624, %parallel_loop3A_625] {strides = array<i32>} : memref<16x2048xf32, #tpu.memory_space<vmem>>, vector<1x16xf32>,
        %parallel_loop3A_627 = vector.shape_cast %parallel_loop3A_626 : vector<1x16xf32> to vector<16xf32>
        %parallel_loop3A_628 = vector.shape_cast %parallel_loop3A_623 : vector<16xf32> to vector<1x16xf32>
        tpu.vector_store %arg6[%parallel_loop3A_624, %parallel_loop3A_625], %parallel_loop3A_628 {strides = array<i32>} : memref<16x2048xf32, #tpu.memory_space<vmem>>, vector<1x16xf32>,
        %parallel_loop3A_629 = arith.constant 480 : i32
        %parallel_loop3A_630 = arith.addi %mul3A_105, %parallel_loop3A_629 : i32
        %parallel_loop3A_631 = arith.index_cast %parallel_loop3A_268 : i32 to index
        %parallel_loop3A_632 = arith.index_cast %parallel_loop3A_630 : i32 to index
        %parallel_loop3A_633 = tpu.vector_load %arg6[%parallel_loop3A_631, %parallel_loop3A_632] {strides = array<i32>} : memref<16x2048xf32, #tpu.memory_space<vmem>>, vector<1x16xf32>,
        %parallel_loop3A_634 = vector.shape_cast %parallel_loop3A_633 : vector<1x16xf32> to vector<16xf32>
        %parallel_loop3A_635 = arith.addf %parallel_loop3A_634, %get3A_259 : vector<16xf32>
        %parallel_loop3A_636 = arith.index_cast %parallel_loop3A_268 : i32 to index
        %parallel_loop3A_637 = arith.index_cast %parallel_loop3A_630 : i32 to index
        %parallel_loop3A_638 = tpu.vector_load %arg6[%parallel_loop3A_636, %parallel_loop3A_637] {strides = array<i32>} : memref<16x2048xf32, #tpu.memory_space<vmem>>, vector<1x16xf32>,
        %parallel_loop3A_639 = vector.shape_cast %parallel_loop3A_638 : vector<1x16xf32> to vector<16xf32>
        %parallel_loop3A_640 = vector.shape_cast %parallel_loop3A_635 : vector<16xf32> to vector<1x16xf32>
        tpu.vector_store %arg6[%parallel_loop3A_636, %parallel_loop3A_637], %parallel_loop3A_640 {strides = array<i32>} : memref<16x2048xf32, #tpu.memory_space<vmem>>, vector<1x16xf32>,
        %parallel_loop3A_641 = arith.constant 496 : i32
        %parallel_loop3A_642 = arith.addi %mul3A_105, %parallel_loop3A_641 : i32
        %parallel_loop3A_643 = arith.index_cast %parallel_loop3A_268 : i32 to index
        %parallel_loop3A_644 = arith.index_cast %parallel_loop3A_642 : i32 to index
        %parallel_loop3A_645 = tpu.vector_load %arg6[%parallel_loop3A_643, %parallel_loop3A_644] {strides = array<i32>} : memref<16x2048xf32, #tpu.memory_space<vmem>>, vector<1x16xf32>,
        %parallel_loop3A_646 = vector.shape_cast %parallel_loop3A_645 : vector<1x16xf32> to vector<16xf32>
        %parallel_loop3A_647 = arith.addf %parallel_loop3A_646, %get3A_264 : vector<16xf32>
        %parallel_loop3A_648 = arith.index_cast %parallel_loop3A_268 : i32 to index
        %parallel_loop3A_649 = arith.index_cast %parallel_loop3A_642 : i32 to index
        %parallel_loop3A_650 = tpu.vector_load %arg6[%parallel_loop3A_648, %parallel_loop3A_649] {strides = array<i32>} : memref<16x2048xf32, #tpu.memory_space<vmem>>, vector<1x16xf32>,
        %parallel_loop3A_651 = vector.shape_cast %parallel_loop3A_650 : vector<1x16xf32> to vector<16xf32>
        %parallel_loop3A_652 = vector.shape_cast %parallel_loop3A_647 : vector<16xf32> to vector<1x16xf32>
        tpu.vector_store %arg6[%parallel_loop3A_648, %parallel_loop3A_649], %parallel_loop3A_652 {strides = array<i32>} : memref<16x2048xf32, #tpu.memory_space<vmem>>, vector<1x16xf32>,
      } {sc.loop_unroll_factor = 4 : i64, sc.parallel_access}
      %scan3A_267 = arith.constant 0 : i32
      scf.yield %scan3A_267 : i32
    }
    %scan3A_30 = arith.constant 4 : i32
    %dma_start3A_31 = arith.constant 0 : i32
    %dma_start3A_32 = tpu.memref_slice %arg4[%add3A_4, %dma_start3A_31] : memref<2048x2048xf32, #tpu.memory_space<hbm>> -> memref<16x2048xf32, #tpu.memory_space<hbm>>
    %dma_start3A_33 = arith.constant 0 : i32
    %dma_start3A_34 = tpu.memref_slice %arg4[%add3A_4, %dma_start3A_33] : memref<2048x2048xf32, #tpu.memory_space<hbm>> -> memref<16x2048xf32, #tpu.memory_space<hbm>>
    tpu.enqueue_dma source(%arg6 : memref<16x2048xf32, #tpu.memory_space<vmem>>) target(%dma_start3A_34 : memref<16x2048xf32, #tpu.memory_space<hbm>>) target_semaphore(%arg12 : memref<!tpu.dma_semaphore, #tpu.memory_space<semaphore_mem>>)
    %dma_wait3A_35 = arith.constant 0 : i32
    %dma_wait3A_36 = tpu.memref_slice %arg4[%add3A_4, %dma_wait3A_35] : memref<2048x2048xf32, #tpu.memory_space<hbm>> -> memref<16x2048xf32, #tpu.memory_space<hbm>>
    %dma_wait3A_37 = arith.constant 0 : i32
    %dma_wait3A_38 = tpu.memref_slice %arg4[%add3A_4, %dma_wait3A_37] : memref<2048x2048xf32, #tpu.memory_space<hbm>> -> memref<16x2048xf32, #tpu.memory_space<hbm>>
    tpu.wait_dma2 semaphore(%arg12 : memref<!tpu.dma_semaphore, #tpu.memory_space<semaphore_mem>>) src(%arg6 : memref<16x2048xf32, #tpu.memory_space<vmem>>) dst(%dma_wait3A_38 : memref<16x2048xf32, #tpu.memory_space<hbm>>)
    %dma_start3A_39 = arith.constant 0 : i32
    %dma_start3A_40 = tpu.memref_slice %arg3[%add3A_10, %dma_start3A_39] : memref<32768x2048xf32, #tpu.memory_space<hbm>> -> memref<16x2048xf32, #tpu.memory_space<hbm>>
    %dma_start3A_41 = arith.constant 0 : i32
    %dma_start3A_42 = tpu.memref_slice %arg3[%add3A_10, %dma_start3A_41] : memref<32768x2048xf32, #tpu.memory_space<hbm>> -> memref<16x2048xf32, #tpu.memory_space<hbm>>
    tpu.enqueue_dma source(%dma_start3A_42 : memref<16x2048xf32, #tpu.memory_space<hbm>>) target(%arg6 : memref<16x2048xf32, #tpu.memory_space<vmem>>) target_semaphore(%arg9 : memref<!tpu.dma_semaphore, #tpu.memory_space<semaphore_mem>>)
    %dma_wait3A_43 = arith.constant 0 : i32
    %dma_wait3A_44 = tpu.memref_slice %arg3[%add3A_6, %dma_wait3A_43] : memref<32768x2048xf32, #tpu.memory_space<hbm>> -> memref<16x2048xf32, #tpu.memory_space<hbm>>
    %dma_wait3A_45 = arith.constant 0 : i32
    %dma_wait3A_46 = tpu.memref_slice %arg3[%add3A_6, %dma_wait3A_45] : memref<32768x2048xf32, #tpu.memory_space<hbm>> -> memref<16x2048xf32, #tpu.memory_space<hbm>>
    tpu.wait_dma2 semaphore(%arg10 : memref<!tpu.dma_semaphore, #tpu.memory_space<semaphore_mem>>) src(%dma_wait3A_46 : memref<16x2048xf32, #tpu.memory_space<hbm>>) dst(%arg7 : memref<16x2048xf32, #tpu.memory_space<vmem>>)
    %scan3A_47 = arith.constant 0 : i32
    %scan3A_48 = arith.constant 0 : i32
    %scan3A_49 = arith.constant 4 : i32
    %scan3A_50 = arith.addi %scan3A_48, %scan3A_49 : i32
    %scan3A_51 = arith.constant 1 : i32
    %scan3A_52 = scf.for %scan3A_100 = %scan3A_48 to %scan3A_50 step %scan3A_51 iter_args(%scan3A_101 = %scan3A_47) -> (i32)  : i32 {
      %mul3A_102 = arith.constant 32 : i32
      %mul3A_103 = arith.muli %scan3A_100, %mul3A_102 : i32
      %mul3A_104 = arith.constant 16 : i32
      %mul3A_105 = arith.muli %mul3A_103, %mul3A_104 : i32
      %add3A_106 = arith.constant 0 : i32
      %add3A_107 = arith.addi %mul3A_105, %add3A_106 : i32
      %get3A = arith.index_cast %add3A_107 : i32 to index
      %get3A_108 = tpu.vector_load %arg5[%get3A] {strides = array<i32>} : memref<2048xf32, #tpu.memory_space<vmem>>, vector<16xf32>,
      %get3A_109 = vector.shape_cast %get3A_108 : vector<16xf32> to vector<16xf32>
      %add3A_110 = arith.constant 16 : i32
      %add3A_111 = arith.addi %mul3A_105, %add3A_110 : i32
      %get3A_112 = arith.index_cast %add3A_111 : i32 to index
      %get3A_113 = tpu.vector_load %arg5[%get3A_112] {strides = array<i32>} : memref<2048xf32, #tpu.memory_space<vmem>>, vector<16xf32>,
      %get3A_114 = vector.shape_cast %get3A_113 : vector<16xf32> to vector<16xf32>
      %add3A_115 = arith.constant 32 : i32
      %add3A_116 = arith.addi %mul3A_105, %add3A_115 : i32
      %get3A_117 = arith.index_cast %add3A_116 : i32 to index
      %get3A_118 = tpu.vector_load %arg5[%get3A_117] {strides = array<i32>} : memref<2048xf32, #tpu.memory_space<vmem>>, vector<16xf32>,
      %get3A_119 = vector.shape_cast %get3A_118 : vector<16xf32> to vector<16xf32>
      %add3A_120 = arith.constant 48 : i32
      %add3A_121 = arith.addi %mul3A_105, %add3A_120 : i32
      %get3A_122 = arith.index_cast %add3A_121 : i32 to index
      %get3A_123 = tpu.vector_load %arg5[%get3A_122] {strides = array<i32>} : memref<2048xf32, #tpu.memory_space<vmem>>, vector<16xf32>,
      %get3A_124 = vector.shape_cast %get3A_123 : vector<16xf32> to vector<16xf32>
      %add3A_125 = arith.constant 64 : i32
      %add3A_126 = arith.addi %mul3A_105, %add3A_125 : i32
      %get3A_127 = arith.index_cast %add3A_126 : i32 to index
      %get3A_128 = tpu.vector_load %arg5[%get3A_127] {strides = array<i32>} : memref<2048xf32, #tpu.memory_space<vmem>>, vector<16xf32>,
      %get3A_129 = vector.shape_cast %get3A_128 : vector<16xf32> to vector<16xf32>
      %add3A_130 = arith.constant 80 : i32
      %add3A_131 = arith.addi %mul3A_105, %add3A_130 : i32
      %get3A_132 = arith.index_cast %add3A_131 : i32 to index
      %get3A_133 = tpu.vector_load %arg5[%get3A_132] {strides = array<i32>} : memref<2048xf32, #tpu.memory_space<vmem>>, vector<16xf32>,
      %get3A_134 = vector.shape_cast %get3A_133 : vector<16xf32> to vector<16xf32>
      %add3A_135 = arith.constant 96 : i32
      %add3A_136 = arith.addi %mul3A_105, %add3A_135 : i32
      %get3A_137 = arith.index_cast %add3A_136 : i32 to index
      %get3A_138 = tpu.vector_load %arg5[%get3A_137] {strides = array<i32>} : memref<2048xf32, #tpu.memory_space<vmem>>, vector<16xf32>,
      %get3A_139 = vector.shape_cast %get3A_138 : vector<16xf32> to vector<16xf32>
      %add3A_140 = arith.constant 112 : i32
      %add3A_141 = arith.addi %mul3A_105, %add3A_140 : i32
      %get3A_142 = arith.index_cast %add3A_141 : i32 to index
      %get3A_143 = tpu.vector_load %arg5[%get3A_142] {strides = array<i32>} : memref<2048xf32, #tpu.memory_space<vmem>>, vector<16xf32>,
      %get3A_144 = vector.shape_cast %get3A_143 : vector<16xf32> to vector<16xf32>
      %add3A_145 = arith.constant 128 : i32
      %add3A_146 = arith.addi %mul3A_105, %add3A_145 : i32
      %get3A_147 = arith.index_cast %add3A_146 : i32 to index
      %get3A_148 = tpu.vector_load %arg5[%get3A_147] {strides = array<i32>} : memref<2048xf32, #tpu.memory_space<vmem>>, vector<16xf32>,
      %get3A_149 = vector.shape_cast %get3A_148 : vector<16xf32> to vector<16xf32>
      %add3A_150 = arith.constant 144 : i32
      %add3A_151 = arith.addi %mul3A_105, %add3A_150 : i32
      %get3A_152 = arith.index_cast %add3A_151 : i32 to index
      %get3A_153 = tpu.vector_load %arg5[%get3A_152] {strides = array<i32>} : memref<2048xf32, #tpu.memory_space<vmem>>, vector<16xf32>,
      %get3A_154 = vector.shape_cast %get3A_153 : vector<16xf32> to vector<16xf32>
      %add3A_155 = arith.constant 160 : i32
      %add3A_156 = arith.addi %mul3A_105, %add3A_155 : i32
      %get3A_157 = arith.index_cast %add3A_156 : i32 to index
      %get3A_158 = tpu.vector_load %arg5[%get3A_157] {strides = array<i32>} : memref<2048xf32, #tpu.memory_space<vmem>>, vector<16xf32>,
      %get3A_159 = vector.shape_cast %get3A_158 : vector<16xf32> to vector<16xf32>
      %add3A_160 = arith.constant 176 : i32
      %add3A_161 = arith.addi %mul3A_105, %add3A_160 : i32
      %get3A_162 = arith.index_cast %add3A_161 : i32 to index
      %get3A_163 = tpu.vector_load %arg5[%get3A_162] {strides = array<i32>} : memref<2048xf32, #tpu.memory_space<vmem>>, vector<16xf32>,
      %get3A_164 = vector.shape_cast %get3A_163 : vector<16xf32> to vector<16xf32>
      %add3A_165 = arith.constant 192 : i32
      %add3A_166 = arith.addi %mul3A_105, %add3A_165 : i32
      %get3A_167 = arith.index_cast %add3A_166 : i32 to index
      %get3A_168 = tpu.vector_load %arg5[%get3A_167] {strides = array<i32>} : memref<2048xf32, #tpu.memory_space<vmem>>, vector<16xf32>,
      %get3A_169 = vector.shape_cast %get3A_168 : vector<16xf32> to vector<16xf32>
      %add3A_170 = arith.constant 208 : i32
      %add3A_171 = arith.addi %mul3A_105, %add3A_170 : i32
      %get3A_172 = arith.index_cast %add3A_171 : i32 to index
      %get3A_173 = tpu.vector_load %arg5[%get3A_172] {strides = array<i32>} : memref<2048xf32, #tpu.memory_space<vmem>>, vector<16xf32>,
      %get3A_174 = vector.shape_cast %get3A_173 : vector<16xf32> to vector<16xf32>
      %add3A_175 = arith.constant 224 : i32
      %add3A_176 = arith.addi %mul3A_105, %add3A_175 : i32
      %get3A_177 = arith.index_cast %add3A_176 : i32 to index
      %get3A_178 = tpu.vector_load %arg5[%get3A_177] {strides = array<i32>} : memref<2048xf32, #tpu.memory_space<vmem>>, vector<16xf32>,
      %get3A_179 = vector.shape_cast %get3A_178 : vector<16xf32> to vector<16xf32>
      %add3A_180 = arith.constant 240 : i32
      %add3A_181 = arith.addi %mul3A_105, %add3A_180 : i32
      %get3A_182 = arith.index_cast %add3A_181 : i32 to index
      %get3A_183 = tpu.vector_load %arg5[%get3A_182] {strides = array<i32>} : memref<2048xf32, #tpu.memory_space<vmem>>, vector<16xf32>,
      %get3A_184 = vector.shape_cast %get3A_183 : vector<16xf32> to vector<16xf32>
      %add3A_185 = arith.constant 256 : i32
      %add3A_186 = arith.addi %mul3A_105, %add3A_185 : i32
      %get3A_187 = arith.index_cast %add3A_186 : i32 to index
      %get3A_188 = tpu.vector_load %arg5[%get3A_187] {strides = array<i32>} : memref<2048xf32, #tpu.memory_space<vmem>>, vector<16xf32>,
      %get3A_189 = vector.shape_cast %get3A_188 : vector<16xf32> to vector<16xf32>
      %add3A_190 = arith.constant 272 : i32
      %add3A_191 = arith.addi %mul3A_105, %add3A_190 : i32
      %get3A_192 = arith.index_cast %add3A_191 : i32 to index
      %get3A_193 = tpu.vector_load %arg5[%get3A_192] {strides = array<i32>} : memref<2048xf32, #tpu.memory_space<vmem>>, vector<16xf32>,
      %get3A_194 = vector.shape_cast %get3A_193 : vector<16xf32> to vector<16xf32>
      %add3A_195 = arith.constant 288 : i32
      %add3A_196 = arith.addi %mul3A_105, %add3A_195 : i32
      %get3A_197 = arith.index_cast %add3A_196 : i32 to index
      %get3A_198 = tpu.vector_load %arg5[%get3A_197] {strides = array<i32>} : memref<2048xf32, #tpu.memory_space<vmem>>, vector<16xf32>,
      %get3A_199 = vector.shape_cast %get3A_198 : vector<16xf32> to vector<16xf32>
      %add3A_200 = arith.constant 304 : i32
      %add3A_201 = arith.addi %mul3A_105, %add3A_200 : i32
      %get3A_202 = arith.index_cast %add3A_201 : i32 to index
      %get3A_203 = tpu.vector_load %arg5[%get3A_202] {strides = array<i32>} : memref<2048xf32, #tpu.memory_space<vmem>>, vector<16xf32>,
      %get3A_204 = vector.shape_cast %get3A_203 : vector<16xf32> to vector<16xf32>
      %add3A_205 = arith.constant 320 : i32
      %add3A_206 = arith.addi %mul3A_105, %add3A_205 : i32
      %get3A_207 = arith.index_cast %add3A_206 : i32 to index
      %get3A_208 = tpu.vector_load %arg5[%get3A_207] {strides = array<i32>} : memref<2048xf32, #tpu.memory_space<vmem>>, vector<16xf32>,
      %get3A_209 = vector.shape_cast %get3A_208 : vector<16xf32> to vector<16xf32>
      %add3A_210 = arith.constant 336 : i32
      %add3A_211 = arith.addi %mul3A_105, %add3A_210 : i32
      %get3A_212 = arith.index_cast %add3A_211 : i32 to index
      %get3A_213 = tpu.vector_load %arg5[%get3A_212] {strides = array<i32>} : memref<2048xf32, #tpu.memory_space<vmem>>, vector<16xf32>,
      %get3A_214 = vector.shape_cast %get3A_213 : vector<16xf32> to vector<16xf32>
      %add3A_215 = arith.constant 352 : i32
      %add3A_216 = arith.addi %mul3A_105, %add3A_215 : i32
      %get3A_217 = arith.index_cast %add3A_216 : i32 to index
      %get3A_218 = tpu.vector_load %arg5[%get3A_217] {strides = array<i32>} : memref<2048xf32, #tpu.memory_space<vmem>>, vector<16xf32>,
      %get3A_219 = vector.shape_cast %get3A_218 : vector<16xf32> to vector<16xf32>
      %add3A_220 = arith.constant 368 : i32
      %add3A_221 = arith.addi %mul3A_105, %add3A_220 : i32
      %get3A_222 = arith.index_cast %add3A_221 : i32 to index
      %get3A_223 = tpu.vector_load %arg5[%get3A_222] {strides = array<i32>} : memref<2048xf32, #tpu.memory_space<vmem>>, vector<16xf32>,
      %get3A_224 = vector.shape_cast %get3A_223 : vector<16xf32> to vector<16xf32>
      %add3A_225 = arith.constant 384 : i32
      %add3A_226 = arith.addi %mul3A_105, %add3A_225 : i32
      %get3A_227 = arith.index_cast %add3A_226 : i32 to index
      %get3A_228 = tpu.vector_load %arg5[%get3A_227] {strides = array<i32>} : memref<2048xf32, #tpu.memory_space<vmem>>, vector<16xf32>,
      %get3A_229 = vector.shape_cast %get3A_228 : vector<16xf32> to vector<16xf32>
      %add3A_230 = arith.constant 400 : i32
      %add3A_231 = arith.addi %mul3A_105, %add3A_230 : i32
      %get3A_232 = arith.index_cast %add3A_231 : i32 to index
      %get3A_233 = tpu.vector_load %arg5[%get3A_232] {strides = array<i32>} : memref<2048xf32, #tpu.memory_space<vmem>>, vector<16xf32>,
      %get3A_234 = vector.shape_cast %get3A_233 : vector<16xf32> to vector<16xf32>
      %add3A_235 = arith.constant 416 : i32
      %add3A_236 = arith.addi %mul3A_105, %add3A_235 : i32
      %get3A_237 = arith.index_cast %add3A_236 : i32 to index
      %get3A_238 = tpu.vector_load %arg5[%get3A_237] {strides = array<i32>} : memref<2048xf32, #tpu.memory_space<vmem>>, vector<16xf32>,
      %get3A_239 = vector.shape_cast %get3A_238 : vector<16xf32> to vector<16xf32>
      %add3A_240 = arith.constant 432 : i32
      %add3A_241 = arith.addi %mul3A_105, %add3A_240 : i32
      %get3A_242 = arith.index_cast %add3A_241 : i32 to index
      %get3A_243 = tpu.vector_load %arg5[%get3A_242] {strides = array<i32>} : memref<2048xf32, #tpu.memory_space<vmem>>, vector<16xf32>,
      %get3A_244 = vector.shape_cast %get3A_243 : vector<16xf32> to vector<16xf32>
      %add3A_245 = arith.constant 448 : i32
      %add3A_246 = arith.addi %mul3A_105, %add3A_245 : i32
      %get3A_247 = arith.index_cast %add3A_246 : i32 to index
      %get3A_248 = tpu.vector_load %arg5[%get3A_247] {strides = array<i32>} : memref<2048xf32, #tpu.memory_space<vmem>>, vector<16xf32>,
      %get3A_249 = vector.shape_cast %get3A_248 : vector<16xf32> to vector<16xf32>
      %add3A_250 = arith.constant 464 : i32
      %add3A_251 = arith.addi %mul3A_105, %add3A_250 : i32
      %get3A_252 = arith.index_cast %add3A_251 : i32 to index
      %get3A_253 = tpu.vector_load %arg5[%get3A_252] {strides = array<i32>} : memref<2048xf32, #tpu.memory_space<vmem>>, vector<16xf32>,
      %get3A_254 = vector.shape_cast %get3A_253 : vector<16xf32> to vector<16xf32>
      %add3A_255 = arith.constant 480 : i32
      %add3A_256 = arith.addi %mul3A_105, %add3A_255 : i32
      %get3A_257 = arith.index_cast %add3A_256 : i32 to index
      %get3A_258 = tpu.vector_load %arg5[%get3A_257] {strides = array<i32>} : memref<2048xf32, #tpu.memory_space<vmem>>, vector<16xf32>,
      %get3A_259 = vector.shape_cast %get3A_258 : vector<16xf32> to vector<16xf32>
      %add3A_260 = arith.constant 496 : i32
      %add3A_261 = arith.addi %mul3A_105, %add3A_260 : i32
      %get3A_262 = arith.index_cast %add3A_261 : i32 to index
      %get3A_263 = tpu.vector_load %arg5[%get3A_262] {strides = array<i32>} : memref<2048xf32, #tpu.memory_space<vmem>>, vector<16xf32>,
      %get3A_264 = vector.shape_cast %get3A_263 : vector<16xf32> to vector<16xf32>
      %parallel_loop3A = arith.constant 0 : i32
      %parallel_loop3A_265 = arith.constant 16 : i32
      %parallel_loop3A_266 = arith.constant 1 : i32
      scf.for %parallel_loop3A_268 = %parallel_loop3A to %parallel_loop3A_265 step %parallel_loop3A_266  : i32 {
        %parallel_loop3A_269 = arith.constant 0 : i32
        %parallel_loop3A_270 = arith.addi %mul3A_105, %parallel_loop3A_269 : i32
        %parallel_loop3A_271 = arith.index_cast %parallel_loop3A_268 : i32 to index
        %parallel_loop3A_272 = arith.index_cast %parallel_loop3A_270 : i32 to index
        %parallel_loop3A_273 = tpu.vector_load %arg7[%parallel_loop3A_271, %parallel_loop3A_272] {strides = array<i32>} : memref<16x2048xf32, #tpu.memory_space<vmem>>, vector<1x16xf32>,
        %parallel_loop3A_274 = vector.shape_cast %parallel_loop3A_273 : vector<1x16xf32> to vector<16xf32>
        %parallel_loop3A_275 = arith.addf %parallel_loop3A_274, %get3A_109 : vector<16xf32>
        %parallel_loop3A_276 = arith.index_cast %parallel_loop3A_268 : i32 to index
        %parallel_loop3A_277 = arith.index_cast %parallel_loop3A_270 : i32 to index
        %parallel_loop3A_278 = tpu.vector_load %arg7[%parallel_loop3A_276, %parallel_loop3A_277] {strides = array<i32>} : memref<16x2048xf32, #tpu.memory_space<vmem>>, vector<1x16xf32>,
        %parallel_loop3A_279 = vector.shape_cast %parallel_loop3A_278 : vector<1x16xf32> to vector<16xf32>
        %parallel_loop3A_280 = vector.shape_cast %parallel_loop3A_275 : vector<16xf32> to vector<1x16xf32>
        tpu.vector_store %arg7[%parallel_loop3A_276, %parallel_loop3A_277], %parallel_loop3A_280 {strides = array<i32>} : memref<16x2048xf32, #tpu.memory_space<vmem>>, vector<1x16xf32>,
        %parallel_loop3A_281 = arith.constant 16 : i32
        %parallel_loop3A_282 = arith.addi %mul3A_105, %parallel_loop3A_281 : i32
        %parallel_loop3A_283 = arith.index_cast %parallel_loop3A_268 : i32 to index
        %parallel_loop3A_284 = arith.index_cast %parallel_loop3A_282 : i32 to index
        %parallel_loop3A_285 = tpu.vector_load %arg7[%parallel_loop3A_283, %parallel_loop3A_284] {strides = array<i32>} : memref<16x2048xf32, #tpu.memory_space<vmem>>, vector<1x16xf32>,
        %parallel_loop3A_286 = vector.shape_cast %parallel_loop3A_285 : vector<1x16xf32> to vector<16xf32>
        %parallel_loop3A_287 = arith.addf %parallel_loop3A_286, %get3A_114 : vector<16xf32>
        %parallel_loop3A_288 = arith.index_cast %parallel_loop3A_268 : i32 to index
        %parallel_loop3A_289 = arith.index_cast %parallel_loop3A_282 : i32 to index
        %parallel_loop3A_290 = tpu.vector_load %arg7[%parallel_loop3A_288, %parallel_loop3A_289] {strides = array<i32>} : memref<16x2048xf32, #tpu.memory_space<vmem>>, vector<1x16xf32>,
        %parallel_loop3A_291 = vector.shape_cast %parallel_loop3A_290 : vector<1x16xf32> to vector<16xf32>
        %parallel_loop3A_292 = vector.shape_cast %parallel_loop3A_287 : vector<16xf32> to vector<1x16xf32>
        tpu.vector_store %arg7[%parallel_loop3A_288, %parallel_loop3A_289], %parallel_loop3A_292 {strides = array<i32>} : memref<16x2048xf32, #tpu.memory_space<vmem>>, vector<1x16xf32>,
        %parallel_loop3A_293 = arith.constant 32 : i32
        %parallel_loop3A_294 = arith.addi %mul3A_105, %parallel_loop3A_293 : i32
        %parallel_loop3A_295 = arith.index_cast %parallel_loop3A_268 : i32 to index
        %parallel_loop3A_296 = arith.index_cast %parallel_loop3A_294 : i32 to index
        %parallel_loop3A_297 = tpu.vector_load %arg7[%parallel_loop3A_295, %parallel_loop3A_296] {strides = array<i32>} : memref<16x2048xf32, #tpu.memory_space<vmem>>, vector<1x16xf32>,
        %parallel_loop3A_298 = vector.shape_cast %parallel_loop3A_297 : vector<1x16xf32> to vector<16xf32>
        %parallel_loop3A_299 = arith.addf %parallel_loop3A_298, %get3A_119 : vector<16xf32>
        %parallel_loop3A_300 = arith.index_cast %parallel_loop3A_268 : i32 to index
        %parallel_loop3A_301 = arith.index_cast %parallel_loop3A_294 : i32 to index
        %parallel_loop3A_302 = tpu.vector_load %arg7[%parallel_loop3A_300, %parallel_loop3A_301] {strides = array<i32>} : memref<16x2048xf32, #tpu.memory_space<vmem>>, vector<1x16xf32>,
        %parallel_loop3A_303 = vector.shape_cast %parallel_loop3A_302 : vector<1x16xf32> to vector<16xf32>
        %parallel_loop3A_304 = vector.shape_cast %parallel_loop3A_299 : vector<16xf32> to vector<1x16xf32>
        tpu.vector_store %arg7[%parallel_loop3A_300, %parallel_loop3A_301], %parallel_loop3A_304 {strides = array<i32>} : memref<16x2048xf32, #tpu.memory_space<vmem>>, vector<1x16xf32>,
        %parallel_loop3A_305 = arith.constant 48 : i32
        %parallel_loop3A_306 = arith.addi %mul3A_105, %parallel_loop3A_305 : i32
        %parallel_loop3A_307 = arith.index_cast %parallel_loop3A_268 : i32 to index
        %parallel_loop3A_308 = arith.index_cast %parallel_loop3A_306 : i32 to index
        %parallel_loop3A_309 = tpu.vector_load %arg7[%parallel_loop3A_307, %parallel_loop3A_308] {strides = array<i32>} : memref<16x2048xf32, #tpu.memory_space<vmem>>, vector<1x16xf32>,
        %parallel_loop3A_310 = vector.shape_cast %parallel_loop3A_309 : vector<1x16xf32> to vector<16xf32>
        %parallel_loop3A_311 = arith.addf %parallel_loop3A_310, %get3A_124 : vector<16xf32>
        %parallel_loop3A_312 = arith.index_cast %parallel_loop3A_268 : i32 to index
        %parallel_loop3A_313 = arith.index_cast %parallel_loop3A_306 : i32 to index
        %parallel_loop3A_314 = tpu.vector_load %arg7[%parallel_loop3A_312, %parallel_loop3A_313] {strides = array<i32>} : memref<16x2048xf32, #tpu.memory_space<vmem>>, vector<1x16xf32>,
        %parallel_loop3A_315 = vector.shape_cast %parallel_loop3A_314 : vector<1x16xf32> to vector<16xf32>
        %parallel_loop3A_316 = vector.shape_cast %parallel_loop3A_311 : vector<16xf32> to vector<1x16xf32>
        tpu.vector_store %arg7[%parallel_loop3A_312, %parallel_loop3A_313], %parallel_loop3A_316 {strides = array<i32>} : memref<16x2048xf32, #tpu.memory_space<vmem>>, vector<1x16xf32>,
        %parallel_loop3A_317 = arith.constant 64 : i32
        %parallel_loop3A_318 = arith.addi %mul3A_105, %parallel_loop3A_317 : i32
        %parallel_loop3A_319 = arith.index_cast %parallel_loop3A_268 : i32 to index
        %parallel_loop3A_320 = arith.index_cast %parallel_loop3A_318 : i32 to index
        %parallel_loop3A_321 = tpu.vector_load %arg7[%parallel_loop3A_319, %parallel_loop3A_320] {strides = array<i32>} : memref<16x2048xf32, #tpu.memory_space<vmem>>, vector<1x16xf32>,
        %parallel_loop3A_322 = vector.shape_cast %parallel_loop3A_321 : vector<1x16xf32> to vector<16xf32>
        %parallel_loop3A_323 = arith.addf %parallel_loop3A_322, %get3A_129 : vector<16xf32>
        %parallel_loop3A_324 = arith.index_cast %parallel_loop3A_268 : i32 to index
        %parallel_loop3A_325 = arith.index_cast %parallel_loop3A_318 : i32 to index
        %parallel_loop3A_326 = tpu.vector_load %arg7[%parallel_loop3A_324, %parallel_loop3A_325] {strides = array<i32>} : memref<16x2048xf32, #tpu.memory_space<vmem>>, vector<1x16xf32>,
        %parallel_loop3A_327 = vector.shape_cast %parallel_loop3A_326 : vector<1x16xf32> to vector<16xf32>
        %parallel_loop3A_328 = vector.shape_cast %parallel_loop3A_323 : vector<16xf32> to vector<1x16xf32>
        tpu.vector_store %arg7[%parallel_loop3A_324, %parallel_loop3A_325], %parallel_loop3A_328 {strides = array<i32>} : memref<16x2048xf32, #tpu.memory_space<vmem>>, vector<1x16xf32>,
        %parallel_loop3A_329 = arith.constant 80 : i32
        %parallel_loop3A_330 = arith.addi %mul3A_105, %parallel_loop3A_329 : i32
        %parallel_loop3A_331 = arith.index_cast %parallel_loop3A_268 : i32 to index
        %parallel_loop3A_332 = arith.index_cast %parallel_loop3A_330 : i32 to index
        %parallel_loop3A_333 = tpu.vector_load %arg7[%parallel_loop3A_331, %parallel_loop3A_332] {strides = array<i32>} : memref<16x2048xf32, #tpu.memory_space<vmem>>, vector<1x16xf32>,
        %parallel_loop3A_334 = vector.shape_cast %parallel_loop3A_333 : vector<1x16xf32> to vector<16xf32>
        %parallel_loop3A_335 = arith.addf %parallel_loop3A_334, %get3A_134 : vector<16xf32>
        %parallel_loop3A_336 = arith.index_cast %parallel_loop3A_268 : i32 to index
        %parallel_loop3A_337 = arith.index_cast %parallel_loop3A_330 : i32 to index
        %parallel_loop3A_338 = tpu.vector_load %arg7[%parallel_loop3A_336, %parallel_loop3A_337] {strides = array<i32>} : memref<16x2048xf32, #tpu.memory_space<vmem>>, vector<1x16xf32>,
        %parallel_loop3A_339 = vector.shape_cast %parallel_loop3A_338 : vector<1x16xf32> to vector<16xf32>
        %parallel_loop3A_340 = vector.shape_cast %parallel_loop3A_335 : vector<16xf32> to vector<1x16xf32>
        tpu.vector_store %arg7[%parallel_loop3A_336, %parallel_loop3A_337], %parallel_loop3A_340 {strides = array<i32>} : memref<16x2048xf32, #tpu.memory_space<vmem>>, vector<1x16xf32>,
        %parallel_loop3A_341 = arith.constant 96 : i32
        %parallel_loop3A_342 = arith.addi %mul3A_105, %parallel_loop3A_341 : i32
        %parallel_loop3A_343 = arith.index_cast %parallel_loop3A_268 : i32 to index
        %parallel_loop3A_344 = arith.index_cast %parallel_loop3A_342 : i32 to index
        %parallel_loop3A_345 = tpu.vector_load %arg7[%parallel_loop3A_343, %parallel_loop3A_344] {strides = array<i32>} : memref<16x2048xf32, #tpu.memory_space<vmem>>, vector<1x16xf32>,
        %parallel_loop3A_346 = vector.shape_cast %parallel_loop3A_345 : vector<1x16xf32> to vector<16xf32>
        %parallel_loop3A_347 = arith.addf %parallel_loop3A_346, %get3A_139 : vector<16xf32>
        %parallel_loop3A_348 = arith.index_cast %parallel_loop3A_268 : i32 to index
        %parallel_loop3A_349 = arith.index_cast %parallel_loop3A_342 : i32 to index
        %parallel_loop3A_350 = tpu.vector_load %arg7[%parallel_loop3A_348, %parallel_loop3A_349] {strides = array<i32>} : memref<16x2048xf32, #tpu.memory_space<vmem>>, vector<1x16xf32>,
        %parallel_loop3A_351 = vector.shape_cast %parallel_loop3A_350 : vector<1x16xf32> to vector<16xf32>
        %parallel_loop3A_352 = vector.shape_cast %parallel_loop3A_347 : vector<16xf32> to vector<1x16xf32>
        tpu.vector_store %arg7[%parallel_loop3A_348, %parallel_loop3A_349], %parallel_loop3A_352 {strides = array<i32>} : memref<16x2048xf32, #tpu.memory_space<vmem>>, vector<1x16xf32>,
        %parallel_loop3A_353 = arith.constant 112 : i32
        %parallel_loop3A_354 = arith.addi %mul3A_105, %parallel_loop3A_353 : i32
        %parallel_loop3A_355 = arith.index_cast %parallel_loop3A_268 : i32 to index
        %parallel_loop3A_356 = arith.index_cast %parallel_loop3A_354 : i32 to index
        %parallel_loop3A_357 = tpu.vector_load %arg7[%parallel_loop3A_355, %parallel_loop3A_356] {strides = array<i32>} : memref<16x2048xf32, #tpu.memory_space<vmem>>, vector<1x16xf32>,
        %parallel_loop3A_358 = vector.shape_cast %parallel_loop3A_357 : vector<1x16xf32> to vector<16xf32>
        %parallel_loop3A_359 = arith.addf %parallel_loop3A_358, %get3A_144 : vector<16xf32>
        %parallel_loop3A_360 = arith.index_cast %parallel_loop3A_268 : i32 to index
        %parallel_loop3A_361 = arith.index_cast %parallel_loop3A_354 : i32 to index
        %parallel_loop3A_362 = tpu.vector_load %arg7[%parallel_loop3A_360, %parallel_loop3A_361] {strides = array<i32>} : memref<16x2048xf32, #tpu.memory_space<vmem>>, vector<1x16xf32>,
        %parallel_loop3A_363 = vector.shape_cast %parallel_loop3A_362 : vector<1x16xf32> to vector<16xf32>
        %parallel_loop3A_364 = vector.shape_cast %parallel_loop3A_359 : vector<16xf32> to vector<1x16xf32>
        tpu.vector_store %arg7[%parallel_loop3A_360, %parallel_loop3A_361], %parallel_loop3A_364 {strides = array<i32>} : memref<16x2048xf32, #tpu.memory_space<vmem>>, vector<1x16xf32>,
        %parallel_loop3A_365 = arith.constant 128 : i32
        %parallel_loop3A_366 = arith.addi %mul3A_105, %parallel_loop3A_365 : i32
        %parallel_loop3A_367 = arith.index_cast %parallel_loop3A_268 : i32 to index
        %parallel_loop3A_368 = arith.index_cast %parallel_loop3A_366 : i32 to index
        %parallel_loop3A_369 = tpu.vector_load %arg7[%parallel_loop3A_367, %parallel_loop3A_368] {strides = array<i32>} : memref<16x2048xf32, #tpu.memory_space<vmem>>, vector<1x16xf32>,
        %parallel_loop3A_370 = vector.shape_cast %parallel_loop3A_369 : vector<1x16xf32> to vector<16xf32>
        %parallel_loop3A_371 = arith.addf %parallel_loop3A_370, %get3A_149 : vector<16xf32>
        %parallel_loop3A_372 = arith.index_cast %parallel_loop3A_268 : i32 to index
        %parallel_loop3A_373 = arith.index_cast %parallel_loop3A_366 : i32 to index
        %parallel_loop3A_374 = tpu.vector_load %arg7[%parallel_loop3A_372, %parallel_loop3A_373] {strides = array<i32>} : memref<16x2048xf32, #tpu.memory_space<vmem>>, vector<1x16xf32>,
        %parallel_loop3A_375 = vector.shape_cast %parallel_loop3A_374 : vector<1x16xf32> to vector<16xf32>
        %parallel_loop3A_376 = vector.shape_cast %parallel_loop3A_371 : vector<16xf32> to vector<1x16xf32>
        tpu.vector_store %arg7[%parallel_loop3A_372, %parallel_loop3A_373], %parallel_loop3A_376 {strides = array<i32>} : memref<16x2048xf32, #tpu.memory_space<vmem>>, vector<1x16xf32>,
        %parallel_loop3A_377 = arith.constant 144 : i32
        %parallel_loop3A_378 = arith.addi %mul3A_105, %parallel_loop3A_377 : i32
        %parallel_loop3A_379 = arith.index_cast %parallel_loop3A_268 : i32 to index
        %parallel_loop3A_380 = arith.index_cast %parallel_loop3A_378 : i32 to index
        %parallel_loop3A_381 = tpu.vector_load %arg7[%parallel_loop3A_379, %parallel_loop3A_380] {strides = array<i32>} : memref<16x2048xf32, #tpu.memory_space<vmem>>, vector<1x16xf32>,
        %parallel_loop3A_382 = vector.shape_cast %parallel_loop3A_381 : vector<1x16xf32> to vector<16xf32>
        %parallel_loop3A_383 = arith.addf %parallel_loop3A_382, %get3A_154 : vector<16xf32>
        %parallel_loop3A_384 = arith.index_cast %parallel_loop3A_268 : i32 to index
        %parallel_loop3A_385 = arith.index_cast %parallel_loop3A_378 : i32 to index
        %parallel_loop3A_386 = tpu.vector_load %arg7[%parallel_loop3A_384, %parallel_loop3A_385] {strides = array<i32>} : memref<16x2048xf32, #tpu.memory_space<vmem>>, vector<1x16xf32>,
        %parallel_loop3A_387 = vector.shape_cast %parallel_loop3A_386 : vector<1x16xf32> to vector<16xf32>
        %parallel_loop3A_388 = vector.shape_cast %parallel_loop3A_383 : vector<16xf32> to vector<1x16xf32>
        tpu.vector_store %arg7[%parallel_loop3A_384, %parallel_loop3A_385], %parallel_loop3A_388 {strides = array<i32>} : memref<16x2048xf32, #tpu.memory_space<vmem>>, vector<1x16xf32>,
        %parallel_loop3A_389 = arith.constant 160 : i32
        %parallel_loop3A_390 = arith.addi %mul3A_105, %parallel_loop3A_389 : i32
        %parallel_loop3A_391 = arith.index_cast %parallel_loop3A_268 : i32 to index
        %parallel_loop3A_392 = arith.index_cast %parallel_loop3A_390 : i32 to index
        %parallel_loop3A_393 = tpu.vector_load %arg7[%parallel_loop3A_391, %parallel_loop3A_392] {strides = array<i32>} : memref<16x2048xf32, #tpu.memory_space<vmem>>, vector<1x16xf32>,
        %parallel_loop3A_394 = vector.shape_cast %parallel_loop3A_393 : vector<1x16xf32> to vector<16xf32>
        %parallel_loop3A_395 = arith.addf %parallel_loop3A_394, %get3A_159 : vector<16xf32>
        %parallel_loop3A_396 = arith.index_cast %parallel_loop3A_268 : i32 to index
        %parallel_loop3A_397 = arith.index_cast %parallel_loop3A_390 : i32 to index
        %parallel_loop3A_398 = tpu.vector_load %arg7[%parallel_loop3A_396, %parallel_loop3A_397] {strides = array<i32>} : memref<16x2048xf32, #tpu.memory_space<vmem>>, vector<1x16xf32>,
        %parallel_loop3A_399 = vector.shape_cast %parallel_loop3A_398 : vector<1x16xf32> to vector<16xf32>
        %parallel_loop3A_400 = vector.shape_cast %parallel_loop3A_395 : vector<16xf32> to vector<1x16xf32>
        tpu.vector_store %arg7[%parallel_loop3A_396, %parallel_loop3A_397], %parallel_loop3A_400 {strides = array<i32>} : memref<16x2048xf32, #tpu.memory_space<vmem>>, vector<1x16xf32>,
        %parallel_loop3A_401 = arith.constant 176 : i32
        %parallel_loop3A_402 = arith.addi %mul3A_105, %parallel_loop3A_401 : i32
        %parallel_loop3A_403 = arith.index_cast %parallel_loop3A_268 : i32 to index
        %parallel_loop3A_404 = arith.index_cast %parallel_loop3A_402 : i32 to index
        %parallel_loop3A_405 = tpu.vector_load %arg7[%parallel_loop3A_403, %parallel_loop3A_404] {strides = array<i32>} : memref<16x2048xf32, #tpu.memory_space<vmem>>, vector<1x16xf32>,
        %parallel_loop3A_406 = vector.shape_cast %parallel_loop3A_405 : vector<1x16xf32> to vector<16xf32>
        %parallel_loop3A_407 = arith.addf %parallel_loop3A_406, %get3A_164 : vector<16xf32>
        %parallel_loop3A_408 = arith.index_cast %parallel_loop3A_268 : i32 to index
        %parallel_loop3A_409 = arith.index_cast %parallel_loop3A_402 : i32 to index
        %parallel_loop3A_410 = tpu.vector_load %arg7[%parallel_loop3A_408, %parallel_loop3A_409] {strides = array<i32>} : memref<16x2048xf32, #tpu.memory_space<vmem>>, vector<1x16xf32>,
        %parallel_loop3A_411 = vector.shape_cast %parallel_loop3A_410 : vector<1x16xf32> to vector<16xf32>
        %parallel_loop3A_412 = vector.shape_cast %parallel_loop3A_407 : vector<16xf32> to vector<1x16xf32>
        tpu.vector_store %arg7[%parallel_loop3A_408, %parallel_loop3A_409], %parallel_loop3A_412 {strides = array<i32>} : memref<16x2048xf32, #tpu.memory_space<vmem>>, vector<1x16xf32>,
        %parallel_loop3A_413 = arith.constant 192 : i32
        %parallel_loop3A_414 = arith.addi %mul3A_105, %parallel_loop3A_413 : i32
        %parallel_loop3A_415 = arith.index_cast %parallel_loop3A_268 : i32 to index
        %parallel_loop3A_416 = arith.index_cast %parallel_loop3A_414 : i32 to index
        %parallel_loop3A_417 = tpu.vector_load %arg7[%parallel_loop3A_415, %parallel_loop3A_416] {strides = array<i32>} : memref<16x2048xf32, #tpu.memory_space<vmem>>, vector<1x16xf32>,
        %parallel_loop3A_418 = vector.shape_cast %parallel_loop3A_417 : vector<1x16xf32> to vector<16xf32>
        %parallel_loop3A_419 = arith.addf %parallel_loop3A_418, %get3A_169 : vector<16xf32>
        %parallel_loop3A_420 = arith.index_cast %parallel_loop3A_268 : i32 to index
        %parallel_loop3A_421 = arith.index_cast %parallel_loop3A_414 : i32 to index
        %parallel_loop3A_422 = tpu.vector_load %arg7[%parallel_loop3A_420, %parallel_loop3A_421] {strides = array<i32>} : memref<16x2048xf32, #tpu.memory_space<vmem>>, vector<1x16xf32>,
        %parallel_loop3A_423 = vector.shape_cast %parallel_loop3A_422 : vector<1x16xf32> to vector<16xf32>
        %parallel_loop3A_424 = vector.shape_cast %parallel_loop3A_419 : vector<16xf32> to vector<1x16xf32>
        tpu.vector_store %arg7[%parallel_loop3A_420, %parallel_loop3A_421], %parallel_loop3A_424 {strides = array<i32>} : memref<16x2048xf32, #tpu.memory_space<vmem>>, vector<1x16xf32>,
        %parallel_loop3A_425 = arith.constant 208 : i32
        %parallel_loop3A_426 = arith.addi %mul3A_105, %parallel_loop3A_425 : i32
        %parallel_loop3A_427 = arith.index_cast %parallel_loop3A_268 : i32 to index
        %parallel_loop3A_428 = arith.index_cast %parallel_loop3A_426 : i32 to index
        %parallel_loop3A_429 = tpu.vector_load %arg7[%parallel_loop3A_427, %parallel_loop3A_428] {strides = array<i32>} : memref<16x2048xf32, #tpu.memory_space<vmem>>, vector<1x16xf32>,
        %parallel_loop3A_430 = vector.shape_cast %parallel_loop3A_429 : vector<1x16xf32> to vector<16xf32>
        %parallel_loop3A_431 = arith.addf %parallel_loop3A_430, %get3A_174 : vector<16xf32>
        %parallel_loop3A_432 = arith.index_cast %parallel_loop3A_268 : i32 to index
        %parallel_loop3A_433 = arith.index_cast %parallel_loop3A_426 : i32 to index
        %parallel_loop3A_434 = tpu.vector_load %arg7[%parallel_loop3A_432, %parallel_loop3A_433] {strides = array<i32>} : memref<16x2048xf32, #tpu.memory_space<vmem>>, vector<1x16xf32>,
        %parallel_loop3A_435 = vector.shape_cast %parallel_loop3A_434 : vector<1x16xf32> to vector<16xf32>
        %parallel_loop3A_436 = vector.shape_cast %parallel_loop3A_431 : vector<16xf32> to vector<1x16xf32>
        tpu.vector_store %arg7[%parallel_loop3A_432, %parallel_loop3A_433], %parallel_loop3A_436 {strides = array<i32>} : memref<16x2048xf32, #tpu.memory_space<vmem>>, vector<1x16xf32>,
        %parallel_loop3A_437 = arith.constant 224 : i32
        %parallel_loop3A_438 = arith.addi %mul3A_105, %parallel_loop3A_437 : i32
        %parallel_loop3A_439 = arith.index_cast %parallel_loop3A_268 : i32 to index
        %parallel_loop3A_440 = arith.index_cast %parallel_loop3A_438 : i32 to index
        %parallel_loop3A_441 = tpu.vector_load %arg7[%parallel_loop3A_439, %parallel_loop3A_440] {strides = array<i32>} : memref<16x2048xf32, #tpu.memory_space<vmem>>, vector<1x16xf32>,
        %parallel_loop3A_442 = vector.shape_cast %parallel_loop3A_441 : vector<1x16xf32> to vector<16xf32>
        %parallel_loop3A_443 = arith.addf %parallel_loop3A_442, %get3A_179 : vector<16xf32>
        %parallel_loop3A_444 = arith.index_cast %parallel_loop3A_268 : i32 to index
        %parallel_loop3A_445 = arith.index_cast %parallel_loop3A_438 : i32 to index
        %parallel_loop3A_446 = tpu.vector_load %arg7[%parallel_loop3A_444, %parallel_loop3A_445] {strides = array<i32>} : memref<16x2048xf32, #tpu.memory_space<vmem>>, vector<1x16xf32>,
        %parallel_loop3A_447 = vector.shape_cast %parallel_loop3A_446 : vector<1x16xf32> to vector<16xf32>
        %parallel_loop3A_448 = vector.shape_cast %parallel_loop3A_443 : vector<16xf32> to vector<1x16xf32>
        tpu.vector_store %arg7[%parallel_loop3A_444, %parallel_loop3A_445], %parallel_loop3A_448 {strides = array<i32>} : memref<16x2048xf32, #tpu.memory_space<vmem>>, vector<1x16xf32>,
        %parallel_loop3A_449 = arith.constant 240 : i32
        %parallel_loop3A_450 = arith.addi %mul3A_105, %parallel_loop3A_449 : i32
        %parallel_loop3A_451 = arith.index_cast %parallel_loop3A_268 : i32 to index
        %parallel_loop3A_452 = arith.index_cast %parallel_loop3A_450 : i32 to index
        %parallel_loop3A_453 = tpu.vector_load %arg7[%parallel_loop3A_451, %parallel_loop3A_452] {strides = array<i32>} : memref<16x2048xf32, #tpu.memory_space<vmem>>, vector<1x16xf32>,
        %parallel_loop3A_454 = vector.shape_cast %parallel_loop3A_453 : vector<1x16xf32> to vector<16xf32>
        %parallel_loop3A_455 = arith.addf %parallel_loop3A_454, %get3A_184 : vector<16xf32>
        %parallel_loop3A_456 = arith.index_cast %parallel_loop3A_268 : i32 to index
        %parallel_loop3A_457 = arith.index_cast %parallel_loop3A_450 : i32 to index
        %parallel_loop3A_458 = tpu.vector_load %arg7[%parallel_loop3A_456, %parallel_loop3A_457] {strides = array<i32>} : memref<16x2048xf32, #tpu.memory_space<vmem>>, vector<1x16xf32>,
        %parallel_loop3A_459 = vector.shape_cast %parallel_loop3A_458 : vector<1x16xf32> to vector<16xf32>
        %parallel_loop3A_460 = vector.shape_cast %parallel_loop3A_455 : vector<16xf32> to vector<1x16xf32>
        tpu.vector_store %arg7[%parallel_loop3A_456, %parallel_loop3A_457], %parallel_loop3A_460 {strides = array<i32>} : memref<16x2048xf32, #tpu.memory_space<vmem>>, vector<1x16xf32>,
        %parallel_loop3A_461 = arith.constant 256 : i32
        %parallel_loop3A_462 = arith.addi %mul3A_105, %parallel_loop3A_461 : i32
        %parallel_loop3A_463 = arith.index_cast %parallel_loop3A_268 : i32 to index
        %parallel_loop3A_464 = arith.index_cast %parallel_loop3A_462 : i32 to index
        %parallel_loop3A_465 = tpu.vector_load %arg7[%parallel_loop3A_463, %parallel_loop3A_464] {strides = array<i32>} : memref<16x2048xf32, #tpu.memory_space<vmem>>, vector<1x16xf32>,
        %parallel_loop3A_466 = vector.shape_cast %parallel_loop3A_465 : vector<1x16xf32> to vector<16xf32>
        %parallel_loop3A_467 = arith.addf %parallel_loop3A_466, %get3A_189 : vector<16xf32>
        %parallel_loop3A_468 = arith.index_cast %parallel_loop3A_268 : i32 to index
        %parallel_loop3A_469 = arith.index_cast %parallel_loop3A_462 : i32 to index
        %parallel_loop3A_470 = tpu.vector_load %arg7[%parallel_loop3A_468, %parallel_loop3A_469] {strides = array<i32>} : memref<16x2048xf32, #tpu.memory_space<vmem>>, vector<1x16xf32>,
        %parallel_loop3A_471 = vector.shape_cast %parallel_loop3A_470 : vector<1x16xf32> to vector<16xf32>
        %parallel_loop3A_472 = vector.shape_cast %parallel_loop3A_467 : vector<16xf32> to vector<1x16xf32>
        tpu.vector_store %arg7[%parallel_loop3A_468, %parallel_loop3A_469], %parallel_loop3A_472 {strides = array<i32>} : memref<16x2048xf32, #tpu.memory_space<vmem>>, vector<1x16xf32>,
        %parallel_loop3A_473 = arith.constant 272 : i32
        %parallel_loop3A_474 = arith.addi %mul3A_105, %parallel_loop3A_473 : i32
        %parallel_loop3A_475 = arith.index_cast %parallel_loop3A_268 : i32 to index
        %parallel_loop3A_476 = arith.index_cast %parallel_loop3A_474 : i32 to index
        %parallel_loop3A_477 = tpu.vector_load %arg7[%parallel_loop3A_475, %parallel_loop3A_476] {strides = array<i32>} : memref<16x2048xf32, #tpu.memory_space<vmem>>, vector<1x16xf32>,
        %parallel_loop3A_478 = vector.shape_cast %parallel_loop3A_477 : vector<1x16xf32> to vector<16xf32>
        %parallel_loop3A_479 = arith.addf %parallel_loop3A_478, %get3A_194 : vector<16xf32>
        %parallel_loop3A_480 = arith.index_cast %parallel_loop3A_268 : i32 to index
        %parallel_loop3A_481 = arith.index_cast %parallel_loop3A_474 : i32 to index
        %parallel_loop3A_482 = tpu.vector_load %arg7[%parallel_loop3A_480, %parallel_loop3A_481] {strides = array<i32>} : memref<16x2048xf32, #tpu.memory_space<vmem>>, vector<1x16xf32>,
        %parallel_loop3A_483 = vector.shape_cast %parallel_loop3A_482 : vector<1x16xf32> to vector<16xf32>
        %parallel_loop3A_484 = vector.shape_cast %parallel_loop3A_479 : vector<16xf32> to vector<1x16xf32>
        tpu.vector_store %arg7[%parallel_loop3A_480, %parallel_loop3A_481], %parallel_loop3A_484 {strides = array<i32>} : memref<16x2048xf32, #tpu.memory_space<vmem>>, vector<1x16xf32>,
        %parallel_loop3A_485 = arith.constant 288 : i32
        %parallel_loop3A_486 = arith.addi %mul3A_105, %parallel_loop3A_485 : i32
        %parallel_loop3A_487 = arith.index_cast %parallel_loop3A_268 : i32 to index
        %parallel_loop3A_488 = arith.index_cast %parallel_loop3A_486 : i32 to index
        %parallel_loop3A_489 = tpu.vector_load %arg7[%parallel_loop3A_487, %parallel_loop3A_488] {strides = array<i32>} : memref<16x2048xf32, #tpu.memory_space<vmem>>, vector<1x16xf32>,
        %parallel_loop3A_490 = vector.shape_cast %parallel_loop3A_489 : vector<1x16xf32> to vector<16xf32>
        %parallel_loop3A_491 = arith.addf %parallel_loop3A_490, %get3A_199 : vector<16xf32>
        %parallel_loop3A_492 = arith.index_cast %parallel_loop3A_268 : i32 to index
        %parallel_loop3A_493 = arith.index_cast %parallel_loop3A_486 : i32 to index
        %parallel_loop3A_494 = tpu.vector_load %arg7[%parallel_loop3A_492, %parallel_loop3A_493] {strides = array<i32>} : memref<16x2048xf32, #tpu.memory_space<vmem>>, vector<1x16xf32>,
        %parallel_loop3A_495 = vector.shape_cast %parallel_loop3A_494 : vector<1x16xf32> to vector<16xf32>
        %parallel_loop3A_496 = vector.shape_cast %parallel_loop3A_491 : vector<16xf32> to vector<1x16xf32>
        tpu.vector_store %arg7[%parallel_loop3A_492, %parallel_loop3A_493], %parallel_loop3A_496 {strides = array<i32>} : memref<16x2048xf32, #tpu.memory_space<vmem>>, vector<1x16xf32>,
        %parallel_loop3A_497 = arith.constant 304 : i32
        %parallel_loop3A_498 = arith.addi %mul3A_105, %parallel_loop3A_497 : i32
        %parallel_loop3A_499 = arith.index_cast %parallel_loop3A_268 : i32 to index
        %parallel_loop3A_500 = arith.index_cast %parallel_loop3A_498 : i32 to index
        %parallel_loop3A_501 = tpu.vector_load %arg7[%parallel_loop3A_499, %parallel_loop3A_500] {strides = array<i32>} : memref<16x2048xf32, #tpu.memory_space<vmem>>, vector<1x16xf32>,
        %parallel_loop3A_502 = vector.shape_cast %parallel_loop3A_501 : vector<1x16xf32> to vector<16xf32>
        %parallel_loop3A_503 = arith.addf %parallel_loop3A_502, %get3A_204 : vector<16xf32>
        %parallel_loop3A_504 = arith.index_cast %parallel_loop3A_268 : i32 to index
        %parallel_loop3A_505 = arith.index_cast %parallel_loop3A_498 : i32 to index
        %parallel_loop3A_506 = tpu.vector_load %arg7[%parallel_loop3A_504, %parallel_loop3A_505] {strides = array<i32>} : memref<16x2048xf32, #tpu.memory_space<vmem>>, vector<1x16xf32>,
        %parallel_loop3A_507 = vector.shape_cast %parallel_loop3A_506 : vector<1x16xf32> to vector<16xf32>
        %parallel_loop3A_508 = vector.shape_cast %parallel_loop3A_503 : vector<16xf32> to vector<1x16xf32>
        tpu.vector_store %arg7[%parallel_loop3A_504, %parallel_loop3A_505], %parallel_loop3A_508 {strides = array<i32>} : memref<16x2048xf32, #tpu.memory_space<vmem>>, vector<1x16xf32>,
        %parallel_loop3A_509 = arith.constant 320 : i32
        %parallel_loop3A_510 = arith.addi %mul3A_105, %parallel_loop3A_509 : i32
        %parallel_loop3A_511 = arith.index_cast %parallel_loop3A_268 : i32 to index
        %parallel_loop3A_512 = arith.index_cast %parallel_loop3A_510 : i32 to index
        %parallel_loop3A_513 = tpu.vector_load %arg7[%parallel_loop3A_511, %parallel_loop3A_512] {strides = array<i32>} : memref<16x2048xf32, #tpu.memory_space<vmem>>, vector<1x16xf32>,
        %parallel_loop3A_514 = vector.shape_cast %parallel_loop3A_513 : vector<1x16xf32> to vector<16xf32>
        %parallel_loop3A_515 = arith.addf %parallel_loop3A_514, %get3A_209 : vector<16xf32>
        %parallel_loop3A_516 = arith.index_cast %parallel_loop3A_268 : i32 to index
        %parallel_loop3A_517 = arith.index_cast %parallel_loop3A_510 : i32 to index
        %parallel_loop3A_518 = tpu.vector_load %arg7[%parallel_loop3A_516, %parallel_loop3A_517] {strides = array<i32>} : memref<16x2048xf32, #tpu.memory_space<vmem>>, vector<1x16xf32>,
        %parallel_loop3A_519 = vector.shape_cast %parallel_loop3A_518 : vector<1x16xf32> to vector<16xf32>
        %parallel_loop3A_520 = vector.shape_cast %parallel_loop3A_515 : vector<16xf32> to vector<1x16xf32>
        tpu.vector_store %arg7[%parallel_loop3A_516, %parallel_loop3A_517], %parallel_loop3A_520 {strides = array<i32>} : memref<16x2048xf32, #tpu.memory_space<vmem>>, vector<1x16xf32>,
        %parallel_loop3A_521 = arith.constant 336 : i32
        %parallel_loop3A_522 = arith.addi %mul3A_105, %parallel_loop3A_521 : i32
        %parallel_loop3A_523 = arith.index_cast %parallel_loop3A_268 : i32 to index
        %parallel_loop3A_524 = arith.index_cast %parallel_loop3A_522 : i32 to index
        %parallel_loop3A_525 = tpu.vector_load %arg7[%parallel_loop3A_523, %parallel_loop3A_524] {strides = array<i32>} : memref<16x2048xf32, #tpu.memory_space<vmem>>, vector<1x16xf32>,
        %parallel_loop3A_526 = vector.shape_cast %parallel_loop3A_525 : vector<1x16xf32> to vector<16xf32>
        %parallel_loop3A_527 = arith.addf %parallel_loop3A_526, %get3A_214 : vector<16xf32>
        %parallel_loop3A_528 = arith.index_cast %parallel_loop3A_268 : i32 to index
        %parallel_loop3A_529 = arith.index_cast %parallel_loop3A_522 : i32 to index
        %parallel_loop3A_530 = tpu.vector_load %arg7[%parallel_loop3A_528, %parallel_loop3A_529] {strides = array<i32>} : memref<16x2048xf32, #tpu.memory_space<vmem>>, vector<1x16xf32>,
        %parallel_loop3A_531 = vector.shape_cast %parallel_loop3A_530 : vector<1x16xf32> to vector<16xf32>
        %parallel_loop3A_532 = vector.shape_cast %parallel_loop3A_527 : vector<16xf32> to vector<1x16xf32>
        tpu.vector_store %arg7[%parallel_loop3A_528, %parallel_loop3A_529], %parallel_loop3A_532 {strides = array<i32>} : memref<16x2048xf32, #tpu.memory_space<vmem>>, vector<1x16xf32>,
        %parallel_loop3A_533 = arith.constant 352 : i32
        %parallel_loop3A_534 = arith.addi %mul3A_105, %parallel_loop3A_533 : i32
        %parallel_loop3A_535 = arith.index_cast %parallel_loop3A_268 : i32 to index
        %parallel_loop3A_536 = arith.index_cast %parallel_loop3A_534 : i32 to index
        %parallel_loop3A_537 = tpu.vector_load %arg7[%parallel_loop3A_535, %parallel_loop3A_536] {strides = array<i32>} : memref<16x2048xf32, #tpu.memory_space<vmem>>, vector<1x16xf32>,
        %parallel_loop3A_538 = vector.shape_cast %parallel_loop3A_537 : vector<1x16xf32> to vector<16xf32>
        %parallel_loop3A_539 = arith.addf %parallel_loop3A_538, %get3A_219 : vector<16xf32>
        %parallel_loop3A_540 = arith.index_cast %parallel_loop3A_268 : i32 to index
        %parallel_loop3A_541 = arith.index_cast %parallel_loop3A_534 : i32 to index
        %parallel_loop3A_542 = tpu.vector_load %arg7[%parallel_loop3A_540, %parallel_loop3A_541] {strides = array<i32>} : memref<16x2048xf32, #tpu.memory_space<vmem>>, vector<1x16xf32>,
        %parallel_loop3A_543 = vector.shape_cast %parallel_loop3A_542 : vector<1x16xf32> to vector<16xf32>
        %parallel_loop3A_544 = vector.shape_cast %parallel_loop3A_539 : vector<16xf32> to vector<1x16xf32>
        tpu.vector_store %arg7[%parallel_loop3A_540, %parallel_loop3A_541], %parallel_loop3A_544 {strides = array<i32>} : memref<16x2048xf32, #tpu.memory_space<vmem>>, vector<1x16xf32>,
        %parallel_loop3A_545 = arith.constant 368 : i32
        %parallel_loop3A_546 = arith.addi %mul3A_105, %parallel_loop3A_545 : i32
        %parallel_loop3A_547 = arith.index_cast %parallel_loop3A_268 : i32 to index
        %parallel_loop3A_548 = arith.index_cast %parallel_loop3A_546 : i32 to index
        %parallel_loop3A_549 = tpu.vector_load %arg7[%parallel_loop3A_547, %parallel_loop3A_548] {strides = array<i32>} : memref<16x2048xf32, #tpu.memory_space<vmem>>, vector<1x16xf32>,
        %parallel_loop3A_550 = vector.shape_cast %parallel_loop3A_549 : vector<1x16xf32> to vector<16xf32>
        %parallel_loop3A_551 = arith.addf %parallel_loop3A_550, %get3A_224 : vector<16xf32>
        %parallel_loop3A_552 = arith.index_cast %parallel_loop3A_268 : i32 to index
        %parallel_loop3A_553 = arith.index_cast %parallel_loop3A_546 : i32 to index
        %parallel_loop3A_554 = tpu.vector_load %arg7[%parallel_loop3A_552, %parallel_loop3A_553] {strides = array<i32>} : memref<16x2048xf32, #tpu.memory_space<vmem>>, vector<1x16xf32>,
        %parallel_loop3A_555 = vector.shape_cast %parallel_loop3A_554 : vector<1x16xf32> to vector<16xf32>
        %parallel_loop3A_556 = vector.shape_cast %parallel_loop3A_551 : vector<16xf32> to vector<1x16xf32>
        tpu.vector_store %arg7[%parallel_loop3A_552, %parallel_loop3A_553], %parallel_loop3A_556 {strides = array<i32>} : memref<16x2048xf32, #tpu.memory_space<vmem>>, vector<1x16xf32>,
        %parallel_loop3A_557 = arith.constant 384 : i32
        %parallel_loop3A_558 = arith.addi %mul3A_105, %parallel_loop3A_557 : i32
        %parallel_loop3A_559 = arith.index_cast %parallel_loop3A_268 : i32 to index
        %parallel_loop3A_560 = arith.index_cast %parallel_loop3A_558 : i32 to index
        %parallel_loop3A_561 = tpu.vector_load %arg7[%parallel_loop3A_559, %parallel_loop3A_560] {strides = array<i32>} : memref<16x2048xf32, #tpu.memory_space<vmem>>, vector<1x16xf32>,
        %parallel_loop3A_562 = vector.shape_cast %parallel_loop3A_561 : vector<1x16xf32> to vector<16xf32>
        %parallel_loop3A_563 = arith.addf %parallel_loop3A_562, %get3A_229 : vector<16xf32>
        %parallel_loop3A_564 = arith.index_cast %parallel_loop3A_268 : i32 to index
        %parallel_loop3A_565 = arith.index_cast %parallel_loop3A_558 : i32 to index
        %parallel_loop3A_566 = tpu.vector_load %arg7[%parallel_loop3A_564, %parallel_loop3A_565] {strides = array<i32>} : memref<16x2048xf32, #tpu.memory_space<vmem>>, vector<1x16xf32>,
        %parallel_loop3A_567 = vector.shape_cast %parallel_loop3A_566 : vector<1x16xf32> to vector<16xf32>
        %parallel_loop3A_568 = vector.shape_cast %parallel_loop3A_563 : vector<16xf32> to vector<1x16xf32>
        tpu.vector_store %arg7[%parallel_loop3A_564, %parallel_loop3A_565], %parallel_loop3A_568 {strides = array<i32>} : memref<16x2048xf32, #tpu.memory_space<vmem>>, vector<1x16xf32>,
        %parallel_loop3A_569 = arith.constant 400 : i32
        %parallel_loop3A_570 = arith.addi %mul3A_105, %parallel_loop3A_569 : i32
        %parallel_loop3A_571 = arith.index_cast %parallel_loop3A_268 : i32 to index
        %parallel_loop3A_572 = arith.index_cast %parallel_loop3A_570 : i32 to index
        %parallel_loop3A_573 = tpu.vector_load %arg7[%parallel_loop3A_571, %parallel_loop3A_572] {strides = array<i32>} : memref<16x2048xf32, #tpu.memory_space<vmem>>, vector<1x16xf32>,
        %parallel_loop3A_574 = vector.shape_cast %parallel_loop3A_573 : vector<1x16xf32> to vector<16xf32>
        %parallel_loop3A_575 = arith.addf %parallel_loop3A_574, %get3A_234 : vector<16xf32>
        %parallel_loop3A_576 = arith.index_cast %parallel_loop3A_268 : i32 to index
        %parallel_loop3A_577 = arith.index_cast %parallel_loop3A_570 : i32 to index
        %parallel_loop3A_578 = tpu.vector_load %arg7[%parallel_loop3A_576, %parallel_loop3A_577] {strides = array<i32>} : memref<16x2048xf32, #tpu.memory_space<vmem>>, vector<1x16xf32>,
        %parallel_loop3A_579 = vector.shape_cast %parallel_loop3A_578 : vector<1x16xf32> to vector<16xf32>
        %parallel_loop3A_580 = vector.shape_cast %parallel_loop3A_575 : vector<16xf32> to vector<1x16xf32>
        tpu.vector_store %arg7[%parallel_loop3A_576, %parallel_loop3A_577], %parallel_loop3A_580 {strides = array<i32>} : memref<16x2048xf32, #tpu.memory_space<vmem>>, vector<1x16xf32>,
        %parallel_loop3A_581 = arith.constant 416 : i32
        %parallel_loop3A_582 = arith.addi %mul3A_105, %parallel_loop3A_581 : i32
        %parallel_loop3A_583 = arith.index_cast %parallel_loop3A_268 : i32 to index
        %parallel_loop3A_584 = arith.index_cast %parallel_loop3A_582 : i32 to index
        %parallel_loop3A_585 = tpu.vector_load %arg7[%parallel_loop3A_583, %parallel_loop3A_584] {strides = array<i32>} : memref<16x2048xf32, #tpu.memory_space<vmem>>, vector<1x16xf32>,
        %parallel_loop3A_586 = vector.shape_cast %parallel_loop3A_585 : vector<1x16xf32> to vector<16xf32>
        %parallel_loop3A_587 = arith.addf %parallel_loop3A_586, %get3A_239 : vector<16xf32>
        %parallel_loop3A_588 = arith.index_cast %parallel_loop3A_268 : i32 to index
        %parallel_loop3A_589 = arith.index_cast %parallel_loop3A_582 : i32 to index
        %parallel_loop3A_590 = tpu.vector_load %arg7[%parallel_loop3A_588, %parallel_loop3A_589] {strides = array<i32>} : memref<16x2048xf32, #tpu.memory_space<vmem>>, vector<1x16xf32>,
        %parallel_loop3A_591 = vector.shape_cast %parallel_loop3A_590 : vector<1x16xf32> to vector<16xf32>
        %parallel_loop3A_592 = vector.shape_cast %parallel_loop3A_587 : vector<16xf32> to vector<1x16xf32>
        tpu.vector_store %arg7[%parallel_loop3A_588, %parallel_loop3A_589], %parallel_loop3A_592 {strides = array<i32>} : memref<16x2048xf32, #tpu.memory_space<vmem>>, vector<1x16xf32>,
        %parallel_loop3A_593 = arith.constant 432 : i32
        %parallel_loop3A_594 = arith.addi %mul3A_105, %parallel_loop3A_593 : i32
        %parallel_loop3A_595 = arith.index_cast %parallel_loop3A_268 : i32 to index
        %parallel_loop3A_596 = arith.index_cast %parallel_loop3A_594 : i32 to index
        %parallel_loop3A_597 = tpu.vector_load %arg7[%parallel_loop3A_595, %parallel_loop3A_596] {strides = array<i32>} : memref<16x2048xf32, #tpu.memory_space<vmem>>, vector<1x16xf32>,
        %parallel_loop3A_598 = vector.shape_cast %parallel_loop3A_597 : vector<1x16xf32> to vector<16xf32>
        %parallel_loop3A_599 = arith.addf %parallel_loop3A_598, %get3A_244 : vector<16xf32>
        %parallel_loop3A_600 = arith.index_cast %parallel_loop3A_268 : i32 to index
        %parallel_loop3A_601 = arith.index_cast %parallel_loop3A_594 : i32 to index
        %parallel_loop3A_602 = tpu.vector_load %arg7[%parallel_loop3A_600, %parallel_loop3A_601] {strides = array<i32>} : memref<16x2048xf32, #tpu.memory_space<vmem>>, vector<1x16xf32>,
        %parallel_loop3A_603 = vector.shape_cast %parallel_loop3A_602 : vector<1x16xf32> to vector<16xf32>
        %parallel_loop3A_604 = vector.shape_cast %parallel_loop3A_599 : vector<16xf32> to vector<1x16xf32>
        tpu.vector_store %arg7[%parallel_loop3A_600, %parallel_loop3A_601], %parallel_loop3A_604 {strides = array<i32>} : memref<16x2048xf32, #tpu.memory_space<vmem>>, vector<1x16xf32>,
        %parallel_loop3A_605 = arith.constant 448 : i32
        %parallel_loop3A_606 = arith.addi %mul3A_105, %parallel_loop3A_605 : i32
        %parallel_loop3A_607 = arith.index_cast %parallel_loop3A_268 : i32 to index
        %parallel_loop3A_608 = arith.index_cast %parallel_loop3A_606 : i32 to index
        %parallel_loop3A_609 = tpu.vector_load %arg7[%parallel_loop3A_607, %parallel_loop3A_608] {strides = array<i32>} : memref<16x2048xf32, #tpu.memory_space<vmem>>, vector<1x16xf32>,
        %parallel_loop3A_610 = vector.shape_cast %parallel_loop3A_609 : vector<1x16xf32> to vector<16xf32>
        %parallel_loop3A_611 = arith.addf %parallel_loop3A_610, %get3A_249 : vector<16xf32>
        %parallel_loop3A_612 = arith.index_cast %parallel_loop3A_268 : i32 to index
        %parallel_loop3A_613 = arith.index_cast %parallel_loop3A_606 : i32 to index
        %parallel_loop3A_614 = tpu.vector_load %arg7[%parallel_loop3A_612, %parallel_loop3A_613] {strides = array<i32>} : memref<16x2048xf32, #tpu.memory_space<vmem>>, vector<1x16xf32>,
        %parallel_loop3A_615 = vector.shape_cast %parallel_loop3A_614 : vector<1x16xf32> to vector<16xf32>
        %parallel_loop3A_616 = vector.shape_cast %parallel_loop3A_611 : vector<16xf32> to vector<1x16xf32>
        tpu.vector_store %arg7[%parallel_loop3A_612, %parallel_loop3A_613], %parallel_loop3A_616 {strides = array<i32>} : memref<16x2048xf32, #tpu.memory_space<vmem>>, vector<1x16xf32>,
        %parallel_loop3A_617 = arith.constant 464 : i32
        %parallel_loop3A_618 = arith.addi %mul3A_105, %parallel_loop3A_617 : i32
        %parallel_loop3A_619 = arith.index_cast %parallel_loop3A_268 : i32 to index
        %parallel_loop3A_620 = arith.index_cast %parallel_loop3A_618 : i32 to index
        %parallel_loop3A_621 = tpu.vector_load %arg7[%parallel_loop3A_619, %parallel_loop3A_620] {strides = array<i32>} : memref<16x2048xf32, #tpu.memory_space<vmem>>, vector<1x16xf32>,
        %parallel_loop3A_622 = vector.shape_cast %parallel_loop3A_621 : vector<1x16xf32> to vector<16xf32>
        %parallel_loop3A_623 = arith.addf %parallel_loop3A_622, %get3A_254 : vector<16xf32>
        %parallel_loop3A_624 = arith.index_cast %parallel_loop3A_268 : i32 to index
        %parallel_loop3A_625 = arith.index_cast %parallel_loop3A_618 : i32 to index
        %parallel_loop3A_626 = tpu.vector_load %arg7[%parallel_loop3A_624, %parallel_loop3A_625] {strides = array<i32>} : memref<16x2048xf32, #tpu.memory_space<vmem>>, vector<1x16xf32>,
        %parallel_loop3A_627 = vector.shape_cast %parallel_loop3A_626 : vector<1x16xf32> to vector<16xf32>
        %parallel_loop3A_628 = vector.shape_cast %parallel_loop3A_623 : vector<16xf32> to vector<1x16xf32>
        tpu.vector_store %arg7[%parallel_loop3A_624, %parallel_loop3A_625], %parallel_loop3A_628 {strides = array<i32>} : memref<16x2048xf32, #tpu.memory_space<vmem>>, vector<1x16xf32>,
        %parallel_loop3A_629 = arith.constant 480 : i32
        %parallel_loop3A_630 = arith.addi %mul3A_105, %parallel_loop3A_629 : i32
        %parallel_loop3A_631 = arith.index_cast %parallel_loop3A_268 : i32 to index
        %parallel_loop3A_632 = arith.index_cast %parallel_loop3A_630 : i32 to index
        %parallel_loop3A_633 = tpu.vector_load %arg7[%parallel_loop3A_631, %parallel_loop3A_632] {strides = array<i32>} : memref<16x2048xf32, #tpu.memory_space<vmem>>, vector<1x16xf32>,
        %parallel_loop3A_634 = vector.shape_cast %parallel_loop3A_633 : vector<1x16xf32> to vector<16xf32>
        %parallel_loop3A_635 = arith.addf %parallel_loop3A_634, %get3A_259 : vector<16xf32>
        %parallel_loop3A_636 = arith.index_cast %parallel_loop3A_268 : i32 to index
        %parallel_loop3A_637 = arith.index_cast %parallel_loop3A_630 : i32 to index
        %parallel_loop3A_638 = tpu.vector_load %arg7[%parallel_loop3A_636, %parallel_loop3A_637] {strides = array<i32>} : memref<16x2048xf32, #tpu.memory_space<vmem>>, vector<1x16xf32>,
        %parallel_loop3A_639 = vector.shape_cast %parallel_loop3A_638 : vector<1x16xf32> to vector<16xf32>
        %parallel_loop3A_640 = vector.shape_cast %parallel_loop3A_635 : vector<16xf32> to vector<1x16xf32>
        tpu.vector_store %arg7[%parallel_loop3A_636, %parallel_loop3A_637], %parallel_loop3A_640 {strides = array<i32>} : memref<16x2048xf32, #tpu.memory_space<vmem>>, vector<1x16xf32>,
        %parallel_loop3A_641 = arith.constant 496 : i32
        %parallel_loop3A_642 = arith.addi %mul3A_105, %parallel_loop3A_641 : i32
        %parallel_loop3A_643 = arith.index_cast %parallel_loop3A_268 : i32 to index
        %parallel_loop3A_644 = arith.index_cast %parallel_loop3A_642 : i32 to index
        %parallel_loop3A_645 = tpu.vector_load %arg7[%parallel_loop3A_643, %parallel_loop3A_644] {strides = array<i32>} : memref<16x2048xf32, #tpu.memory_space<vmem>>, vector<1x16xf32>,
        %parallel_loop3A_646 = vector.shape_cast %parallel_loop3A_645 : vector<1x16xf32> to vector<16xf32>
        %parallel_loop3A_647 = arith.addf %parallel_loop3A_646, %get3A_264 : vector<16xf32>
        %parallel_loop3A_648 = arith.index_cast %parallel_loop3A_268 : i32 to index
        %parallel_loop3A_649 = arith.index_cast %parallel_loop3A_642 : i32 to index
        %parallel_loop3A_650 = tpu.vector_load %arg7[%parallel_loop3A_648, %parallel_loop3A_649] {strides = array<i32>} : memref<16x2048xf32, #tpu.memory_space<vmem>>, vector<1x16xf32>,
        %parallel_loop3A_651 = vector.shape_cast %parallel_loop3A_650 : vector<1x16xf32> to vector<16xf32>
        %parallel_loop3A_652 = vector.shape_cast %parallel_loop3A_647 : vector<16xf32> to vector<1x16xf32>
        tpu.vector_store %arg7[%parallel_loop3A_648, %parallel_loop3A_649], %parallel_loop3A_652 {strides = array<i32>} : memref<16x2048xf32, #tpu.memory_space<vmem>>, vector<1x16xf32>,
      } {sc.loop_unroll_factor = 4 : i64, sc.parallel_access}
      %scan3A_267 = arith.constant 0 : i32
      scf.yield %scan3A_267 : i32
    }
    %scan3A_53 = arith.constant 4 : i32
    %dma_start3A_54 = arith.constant 0 : i32
    %dma_start3A_55 = tpu.memref_slice %arg4[%add3A_6, %dma_start3A_54] : memref<2048x2048xf32, #tpu.memory_space<hbm>> -> memref<16x2048xf32, #tpu.memory_space<hbm>>
    %dma_start3A_56 = arith.constant 0 : i32
    %dma_start3A_57 = tpu.memref_slice %arg4[%add3A_6, %dma_start3A_56] : memref<2048x2048xf32, #tpu.memory_space<hbm>> -> memref<16x2048xf32, #tpu.memory_space<hbm>>
    tpu.enqueue_dma source(%arg7 : memref<16x2048xf32, #tpu.memory_space<vmem>>) target(%dma_start3A_57 : memref<16x2048xf32, #tpu.memory_space<hbm>>) target_semaphore(%arg13 : memref<!tpu.dma_semaphore, #tpu.memory_space<semaphore_mem>>)
    %dma_wait3A_58 = arith.constant 0 : i32
    %dma_wait3A_59 = tpu.memref_slice %arg3[%add3A_8, %dma_wait3A_58] : memref<32768x2048xf32, #tpu.memory_space<hbm>> -> memref<16x2048xf32, #tpu.memory_space<hbm>>
    %dma_wait3A_60 = arith.constant 0 : i32
    %dma_wait3A_61 = tpu.memref_slice %arg3[%add3A_8, %dma_wait3A_60] : memref<32768x2048xf32, #tpu.memory_space<hbm>> -> memref<16x2048xf32, #tpu.memory_space<hbm>>
    tpu.wait_dma2 semaphore(%arg11 : memref<!tpu.dma_semaphore, #tpu.memory_space<semaphore_mem>>) src(%dma_wait3A_61 : memref<16x2048xf32, #tpu.memory_space<hbm>>) dst(%arg8 : memref<16x2048xf32, #tpu.memory_space<vmem>>)
    %scan3A_62 = arith.constant 0 : i32
    %scan3A_63 = arith.constant 0 : i32
    %scan3A_64 = arith.constant 4 : i32
    %scan3A_65 = arith.addi %scan3A_63, %scan3A_64 : i32
    %scan3A_66 = arith.constant 1 : i32
    %scan3A_67 = scf.for %scan3A_100 = %scan3A_63 to %scan3A_65 step %scan3A_66 iter_args(%scan3A_101 = %scan3A_62) -> (i32)  : i32 {
      %mul3A_102 = arith.constant 32 : i32
      %mul3A_103 = arith.muli %scan3A_100, %mul3A_102 : i32
      %mul3A_104 = arith.constant 16 : i32
      %mul3A_105 = arith.muli %mul3A_103, %mul3A_104 : i32
      %add3A_106 = arith.constant 0 : i32
      %add3A_107 = arith.addi %mul3A_105, %add3A_106 : i32
      %get3A = arith.index_cast %add3A_107 : i32 to index
      %get3A_108 = tpu.vector_load %arg5[%get3A] {strides = array<i32>} : memref<2048xf32, #tpu.memory_space<vmem>>, vector<16xf32>,
      %get3A_109 = vector.shape_cast %get3A_108 : vector<16xf32> to vector<16xf32>
      %add3A_110 = arith.constant 16 : i32
      %add3A_111 = arith.addi %mul3A_105, %add3A_110 : i32
      %get3A_112 = arith.index_cast %add3A_111 : i32 to index
      %get3A_113 = tpu.vector_load %arg5[%get3A_112] {strides = array<i32>} : memref<2048xf32, #tpu.memory_space<vmem>>, vector<16xf32>,
      %get3A_114 = vector.shape_cast %get3A_113 : vector<16xf32> to vector<16xf32>
      %add3A_115 = arith.constant 32 : i32
      %add3A_116 = arith.addi %mul3A_105, %add3A_115 : i32
      %get3A_117 = arith.index_cast %add3A_116 : i32 to index
      %get3A_118 = tpu.vector_load %arg5[%get3A_117] {strides = array<i32>} : memref<2048xf32, #tpu.memory_space<vmem>>, vector<16xf32>,
      %get3A_119 = vector.shape_cast %get3A_118 : vector<16xf32> to vector<16xf32>
      %add3A_120 = arith.constant 48 : i32
      %add3A_121 = arith.addi %mul3A_105, %add3A_120 : i32
      %get3A_122 = arith.index_cast %add3A_121 : i32 to index
      %get3A_123 = tpu.vector_load %arg5[%get3A_122] {strides = array<i32>} : memref<2048xf32, #tpu.memory_space<vmem>>, vector<16xf32>,
      %get3A_124 = vector.shape_cast %get3A_123 : vector<16xf32> to vector<16xf32>
      %add3A_125 = arith.constant 64 : i32
      %add3A_126 = arith.addi %mul3A_105, %add3A_125 : i32
      %get3A_127 = arith.index_cast %add3A_126 : i32 to index
      %get3A_128 = tpu.vector_load %arg5[%get3A_127] {strides = array<i32>} : memref<2048xf32, #tpu.memory_space<vmem>>, vector<16xf32>,
      %get3A_129 = vector.shape_cast %get3A_128 : vector<16xf32> to vector<16xf32>
      %add3A_130 = arith.constant 80 : i32
      %add3A_131 = arith.addi %mul3A_105, %add3A_130 : i32
      %get3A_132 = arith.index_cast %add3A_131 : i32 to index
      %get3A_133 = tpu.vector_load %arg5[%get3A_132] {strides = array<i32>} : memref<2048xf32, #tpu.memory_space<vmem>>, vector<16xf32>,
      %get3A_134 = vector.shape_cast %get3A_133 : vector<16xf32> to vector<16xf32>
      %add3A_135 = arith.constant 96 : i32
      %add3A_136 = arith.addi %mul3A_105, %add3A_135 : i32
      %get3A_137 = arith.index_cast %add3A_136 : i32 to index
      %get3A_138 = tpu.vector_load %arg5[%get3A_137] {strides = array<i32>} : memref<2048xf32, #tpu.memory_space<vmem>>, vector<16xf32>,
      %get3A_139 = vector.shape_cast %get3A_138 : vector<16xf32> to vector<16xf32>
      %add3A_140 = arith.constant 112 : i32
      %add3A_141 = arith.addi %mul3A_105, %add3A_140 : i32
      %get3A_142 = arith.index_cast %add3A_141 : i32 to index
      %get3A_143 = tpu.vector_load %arg5[%get3A_142] {strides = array<i32>} : memref<2048xf32, #tpu.memory_space<vmem>>, vector<16xf32>,
      %get3A_144 = vector.shape_cast %get3A_143 : vector<16xf32> to vector<16xf32>
      %add3A_145 = arith.constant 128 : i32
      %add3A_146 = arith.addi %mul3A_105, %add3A_145 : i32
      %get3A_147 = arith.index_cast %add3A_146 : i32 to index
      %get3A_148 = tpu.vector_load %arg5[%get3A_147] {strides = array<i32>} : memref<2048xf32, #tpu.memory_space<vmem>>, vector<16xf32>,
      %get3A_149 = vector.shape_cast %get3A_148 : vector<16xf32> to vector<16xf32>
      %add3A_150 = arith.constant 144 : i32
      %add3A_151 = arith.addi %mul3A_105, %add3A_150 : i32
      %get3A_152 = arith.index_cast %add3A_151 : i32 to index
      %get3A_153 = tpu.vector_load %arg5[%get3A_152] {strides = array<i32>} : memref<2048xf32, #tpu.memory_space<vmem>>, vector<16xf32>,
      %get3A_154 = vector.shape_cast %get3A_153 : vector<16xf32> to vector<16xf32>
      %add3A_155 = arith.constant 160 : i32
      %add3A_156 = arith.addi %mul3A_105, %add3A_155 : i32
      %get3A_157 = arith.index_cast %add3A_156 : i32 to index
      %get3A_158 = tpu.vector_load %arg5[%get3A_157] {strides = array<i32>} : memref<2048xf32, #tpu.memory_space<vmem>>, vector<16xf32>,
      %get3A_159 = vector.shape_cast %get3A_158 : vector<16xf32> to vector<16xf32>
      %add3A_160 = arith.constant 176 : i32
      %add3A_161 = arith.addi %mul3A_105, %add3A_160 : i32
      %get3A_162 = arith.index_cast %add3A_161 : i32 to index
      %get3A_163 = tpu.vector_load %arg5[%get3A_162] {strides = array<i32>} : memref<2048xf32, #tpu.memory_space<vmem>>, vector<16xf32>,
      %get3A_164 = vector.shape_cast %get3A_163 : vector<16xf32> to vector<16xf32>
      %add3A_165 = arith.constant 192 : i32
      %add3A_166 = arith.addi %mul3A_105, %add3A_165 : i32
      %get3A_167 = arith.index_cast %add3A_166 : i32 to index
      %get3A_168 = tpu.vector_load %arg5[%get3A_167] {strides = array<i32>} : memref<2048xf32, #tpu.memory_space<vmem>>, vector<16xf32>,
      %get3A_169 = vector.shape_cast %get3A_168 : vector<16xf32> to vector<16xf32>
      %add3A_170 = arith.constant 208 : i32
      %add3A_171 = arith.addi %mul3A_105, %add3A_170 : i32
      %get3A_172 = arith.index_cast %add3A_171 : i32 to index
      %get3A_173 = tpu.vector_load %arg5[%get3A_172] {strides = array<i32>} : memref<2048xf32, #tpu.memory_space<vmem>>, vector<16xf32>,
      %get3A_174 = vector.shape_cast %get3A_173 : vector<16xf32> to vector<16xf32>
      %add3A_175 = arith.constant 224 : i32
      %add3A_176 = arith.addi %mul3A_105, %add3A_175 : i32
      %get3A_177 = arith.index_cast %add3A_176 : i32 to index
      %get3A_178 = tpu.vector_load %arg5[%get3A_177] {strides = array<i32>} : memref<2048xf32, #tpu.memory_space<vmem>>, vector<16xf32>,
      %get3A_179 = vector.shape_cast %get3A_178 : vector<16xf32> to vector<16xf32>
      %add3A_180 = arith.constant 240 : i32
      %add3A_181 = arith.addi %mul3A_105, %add3A_180 : i32
      %get3A_182 = arith.index_cast %add3A_181 : i32 to index
      %get3A_183 = tpu.vector_load %arg5[%get3A_182] {strides = array<i32>} : memref<2048xf32, #tpu.memory_space<vmem>>, vector<16xf32>,
      %get3A_184 = vector.shape_cast %get3A_183 : vector<16xf32> to vector<16xf32>
      %add3A_185 = arith.constant 256 : i32
      %add3A_186 = arith.addi %mul3A_105, %add3A_185 : i32
      %get3A_187 = arith.index_cast %add3A_186 : i32 to index
      %get3A_188 = tpu.vector_load %arg5[%get3A_187] {strides = array<i32>} : memref<2048xf32, #tpu.memory_space<vmem>>, vector<16xf32>,
      %get3A_189 = vector.shape_cast %get3A_188 : vector<16xf32> to vector<16xf32>
      %add3A_190 = arith.constant 272 : i32
      %add3A_191 = arith.addi %mul3A_105, %add3A_190 : i32
      %get3A_192 = arith.index_cast %add3A_191 : i32 to index
      %get3A_193 = tpu.vector_load %arg5[%get3A_192] {strides = array<i32>} : memref<2048xf32, #tpu.memory_space<vmem>>, vector<16xf32>,
      %get3A_194 = vector.shape_cast %get3A_193 : vector<16xf32> to vector<16xf32>
      %add3A_195 = arith.constant 288 : i32
      %add3A_196 = arith.addi %mul3A_105, %add3A_195 : i32
      %get3A_197 = arith.index_cast %add3A_196 : i32 to index
      %get3A_198 = tpu.vector_load %arg5[%get3A_197] {strides = array<i32>} : memref<2048xf32, #tpu.memory_space<vmem>>, vector<16xf32>,
      %get3A_199 = vector.shape_cast %get3A_198 : vector<16xf32> to vector<16xf32>
      %add3A_200 = arith.constant 304 : i32
      %add3A_201 = arith.addi %mul3A_105, %add3A_200 : i32
      %get3A_202 = arith.index_cast %add3A_201 : i32 to index
      %get3A_203 = tpu.vector_load %arg5[%get3A_202] {strides = array<i32>} : memref<2048xf32, #tpu.memory_space<vmem>>, vector<16xf32>,
      %get3A_204 = vector.shape_cast %get3A_203 : vector<16xf32> to vector<16xf32>
      %add3A_205 = arith.constant 320 : i32
      %add3A_206 = arith.addi %mul3A_105, %add3A_205 : i32
      %get3A_207 = arith.index_cast %add3A_206 : i32 to index
      %get3A_208 = tpu.vector_load %arg5[%get3A_207] {strides = array<i32>} : memref<2048xf32, #tpu.memory_space<vmem>>, vector<16xf32>,
      %get3A_209 = vector.shape_cast %get3A_208 : vector<16xf32> to vector<16xf32>
      %add3A_210 = arith.constant 336 : i32
      %add3A_211 = arith.addi %mul3A_105, %add3A_210 : i32
      %get3A_212 = arith.index_cast %add3A_211 : i32 to index
      %get3A_213 = tpu.vector_load %arg5[%get3A_212] {strides = array<i32>} : memref<2048xf32, #tpu.memory_space<vmem>>, vector<16xf32>,
      %get3A_214 = vector.shape_cast %get3A_213 : vector<16xf32> to vector<16xf32>
      %add3A_215 = arith.constant 352 : i32
      %add3A_216 = arith.addi %mul3A_105, %add3A_215 : i32
      %get3A_217 = arith.index_cast %add3A_216 : i32 to index
      %get3A_218 = tpu.vector_load %arg5[%get3A_217] {strides = array<i32>} : memref<2048xf32, #tpu.memory_space<vmem>>, vector<16xf32>,
      %get3A_219 = vector.shape_cast %get3A_218 : vector<16xf32> to vector<16xf32>
      %add3A_220 = arith.constant 368 : i32
      %add3A_221 = arith.addi %mul3A_105, %add3A_220 : i32
      %get3A_222 = arith.index_cast %add3A_221 : i32 to index
      %get3A_223 = tpu.vector_load %arg5[%get3A_222] {strides = array<i32>} : memref<2048xf32, #tpu.memory_space<vmem>>, vector<16xf32>,
      %get3A_224 = vector.shape_cast %get3A_223 : vector<16xf32> to vector<16xf32>
      %add3A_225 = arith.constant 384 : i32
      %add3A_226 = arith.addi %mul3A_105, %add3A_225 : i32
      %get3A_227 = arith.index_cast %add3A_226 : i32 to index
      %get3A_228 = tpu.vector_load %arg5[%get3A_227] {strides = array<i32>} : memref<2048xf32, #tpu.memory_space<vmem>>, vector<16xf32>,
      %get3A_229 = vector.shape_cast %get3A_228 : vector<16xf32> to vector<16xf32>
      %add3A_230 = arith.constant 400 : i32
      %add3A_231 = arith.addi %mul3A_105, %add3A_230 : i32
      %get3A_232 = arith.index_cast %add3A_231 : i32 to index
      %get3A_233 = tpu.vector_load %arg5[%get3A_232] {strides = array<i32>} : memref<2048xf32, #tpu.memory_space<vmem>>, vector<16xf32>,
      %get3A_234 = vector.shape_cast %get3A_233 : vector<16xf32> to vector<16xf32>
      %add3A_235 = arith.constant 416 : i32
      %add3A_236 = arith.addi %mul3A_105, %add3A_235 : i32
      %get3A_237 = arith.index_cast %add3A_236 : i32 to index
      %get3A_238 = tpu.vector_load %arg5[%get3A_237] {strides = array<i32>} : memref<2048xf32, #tpu.memory_space<vmem>>, vector<16xf32>,
      %get3A_239 = vector.shape_cast %get3A_238 : vector<16xf32> to vector<16xf32>
      %add3A_240 = arith.constant 432 : i32
      %add3A_241 = arith.addi %mul3A_105, %add3A_240 : i32
      %get3A_242 = arith.index_cast %add3A_241 : i32 to index
      %get3A_243 = tpu.vector_load %arg5[%get3A_242] {strides = array<i32>} : memref<2048xf32, #tpu.memory_space<vmem>>, vector<16xf32>,
      %get3A_244 = vector.shape_cast %get3A_243 : vector<16xf32> to vector<16xf32>
      %add3A_245 = arith.constant 448 : i32
      %add3A_246 = arith.addi %mul3A_105, %add3A_245 : i32
      %get3A_247 = arith.index_cast %add3A_246 : i32 to index
      %get3A_248 = tpu.vector_load %arg5[%get3A_247] {strides = array<i32>} : memref<2048xf32, #tpu.memory_space<vmem>>, vector<16xf32>,
      %get3A_249 = vector.shape_cast %get3A_248 : vector<16xf32> to vector<16xf32>
      %add3A_250 = arith.constant 464 : i32
      %add3A_251 = arith.addi %mul3A_105, %add3A_250 : i32
      %get3A_252 = arith.index_cast %add3A_251 : i32 to index
      %get3A_253 = tpu.vector_load %arg5[%get3A_252] {strides = array<i32>} : memref<2048xf32, #tpu.memory_space<vmem>>, vector<16xf32>,
      %get3A_254 = vector.shape_cast %get3A_253 : vector<16xf32> to vector<16xf32>
      %add3A_255 = arith.constant 480 : i32
      %add3A_256 = arith.addi %mul3A_105, %add3A_255 : i32
      %get3A_257 = arith.index_cast %add3A_256 : i32 to index
      %get3A_258 = tpu.vector_load %arg5[%get3A_257] {strides = array<i32>} : memref<2048xf32, #tpu.memory_space<vmem>>, vector<16xf32>,
      %get3A_259 = vector.shape_cast %get3A_258 : vector<16xf32> to vector<16xf32>
      %add3A_260 = arith.constant 496 : i32
      %add3A_261 = arith.addi %mul3A_105, %add3A_260 : i32
      %get3A_262 = arith.index_cast %add3A_261 : i32 to index
      %get3A_263 = tpu.vector_load %arg5[%get3A_262] {strides = array<i32>} : memref<2048xf32, #tpu.memory_space<vmem>>, vector<16xf32>,
      %get3A_264 = vector.shape_cast %get3A_263 : vector<16xf32> to vector<16xf32>
      %parallel_loop3A = arith.constant 0 : i32
      %parallel_loop3A_265 = arith.constant 16 : i32
      %parallel_loop3A_266 = arith.constant 1 : i32
      scf.for %parallel_loop3A_268 = %parallel_loop3A to %parallel_loop3A_265 step %parallel_loop3A_266  : i32 {
        %parallel_loop3A_269 = arith.constant 0 : i32
        %parallel_loop3A_270 = arith.addi %mul3A_105, %parallel_loop3A_269 : i32
        %parallel_loop3A_271 = arith.index_cast %parallel_loop3A_268 : i32 to index
        %parallel_loop3A_272 = arith.index_cast %parallel_loop3A_270 : i32 to index
        %parallel_loop3A_273 = tpu.vector_load %arg8[%parallel_loop3A_271, %parallel_loop3A_272] {strides = array<i32>} : memref<16x2048xf32, #tpu.memory_space<vmem>>, vector<1x16xf32>,
        %parallel_loop3A_274 = vector.shape_cast %parallel_loop3A_273 : vector<1x16xf32> to vector<16xf32>
        %parallel_loop3A_275 = arith.addf %parallel_loop3A_274, %get3A_109 : vector<16xf32>
        %parallel_loop3A_276 = arith.index_cast %parallel_loop3A_268 : i32 to index
        %parallel_loop3A_277 = arith.index_cast %parallel_loop3A_270 : i32 to index
        %parallel_loop3A_278 = tpu.vector_load %arg8[%parallel_loop3A_276, %parallel_loop3A_277] {strides = array<i32>} : memref<16x2048xf32, #tpu.memory_space<vmem>>, vector<1x16xf32>,
        %parallel_loop3A_279 = vector.shape_cast %parallel_loop3A_278 : vector<1x16xf32> to vector<16xf32>
        %parallel_loop3A_280 = vector.shape_cast %parallel_loop3A_275 : vector<16xf32> to vector<1x16xf32>
        tpu.vector_store %arg8[%parallel_loop3A_276, %parallel_loop3A_277], %parallel_loop3A_280 {strides = array<i32>} : memref<16x2048xf32, #tpu.memory_space<vmem>>, vector<1x16xf32>,
        %parallel_loop3A_281 = arith.constant 16 : i32
        %parallel_loop3A_282 = arith.addi %mul3A_105, %parallel_loop3A_281 : i32
        %parallel_loop3A_283 = arith.index_cast %parallel_loop3A_268 : i32 to index
        %parallel_loop3A_284 = arith.index_cast %parallel_loop3A_282 : i32 to index
        %parallel_loop3A_285 = tpu.vector_load %arg8[%parallel_loop3A_283, %parallel_loop3A_284] {strides = array<i32>} : memref<16x2048xf32, #tpu.memory_space<vmem>>, vector<1x16xf32>,
        %parallel_loop3A_286 = vector.shape_cast %parallel_loop3A_285 : vector<1x16xf32> to vector<16xf32>
        %parallel_loop3A_287 = arith.addf %parallel_loop3A_286, %get3A_114 : vector<16xf32>
        %parallel_loop3A_288 = arith.index_cast %parallel_loop3A_268 : i32 to index
        %parallel_loop3A_289 = arith.index_cast %parallel_loop3A_282 : i32 to index
        %parallel_loop3A_290 = tpu.vector_load %arg8[%parallel_loop3A_288, %parallel_loop3A_289] {strides = array<i32>} : memref<16x2048xf32, #tpu.memory_space<vmem>>, vector<1x16xf32>,
        %parallel_loop3A_291 = vector.shape_cast %parallel_loop3A_290 : vector<1x16xf32> to vector<16xf32>
        %parallel_loop3A_292 = vector.shape_cast %parallel_loop3A_287 : vector<16xf32> to vector<1x16xf32>
        tpu.vector_store %arg8[%parallel_loop3A_288, %parallel_loop3A_289], %parallel_loop3A_292 {strides = array<i32>} : memref<16x2048xf32, #tpu.memory_space<vmem>>, vector<1x16xf32>,
        %parallel_loop3A_293 = arith.constant 32 : i32
        %parallel_loop3A_294 = arith.addi %mul3A_105, %parallel_loop3A_293 : i32
        %parallel_loop3A_295 = arith.index_cast %parallel_loop3A_268 : i32 to index
        %parallel_loop3A_296 = arith.index_cast %parallel_loop3A_294 : i32 to index
        %parallel_loop3A_297 = tpu.vector_load %arg8[%parallel_loop3A_295, %parallel_loop3A_296] {strides = array<i32>} : memref<16x2048xf32, #tpu.memory_space<vmem>>, vector<1x16xf32>,
        %parallel_loop3A_298 = vector.shape_cast %parallel_loop3A_297 : vector<1x16xf32> to vector<16xf32>
        %parallel_loop3A_299 = arith.addf %parallel_loop3A_298, %get3A_119 : vector<16xf32>
        %parallel_loop3A_300 = arith.index_cast %parallel_loop3A_268 : i32 to index
        %parallel_loop3A_301 = arith.index_cast %parallel_loop3A_294 : i32 to index
        %parallel_loop3A_302 = tpu.vector_load %arg8[%parallel_loop3A_300, %parallel_loop3A_301] {strides = array<i32>} : memref<16x2048xf32, #tpu.memory_space<vmem>>, vector<1x16xf32>,
        %parallel_loop3A_303 = vector.shape_cast %parallel_loop3A_302 : vector<1x16xf32> to vector<16xf32>
        %parallel_loop3A_304 = vector.shape_cast %parallel_loop3A_299 : vector<16xf32> to vector<1x16xf32>
        tpu.vector_store %arg8[%parallel_loop3A_300, %parallel_loop3A_301], %parallel_loop3A_304 {strides = array<i32>} : memref<16x2048xf32, #tpu.memory_space<vmem>>, vector<1x16xf32>,
        %parallel_loop3A_305 = arith.constant 48 : i32
        %parallel_loop3A_306 = arith.addi %mul3A_105, %parallel_loop3A_305 : i32
        %parallel_loop3A_307 = arith.index_cast %parallel_loop3A_268 : i32 to index
        %parallel_loop3A_308 = arith.index_cast %parallel_loop3A_306 : i32 to index
        %parallel_loop3A_309 = tpu.vector_load %arg8[%parallel_loop3A_307, %parallel_loop3A_308] {strides = array<i32>} : memref<16x2048xf32, #tpu.memory_space<vmem>>, vector<1x16xf32>,
        %parallel_loop3A_310 = vector.shape_cast %parallel_loop3A_309 : vector<1x16xf32> to vector<16xf32>
        %parallel_loop3A_311 = arith.addf %parallel_loop3A_310, %get3A_124 : vector<16xf32>
        %parallel_loop3A_312 = arith.index_cast %parallel_loop3A_268 : i32 to index
        %parallel_loop3A_313 = arith.index_cast %parallel_loop3A_306 : i32 to index
        %parallel_loop3A_314 = tpu.vector_load %arg8[%parallel_loop3A_312, %parallel_loop3A_313] {strides = array<i32>} : memref<16x2048xf32, #tpu.memory_space<vmem>>, vector<1x16xf32>,
        %parallel_loop3A_315 = vector.shape_cast %parallel_loop3A_314 : vector<1x16xf32> to vector<16xf32>
        %parallel_loop3A_316 = vector.shape_cast %parallel_loop3A_311 : vector<16xf32> to vector<1x16xf32>
        tpu.vector_store %arg8[%parallel_loop3A_312, %parallel_loop3A_313], %parallel_loop3A_316 {strides = array<i32>} : memref<16x2048xf32, #tpu.memory_space<vmem>>, vector<1x16xf32>,
        %parallel_loop3A_317 = arith.constant 64 : i32
        %parallel_loop3A_318 = arith.addi %mul3A_105, %parallel_loop3A_317 : i32
        %parallel_loop3A_319 = arith.index_cast %parallel_loop3A_268 : i32 to index
        %parallel_loop3A_320 = arith.index_cast %parallel_loop3A_318 : i32 to index
        %parallel_loop3A_321 = tpu.vector_load %arg8[%parallel_loop3A_319, %parallel_loop3A_320] {strides = array<i32>} : memref<16x2048xf32, #tpu.memory_space<vmem>>, vector<1x16xf32>,
        %parallel_loop3A_322 = vector.shape_cast %parallel_loop3A_321 : vector<1x16xf32> to vector<16xf32>
        %parallel_loop3A_323 = arith.addf %parallel_loop3A_322, %get3A_129 : vector<16xf32>
        %parallel_loop3A_324 = arith.index_cast %parallel_loop3A_268 : i32 to index
        %parallel_loop3A_325 = arith.index_cast %parallel_loop3A_318 : i32 to index
        %parallel_loop3A_326 = tpu.vector_load %arg8[%parallel_loop3A_324, %parallel_loop3A_325] {strides = array<i32>} : memref<16x2048xf32, #tpu.memory_space<vmem>>, vector<1x16xf32>,
        %parallel_loop3A_327 = vector.shape_cast %parallel_loop3A_326 : vector<1x16xf32> to vector<16xf32>
        %parallel_loop3A_328 = vector.shape_cast %parallel_loop3A_323 : vector<16xf32> to vector<1x16xf32>
        tpu.vector_store %arg8[%parallel_loop3A_324, %parallel_loop3A_325], %parallel_loop3A_328 {strides = array<i32>} : memref<16x2048xf32, #tpu.memory_space<vmem>>, vector<1x16xf32>,
        %parallel_loop3A_329 = arith.constant 80 : i32
        %parallel_loop3A_330 = arith.addi %mul3A_105, %parallel_loop3A_329 : i32
        %parallel_loop3A_331 = arith.index_cast %parallel_loop3A_268 : i32 to index
        %parallel_loop3A_332 = arith.index_cast %parallel_loop3A_330 : i32 to index
        %parallel_loop3A_333 = tpu.vector_load %arg8[%parallel_loop3A_331, %parallel_loop3A_332] {strides = array<i32>} : memref<16x2048xf32, #tpu.memory_space<vmem>>, vector<1x16xf32>,
        %parallel_loop3A_334 = vector.shape_cast %parallel_loop3A_333 : vector<1x16xf32> to vector<16xf32>
        %parallel_loop3A_335 = arith.addf %parallel_loop3A_334, %get3A_134 : vector<16xf32>
        %parallel_loop3A_336 = arith.index_cast %parallel_loop3A_268 : i32 to index
        %parallel_loop3A_337 = arith.index_cast %parallel_loop3A_330 : i32 to index
        %parallel_loop3A_338 = tpu.vector_load %arg8[%parallel_loop3A_336, %parallel_loop3A_337] {strides = array<i32>} : memref<16x2048xf32, #tpu.memory_space<vmem>>, vector<1x16xf32>,
        %parallel_loop3A_339 = vector.shape_cast %parallel_loop3A_338 : vector<1x16xf32> to vector<16xf32>
        %parallel_loop3A_340 = vector.shape_cast %parallel_loop3A_335 : vector<16xf32> to vector<1x16xf32>
        tpu.vector_store %arg8[%parallel_loop3A_336, %parallel_loop3A_337], %parallel_loop3A_340 {strides = array<i32>} : memref<16x2048xf32, #tpu.memory_space<vmem>>, vector<1x16xf32>,
        %parallel_loop3A_341 = arith.constant 96 : i32
        %parallel_loop3A_342 = arith.addi %mul3A_105, %parallel_loop3A_341 : i32
        %parallel_loop3A_343 = arith.index_cast %parallel_loop3A_268 : i32 to index
        %parallel_loop3A_344 = arith.index_cast %parallel_loop3A_342 : i32 to index
        %parallel_loop3A_345 = tpu.vector_load %arg8[%parallel_loop3A_343, %parallel_loop3A_344] {strides = array<i32>} : memref<16x2048xf32, #tpu.memory_space<vmem>>, vector<1x16xf32>,
        %parallel_loop3A_346 = vector.shape_cast %parallel_loop3A_345 : vector<1x16xf32> to vector<16xf32>
        %parallel_loop3A_347 = arith.addf %parallel_loop3A_346, %get3A_139 : vector<16xf32>
        %parallel_loop3A_348 = arith.index_cast %parallel_loop3A_268 : i32 to index
        %parallel_loop3A_349 = arith.index_cast %parallel_loop3A_342 : i32 to index
        %parallel_loop3A_350 = tpu.vector_load %arg8[%parallel_loop3A_348, %parallel_loop3A_349] {strides = array<i32>} : memref<16x2048xf32, #tpu.memory_space<vmem>>, vector<1x16xf32>,
        %parallel_loop3A_351 = vector.shape_cast %parallel_loop3A_350 : vector<1x16xf32> to vector<16xf32>
        %parallel_loop3A_352 = vector.shape_cast %parallel_loop3A_347 : vector<16xf32> to vector<1x16xf32>
        tpu.vector_store %arg8[%parallel_loop3A_348, %parallel_loop3A_349], %parallel_loop3A_352 {strides = array<i32>} : memref<16x2048xf32, #tpu.memory_space<vmem>>, vector<1x16xf32>,
        %parallel_loop3A_353 = arith.constant 112 : i32
        %parallel_loop3A_354 = arith.addi %mul3A_105, %parallel_loop3A_353 : i32
        %parallel_loop3A_355 = arith.index_cast %parallel_loop3A_268 : i32 to index
        %parallel_loop3A_356 = arith.index_cast %parallel_loop3A_354 : i32 to index
        %parallel_loop3A_357 = tpu.vector_load %arg8[%parallel_loop3A_355, %parallel_loop3A_356] {strides = array<i32>} : memref<16x2048xf32, #tpu.memory_space<vmem>>, vector<1x16xf32>,
        %parallel_loop3A_358 = vector.shape_cast %parallel_loop3A_357 : vector<1x16xf32> to vector<16xf32>
        %parallel_loop3A_359 = arith.addf %parallel_loop3A_358, %get3A_144 : vector<16xf32>
        %parallel_loop3A_360 = arith.index_cast %parallel_loop3A_268 : i32 to index
        %parallel_loop3A_361 = arith.index_cast %parallel_loop3A_354 : i32 to index
        %parallel_loop3A_362 = tpu.vector_load %arg8[%parallel_loop3A_360, %parallel_loop3A_361] {strides = array<i32>} : memref<16x2048xf32, #tpu.memory_space<vmem>>, vector<1x16xf32>,
        %parallel_loop3A_363 = vector.shape_cast %parallel_loop3A_362 : vector<1x16xf32> to vector<16xf32>
        %parallel_loop3A_364 = vector.shape_cast %parallel_loop3A_359 : vector<16xf32> to vector<1x16xf32>
        tpu.vector_store %arg8[%parallel_loop3A_360, %parallel_loop3A_361], %parallel_loop3A_364 {strides = array<i32>} : memref<16x2048xf32, #tpu.memory_space<vmem>>, vector<1x16xf32>,
        %parallel_loop3A_365 = arith.constant 128 : i32
        %parallel_loop3A_366 = arith.addi %mul3A_105, %parallel_loop3A_365 : i32
        %parallel_loop3A_367 = arith.index_cast %parallel_loop3A_268 : i32 to index
        %parallel_loop3A_368 = arith.index_cast %parallel_loop3A_366 : i32 to index
        %parallel_loop3A_369 = tpu.vector_load %arg8[%parallel_loop3A_367, %parallel_loop3A_368] {strides = array<i32>} : memref<16x2048xf32, #tpu.memory_space<vmem>>, vector<1x16xf32>,
        %parallel_loop3A_370 = vector.shape_cast %parallel_loop3A_369 : vector<1x16xf32> to vector<16xf32>
        %parallel_loop3A_371 = arith.addf %parallel_loop3A_370, %get3A_149 : vector<16xf32>
        %parallel_loop3A_372 = arith.index_cast %parallel_loop3A_268 : i32 to index
        %parallel_loop3A_373 = arith.index_cast %parallel_loop3A_366 : i32 to index
        %parallel_loop3A_374 = tpu.vector_load %arg8[%parallel_loop3A_372, %parallel_loop3A_373] {strides = array<i32>} : memref<16x2048xf32, #tpu.memory_space<vmem>>, vector<1x16xf32>,
        %parallel_loop3A_375 = vector.shape_cast %parallel_loop3A_374 : vector<1x16xf32> to vector<16xf32>
        %parallel_loop3A_376 = vector.shape_cast %parallel_loop3A_371 : vector<16xf32> to vector<1x16xf32>
        tpu.vector_store %arg8[%parallel_loop3A_372, %parallel_loop3A_373], %parallel_loop3A_376 {strides = array<i32>} : memref<16x2048xf32, #tpu.memory_space<vmem>>, vector<1x16xf32>,
        %parallel_loop3A_377 = arith.constant 144 : i32
        %parallel_loop3A_378 = arith.addi %mul3A_105, %parallel_loop3A_377 : i32
        %parallel_loop3A_379 = arith.index_cast %parallel_loop3A_268 : i32 to index
        %parallel_loop3A_380 = arith.index_cast %parallel_loop3A_378 : i32 to index
        %parallel_loop3A_381 = tpu.vector_load %arg8[%parallel_loop3A_379, %parallel_loop3A_380] {strides = array<i32>} : memref<16x2048xf32, #tpu.memory_space<vmem>>, vector<1x16xf32>,
        %parallel_loop3A_382 = vector.shape_cast %parallel_loop3A_381 : vector<1x16xf32> to vector<16xf32>
        %parallel_loop3A_383 = arith.addf %parallel_loop3A_382, %get3A_154 : vector<16xf32>
        %parallel_loop3A_384 = arith.index_cast %parallel_loop3A_268 : i32 to index
        %parallel_loop3A_385 = arith.index_cast %parallel_loop3A_378 : i32 to index
        %parallel_loop3A_386 = tpu.vector_load %arg8[%parallel_loop3A_384, %parallel_loop3A_385] {strides = array<i32>} : memref<16x2048xf32, #tpu.memory_space<vmem>>, vector<1x16xf32>,
        %parallel_loop3A_387 = vector.shape_cast %parallel_loop3A_386 : vector<1x16xf32> to vector<16xf32>
        %parallel_loop3A_388 = vector.shape_cast %parallel_loop3A_383 : vector<16xf32> to vector<1x16xf32>
        tpu.vector_store %arg8[%parallel_loop3A_384, %parallel_loop3A_385], %parallel_loop3A_388 {strides = array<i32>} : memref<16x2048xf32, #tpu.memory_space<vmem>>, vector<1x16xf32>,
        %parallel_loop3A_389 = arith.constant 160 : i32
        %parallel_loop3A_390 = arith.addi %mul3A_105, %parallel_loop3A_389 : i32
        %parallel_loop3A_391 = arith.index_cast %parallel_loop3A_268 : i32 to index
        %parallel_loop3A_392 = arith.index_cast %parallel_loop3A_390 : i32 to index
        %parallel_loop3A_393 = tpu.vector_load %arg8[%parallel_loop3A_391, %parallel_loop3A_392] {strides = array<i32>} : memref<16x2048xf32, #tpu.memory_space<vmem>>, vector<1x16xf32>,
        %parallel_loop3A_394 = vector.shape_cast %parallel_loop3A_393 : vector<1x16xf32> to vector<16xf32>
        %parallel_loop3A_395 = arith.addf %parallel_loop3A_394, %get3A_159 : vector<16xf32>
        %parallel_loop3A_396 = arith.index_cast %parallel_loop3A_268 : i32 to index
        %parallel_loop3A_397 = arith.index_cast %parallel_loop3A_390 : i32 to index
        %parallel_loop3A_398 = tpu.vector_load %arg8[%parallel_loop3A_396, %parallel_loop3A_397] {strides = array<i32>} : memref<16x2048xf32, #tpu.memory_space<vmem>>, vector<1x16xf32>,
        %parallel_loop3A_399 = vector.shape_cast %parallel_loop3A_398 : vector<1x16xf32> to vector<16xf32>
        %parallel_loop3A_400 = vector.shape_cast %parallel_loop3A_395 : vector<16xf32> to vector<1x16xf32>
        tpu.vector_store %arg8[%parallel_loop3A_396, %parallel_loop3A_397], %parallel_loop3A_400 {strides = array<i32>} : memref<16x2048xf32, #tpu.memory_space<vmem>>, vector<1x16xf32>,
        %parallel_loop3A_401 = arith.constant 176 : i32
        %parallel_loop3A_402 = arith.addi %mul3A_105, %parallel_loop3A_401 : i32
        %parallel_loop3A_403 = arith.index_cast %parallel_loop3A_268 : i32 to index
        %parallel_loop3A_404 = arith.index_cast %parallel_loop3A_402 : i32 to index
        %parallel_loop3A_405 = tpu.vector_load %arg8[%parallel_loop3A_403, %parallel_loop3A_404] {strides = array<i32>} : memref<16x2048xf32, #tpu.memory_space<vmem>>, vector<1x16xf32>,
        %parallel_loop3A_406 = vector.shape_cast %parallel_loop3A_405 : vector<1x16xf32> to vector<16xf32>
        %parallel_loop3A_407 = arith.addf %parallel_loop3A_406, %get3A_164 : vector<16xf32>
        %parallel_loop3A_408 = arith.index_cast %parallel_loop3A_268 : i32 to index
        %parallel_loop3A_409 = arith.index_cast %parallel_loop3A_402 : i32 to index
        %parallel_loop3A_410 = tpu.vector_load %arg8[%parallel_loop3A_408, %parallel_loop3A_409] {strides = array<i32>} : memref<16x2048xf32, #tpu.memory_space<vmem>>, vector<1x16xf32>,
        %parallel_loop3A_411 = vector.shape_cast %parallel_loop3A_410 : vector<1x16xf32> to vector<16xf32>
        %parallel_loop3A_412 = vector.shape_cast %parallel_loop3A_407 : vector<16xf32> to vector<1x16xf32>
        tpu.vector_store %arg8[%parallel_loop3A_408, %parallel_loop3A_409], %parallel_loop3A_412 {strides = array<i32>} : memref<16x2048xf32, #tpu.memory_space<vmem>>, vector<1x16xf32>,
        %parallel_loop3A_413 = arith.constant 192 : i32
        %parallel_loop3A_414 = arith.addi %mul3A_105, %parallel_loop3A_413 : i32
        %parallel_loop3A_415 = arith.index_cast %parallel_loop3A_268 : i32 to index
        %parallel_loop3A_416 = arith.index_cast %parallel_loop3A_414 : i32 to index
        %parallel_loop3A_417 = tpu.vector_load %arg8[%parallel_loop3A_415, %parallel_loop3A_416] {strides = array<i32>} : memref<16x2048xf32, #tpu.memory_space<vmem>>, vector<1x16xf32>,
        %parallel_loop3A_418 = vector.shape_cast %parallel_loop3A_417 : vector<1x16xf32> to vector<16xf32>
        %parallel_loop3A_419 = arith.addf %parallel_loop3A_418, %get3A_169 : vector<16xf32>
        %parallel_loop3A_420 = arith.index_cast %parallel_loop3A_268 : i32 to index
        %parallel_loop3A_421 = arith.index_cast %parallel_loop3A_414 : i32 to index
        %parallel_loop3A_422 = tpu.vector_load %arg8[%parallel_loop3A_420, %parallel_loop3A_421] {strides = array<i32>} : memref<16x2048xf32, #tpu.memory_space<vmem>>, vector<1x16xf32>,
        %parallel_loop3A_423 = vector.shape_cast %parallel_loop3A_422 : vector<1x16xf32> to vector<16xf32>
        %parallel_loop3A_424 = vector.shape_cast %parallel_loop3A_419 : vector<16xf32> to vector<1x16xf32>
        tpu.vector_store %arg8[%parallel_loop3A_420, %parallel_loop3A_421], %parallel_loop3A_424 {strides = array<i32>} : memref<16x2048xf32, #tpu.memory_space<vmem>>, vector<1x16xf32>,
        %parallel_loop3A_425 = arith.constant 208 : i32
        %parallel_loop3A_426 = arith.addi %mul3A_105, %parallel_loop3A_425 : i32
        %parallel_loop3A_427 = arith.index_cast %parallel_loop3A_268 : i32 to index
        %parallel_loop3A_428 = arith.index_cast %parallel_loop3A_426 : i32 to index
        %parallel_loop3A_429 = tpu.vector_load %arg8[%parallel_loop3A_427, %parallel_loop3A_428] {strides = array<i32>} : memref<16x2048xf32, #tpu.memory_space<vmem>>, vector<1x16xf32>,
        %parallel_loop3A_430 = vector.shape_cast %parallel_loop3A_429 : vector<1x16xf32> to vector<16xf32>
        %parallel_loop3A_431 = arith.addf %parallel_loop3A_430, %get3A_174 : vector<16xf32>
        %parallel_loop3A_432 = arith.index_cast %parallel_loop3A_268 : i32 to index
        %parallel_loop3A_433 = arith.index_cast %parallel_loop3A_426 : i32 to index
        %parallel_loop3A_434 = tpu.vector_load %arg8[%parallel_loop3A_432, %parallel_loop3A_433] {strides = array<i32>} : memref<16x2048xf32, #tpu.memory_space<vmem>>, vector<1x16xf32>,
        %parallel_loop3A_435 = vector.shape_cast %parallel_loop3A_434 : vector<1x16xf32> to vector<16xf32>
        %parallel_loop3A_436 = vector.shape_cast %parallel_loop3A_431 : vector<16xf32> to vector<1x16xf32>
        tpu.vector_store %arg8[%parallel_loop3A_432, %parallel_loop3A_433], %parallel_loop3A_436 {strides = array<i32>} : memref<16x2048xf32, #tpu.memory_space<vmem>>, vector<1x16xf32>,
        %parallel_loop3A_437 = arith.constant 224 : i32
        %parallel_loop3A_438 = arith.addi %mul3A_105, %parallel_loop3A_437 : i32
        %parallel_loop3A_439 = arith.index_cast %parallel_loop3A_268 : i32 to index
        %parallel_loop3A_440 = arith.index_cast %parallel_loop3A_438 : i32 to index
        %parallel_loop3A_441 = tpu.vector_load %arg8[%parallel_loop3A_439, %parallel_loop3A_440] {strides = array<i32>} : memref<16x2048xf32, #tpu.memory_space<vmem>>, vector<1x16xf32>,
        %parallel_loop3A_442 = vector.shape_cast %parallel_loop3A_441 : vector<1x16xf32> to vector<16xf32>
        %parallel_loop3A_443 = arith.addf %parallel_loop3A_442, %get3A_179 : vector<16xf32>
        %parallel_loop3A_444 = arith.index_cast %parallel_loop3A_268 : i32 to index
        %parallel_loop3A_445 = arith.index_cast %parallel_loop3A_438 : i32 to index
        %parallel_loop3A_446 = tpu.vector_load %arg8[%parallel_loop3A_444, %parallel_loop3A_445] {strides = array<i32>} : memref<16x2048xf32, #tpu.memory_space<vmem>>, vector<1x16xf32>,
        %parallel_loop3A_447 = vector.shape_cast %parallel_loop3A_446 : vector<1x16xf32> to vector<16xf32>
        %parallel_loop3A_448 = vector.shape_cast %parallel_loop3A_443 : vector<16xf32> to vector<1x16xf32>
        tpu.vector_store %arg8[%parallel_loop3A_444, %parallel_loop3A_445], %parallel_loop3A_448 {strides = array<i32>} : memref<16x2048xf32, #tpu.memory_space<vmem>>, vector<1x16xf32>,
        %parallel_loop3A_449 = arith.constant 240 : i32
        %parallel_loop3A_450 = arith.addi %mul3A_105, %parallel_loop3A_449 : i32
        %parallel_loop3A_451 = arith.index_cast %parallel_loop3A_268 : i32 to index
        %parallel_loop3A_452 = arith.index_cast %parallel_loop3A_450 : i32 to index
        %parallel_loop3A_453 = tpu.vector_load %arg8[%parallel_loop3A_451, %parallel_loop3A_452] {strides = array<i32>} : memref<16x2048xf32, #tpu.memory_space<vmem>>, vector<1x16xf32>,
        %parallel_loop3A_454 = vector.shape_cast %parallel_loop3A_453 : vector<1x16xf32> to vector<16xf32>
        %parallel_loop3A_455 = arith.addf %parallel_loop3A_454, %get3A_184 : vector<16xf32>
        %parallel_loop3A_456 = arith.index_cast %parallel_loop3A_268 : i32 to index
        %parallel_loop3A_457 = arith.index_cast %parallel_loop3A_450 : i32 to index
        %parallel_loop3A_458 = tpu.vector_load %arg8[%parallel_loop3A_456, %parallel_loop3A_457] {strides = array<i32>} : memref<16x2048xf32, #tpu.memory_space<vmem>>, vector<1x16xf32>,
        %parallel_loop3A_459 = vector.shape_cast %parallel_loop3A_458 : vector<1x16xf32> to vector<16xf32>
        %parallel_loop3A_460 = vector.shape_cast %parallel_loop3A_455 : vector<16xf32> to vector<1x16xf32>
        tpu.vector_store %arg8[%parallel_loop3A_456, %parallel_loop3A_457], %parallel_loop3A_460 {strides = array<i32>} : memref<16x2048xf32, #tpu.memory_space<vmem>>, vector<1x16xf32>,
        %parallel_loop3A_461 = arith.constant 256 : i32
        %parallel_loop3A_462 = arith.addi %mul3A_105, %parallel_loop3A_461 : i32
        %parallel_loop3A_463 = arith.index_cast %parallel_loop3A_268 : i32 to index
        %parallel_loop3A_464 = arith.index_cast %parallel_loop3A_462 : i32 to index
        %parallel_loop3A_465 = tpu.vector_load %arg8[%parallel_loop3A_463, %parallel_loop3A_464] {strides = array<i32>} : memref<16x2048xf32, #tpu.memory_space<vmem>>, vector<1x16xf32>,
        %parallel_loop3A_466 = vector.shape_cast %parallel_loop3A_465 : vector<1x16xf32> to vector<16xf32>
        %parallel_loop3A_467 = arith.addf %parallel_loop3A_466, %get3A_189 : vector<16xf32>
        %parallel_loop3A_468 = arith.index_cast %parallel_loop3A_268 : i32 to index
        %parallel_loop3A_469 = arith.index_cast %parallel_loop3A_462 : i32 to index
        %parallel_loop3A_470 = tpu.vector_load %arg8[%parallel_loop3A_468, %parallel_loop3A_469] {strides = array<i32>} : memref<16x2048xf32, #tpu.memory_space<vmem>>, vector<1x16xf32>,
        %parallel_loop3A_471 = vector.shape_cast %parallel_loop3A_470 : vector<1x16xf32> to vector<16xf32>
        %parallel_loop3A_472 = vector.shape_cast %parallel_loop3A_467 : vector<16xf32> to vector<1x16xf32>
        tpu.vector_store %arg8[%parallel_loop3A_468, %parallel_loop3A_469], %parallel_loop3A_472 {strides = array<i32>} : memref<16x2048xf32, #tpu.memory_space<vmem>>, vector<1x16xf32>,
        %parallel_loop3A_473 = arith.constant 272 : i32
        %parallel_loop3A_474 = arith.addi %mul3A_105, %parallel_loop3A_473 : i32
        %parallel_loop3A_475 = arith.index_cast %parallel_loop3A_268 : i32 to index
        %parallel_loop3A_476 = arith.index_cast %parallel_loop3A_474 : i32 to index
        %parallel_loop3A_477 = tpu.vector_load %arg8[%parallel_loop3A_475, %parallel_loop3A_476] {strides = array<i32>} : memref<16x2048xf32, #tpu.memory_space<vmem>>, vector<1x16xf32>,
        %parallel_loop3A_478 = vector.shape_cast %parallel_loop3A_477 : vector<1x16xf32> to vector<16xf32>
        %parallel_loop3A_479 = arith.addf %parallel_loop3A_478, %get3A_194 : vector<16xf32>
        %parallel_loop3A_480 = arith.index_cast %parallel_loop3A_268 : i32 to index
        %parallel_loop3A_481 = arith.index_cast %parallel_loop3A_474 : i32 to index
        %parallel_loop3A_482 = tpu.vector_load %arg8[%parallel_loop3A_480, %parallel_loop3A_481] {strides = array<i32>} : memref<16x2048xf32, #tpu.memory_space<vmem>>, vector<1x16xf32>,
        %parallel_loop3A_483 = vector.shape_cast %parallel_loop3A_482 : vector<1x16xf32> to vector<16xf32>
        %parallel_loop3A_484 = vector.shape_cast %parallel_loop3A_479 : vector<16xf32> to vector<1x16xf32>
        tpu.vector_store %arg8[%parallel_loop3A_480, %parallel_loop3A_481], %parallel_loop3A_484 {strides = array<i32>} : memref<16x2048xf32, #tpu.memory_space<vmem>>, vector<1x16xf32>,
        %parallel_loop3A_485 = arith.constant 288 : i32
        %parallel_loop3A_486 = arith.addi %mul3A_105, %parallel_loop3A_485 : i32
        %parallel_loop3A_487 = arith.index_cast %parallel_loop3A_268 : i32 to index
        %parallel_loop3A_488 = arith.index_cast %parallel_loop3A_486 : i32 to index
        %parallel_loop3A_489 = tpu.vector_load %arg8[%parallel_loop3A_487, %parallel_loop3A_488] {strides = array<i32>} : memref<16x2048xf32, #tpu.memory_space<vmem>>, vector<1x16xf32>,
        %parallel_loop3A_490 = vector.shape_cast %parallel_loop3A_489 : vector<1x16xf32> to vector<16xf32>
        %parallel_loop3A_491 = arith.addf %parallel_loop3A_490, %get3A_199 : vector<16xf32>
        %parallel_loop3A_492 = arith.index_cast %parallel_loop3A_268 : i32 to index
        %parallel_loop3A_493 = arith.index_cast %parallel_loop3A_486 : i32 to index
        %parallel_loop3A_494 = tpu.vector_load %arg8[%parallel_loop3A_492, %parallel_loop3A_493] {strides = array<i32>} : memref<16x2048xf32, #tpu.memory_space<vmem>>, vector<1x16xf32>,
        %parallel_loop3A_495 = vector.shape_cast %parallel_loop3A_494 : vector<1x16xf32> to vector<16xf32>
        %parallel_loop3A_496 = vector.shape_cast %parallel_loop3A_491 : vector<16xf32> to vector<1x16xf32>
        tpu.vector_store %arg8[%parallel_loop3A_492, %parallel_loop3A_493], %parallel_loop3A_496 {strides = array<i32>} : memref<16x2048xf32, #tpu.memory_space<vmem>>, vector<1x16xf32>,
        %parallel_loop3A_497 = arith.constant 304 : i32
        %parallel_loop3A_498 = arith.addi %mul3A_105, %parallel_loop3A_497 : i32
        %parallel_loop3A_499 = arith.index_cast %parallel_loop3A_268 : i32 to index
        %parallel_loop3A_500 = arith.index_cast %parallel_loop3A_498 : i32 to index
        %parallel_loop3A_501 = tpu.vector_load %arg8[%parallel_loop3A_499, %parallel_loop3A_500] {strides = array<i32>} : memref<16x2048xf32, #tpu.memory_space<vmem>>, vector<1x16xf32>,
        %parallel_loop3A_502 = vector.shape_cast %parallel_loop3A_501 : vector<1x16xf32> to vector<16xf32>
        %parallel_loop3A_503 = arith.addf %parallel_loop3A_502, %get3A_204 : vector<16xf32>
        %parallel_loop3A_504 = arith.index_cast %parallel_loop3A_268 : i32 to index
        %parallel_loop3A_505 = arith.index_cast %parallel_loop3A_498 : i32 to index
        %parallel_loop3A_506 = tpu.vector_load %arg8[%parallel_loop3A_504, %parallel_loop3A_505] {strides = array<i32>} : memref<16x2048xf32, #tpu.memory_space<vmem>>, vector<1x16xf32>,
        %parallel_loop3A_507 = vector.shape_cast %parallel_loop3A_506 : vector<1x16xf32> to vector<16xf32>
        %parallel_loop3A_508 = vector.shape_cast %parallel_loop3A_503 : vector<16xf32> to vector<1x16xf32>
        tpu.vector_store %arg8[%parallel_loop3A_504, %parallel_loop3A_505], %parallel_loop3A_508 {strides = array<i32>} : memref<16x2048xf32, #tpu.memory_space<vmem>>, vector<1x16xf32>,
        %parallel_loop3A_509 = arith.constant 320 : i32
        %parallel_loop3A_510 = arith.addi %mul3A_105, %parallel_loop3A_509 : i32
        %parallel_loop3A_511 = arith.index_cast %parallel_loop3A_268 : i32 to index
        %parallel_loop3A_512 = arith.index_cast %parallel_loop3A_510 : i32 to index
        %parallel_loop3A_513 = tpu.vector_load %arg8[%parallel_loop3A_511, %parallel_loop3A_512] {strides = array<i32>} : memref<16x2048xf32, #tpu.memory_space<vmem>>, vector<1x16xf32>,
        %parallel_loop3A_514 = vector.shape_cast %parallel_loop3A_513 : vector<1x16xf32> to vector<16xf32>
        %parallel_loop3A_515 = arith.addf %parallel_loop3A_514, %get3A_209 : vector<16xf32>
        %parallel_loop3A_516 = arith.index_cast %parallel_loop3A_268 : i32 to index
        %parallel_loop3A_517 = arith.index_cast %parallel_loop3A_510 : i32 to index
        %parallel_loop3A_518 = tpu.vector_load %arg8[%parallel_loop3A_516, %parallel_loop3A_517] {strides = array<i32>} : memref<16x2048xf32, #tpu.memory_space<vmem>>, vector<1x16xf32>,
        %parallel_loop3A_519 = vector.shape_cast %parallel_loop3A_518 : vector<1x16xf32> to vector<16xf32>
        %parallel_loop3A_520 = vector.shape_cast %parallel_loop3A_515 : vector<16xf32> to vector<1x16xf32>
        tpu.vector_store %arg8[%parallel_loop3A_516, %parallel_loop3A_517], %parallel_loop3A_520 {strides = array<i32>} : memref<16x2048xf32, #tpu.memory_space<vmem>>, vector<1x16xf32>,
        %parallel_loop3A_521 = arith.constant 336 : i32
        %parallel_loop3A_522 = arith.addi %mul3A_105, %parallel_loop3A_521 : i32
        %parallel_loop3A_523 = arith.index_cast %parallel_loop3A_268 : i32 to index
        %parallel_loop3A_524 = arith.index_cast %parallel_loop3A_522 : i32 to index
        %parallel_loop3A_525 = tpu.vector_load %arg8[%parallel_loop3A_523, %parallel_loop3A_524] {strides = array<i32>} : memref<16x2048xf32, #tpu.memory_space<vmem>>, vector<1x16xf32>,
        %parallel_loop3A_526 = vector.shape_cast %parallel_loop3A_525 : vector<1x16xf32> to vector<16xf32>
        %parallel_loop3A_527 = arith.addf %parallel_loop3A_526, %get3A_214 : vector<16xf32>
        %parallel_loop3A_528 = arith.index_cast %parallel_loop3A_268 : i32 to index
        %parallel_loop3A_529 = arith.index_cast %parallel_loop3A_522 : i32 to index
        %parallel_loop3A_530 = tpu.vector_load %arg8[%parallel_loop3A_528, %parallel_loop3A_529] {strides = array<i32>} : memref<16x2048xf32, #tpu.memory_space<vmem>>, vector<1x16xf32>,
        %parallel_loop3A_531 = vector.shape_cast %parallel_loop3A_530 : vector<1x16xf32> to vector<16xf32>
        %parallel_loop3A_532 = vector.shape_cast %parallel_loop3A_527 : vector<16xf32> to vector<1x16xf32>
        tpu.vector_store %arg8[%parallel_loop3A_528, %parallel_loop3A_529], %parallel_loop3A_532 {strides = array<i32>} : memref<16x2048xf32, #tpu.memory_space<vmem>>, vector<1x16xf32>,
        %parallel_loop3A_533 = arith.constant 352 : i32
        %parallel_loop3A_534 = arith.addi %mul3A_105, %parallel_loop3A_533 : i32
        %parallel_loop3A_535 = arith.index_cast %parallel_loop3A_268 : i32 to index
        %parallel_loop3A_536 = arith.index_cast %parallel_loop3A_534 : i32 to index
        %parallel_loop3A_537 = tpu.vector_load %arg8[%parallel_loop3A_535, %parallel_loop3A_536] {strides = array<i32>} : memref<16x2048xf32, #tpu.memory_space<vmem>>, vector<1x16xf32>,
        %parallel_loop3A_538 = vector.shape_cast %parallel_loop3A_537 : vector<1x16xf32> to vector<16xf32>
        %parallel_loop3A_539 = arith.addf %parallel_loop3A_538, %get3A_219 : vector<16xf32>
        %parallel_loop3A_540 = arith.index_cast %parallel_loop3A_268 : i32 to index
        %parallel_loop3A_541 = arith.index_cast %parallel_loop3A_534 : i32 to index
        %parallel_loop3A_542 = tpu.vector_load %arg8[%parallel_loop3A_540, %parallel_loop3A_541] {strides = array<i32>} : memref<16x2048xf32, #tpu.memory_space<vmem>>, vector<1x16xf32>,
        %parallel_loop3A_543 = vector.shape_cast %parallel_loop3A_542 : vector<1x16xf32> to vector<16xf32>
        %parallel_loop3A_544 = vector.shape_cast %parallel_loop3A_539 : vector<16xf32> to vector<1x16xf32>
        tpu.vector_store %arg8[%parallel_loop3A_540, %parallel_loop3A_541], %parallel_loop3A_544 {strides = array<i32>} : memref<16x2048xf32, #tpu.memory_space<vmem>>, vector<1x16xf32>,
        %parallel_loop3A_545 = arith.constant 368 : i32
        %parallel_loop3A_546 = arith.addi %mul3A_105, %parallel_loop3A_545 : i32
        %parallel_loop3A_547 = arith.index_cast %parallel_loop3A_268 : i32 to index
        %parallel_loop3A_548 = arith.index_cast %parallel_loop3A_546 : i32 to index
        %parallel_loop3A_549 = tpu.vector_load %arg8[%parallel_loop3A_547, %parallel_loop3A_548] {strides = array<i32>} : memref<16x2048xf32, #tpu.memory_space<vmem>>, vector<1x16xf32>,
        %parallel_loop3A_550 = vector.shape_cast %parallel_loop3A_549 : vector<1x16xf32> to vector<16xf32>
        %parallel_loop3A_551 = arith.addf %parallel_loop3A_550, %get3A_224 : vector<16xf32>
        %parallel_loop3A_552 = arith.index_cast %parallel_loop3A_268 : i32 to index
        %parallel_loop3A_553 = arith.index_cast %parallel_loop3A_546 : i32 to index
        %parallel_loop3A_554 = tpu.vector_load %arg8[%parallel_loop3A_552, %parallel_loop3A_553] {strides = array<i32>} : memref<16x2048xf32, #tpu.memory_space<vmem>>, vector<1x16xf32>,
        %parallel_loop3A_555 = vector.shape_cast %parallel_loop3A_554 : vector<1x16xf32> to vector<16xf32>
        %parallel_loop3A_556 = vector.shape_cast %parallel_loop3A_551 : vector<16xf32> to vector<1x16xf32>
        tpu.vector_store %arg8[%parallel_loop3A_552, %parallel_loop3A_553], %parallel_loop3A_556 {strides = array<i32>} : memref<16x2048xf32, #tpu.memory_space<vmem>>, vector<1x16xf32>,
        %parallel_loop3A_557 = arith.constant 384 : i32
        %parallel_loop3A_558 = arith.addi %mul3A_105, %parallel_loop3A_557 : i32
        %parallel_loop3A_559 = arith.index_cast %parallel_loop3A_268 : i32 to index
        %parallel_loop3A_560 = arith.index_cast %parallel_loop3A_558 : i32 to index
        %parallel_loop3A_561 = tpu.vector_load %arg8[%parallel_loop3A_559, %parallel_loop3A_560] {strides = array<i32>} : memref<16x2048xf32, #tpu.memory_space<vmem>>, vector<1x16xf32>,
        %parallel_loop3A_562 = vector.shape_cast %parallel_loop3A_561 : vector<1x16xf32> to vector<16xf32>
        %parallel_loop3A_563 = arith.addf %parallel_loop3A_562, %get3A_229 : vector<16xf32>
        %parallel_loop3A_564 = arith.index_cast %parallel_loop3A_268 : i32 to index
        %parallel_loop3A_565 = arith.index_cast %parallel_loop3A_558 : i32 to index
        %parallel_loop3A_566 = tpu.vector_load %arg8[%parallel_loop3A_564, %parallel_loop3A_565] {strides = array<i32>} : memref<16x2048xf32, #tpu.memory_space<vmem>>, vector<1x16xf32>,
        %parallel_loop3A_567 = vector.shape_cast %parallel_loop3A_566 : vector<1x16xf32> to vector<16xf32>
        %parallel_loop3A_568 = vector.shape_cast %parallel_loop3A_563 : vector<16xf32> to vector<1x16xf32>
        tpu.vector_store %arg8[%parallel_loop3A_564, %parallel_loop3A_565], %parallel_loop3A_568 {strides = array<i32>} : memref<16x2048xf32, #tpu.memory_space<vmem>>, vector<1x16xf32>,
        %parallel_loop3A_569 = arith.constant 400 : i32
        %parallel_loop3A_570 = arith.addi %mul3A_105, %parallel_loop3A_569 : i32
        %parallel_loop3A_571 = arith.index_cast %parallel_loop3A_268 : i32 to index
        %parallel_loop3A_572 = arith.index_cast %parallel_loop3A_570 : i32 to index
        %parallel_loop3A_573 = tpu.vector_load %arg8[%parallel_loop3A_571, %parallel_loop3A_572] {strides = array<i32>} : memref<16x2048xf32, #tpu.memory_space<vmem>>, vector<1x16xf32>,
        %parallel_loop3A_574 = vector.shape_cast %parallel_loop3A_573 : vector<1x16xf32> to vector<16xf32>
        %parallel_loop3A_575 = arith.addf %parallel_loop3A_574, %get3A_234 : vector<16xf32>
        %parallel_loop3A_576 = arith.index_cast %parallel_loop3A_268 : i32 to index
        %parallel_loop3A_577 = arith.index_cast %parallel_loop3A_570 : i32 to index
        %parallel_loop3A_578 = tpu.vector_load %arg8[%parallel_loop3A_576, %parallel_loop3A_577] {strides = array<i32>} : memref<16x2048xf32, #tpu.memory_space<vmem>>, vector<1x16xf32>,
        %parallel_loop3A_579 = vector.shape_cast %parallel_loop3A_578 : vector<1x16xf32> to vector<16xf32>
        %parallel_loop3A_580 = vector.shape_cast %parallel_loop3A_575 : vector<16xf32> to vector<1x16xf32>
        tpu.vector_store %arg8[%parallel_loop3A_576, %parallel_loop3A_577], %parallel_loop3A_580 {strides = array<i32>} : memref<16x2048xf32, #tpu.memory_space<vmem>>, vector<1x16xf32>,
        %parallel_loop3A_581 = arith.constant 416 : i32
        %parallel_loop3A_582 = arith.addi %mul3A_105, %parallel_loop3A_581 : i32
        %parallel_loop3A_583 = arith.index_cast %parallel_loop3A_268 : i32 to index
        %parallel_loop3A_584 = arith.index_cast %parallel_loop3A_582 : i32 to index
        %parallel_loop3A_585 = tpu.vector_load %arg8[%parallel_loop3A_583, %parallel_loop3A_584] {strides = array<i32>} : memref<16x2048xf32, #tpu.memory_space<vmem>>, vector<1x16xf32>,
        %parallel_loop3A_586 = vector.shape_cast %parallel_loop3A_585 : vector<1x16xf32> to vector<16xf32>
        %parallel_loop3A_587 = arith.addf %parallel_loop3A_586, %get3A_239 : vector<16xf32>
        %parallel_loop3A_588 = arith.index_cast %parallel_loop3A_268 : i32 to index
        %parallel_loop3A_589 = arith.index_cast %parallel_loop3A_582 : i32 to index
        %parallel_loop3A_590 = tpu.vector_load %arg8[%parallel_loop3A_588, %parallel_loop3A_589] {strides = array<i32>} : memref<16x2048xf32, #tpu.memory_space<vmem>>, vector<1x16xf32>,
        %parallel_loop3A_591 = vector.shape_cast %parallel_loop3A_590 : vector<1x16xf32> to vector<16xf32>
        %parallel_loop3A_592 = vector.shape_cast %parallel_loop3A_587 : vector<16xf32> to vector<1x16xf32>
        tpu.vector_store %arg8[%parallel_loop3A_588, %parallel_loop3A_589], %parallel_loop3A_592 {strides = array<i32>} : memref<16x2048xf32, #tpu.memory_space<vmem>>, vector<1x16xf32>,
        %parallel_loop3A_593 = arith.constant 432 : i32
        %parallel_loop3A_594 = arith.addi %mul3A_105, %parallel_loop3A_593 : i32
        %parallel_loop3A_595 = arith.index_cast %parallel_loop3A_268 : i32 to index
        %parallel_loop3A_596 = arith.index_cast %parallel_loop3A_594 : i32 to index
        %parallel_loop3A_597 = tpu.vector_load %arg8[%parallel_loop3A_595, %parallel_loop3A_596] {strides = array<i32>} : memref<16x2048xf32, #tpu.memory_space<vmem>>, vector<1x16xf32>,
        %parallel_loop3A_598 = vector.shape_cast %parallel_loop3A_597 : vector<1x16xf32> to vector<16xf32>
        %parallel_loop3A_599 = arith.addf %parallel_loop3A_598, %get3A_244 : vector<16xf32>
        %parallel_loop3A_600 = arith.index_cast %parallel_loop3A_268 : i32 to index
        %parallel_loop3A_601 = arith.index_cast %parallel_loop3A_594 : i32 to index
        %parallel_loop3A_602 = tpu.vector_load %arg8[%parallel_loop3A_600, %parallel_loop3A_601] {strides = array<i32>} : memref<16x2048xf32, #tpu.memory_space<vmem>>, vector<1x16xf32>,
        %parallel_loop3A_603 = vector.shape_cast %parallel_loop3A_602 : vector<1x16xf32> to vector<16xf32>
        %parallel_loop3A_604 = vector.shape_cast %parallel_loop3A_599 : vector<16xf32> to vector<1x16xf32>
        tpu.vector_store %arg8[%parallel_loop3A_600, %parallel_loop3A_601], %parallel_loop3A_604 {strides = array<i32>} : memref<16x2048xf32, #tpu.memory_space<vmem>>, vector<1x16xf32>,
        %parallel_loop3A_605 = arith.constant 448 : i32
        %parallel_loop3A_606 = arith.addi %mul3A_105, %parallel_loop3A_605 : i32
        %parallel_loop3A_607 = arith.index_cast %parallel_loop3A_268 : i32 to index
        %parallel_loop3A_608 = arith.index_cast %parallel_loop3A_606 : i32 to index
        %parallel_loop3A_609 = tpu.vector_load %arg8[%parallel_loop3A_607, %parallel_loop3A_608] {strides = array<i32>} : memref<16x2048xf32, #tpu.memory_space<vmem>>, vector<1x16xf32>,
        %parallel_loop3A_610 = vector.shape_cast %parallel_loop3A_609 : vector<1x16xf32> to vector<16xf32>
        %parallel_loop3A_611 = arith.addf %parallel_loop3A_610, %get3A_249 : vector<16xf32>
        %parallel_loop3A_612 = arith.index_cast %parallel_loop3A_268 : i32 to index
        %parallel_loop3A_613 = arith.index_cast %parallel_loop3A_606 : i32 to index
        %parallel_loop3A_614 = tpu.vector_load %arg8[%parallel_loop3A_612, %parallel_loop3A_613] {strides = array<i32>} : memref<16x2048xf32, #tpu.memory_space<vmem>>, vector<1x16xf32>,
        %parallel_loop3A_615 = vector.shape_cast %parallel_loop3A_614 : vector<1x16xf32> to vector<16xf32>
        %parallel_loop3A_616 = vector.shape_cast %parallel_loop3A_611 : vector<16xf32> to vector<1x16xf32>
        tpu.vector_store %arg8[%parallel_loop3A_612, %parallel_loop3A_613], %parallel_loop3A_616 {strides = array<i32>} : memref<16x2048xf32, #tpu.memory_space<vmem>>, vector<1x16xf32>,
        %parallel_loop3A_617 = arith.constant 464 : i32
        %parallel_loop3A_618 = arith.addi %mul3A_105, %parallel_loop3A_617 : i32
        %parallel_loop3A_619 = arith.index_cast %parallel_loop3A_268 : i32 to index
        %parallel_loop3A_620 = arith.index_cast %parallel_loop3A_618 : i32 to index
        %parallel_loop3A_621 = tpu.vector_load %arg8[%parallel_loop3A_619, %parallel_loop3A_620] {strides = array<i32>} : memref<16x2048xf32, #tpu.memory_space<vmem>>, vector<1x16xf32>,
        %parallel_loop3A_622 = vector.shape_cast %parallel_loop3A_621 : vector<1x16xf32> to vector<16xf32>
        %parallel_loop3A_623 = arith.addf %parallel_loop3A_622, %get3A_254 : vector<16xf32>
        %parallel_loop3A_624 = arith.index_cast %parallel_loop3A_268 : i32 to index
        %parallel_loop3A_625 = arith.index_cast %parallel_loop3A_618 : i32 to index
        %parallel_loop3A_626 = tpu.vector_load %arg8[%parallel_loop3A_624, %parallel_loop3A_625] {strides = array<i32>} : memref<16x2048xf32, #tpu.memory_space<vmem>>, vector<1x16xf32>,
        %parallel_loop3A_627 = vector.shape_cast %parallel_loop3A_626 : vector<1x16xf32> to vector<16xf32>
        %parallel_loop3A_628 = vector.shape_cast %parallel_loop3A_623 : vector<16xf32> to vector<1x16xf32>
        tpu.vector_store %arg8[%parallel_loop3A_624, %parallel_loop3A_625], %parallel_loop3A_628 {strides = array<i32>} : memref<16x2048xf32, #tpu.memory_space<vmem>>, vector<1x16xf32>,
        %parallel_loop3A_629 = arith.constant 480 : i32
        %parallel_loop3A_630 = arith.addi %mul3A_105, %parallel_loop3A_629 : i32
        %parallel_loop3A_631 = arith.index_cast %parallel_loop3A_268 : i32 to index
        %parallel_loop3A_632 = arith.index_cast %parallel_loop3A_630 : i32 to index
        %parallel_loop3A_633 = tpu.vector_load %arg8[%parallel_loop3A_631, %parallel_loop3A_632] {strides = array<i32>} : memref<16x2048xf32, #tpu.memory_space<vmem>>, vector<1x16xf32>,
        %parallel_loop3A_634 = vector.shape_cast %parallel_loop3A_633 : vector<1x16xf32> to vector<16xf32>
        %parallel_loop3A_635 = arith.addf %parallel_loop3A_634, %get3A_259 : vector<16xf32>
        %parallel_loop3A_636 = arith.index_cast %parallel_loop3A_268 : i32 to index
        %parallel_loop3A_637 = arith.index_cast %parallel_loop3A_630 : i32 to index
        %parallel_loop3A_638 = tpu.vector_load %arg8[%parallel_loop3A_636, %parallel_loop3A_637] {strides = array<i32>} : memref<16x2048xf32, #tpu.memory_space<vmem>>, vector<1x16xf32>,
        %parallel_loop3A_639 = vector.shape_cast %parallel_loop3A_638 : vector<1x16xf32> to vector<16xf32>
        %parallel_loop3A_640 = vector.shape_cast %parallel_loop3A_635 : vector<16xf32> to vector<1x16xf32>
        tpu.vector_store %arg8[%parallel_loop3A_636, %parallel_loop3A_637], %parallel_loop3A_640 {strides = array<i32>} : memref<16x2048xf32, #tpu.memory_space<vmem>>, vector<1x16xf32>,
        %parallel_loop3A_641 = arith.constant 496 : i32
        %parallel_loop3A_642 = arith.addi %mul3A_105, %parallel_loop3A_641 : i32
        %parallel_loop3A_643 = arith.index_cast %parallel_loop3A_268 : i32 to index
        %parallel_loop3A_644 = arith.index_cast %parallel_loop3A_642 : i32 to index
        %parallel_loop3A_645 = tpu.vector_load %arg8[%parallel_loop3A_643, %parallel_loop3A_644] {strides = array<i32>} : memref<16x2048xf32, #tpu.memory_space<vmem>>, vector<1x16xf32>,
        %parallel_loop3A_646 = vector.shape_cast %parallel_loop3A_645 : vector<1x16xf32> to vector<16xf32>
        %parallel_loop3A_647 = arith.addf %parallel_loop3A_646, %get3A_264 : vector<16xf32>
        %parallel_loop3A_648 = arith.index_cast %parallel_loop3A_268 : i32 to index
        %parallel_loop3A_649 = arith.index_cast %parallel_loop3A_642 : i32 to index
        %parallel_loop3A_650 = tpu.vector_load %arg8[%parallel_loop3A_648, %parallel_loop3A_649] {strides = array<i32>} : memref<16x2048xf32, #tpu.memory_space<vmem>>, vector<1x16xf32>,
        %parallel_loop3A_651 = vector.shape_cast %parallel_loop3A_650 : vector<1x16xf32> to vector<16xf32>
        %parallel_loop3A_652 = vector.shape_cast %parallel_loop3A_647 : vector<16xf32> to vector<1x16xf32>
        tpu.vector_store %arg8[%parallel_loop3A_648, %parallel_loop3A_649], %parallel_loop3A_652 {strides = array<i32>} : memref<16x2048xf32, #tpu.memory_space<vmem>>, vector<1x16xf32>,
      } {sc.loop_unroll_factor = 4 : i64, sc.parallel_access}
      %scan3A_267 = arith.constant 0 : i32
      scf.yield %scan3A_267 : i32
    }
    %scan3A_68 = arith.constant 4 : i32
    %dma_start3A_69 = arith.constant 0 : i32
    %dma_start3A_70 = tpu.memref_slice %arg4[%add3A_8, %dma_start3A_69] : memref<2048x2048xf32, #tpu.memory_space<hbm>> -> memref<16x2048xf32, #tpu.memory_space<hbm>>
    %dma_start3A_71 = arith.constant 0 : i32
    %dma_start3A_72 = tpu.memref_slice %arg4[%add3A_8, %dma_start3A_71] : memref<2048x2048xf32, #tpu.memory_space<hbm>> -> memref<16x2048xf32, #tpu.memory_space<hbm>>
    tpu.enqueue_dma source(%arg8 : memref<16x2048xf32, #tpu.memory_space<vmem>>) target(%dma_start3A_72 : memref<16x2048xf32, #tpu.memory_space<hbm>>) target_semaphore(%arg14 : memref<!tpu.dma_semaphore, #tpu.memory_space<semaphore_mem>>)
    %dma_wait3A_73 = arith.constant 0 : i32
    %dma_wait3A_74 = tpu.memref_slice %arg3[%add3A_10, %dma_wait3A_73] : memref<32768x2048xf32, #tpu.memory_space<hbm>> -> memref<16x2048xf32, #tpu.memory_space<hbm>>
    %dma_wait3A_75 = arith.constant 0 : i32
    %dma_wait3A_76 = tpu.memref_slice %arg3[%add3A_10, %dma_wait3A_75] : memref<32768x2048xf32, #tpu.memory_space<hbm>> -> memref<16x2048xf32, #tpu.memory_space<hbm>>
    tpu.wait_dma2 semaphore(%arg9 : memref<!tpu.dma_semaphore, #tpu.memory_space<semaphore_mem>>) src(%dma_wait3A_76 : memref<16x2048xf32, #tpu.memory_space<hbm>>) dst(%arg6 : memref<16x2048xf32, #tpu.memory_space<vmem>>)
    %scan3A_77 = arith.constant 0 : i32
    %scan3A_78 = arith.constant 0 : i32
    %scan3A_79 = arith.constant 4 : i32
    %scan3A_80 = arith.addi %scan3A_78, %scan3A_79 : i32
    %scan3A_81 = arith.constant 1 : i32
    %scan3A_82 = scf.for %scan3A_100 = %scan3A_78 to %scan3A_80 step %scan3A_81 iter_args(%scan3A_101 = %scan3A_77) -> (i32)  : i32 {
      %mul3A_102 = arith.constant 32 : i32
      %mul3A_103 = arith.muli %scan3A_100, %mul3A_102 : i32
      %mul3A_104 = arith.constant 16 : i32
      %mul3A_105 = arith.muli %mul3A_103, %mul3A_104 : i32
      %add3A_106 = arith.constant 0 : i32
      %add3A_107 = arith.addi %mul3A_105, %add3A_106 : i32
      %get3A = arith.index_cast %add3A_107 : i32 to index
      %get3A_108 = tpu.vector_load %arg5[%get3A] {strides = array<i32>} : memref<2048xf32, #tpu.memory_space<vmem>>, vector<16xf32>,
      %get3A_109 = vector.shape_cast %get3A_108 : vector<16xf32> to vector<16xf32>
      %add3A_110 = arith.constant 16 : i32
      %add3A_111 = arith.addi %mul3A_105, %add3A_110 : i32
      %get3A_112 = arith.index_cast %add3A_111 : i32 to index
      %get3A_113 = tpu.vector_load %arg5[%get3A_112] {strides = array<i32>} : memref<2048xf32, #tpu.memory_space<vmem>>, vector<16xf32>,
      %get3A_114 = vector.shape_cast %get3A_113 : vector<16xf32> to vector<16xf32>
      %add3A_115 = arith.constant 32 : i32
      %add3A_116 = arith.addi %mul3A_105, %add3A_115 : i32
      %get3A_117 = arith.index_cast %add3A_116 : i32 to index
      %get3A_118 = tpu.vector_load %arg5[%get3A_117] {strides = array<i32>} : memref<2048xf32, #tpu.memory_space<vmem>>, vector<16xf32>,
      %get3A_119 = vector.shape_cast %get3A_118 : vector<16xf32> to vector<16xf32>
      %add3A_120 = arith.constant 48 : i32
      %add3A_121 = arith.addi %mul3A_105, %add3A_120 : i32
      %get3A_122 = arith.index_cast %add3A_121 : i32 to index
      %get3A_123 = tpu.vector_load %arg5[%get3A_122] {strides = array<i32>} : memref<2048xf32, #tpu.memory_space<vmem>>, vector<16xf32>,
      %get3A_124 = vector.shape_cast %get3A_123 : vector<16xf32> to vector<16xf32>
      %add3A_125 = arith.constant 64 : i32
      %add3A_126 = arith.addi %mul3A_105, %add3A_125 : i32
      %get3A_127 = arith.index_cast %add3A_126 : i32 to index
      %get3A_128 = tpu.vector_load %arg5[%get3A_127] {strides = array<i32>} : memref<2048xf32, #tpu.memory_space<vmem>>, vector<16xf32>,
      %get3A_129 = vector.shape_cast %get3A_128 : vector<16xf32> to vector<16xf32>
      %add3A_130 = arith.constant 80 : i32
      %add3A_131 = arith.addi %mul3A_105, %add3A_130 : i32
      %get3A_132 = arith.index_cast %add3A_131 : i32 to index
      %get3A_133 = tpu.vector_load %arg5[%get3A_132] {strides = array<i32>} : memref<2048xf32, #tpu.memory_space<vmem>>, vector<16xf32>,
      %get3A_134 = vector.shape_cast %get3A_133 : vector<16xf32> to vector<16xf32>
      %add3A_135 = arith.constant 96 : i32
      %add3A_136 = arith.addi %mul3A_105, %add3A_135 : i32
      %get3A_137 = arith.index_cast %add3A_136 : i32 to index
      %get3A_138 = tpu.vector_load %arg5[%get3A_137] {strides = array<i32>} : memref<2048xf32, #tpu.memory_space<vmem>>, vector<16xf32>,
      %get3A_139 = vector.shape_cast %get3A_138 : vector<16xf32> to vector<16xf32>
      %add3A_140 = arith.constant 112 : i32
      %add3A_141 = arith.addi %mul3A_105, %add3A_140 : i32
      %get3A_142 = arith.index_cast %add3A_141 : i32 to index
      %get3A_143 = tpu.vector_load %arg5[%get3A_142] {strides = array<i32>} : memref<2048xf32, #tpu.memory_space<vmem>>, vector<16xf32>,
      %get3A_144 = vector.shape_cast %get3A_143 : vector<16xf32> to vector<16xf32>
      %add3A_145 = arith.constant 128 : i32
      %add3A_146 = arith.addi %mul3A_105, %add3A_145 : i32
      %get3A_147 = arith.index_cast %add3A_146 : i32 to index
      %get3A_148 = tpu.vector_load %arg5[%get3A_147] {strides = array<i32>} : memref<2048xf32, #tpu.memory_space<vmem>>, vector<16xf32>,
      %get3A_149 = vector.shape_cast %get3A_148 : vector<16xf32> to vector<16xf32>
      %add3A_150 = arith.constant 144 : i32
      %add3A_151 = arith.addi %mul3A_105, %add3A_150 : i32
      %get3A_152 = arith.index_cast %add3A_151 : i32 to index
      %get3A_153 = tpu.vector_load %arg5[%get3A_152] {strides = array<i32>} : memref<2048xf32, #tpu.memory_space<vmem>>, vector<16xf32>,
      %get3A_154 = vector.shape_cast %get3A_153 : vector<16xf32> to vector<16xf32>
      %add3A_155 = arith.constant 160 : i32
      %add3A_156 = arith.addi %mul3A_105, %add3A_155 : i32
      %get3A_157 = arith.index_cast %add3A_156 : i32 to index
      %get3A_158 = tpu.vector_load %arg5[%get3A_157] {strides = array<i32>} : memref<2048xf32, #tpu.memory_space<vmem>>, vector<16xf32>,
      %get3A_159 = vector.shape_cast %get3A_158 : vector<16xf32> to vector<16xf32>
      %add3A_160 = arith.constant 176 : i32
      %add3A_161 = arith.addi %mul3A_105, %add3A_160 : i32
      %get3A_162 = arith.index_cast %add3A_161 : i32 to index
      %get3A_163 = tpu.vector_load %arg5[%get3A_162] {strides = array<i32>} : memref<2048xf32, #tpu.memory_space<vmem>>, vector<16xf32>,
      %get3A_164 = vector.shape_cast %get3A_163 : vector<16xf32> to vector<16xf32>
      %add3A_165 = arith.constant 192 : i32
      %add3A_166 = arith.addi %mul3A_105, %add3A_165 : i32
      %get3A_167 = arith.index_cast %add3A_166 : i32 to index
      %get3A_168 = tpu.vector_load %arg5[%get3A_167] {strides = array<i32>} : memref<2048xf32, #tpu.memory_space<vmem>>, vector<16xf32>,
      %get3A_169 = vector.shape_cast %get3A_168 : vector<16xf32> to vector<16xf32>
      %add3A_170 = arith.constant 208 : i32
      %add3A_171 = arith.addi %mul3A_105, %add3A_170 : i32
      %get3A_172 = arith.index_cast %add3A_171 : i32 to index
      %get3A_173 = tpu.vector_load %arg5[%get3A_172] {strides = array<i32>} : memref<2048xf32, #tpu.memory_space<vmem>>, vector<16xf32>,
      %get3A_174 = vector.shape_cast %get3A_173 : vector<16xf32> to vector<16xf32>
      %add3A_175 = arith.constant 224 : i32
      %add3A_176 = arith.addi %mul3A_105, %add3A_175 : i32
      %get3A_177 = arith.index_cast %add3A_176 : i32 to index
      %get3A_178 = tpu.vector_load %arg5[%get3A_177] {strides = array<i32>} : memref<2048xf32, #tpu.memory_space<vmem>>, vector<16xf32>,
      %get3A_179 = vector.shape_cast %get3A_178 : vector<16xf32> to vector<16xf32>
      %add3A_180 = arith.constant 240 : i32
      %add3A_181 = arith.addi %mul3A_105, %add3A_180 : i32
      %get3A_182 = arith.index_cast %add3A_181 : i32 to index
      %get3A_183 = tpu.vector_load %arg5[%get3A_182] {strides = array<i32>} : memref<2048xf32, #tpu.memory_space<vmem>>, vector<16xf32>,
      %get3A_184 = vector.shape_cast %get3A_183 : vector<16xf32> to vector<16xf32>
      %add3A_185 = arith.constant 256 : i32
      %add3A_186 = arith.addi %mul3A_105, %add3A_185 : i32
      %get3A_187 = arith.index_cast %add3A_186 : i32 to index
      %get3A_188 = tpu.vector_load %arg5[%get3A_187] {strides = array<i32>} : memref<2048xf32, #tpu.memory_space<vmem>>, vector<16xf32>,
      %get3A_189 = vector.shape_cast %get3A_188 : vector<16xf32> to vector<16xf32>
      %add3A_190 = arith.constant 272 : i32
      %add3A_191 = arith.addi %mul3A_105, %add3A_190 : i32
      %get3A_192 = arith.index_cast %add3A_191 : i32 to index
      %get3A_193 = tpu.vector_load %arg5[%get3A_192] {strides = array<i32>} : memref<2048xf32, #tpu.memory_space<vmem>>, vector<16xf32>,
      %get3A_194 = vector.shape_cast %get3A_193 : vector<16xf32> to vector<16xf32>
      %add3A_195 = arith.constant 288 : i32
      %add3A_196 = arith.addi %mul3A_105, %add3A_195 : i32
      %get3A_197 = arith.index_cast %add3A_196 : i32 to index
      %get3A_198 = tpu.vector_load %arg5[%get3A_197] {strides = array<i32>} : memref<2048xf32, #tpu.memory_space<vmem>>, vector<16xf32>,
      %get3A_199 = vector.shape_cast %get3A_198 : vector<16xf32> to vector<16xf32>
      %add3A_200 = arith.constant 304 : i32
      %add3A_201 = arith.addi %mul3A_105, %add3A_200 : i32
      %get3A_202 = arith.index_cast %add3A_201 : i32 to index
      %get3A_203 = tpu.vector_load %arg5[%get3A_202] {strides = array<i32>} : memref<2048xf32, #tpu.memory_space<vmem>>, vector<16xf32>,
      %get3A_204 = vector.shape_cast %get3A_203 : vector<16xf32> to vector<16xf32>
      %add3A_205 = arith.constant 320 : i32
      %add3A_206 = arith.addi %mul3A_105, %add3A_205 : i32
      %get3A_207 = arith.index_cast %add3A_206 : i32 to index
      %get3A_208 = tpu.vector_load %arg5[%get3A_207] {strides = array<i32>} : memref<2048xf32, #tpu.memory_space<vmem>>, vector<16xf32>,
      %get3A_209 = vector.shape_cast %get3A_208 : vector<16xf32> to vector<16xf32>
      %add3A_210 = arith.constant 336 : i32
      %add3A_211 = arith.addi %mul3A_105, %add3A_210 : i32
      %get3A_212 = arith.index_cast %add3A_211 : i32 to index
      %get3A_213 = tpu.vector_load %arg5[%get3A_212] {strides = array<i32>} : memref<2048xf32, #tpu.memory_space<vmem>>, vector<16xf32>,
      %get3A_214 = vector.shape_cast %get3A_213 : vector<16xf32> to vector<16xf32>
      %add3A_215 = arith.constant 352 : i32
      %add3A_216 = arith.addi %mul3A_105, %add3A_215 : i32
      %get3A_217 = arith.index_cast %add3A_216 : i32 to index
      %get3A_218 = tpu.vector_load %arg5[%get3A_217] {strides = array<i32>} : memref<2048xf32, #tpu.memory_space<vmem>>, vector<16xf32>,
      %get3A_219 = vector.shape_cast %get3A_218 : vector<16xf32> to vector<16xf32>
      %add3A_220 = arith.constant 368 : i32
      %add3A_221 = arith.addi %mul3A_105, %add3A_220 : i32
      %get3A_222 = arith.index_cast %add3A_221 : i32 to index
      %get3A_223 = tpu.vector_load %arg5[%get3A_222] {strides = array<i32>} : memref<2048xf32, #tpu.memory_space<vmem>>, vector<16xf32>,
      %get3A_224 = vector.shape_cast %get3A_223 : vector<16xf32> to vector<16xf32>
      %add3A_225 = arith.constant 384 : i32
      %add3A_226 = arith.addi %mul3A_105, %add3A_225 : i32
      %get3A_227 = arith.index_cast %add3A_226 : i32 to index
      %get3A_228 = tpu.vector_load %arg5[%get3A_227] {strides = array<i32>} : memref<2048xf32, #tpu.memory_space<vmem>>, vector<16xf32>,
      %get3A_229 = vector.shape_cast %get3A_228 : vector<16xf32> to vector<16xf32>
      %add3A_230 = arith.constant 400 : i32
      %add3A_231 = arith.addi %mul3A_105, %add3A_230 : i32
      %get3A_232 = arith.index_cast %add3A_231 : i32 to index
      %get3A_233 = tpu.vector_load %arg5[%get3A_232] {strides = array<i32>} : memref<2048xf32, #tpu.memory_space<vmem>>, vector<16xf32>,
      %get3A_234 = vector.shape_cast %get3A_233 : vector<16xf32> to vector<16xf32>
      %add3A_235 = arith.constant 416 : i32
      %add3A_236 = arith.addi %mul3A_105, %add3A_235 : i32
      %get3A_237 = arith.index_cast %add3A_236 : i32 to index
      %get3A_238 = tpu.vector_load %arg5[%get3A_237] {strides = array<i32>} : memref<2048xf32, #tpu.memory_space<vmem>>, vector<16xf32>,
      %get3A_239 = vector.shape_cast %get3A_238 : vector<16xf32> to vector<16xf32>
      %add3A_240 = arith.constant 432 : i32
      %add3A_241 = arith.addi %mul3A_105, %add3A_240 : i32
      %get3A_242 = arith.index_cast %add3A_241 : i32 to index
      %get3A_243 = tpu.vector_load %arg5[%get3A_242] {strides = array<i32>} : memref<2048xf32, #tpu.memory_space<vmem>>, vector<16xf32>,
      %get3A_244 = vector.shape_cast %get3A_243 : vector<16xf32> to vector<16xf32>
      %add3A_245 = arith.constant 448 : i32
      %add3A_246 = arith.addi %mul3A_105, %add3A_245 : i32
      %get3A_247 = arith.index_cast %add3A_246 : i32 to index
      %get3A_248 = tpu.vector_load %arg5[%get3A_247] {strides = array<i32>} : memref<2048xf32, #tpu.memory_space<vmem>>, vector<16xf32>,
      %get3A_249 = vector.shape_cast %get3A_248 : vector<16xf32> to vector<16xf32>
      %add3A_250 = arith.constant 464 : i32
      %add3A_251 = arith.addi %mul3A_105, %add3A_250 : i32
      %get3A_252 = arith.index_cast %add3A_251 : i32 to index
      %get3A_253 = tpu.vector_load %arg5[%get3A_252] {strides = array<i32>} : memref<2048xf32, #tpu.memory_space<vmem>>, vector<16xf32>,
      %get3A_254 = vector.shape_cast %get3A_253 : vector<16xf32> to vector<16xf32>
      %add3A_255 = arith.constant 480 : i32
      %add3A_256 = arith.addi %mul3A_105, %add3A_255 : i32
      %get3A_257 = arith.index_cast %add3A_256 : i32 to index
      %get3A_258 = tpu.vector_load %arg5[%get3A_257] {strides = array<i32>} : memref<2048xf32, #tpu.memory_space<vmem>>, vector<16xf32>,
      %get3A_259 = vector.shape_cast %get3A_258 : vector<16xf32> to vector<16xf32>
      %add3A_260 = arith.constant 496 : i32
      %add3A_261 = arith.addi %mul3A_105, %add3A_260 : i32
      %get3A_262 = arith.index_cast %add3A_261 : i32 to index
      %get3A_263 = tpu.vector_load %arg5[%get3A_262] {strides = array<i32>} : memref<2048xf32, #tpu.memory_space<vmem>>, vector<16xf32>,
      %get3A_264 = vector.shape_cast %get3A_263 : vector<16xf32> to vector<16xf32>
      %parallel_loop3A = arith.constant 0 : i32
      %parallel_loop3A_265 = arith.constant 16 : i32
      %parallel_loop3A_266 = arith.constant 1 : i32
      scf.for %parallel_loop3A_268 = %parallel_loop3A to %parallel_loop3A_265 step %parallel_loop3A_266  : i32 {
        %parallel_loop3A_269 = arith.constant 0 : i32
        %parallel_loop3A_270 = arith.addi %mul3A_105, %parallel_loop3A_269 : i32
        %parallel_loop3A_271 = arith.index_cast %parallel_loop3A_268 : i32 to index
        %parallel_loop3A_272 = arith.index_cast %parallel_loop3A_270 : i32 to index
        %parallel_loop3A_273 = tpu.vector_load %arg6[%parallel_loop3A_271, %parallel_loop3A_272] {strides = array<i32>} : memref<16x2048xf32, #tpu.memory_space<vmem>>, vector<1x16xf32>,
        %parallel_loop3A_274 = vector.shape_cast %parallel_loop3A_273 : vector<1x16xf32> to vector<16xf32>
        %parallel_loop3A_275 = arith.addf %parallel_loop3A_274, %get3A_109 : vector<16xf32>
        %parallel_loop3A_276 = arith.index_cast %parallel_loop3A_268 : i32 to index
        %parallel_loop3A_277 = arith.index_cast %parallel_loop3A_270 : i32 to index
        %parallel_loop3A_278 = tpu.vector_load %arg6[%parallel_loop3A_276, %parallel_loop3A_277] {strides = array<i32>} : memref<16x2048xf32, #tpu.memory_space<vmem>>, vector<1x16xf32>,
        %parallel_loop3A_279 = vector.shape_cast %parallel_loop3A_278 : vector<1x16xf32> to vector<16xf32>
        %parallel_loop3A_280 = vector.shape_cast %parallel_loop3A_275 : vector<16xf32> to vector<1x16xf32>
        tpu.vector_store %arg6[%parallel_loop3A_276, %parallel_loop3A_277], %parallel_loop3A_280 {strides = array<i32>} : memref<16x2048xf32, #tpu.memory_space<vmem>>, vector<1x16xf32>,
        %parallel_loop3A_281 = arith.constant 16 : i32
        %parallel_loop3A_282 = arith.addi %mul3A_105, %parallel_loop3A_281 : i32
        %parallel_loop3A_283 = arith.index_cast %parallel_loop3A_268 : i32 to index
        %parallel_loop3A_284 = arith.index_cast %parallel_loop3A_282 : i32 to index
        %parallel_loop3A_285 = tpu.vector_load %arg6[%parallel_loop3A_283, %parallel_loop3A_284] {strides = array<i32>} : memref<16x2048xf32, #tpu.memory_space<vmem>>, vector<1x16xf32>,
        %parallel_loop3A_286 = vector.shape_cast %parallel_loop3A_285 : vector<1x16xf32> to vector<16xf32>
        %parallel_loop3A_287 = arith.addf %parallel_loop3A_286, %get3A_114 : vector<16xf32>
        %parallel_loop3A_288 = arith.index_cast %parallel_loop3A_268 : i32 to index
        %parallel_loop3A_289 = arith.index_cast %parallel_loop3A_282 : i32 to index
        %parallel_loop3A_290 = tpu.vector_load %arg6[%parallel_loop3A_288, %parallel_loop3A_289] {strides = array<i32>} : memref<16x2048xf32, #tpu.memory_space<vmem>>, vector<1x16xf32>,
        %parallel_loop3A_291 = vector.shape_cast %parallel_loop3A_290 : vector<1x16xf32> to vector<16xf32>
        %parallel_loop3A_292 = vector.shape_cast %parallel_loop3A_287 : vector<16xf32> to vector<1x16xf32>
        tpu.vector_store %arg6[%parallel_loop3A_288, %parallel_loop3A_289], %parallel_loop3A_292 {strides = array<i32>} : memref<16x2048xf32, #tpu.memory_space<vmem>>, vector<1x16xf32>,
        %parallel_loop3A_293 = arith.constant 32 : i32
        %parallel_loop3A_294 = arith.addi %mul3A_105, %parallel_loop3A_293 : i32
        %parallel_loop3A_295 = arith.index_cast %parallel_loop3A_268 : i32 to index
        %parallel_loop3A_296 = arith.index_cast %parallel_loop3A_294 : i32 to index
        %parallel_loop3A_297 = tpu.vector_load %arg6[%parallel_loop3A_295, %parallel_loop3A_296] {strides = array<i32>} : memref<16x2048xf32, #tpu.memory_space<vmem>>, vector<1x16xf32>,
        %parallel_loop3A_298 = vector.shape_cast %parallel_loop3A_297 : vector<1x16xf32> to vector<16xf32>
        %parallel_loop3A_299 = arith.addf %parallel_loop3A_298, %get3A_119 : vector<16xf32>
        %parallel_loop3A_300 = arith.index_cast %parallel_loop3A_268 : i32 to index
        %parallel_loop3A_301 = arith.index_cast %parallel_loop3A_294 : i32 to index
        %parallel_loop3A_302 = tpu.vector_load %arg6[%parallel_loop3A_300, %parallel_loop3A_301] {strides = array<i32>} : memref<16x2048xf32, #tpu.memory_space<vmem>>, vector<1x16xf32>,
        %parallel_loop3A_303 = vector.shape_cast %parallel_loop3A_302 : vector<1x16xf32> to vector<16xf32>
        %parallel_loop3A_304 = vector.shape_cast %parallel_loop3A_299 : vector<16xf32> to vector<1x16xf32>
        tpu.vector_store %arg6[%parallel_loop3A_300, %parallel_loop3A_301], %parallel_loop3A_304 {strides = array<i32>} : memref<16x2048xf32, #tpu.memory_space<vmem>>, vector<1x16xf32>,
        %parallel_loop3A_305 = arith.constant 48 : i32
        %parallel_loop3A_306 = arith.addi %mul3A_105, %parallel_loop3A_305 : i32
        %parallel_loop3A_307 = arith.index_cast %parallel_loop3A_268 : i32 to index
        %parallel_loop3A_308 = arith.index_cast %parallel_loop3A_306 : i32 to index
        %parallel_loop3A_309 = tpu.vector_load %arg6[%parallel_loop3A_307, %parallel_loop3A_308] {strides = array<i32>} : memref<16x2048xf32, #tpu.memory_space<vmem>>, vector<1x16xf32>,
        %parallel_loop3A_310 = vector.shape_cast %parallel_loop3A_309 : vector<1x16xf32> to vector<16xf32>
        %parallel_loop3A_311 = arith.addf %parallel_loop3A_310, %get3A_124 : vector<16xf32>
        %parallel_loop3A_312 = arith.index_cast %parallel_loop3A_268 : i32 to index
        %parallel_loop3A_313 = arith.index_cast %parallel_loop3A_306 : i32 to index
        %parallel_loop3A_314 = tpu.vector_load %arg6[%parallel_loop3A_312, %parallel_loop3A_313] {strides = array<i32>} : memref<16x2048xf32, #tpu.memory_space<vmem>>, vector<1x16xf32>,
        %parallel_loop3A_315 = vector.shape_cast %parallel_loop3A_314 : vector<1x16xf32> to vector<16xf32>
        %parallel_loop3A_316 = vector.shape_cast %parallel_loop3A_311 : vector<16xf32> to vector<1x16xf32>
        tpu.vector_store %arg6[%parallel_loop3A_312, %parallel_loop3A_313], %parallel_loop3A_316 {strides = array<i32>} : memref<16x2048xf32, #tpu.memory_space<vmem>>, vector<1x16xf32>,
        %parallel_loop3A_317 = arith.constant 64 : i32
        %parallel_loop3A_318 = arith.addi %mul3A_105, %parallel_loop3A_317 : i32
        %parallel_loop3A_319 = arith.index_cast %parallel_loop3A_268 : i32 to index
        %parallel_loop3A_320 = arith.index_cast %parallel_loop3A_318 : i32 to index
        %parallel_loop3A_321 = tpu.vector_load %arg6[%parallel_loop3A_319, %parallel_loop3A_320] {strides = array<i32>} : memref<16x2048xf32, #tpu.memory_space<vmem>>, vector<1x16xf32>,
        %parallel_loop3A_322 = vector.shape_cast %parallel_loop3A_321 : vector<1x16xf32> to vector<16xf32>
        %parallel_loop3A_323 = arith.addf %parallel_loop3A_322, %get3A_129 : vector<16xf32>
        %parallel_loop3A_324 = arith.index_cast %parallel_loop3A_268 : i32 to index
        %parallel_loop3A_325 = arith.index_cast %parallel_loop3A_318 : i32 to index
        %parallel_loop3A_326 = tpu.vector_load %arg6[%parallel_loop3A_324, %parallel_loop3A_325] {strides = array<i32>} : memref<16x2048xf32, #tpu.memory_space<vmem>>, vector<1x16xf32>,
        %parallel_loop3A_327 = vector.shape_cast %parallel_loop3A_326 : vector<1x16xf32> to vector<16xf32>
        %parallel_loop3A_328 = vector.shape_cast %parallel_loop3A_323 : vector<16xf32> to vector<1x16xf32>
        tpu.vector_store %arg6[%parallel_loop3A_324, %parallel_loop3A_325], %parallel_loop3A_328 {strides = array<i32>} : memref<16x2048xf32, #tpu.memory_space<vmem>>, vector<1x16xf32>,
        %parallel_loop3A_329 = arith.constant 80 : i32
        %parallel_loop3A_330 = arith.addi %mul3A_105, %parallel_loop3A_329 : i32
        %parallel_loop3A_331 = arith.index_cast %parallel_loop3A_268 : i32 to index
        %parallel_loop3A_332 = arith.index_cast %parallel_loop3A_330 : i32 to index
        %parallel_loop3A_333 = tpu.vector_load %arg6[%parallel_loop3A_331, %parallel_loop3A_332] {strides = array<i32>} : memref<16x2048xf32, #tpu.memory_space<vmem>>, vector<1x16xf32>,
        %parallel_loop3A_334 = vector.shape_cast %parallel_loop3A_333 : vector<1x16xf32> to vector<16xf32>
        %parallel_loop3A_335 = arith.addf %parallel_loop3A_334, %get3A_134 : vector<16xf32>
        %parallel_loop3A_336 = arith.index_cast %parallel_loop3A_268 : i32 to index
        %parallel_loop3A_337 = arith.index_cast %parallel_loop3A_330 : i32 to index
        %parallel_loop3A_338 = tpu.vector_load %arg6[%parallel_loop3A_336, %parallel_loop3A_337] {strides = array<i32>} : memref<16x2048xf32, #tpu.memory_space<vmem>>, vector<1x16xf32>,
        %parallel_loop3A_339 = vector.shape_cast %parallel_loop3A_338 : vector<1x16xf32> to vector<16xf32>
        %parallel_loop3A_340 = vector.shape_cast %parallel_loop3A_335 : vector<16xf32> to vector<1x16xf32>
        tpu.vector_store %arg6[%parallel_loop3A_336, %parallel_loop3A_337], %parallel_loop3A_340 {strides = array<i32>} : memref<16x2048xf32, #tpu.memory_space<vmem>>, vector<1x16xf32>,
        %parallel_loop3A_341 = arith.constant 96 : i32
        %parallel_loop3A_342 = arith.addi %mul3A_105, %parallel_loop3A_341 : i32
        %parallel_loop3A_343 = arith.index_cast %parallel_loop3A_268 : i32 to index
        %parallel_loop3A_344 = arith.index_cast %parallel_loop3A_342 : i32 to index
        %parallel_loop3A_345 = tpu.vector_load %arg6[%parallel_loop3A_343, %parallel_loop3A_344] {strides = array<i32>} : memref<16x2048xf32, #tpu.memory_space<vmem>>, vector<1x16xf32>,
        %parallel_loop3A_346 = vector.shape_cast %parallel_loop3A_345 : vector<1x16xf32> to vector<16xf32>
        %parallel_loop3A_347 = arith.addf %parallel_loop3A_346, %get3A_139 : vector<16xf32>
        %parallel_loop3A_348 = arith.index_cast %parallel_loop3A_268 : i32 to index
        %parallel_loop3A_349 = arith.index_cast %parallel_loop3A_342 : i32 to index
        %parallel_loop3A_350 = tpu.vector_load %arg6[%parallel_loop3A_348, %parallel_loop3A_349] {strides = array<i32>} : memref<16x2048xf32, #tpu.memory_space<vmem>>, vector<1x16xf32>,
        %parallel_loop3A_351 = vector.shape_cast %parallel_loop3A_350 : vector<1x16xf32> to vector<16xf32>
        %parallel_loop3A_352 = vector.shape_cast %parallel_loop3A_347 : vector<16xf32> to vector<1x16xf32>
        tpu.vector_store %arg6[%parallel_loop3A_348, %parallel_loop3A_349], %parallel_loop3A_352 {strides = array<i32>} : memref<16x2048xf32, #tpu.memory_space<vmem>>, vector<1x16xf32>,
        %parallel_loop3A_353 = arith.constant 112 : i32
        %parallel_loop3A_354 = arith.addi %mul3A_105, %parallel_loop3A_353 : i32
        %parallel_loop3A_355 = arith.index_cast %parallel_loop3A_268 : i32 to index
        %parallel_loop3A_356 = arith.index_cast %parallel_loop3A_354 : i32 to index
        %parallel_loop3A_357 = tpu.vector_load %arg6[%parallel_loop3A_355, %parallel_loop3A_356] {strides = array<i32>} : memref<16x2048xf32, #tpu.memory_space<vmem>>, vector<1x16xf32>,
        %parallel_loop3A_358 = vector.shape_cast %parallel_loop3A_357 : vector<1x16xf32> to vector<16xf32>
        %parallel_loop3A_359 = arith.addf %parallel_loop3A_358, %get3A_144 : vector<16xf32>
        %parallel_loop3A_360 = arith.index_cast %parallel_loop3A_268 : i32 to index
        %parallel_loop3A_361 = arith.index_cast %parallel_loop3A_354 : i32 to index
        %parallel_loop3A_362 = tpu.vector_load %arg6[%parallel_loop3A_360, %parallel_loop3A_361] {strides = array<i32>} : memref<16x2048xf32, #tpu.memory_space<vmem>>, vector<1x16xf32>,
        %parallel_loop3A_363 = vector.shape_cast %parallel_loop3A_362 : vector<1x16xf32> to vector<16xf32>
        %parallel_loop3A_364 = vector.shape_cast %parallel_loop3A_359 : vector<16xf32> to vector<1x16xf32>
        tpu.vector_store %arg6[%parallel_loop3A_360, %parallel_loop3A_361], %parallel_loop3A_364 {strides = array<i32>} : memref<16x2048xf32, #tpu.memory_space<vmem>>, vector<1x16xf32>,
        %parallel_loop3A_365 = arith.constant 128 : i32
        %parallel_loop3A_366 = arith.addi %mul3A_105, %parallel_loop3A_365 : i32
        %parallel_loop3A_367 = arith.index_cast %parallel_loop3A_268 : i32 to index
        %parallel_loop3A_368 = arith.index_cast %parallel_loop3A_366 : i32 to index
        %parallel_loop3A_369 = tpu.vector_load %arg6[%parallel_loop3A_367, %parallel_loop3A_368] {strides = array<i32>} : memref<16x2048xf32, #tpu.memory_space<vmem>>, vector<1x16xf32>,
        %parallel_loop3A_370 = vector.shape_cast %parallel_loop3A_369 : vector<1x16xf32> to vector<16xf32>
        %parallel_loop3A_371 = arith.addf %parallel_loop3A_370, %get3A_149 : vector<16xf32>
        %parallel_loop3A_372 = arith.index_cast %parallel_loop3A_268 : i32 to index
        %parallel_loop3A_373 = arith.index_cast %parallel_loop3A_366 : i32 to index
        %parallel_loop3A_374 = tpu.vector_load %arg6[%parallel_loop3A_372, %parallel_loop3A_373] {strides = array<i32>} : memref<16x2048xf32, #tpu.memory_space<vmem>>, vector<1x16xf32>,
        %parallel_loop3A_375 = vector.shape_cast %parallel_loop3A_374 : vector<1x16xf32> to vector<16xf32>
        %parallel_loop3A_376 = vector.shape_cast %parallel_loop3A_371 : vector<16xf32> to vector<1x16xf32>
        tpu.vector_store %arg6[%parallel_loop3A_372, %parallel_loop3A_373], %parallel_loop3A_376 {strides = array<i32>} : memref<16x2048xf32, #tpu.memory_space<vmem>>, vector<1x16xf32>,
        %parallel_loop3A_377 = arith.constant 144 : i32
        %parallel_loop3A_378 = arith.addi %mul3A_105, %parallel_loop3A_377 : i32
        %parallel_loop3A_379 = arith.index_cast %parallel_loop3A_268 : i32 to index
        %parallel_loop3A_380 = arith.index_cast %parallel_loop3A_378 : i32 to index
        %parallel_loop3A_381 = tpu.vector_load %arg6[%parallel_loop3A_379, %parallel_loop3A_380] {strides = array<i32>} : memref<16x2048xf32, #tpu.memory_space<vmem>>, vector<1x16xf32>,
        %parallel_loop3A_382 = vector.shape_cast %parallel_loop3A_381 : vector<1x16xf32> to vector<16xf32>
        %parallel_loop3A_383 = arith.addf %parallel_loop3A_382, %get3A_154 : vector<16xf32>
        %parallel_loop3A_384 = arith.index_cast %parallel_loop3A_268 : i32 to index
        %parallel_loop3A_385 = arith.index_cast %parallel_loop3A_378 : i32 to index
        %parallel_loop3A_386 = tpu.vector_load %arg6[%parallel_loop3A_384, %parallel_loop3A_385] {strides = array<i32>} : memref<16x2048xf32, #tpu.memory_space<vmem>>, vector<1x16xf32>,
        %parallel_loop3A_387 = vector.shape_cast %parallel_loop3A_386 : vector<1x16xf32> to vector<16xf32>
        %parallel_loop3A_388 = vector.shape_cast %parallel_loop3A_383 : vector<16xf32> to vector<1x16xf32>
        tpu.vector_store %arg6[%parallel_loop3A_384, %parallel_loop3A_385], %parallel_loop3A_388 {strides = array<i32>} : memref<16x2048xf32, #tpu.memory_space<vmem>>, vector<1x16xf32>,
        %parallel_loop3A_389 = arith.constant 160 : i32
        %parallel_loop3A_390 = arith.addi %mul3A_105, %parallel_loop3A_389 : i32
        %parallel_loop3A_391 = arith.index_cast %parallel_loop3A_268 : i32 to index
        %parallel_loop3A_392 = arith.index_cast %parallel_loop3A_390 : i32 to index
        %parallel_loop3A_393 = tpu.vector_load %arg6[%parallel_loop3A_391, %parallel_loop3A_392] {strides = array<i32>} : memref<16x2048xf32, #tpu.memory_space<vmem>>, vector<1x16xf32>,
        %parallel_loop3A_394 = vector.shape_cast %parallel_loop3A_393 : vector<1x16xf32> to vector<16xf32>
        %parallel_loop3A_395 = arith.addf %parallel_loop3A_394, %get3A_159 : vector<16xf32>
        %parallel_loop3A_396 = arith.index_cast %parallel_loop3A_268 : i32 to index
        %parallel_loop3A_397 = arith.index_cast %parallel_loop3A_390 : i32 to index
        %parallel_loop3A_398 = tpu.vector_load %arg6[%parallel_loop3A_396, %parallel_loop3A_397] {strides = array<i32>} : memref<16x2048xf32, #tpu.memory_space<vmem>>, vector<1x16xf32>,
        %parallel_loop3A_399 = vector.shape_cast %parallel_loop3A_398 : vector<1x16xf32> to vector<16xf32>
        %parallel_loop3A_400 = vector.shape_cast %parallel_loop3A_395 : vector<16xf32> to vector<1x16xf32>
        tpu.vector_store %arg6[%parallel_loop3A_396, %parallel_loop3A_397], %parallel_loop3A_400 {strides = array<i32>} : memref<16x2048xf32, #tpu.memory_space<vmem>>, vector<1x16xf32>,
        %parallel_loop3A_401 = arith.constant 176 : i32
        %parallel_loop3A_402 = arith.addi %mul3A_105, %parallel_loop3A_401 : i32
        %parallel_loop3A_403 = arith.index_cast %parallel_loop3A_268 : i32 to index
        %parallel_loop3A_404 = arith.index_cast %parallel_loop3A_402 : i32 to index
        %parallel_loop3A_405 = tpu.vector_load %arg6[%parallel_loop3A_403, %parallel_loop3A_404] {strides = array<i32>} : memref<16x2048xf32, #tpu.memory_space<vmem>>, vector<1x16xf32>,
        %parallel_loop3A_406 = vector.shape_cast %parallel_loop3A_405 : vector<1x16xf32> to vector<16xf32>
        %parallel_loop3A_407 = arith.addf %parallel_loop3A_406, %get3A_164 : vector<16xf32>
        %parallel_loop3A_408 = arith.index_cast %parallel_loop3A_268 : i32 to index
        %parallel_loop3A_409 = arith.index_cast %parallel_loop3A_402 : i32 to index
        %parallel_loop3A_410 = tpu.vector_load %arg6[%parallel_loop3A_408, %parallel_loop3A_409] {strides = array<i32>} : memref<16x2048xf32, #tpu.memory_space<vmem>>, vector<1x16xf32>,
        %parallel_loop3A_411 = vector.shape_cast %parallel_loop3A_410 : vector<1x16xf32> to vector<16xf32>
        %parallel_loop3A_412 = vector.shape_cast %parallel_loop3A_407 : vector<16xf32> to vector<1x16xf32>
        tpu.vector_store %arg6[%parallel_loop3A_408, %parallel_loop3A_409], %parallel_loop3A_412 {strides = array<i32>} : memref<16x2048xf32, #tpu.memory_space<vmem>>, vector<1x16xf32>,
        %parallel_loop3A_413 = arith.constant 192 : i32
        %parallel_loop3A_414 = arith.addi %mul3A_105, %parallel_loop3A_413 : i32
        %parallel_loop3A_415 = arith.index_cast %parallel_loop3A_268 : i32 to index
        %parallel_loop3A_416 = arith.index_cast %parallel_loop3A_414 : i32 to index
        %parallel_loop3A_417 = tpu.vector_load %arg6[%parallel_loop3A_415, %parallel_loop3A_416] {strides = array<i32>} : memref<16x2048xf32, #tpu.memory_space<vmem>>, vector<1x16xf32>,
        %parallel_loop3A_418 = vector.shape_cast %parallel_loop3A_417 : vector<1x16xf32> to vector<16xf32>
        %parallel_loop3A_419 = arith.addf %parallel_loop3A_418, %get3A_169 : vector<16xf32>
        %parallel_loop3A_420 = arith.index_cast %parallel_loop3A_268 : i32 to index
        %parallel_loop3A_421 = arith.index_cast %parallel_loop3A_414 : i32 to index
        %parallel_loop3A_422 = tpu.vector_load %arg6[%parallel_loop3A_420, %parallel_loop3A_421] {strides = array<i32>} : memref<16x2048xf32, #tpu.memory_space<vmem>>, vector<1x16xf32>,
        %parallel_loop3A_423 = vector.shape_cast %parallel_loop3A_422 : vector<1x16xf32> to vector<16xf32>
        %parallel_loop3A_424 = vector.shape_cast %parallel_loop3A_419 : vector<16xf32> to vector<1x16xf32>
        tpu.vector_store %arg6[%parallel_loop3A_420, %parallel_loop3A_421], %parallel_loop3A_424 {strides = array<i32>} : memref<16x2048xf32, #tpu.memory_space<vmem>>, vector<1x16xf32>,
        %parallel_loop3A_425 = arith.constant 208 : i32
        %parallel_loop3A_426 = arith.addi %mul3A_105, %parallel_loop3A_425 : i32
        %parallel_loop3A_427 = arith.index_cast %parallel_loop3A_268 : i32 to index
        %parallel_loop3A_428 = arith.index_cast %parallel_loop3A_426 : i32 to index
        %parallel_loop3A_429 = tpu.vector_load %arg6[%parallel_loop3A_427, %parallel_loop3A_428] {strides = array<i32>} : memref<16x2048xf32, #tpu.memory_space<vmem>>, vector<1x16xf32>,
        %parallel_loop3A_430 = vector.shape_cast %parallel_loop3A_429 : vector<1x16xf32> to vector<16xf32>
        %parallel_loop3A_431 = arith.addf %parallel_loop3A_430, %get3A_174 : vector<16xf32>
        %parallel_loop3A_432 = arith.index_cast %parallel_loop3A_268 : i32 to index
        %parallel_loop3A_433 = arith.index_cast %parallel_loop3A_426 : i32 to index
        %parallel_loop3A_434 = tpu.vector_load %arg6[%parallel_loop3A_432, %parallel_loop3A_433] {strides = array<i32>} : memref<16x2048xf32, #tpu.memory_space<vmem>>, vector<1x16xf32>,
        %parallel_loop3A_435 = vector.shape_cast %parallel_loop3A_434 : vector<1x16xf32> to vector<16xf32>
        %parallel_loop3A_436 = vector.shape_cast %parallel_loop3A_431 : vector<16xf32> to vector<1x16xf32>
        tpu.vector_store %arg6[%parallel_loop3A_432, %parallel_loop3A_433], %parallel_loop3A_436 {strides = array<i32>} : memref<16x2048xf32, #tpu.memory_space<vmem>>, vector<1x16xf32>,
        %parallel_loop3A_437 = arith.constant 224 : i32
        %parallel_loop3A_438 = arith.addi %mul3A_105, %parallel_loop3A_437 : i32
        %parallel_loop3A_439 = arith.index_cast %parallel_loop3A_268 : i32 to index
        %parallel_loop3A_440 = arith.index_cast %parallel_loop3A_438 : i32 to index
        %parallel_loop3A_441 = tpu.vector_load %arg6[%parallel_loop3A_439, %parallel_loop3A_440] {strides = array<i32>} : memref<16x2048xf32, #tpu.memory_space<vmem>>, vector<1x16xf32>,
        %parallel_loop3A_442 = vector.shape_cast %parallel_loop3A_441 : vector<1x16xf32> to vector<16xf32>
        %parallel_loop3A_443 = arith.addf %parallel_loop3A_442, %get3A_179 : vector<16xf32>
        %parallel_loop3A_444 = arith.index_cast %parallel_loop3A_268 : i32 to index
        %parallel_loop3A_445 = arith.index_cast %parallel_loop3A_438 : i32 to index
        %parallel_loop3A_446 = tpu.vector_load %arg6[%parallel_loop3A_444, %parallel_loop3A_445] {strides = array<i32>} : memref<16x2048xf32, #tpu.memory_space<vmem>>, vector<1x16xf32>,
        %parallel_loop3A_447 = vector.shape_cast %parallel_loop3A_446 : vector<1x16xf32> to vector<16xf32>
        %parallel_loop3A_448 = vector.shape_cast %parallel_loop3A_443 : vector<16xf32> to vector<1x16xf32>
        tpu.vector_store %arg6[%parallel_loop3A_444, %parallel_loop3A_445], %parallel_loop3A_448 {strides = array<i32>} : memref<16x2048xf32, #tpu.memory_space<vmem>>, vector<1x16xf32>,
        %parallel_loop3A_449 = arith.constant 240 : i32
        %parallel_loop3A_450 = arith.addi %mul3A_105, %parallel_loop3A_449 : i32
        %parallel_loop3A_451 = arith.index_cast %parallel_loop3A_268 : i32 to index
        %parallel_loop3A_452 = arith.index_cast %parallel_loop3A_450 : i32 to index
        %parallel_loop3A_453 = tpu.vector_load %arg6[%parallel_loop3A_451, %parallel_loop3A_452] {strides = array<i32>} : memref<16x2048xf32, #tpu.memory_space<vmem>>, vector<1x16xf32>,
        %parallel_loop3A_454 = vector.shape_cast %parallel_loop3A_453 : vector<1x16xf32> to vector<16xf32>
        %parallel_loop3A_455 = arith.addf %parallel_loop3A_454, %get3A_184 : vector<16xf32>
        %parallel_loop3A_456 = arith.index_cast %parallel_loop3A_268 : i32 to index
        %parallel_loop3A_457 = arith.index_cast %parallel_loop3A_450 : i32 to index
        %parallel_loop3A_458 = tpu.vector_load %arg6[%parallel_loop3A_456, %parallel_loop3A_457] {strides = array<i32>} : memref<16x2048xf32, #tpu.memory_space<vmem>>, vector<1x16xf32>,
        %parallel_loop3A_459 = vector.shape_cast %parallel_loop3A_458 : vector<1x16xf32> to vector<16xf32>
        %parallel_loop3A_460 = vector.shape_cast %parallel_loop3A_455 : vector<16xf32> to vector<1x16xf32>
        tpu.vector_store %arg6[%parallel_loop3A_456, %parallel_loop3A_457], %parallel_loop3A_460 {strides = array<i32>} : memref<16x2048xf32, #tpu.memory_space<vmem>>, vector<1x16xf32>,
        %parallel_loop3A_461 = arith.constant 256 : i32
        %parallel_loop3A_462 = arith.addi %mul3A_105, %parallel_loop3A_461 : i32
        %parallel_loop3A_463 = arith.index_cast %parallel_loop3A_268 : i32 to index
        %parallel_loop3A_464 = arith.index_cast %parallel_loop3A_462 : i32 to index
        %parallel_loop3A_465 = tpu.vector_load %arg6[%parallel_loop3A_463, %parallel_loop3A_464] {strides = array<i32>} : memref<16x2048xf32, #tpu.memory_space<vmem>>, vector<1x16xf32>,
        %parallel_loop3A_466 = vector.shape_cast %parallel_loop3A_465 : vector<1x16xf32> to vector<16xf32>
        %parallel_loop3A_467 = arith.addf %parallel_loop3A_466, %get3A_189 : vector<16xf32>
        %parallel_loop3A_468 = arith.index_cast %parallel_loop3A_268 : i32 to index
        %parallel_loop3A_469 = arith.index_cast %parallel_loop3A_462 : i32 to index
        %parallel_loop3A_470 = tpu.vector_load %arg6[%parallel_loop3A_468, %parallel_loop3A_469] {strides = array<i32>} : memref<16x2048xf32, #tpu.memory_space<vmem>>, vector<1x16xf32>,
        %parallel_loop3A_471 = vector.shape_cast %parallel_loop3A_470 : vector<1x16xf32> to vector<16xf32>
        %parallel_loop3A_472 = vector.shape_cast %parallel_loop3A_467 : vector<16xf32> to vector<1x16xf32>
        tpu.vector_store %arg6[%parallel_loop3A_468, %parallel_loop3A_469], %parallel_loop3A_472 {strides = array<i32>} : memref<16x2048xf32, #tpu.memory_space<vmem>>, vector<1x16xf32>,
        %parallel_loop3A_473 = arith.constant 272 : i32
        %parallel_loop3A_474 = arith.addi %mul3A_105, %parallel_loop3A_473 : i32
        %parallel_loop3A_475 = arith.index_cast %parallel_loop3A_268 : i32 to index
        %parallel_loop3A_476 = arith.index_cast %parallel_loop3A_474 : i32 to index
        %parallel_loop3A_477 = tpu.vector_load %arg6[%parallel_loop3A_475, %parallel_loop3A_476] {strides = array<i32>} : memref<16x2048xf32, #tpu.memory_space<vmem>>, vector<1x16xf32>,
        %parallel_loop3A_478 = vector.shape_cast %parallel_loop3A_477 : vector<1x16xf32> to vector<16xf32>
        %parallel_loop3A_479 = arith.addf %parallel_loop3A_478, %get3A_194 : vector<16xf32>
        %parallel_loop3A_480 = arith.index_cast %parallel_loop3A_268 : i32 to index
        %parallel_loop3A_481 = arith.index_cast %parallel_loop3A_474 : i32 to index
        %parallel_loop3A_482 = tpu.vector_load %arg6[%parallel_loop3A_480, %parallel_loop3A_481] {strides = array<i32>} : memref<16x2048xf32, #tpu.memory_space<vmem>>, vector<1x16xf32>,
        %parallel_loop3A_483 = vector.shape_cast %parallel_loop3A_482 : vector<1x16xf32> to vector<16xf32>
        %parallel_loop3A_484 = vector.shape_cast %parallel_loop3A_479 : vector<16xf32> to vector<1x16xf32>
        tpu.vector_store %arg6[%parallel_loop3A_480, %parallel_loop3A_481], %parallel_loop3A_484 {strides = array<i32>} : memref<16x2048xf32, #tpu.memory_space<vmem>>, vector<1x16xf32>,
        %parallel_loop3A_485 = arith.constant 288 : i32
        %parallel_loop3A_486 = arith.addi %mul3A_105, %parallel_loop3A_485 : i32
        %parallel_loop3A_487 = arith.index_cast %parallel_loop3A_268 : i32 to index
        %parallel_loop3A_488 = arith.index_cast %parallel_loop3A_486 : i32 to index
        %parallel_loop3A_489 = tpu.vector_load %arg6[%parallel_loop3A_487, %parallel_loop3A_488] {strides = array<i32>} : memref<16x2048xf32, #tpu.memory_space<vmem>>, vector<1x16xf32>,
        %parallel_loop3A_490 = vector.shape_cast %parallel_loop3A_489 : vector<1x16xf32> to vector<16xf32>
        %parallel_loop3A_491 = arith.addf %parallel_loop3A_490, %get3A_199 : vector<16xf32>
        %parallel_loop3A_492 = arith.index_cast %parallel_loop3A_268 : i32 to index
        %parallel_loop3A_493 = arith.index_cast %parallel_loop3A_486 : i32 to index
        %parallel_loop3A_494 = tpu.vector_load %arg6[%parallel_loop3A_492, %parallel_loop3A_493] {strides = array<i32>} : memref<16x2048xf32, #tpu.memory_space<vmem>>, vector<1x16xf32>,
        %parallel_loop3A_495 = vector.shape_cast %parallel_loop3A_494 : vector<1x16xf32> to vector<16xf32>
        %parallel_loop3A_496 = vector.shape_cast %parallel_loop3A_491 : vector<16xf32> to vector<1x16xf32>
        tpu.vector_store %arg6[%parallel_loop3A_492, %parallel_loop3A_493], %parallel_loop3A_496 {strides = array<i32>} : memref<16x2048xf32, #tpu.memory_space<vmem>>, vector<1x16xf32>,
        %parallel_loop3A_497 = arith.constant 304 : i32
        %parallel_loop3A_498 = arith.addi %mul3A_105, %parallel_loop3A_497 : i32
        %parallel_loop3A_499 = arith.index_cast %parallel_loop3A_268 : i32 to index
        %parallel_loop3A_500 = arith.index_cast %parallel_loop3A_498 : i32 to index
        %parallel_loop3A_501 = tpu.vector_load %arg6[%parallel_loop3A_499, %parallel_loop3A_500] {strides = array<i32>} : memref<16x2048xf32, #tpu.memory_space<vmem>>, vector<1x16xf32>,
        %parallel_loop3A_502 = vector.shape_cast %parallel_loop3A_501 : vector<1x16xf32> to vector<16xf32>
        %parallel_loop3A_503 = arith.addf %parallel_loop3A_502, %get3A_204 : vector<16xf32>
        %parallel_loop3A_504 = arith.index_cast %parallel_loop3A_268 : i32 to index
        %parallel_loop3A_505 = arith.index_cast %parallel_loop3A_498 : i32 to index
        %parallel_loop3A_506 = tpu.vector_load %arg6[%parallel_loop3A_504, %parallel_loop3A_505] {strides = array<i32>} : memref<16x2048xf32, #tpu.memory_space<vmem>>, vector<1x16xf32>,
        %parallel_loop3A_507 = vector.shape_cast %parallel_loop3A_506 : vector<1x16xf32> to vector<16xf32>
        %parallel_loop3A_508 = vector.shape_cast %parallel_loop3A_503 : vector<16xf32> to vector<1x16xf32>
        tpu.vector_store %arg6[%parallel_loop3A_504, %parallel_loop3A_505], %parallel_loop3A_508 {strides = array<i32>} : memref<16x2048xf32, #tpu.memory_space<vmem>>, vector<1x16xf32>,
        %parallel_loop3A_509 = arith.constant 320 : i32
        %parallel_loop3A_510 = arith.addi %mul3A_105, %parallel_loop3A_509 : i32
        %parallel_loop3A_511 = arith.index_cast %parallel_loop3A_268 : i32 to index
        %parallel_loop3A_512 = arith.index_cast %parallel_loop3A_510 : i32 to index
        %parallel_loop3A_513 = tpu.vector_load %arg6[%parallel_loop3A_511, %parallel_loop3A_512] {strides = array<i32>} : memref<16x2048xf32, #tpu.memory_space<vmem>>, vector<1x16xf32>,
        %parallel_loop3A_514 = vector.shape_cast %parallel_loop3A_513 : vector<1x16xf32> to vector<16xf32>
        %parallel_loop3A_515 = arith.addf %parallel_loop3A_514, %get3A_209 : vector<16xf32>
        %parallel_loop3A_516 = arith.index_cast %parallel_loop3A_268 : i32 to index
        %parallel_loop3A_517 = arith.index_cast %parallel_loop3A_510 : i32 to index
        %parallel_loop3A_518 = tpu.vector_load %arg6[%parallel_loop3A_516, %parallel_loop3A_517] {strides = array<i32>} : memref<16x2048xf32, #tpu.memory_space<vmem>>, vector<1x16xf32>,
        %parallel_loop3A_519 = vector.shape_cast %parallel_loop3A_518 : vector<1x16xf32> to vector<16xf32>
        %parallel_loop3A_520 = vector.shape_cast %parallel_loop3A_515 : vector<16xf32> to vector<1x16xf32>
        tpu.vector_store %arg6[%parallel_loop3A_516, %parallel_loop3A_517], %parallel_loop3A_520 {strides = array<i32>} : memref<16x2048xf32, #tpu.memory_space<vmem>>, vector<1x16xf32>,
        %parallel_loop3A_521 = arith.constant 336 : i32
        %parallel_loop3A_522 = arith.addi %mul3A_105, %parallel_loop3A_521 : i32
        %parallel_loop3A_523 = arith.index_cast %parallel_loop3A_268 : i32 to index
        %parallel_loop3A_524 = arith.index_cast %parallel_loop3A_522 : i32 to index
        %parallel_loop3A_525 = tpu.vector_load %arg6[%parallel_loop3A_523, %parallel_loop3A_524] {strides = array<i32>} : memref<16x2048xf32, #tpu.memory_space<vmem>>, vector<1x16xf32>,
        %parallel_loop3A_526 = vector.shape_cast %parallel_loop3A_525 : vector<1x16xf32> to vector<16xf32>
        %parallel_loop3A_527 = arith.addf %parallel_loop3A_526, %get3A_214 : vector<16xf32>
        %parallel_loop3A_528 = arith.index_cast %parallel_loop3A_268 : i32 to index
        %parallel_loop3A_529 = arith.index_cast %parallel_loop3A_522 : i32 to index
        %parallel_loop3A_530 = tpu.vector_load %arg6[%parallel_loop3A_528, %parallel_loop3A_529] {strides = array<i32>} : memref<16x2048xf32, #tpu.memory_space<vmem>>, vector<1x16xf32>,
        %parallel_loop3A_531 = vector.shape_cast %parallel_loop3A_530 : vector<1x16xf32> to vector<16xf32>
        %parallel_loop3A_532 = vector.shape_cast %parallel_loop3A_527 : vector<16xf32> to vector<1x16xf32>
        tpu.vector_store %arg6[%parallel_loop3A_528, %parallel_loop3A_529], %parallel_loop3A_532 {strides = array<i32>} : memref<16x2048xf32, #tpu.memory_space<vmem>>, vector<1x16xf32>,
        %parallel_loop3A_533 = arith.constant 352 : i32
        %parallel_loop3A_534 = arith.addi %mul3A_105, %parallel_loop3A_533 : i32
        %parallel_loop3A_535 = arith.index_cast %parallel_loop3A_268 : i32 to index
        %parallel_loop3A_536 = arith.index_cast %parallel_loop3A_534 : i32 to index
        %parallel_loop3A_537 = tpu.vector_load %arg6[%parallel_loop3A_535, %parallel_loop3A_536] {strides = array<i32>} : memref<16x2048xf32, #tpu.memory_space<vmem>>, vector<1x16xf32>,
        %parallel_loop3A_538 = vector.shape_cast %parallel_loop3A_537 : vector<1x16xf32> to vector<16xf32>
        %parallel_loop3A_539 = arith.addf %parallel_loop3A_538, %get3A_219 : vector<16xf32>
        %parallel_loop3A_540 = arith.index_cast %parallel_loop3A_268 : i32 to index
        %parallel_loop3A_541 = arith.index_cast %parallel_loop3A_534 : i32 to index
        %parallel_loop3A_542 = tpu.vector_load %arg6[%parallel_loop3A_540, %parallel_loop3A_541] {strides = array<i32>} : memref<16x2048xf32, #tpu.memory_space<vmem>>, vector<1x16xf32>,
        %parallel_loop3A_543 = vector.shape_cast %parallel_loop3A_542 : vector<1x16xf32> to vector<16xf32>
        %parallel_loop3A_544 = vector.shape_cast %parallel_loop3A_539 : vector<16xf32> to vector<1x16xf32>
        tpu.vector_store %arg6[%parallel_loop3A_540, %parallel_loop3A_541], %parallel_loop3A_544 {strides = array<i32>} : memref<16x2048xf32, #tpu.memory_space<vmem>>, vector<1x16xf32>,
        %parallel_loop3A_545 = arith.constant 368 : i32
        %parallel_loop3A_546 = arith.addi %mul3A_105, %parallel_loop3A_545 : i32
        %parallel_loop3A_547 = arith.index_cast %parallel_loop3A_268 : i32 to index
        %parallel_loop3A_548 = arith.index_cast %parallel_loop3A_546 : i32 to index
        %parallel_loop3A_549 = tpu.vector_load %arg6[%parallel_loop3A_547, %parallel_loop3A_548] {strides = array<i32>} : memref<16x2048xf32, #tpu.memory_space<vmem>>, vector<1x16xf32>,
        %parallel_loop3A_550 = vector.shape_cast %parallel_loop3A_549 : vector<1x16xf32> to vector<16xf32>
        %parallel_loop3A_551 = arith.addf %parallel_loop3A_550, %get3A_224 : vector<16xf32>
        %parallel_loop3A_552 = arith.index_cast %parallel_loop3A_268 : i32 to index
        %parallel_loop3A_553 = arith.index_cast %parallel_loop3A_546 : i32 to index
        %parallel_loop3A_554 = tpu.vector_load %arg6[%parallel_loop3A_552, %parallel_loop3A_553] {strides = array<i32>} : memref<16x2048xf32, #tpu.memory_space<vmem>>, vector<1x16xf32>,
        %parallel_loop3A_555 = vector.shape_cast %parallel_loop3A_554 : vector<1x16xf32> to vector<16xf32>
        %parallel_loop3A_556 = vector.shape_cast %parallel_loop3A_551 : vector<16xf32> to vector<1x16xf32>
        tpu.vector_store %arg6[%parallel_loop3A_552, %parallel_loop3A_553], %parallel_loop3A_556 {strides = array<i32>} : memref<16x2048xf32, #tpu.memory_space<vmem>>, vector<1x16xf32>,
        %parallel_loop3A_557 = arith.constant 384 : i32
        %parallel_loop3A_558 = arith.addi %mul3A_105, %parallel_loop3A_557 : i32
        %parallel_loop3A_559 = arith.index_cast %parallel_loop3A_268 : i32 to index
        %parallel_loop3A_560 = arith.index_cast %parallel_loop3A_558 : i32 to index
        %parallel_loop3A_561 = tpu.vector_load %arg6[%parallel_loop3A_559, %parallel_loop3A_560] {strides = array<i32>} : memref<16x2048xf32, #tpu.memory_space<vmem>>, vector<1x16xf32>,
        %parallel_loop3A_562 = vector.shape_cast %parallel_loop3A_561 : vector<1x16xf32> to vector<16xf32>
        %parallel_loop3A_563 = arith.addf %parallel_loop3A_562, %get3A_229 : vector<16xf32>
        %parallel_loop3A_564 = arith.index_cast %parallel_loop3A_268 : i32 to index
        %parallel_loop3A_565 = arith.index_cast %parallel_loop3A_558 : i32 to index
        %parallel_loop3A_566 = tpu.vector_load %arg6[%parallel_loop3A_564, %parallel_loop3A_565] {strides = array<i32>} : memref<16x2048xf32, #tpu.memory_space<vmem>>, vector<1x16xf32>,
        %parallel_loop3A_567 = vector.shape_cast %parallel_loop3A_566 : vector<1x16xf32> to vector<16xf32>
        %parallel_loop3A_568 = vector.shape_cast %parallel_loop3A_563 : vector<16xf32> to vector<1x16xf32>
        tpu.vector_store %arg6[%parallel_loop3A_564, %parallel_loop3A_565], %parallel_loop3A_568 {strides = array<i32>} : memref<16x2048xf32, #tpu.memory_space<vmem>>, vector<1x16xf32>,
        %parallel_loop3A_569 = arith.constant 400 : i32
        %parallel_loop3A_570 = arith.addi %mul3A_105, %parallel_loop3A_569 : i32
        %parallel_loop3A_571 = arith.index_cast %parallel_loop3A_268 : i32 to index
        %parallel_loop3A_572 = arith.index_cast %parallel_loop3A_570 : i32 to index
        %parallel_loop3A_573 = tpu.vector_load %arg6[%parallel_loop3A_571, %parallel_loop3A_572] {strides = array<i32>} : memref<16x2048xf32, #tpu.memory_space<vmem>>, vector<1x16xf32>,
        %parallel_loop3A_574 = vector.shape_cast %parallel_loop3A_573 : vector<1x16xf32> to vector<16xf32>
        %parallel_loop3A_575 = arith.addf %parallel_loop3A_574, %get3A_234 : vector<16xf32>
        %parallel_loop3A_576 = arith.index_cast %parallel_loop3A_268 : i32 to index
        %parallel_loop3A_577 = arith.index_cast %parallel_loop3A_570 : i32 to index
        %parallel_loop3A_578 = tpu.vector_load %arg6[%parallel_loop3A_576, %parallel_loop3A_577] {strides = array<i32>} : memref<16x2048xf32, #tpu.memory_space<vmem>>, vector<1x16xf32>,
        %parallel_loop3A_579 = vector.shape_cast %parallel_loop3A_578 : vector<1x16xf32> to vector<16xf32>
        %parallel_loop3A_580 = vector.shape_cast %parallel_loop3A_575 : vector<16xf32> to vector<1x16xf32>
        tpu.vector_store %arg6[%parallel_loop3A_576, %parallel_loop3A_577], %parallel_loop3A_580 {strides = array<i32>} : memref<16x2048xf32, #tpu.memory_space<vmem>>, vector<1x16xf32>,
        %parallel_loop3A_581 = arith.constant 416 : i32
        %parallel_loop3A_582 = arith.addi %mul3A_105, %parallel_loop3A_581 : i32
        %parallel_loop3A_583 = arith.index_cast %parallel_loop3A_268 : i32 to index
        %parallel_loop3A_584 = arith.index_cast %parallel_loop3A_582 : i32 to index
        %parallel_loop3A_585 = tpu.vector_load %arg6[%parallel_loop3A_583, %parallel_loop3A_584] {strides = array<i32>} : memref<16x2048xf32, #tpu.memory_space<vmem>>, vector<1x16xf32>,
        %parallel_loop3A_586 = vector.shape_cast %parallel_loop3A_585 : vector<1x16xf32> to vector<16xf32>
        %parallel_loop3A_587 = arith.addf %parallel_loop3A_586, %get3A_239 : vector<16xf32>
        %parallel_loop3A_588 = arith.index_cast %parallel_loop3A_268 : i32 to index
        %parallel_loop3A_589 = arith.index_cast %parallel_loop3A_582 : i32 to index
        %parallel_loop3A_590 = tpu.vector_load %arg6[%parallel_loop3A_588, %parallel_loop3A_589] {strides = array<i32>} : memref<16x2048xf32, #tpu.memory_space<vmem>>, vector<1x16xf32>,
        %parallel_loop3A_591 = vector.shape_cast %parallel_loop3A_590 : vector<1x16xf32> to vector<16xf32>
        %parallel_loop3A_592 = vector.shape_cast %parallel_loop3A_587 : vector<16xf32> to vector<1x16xf32>
        tpu.vector_store %arg6[%parallel_loop3A_588, %parallel_loop3A_589], %parallel_loop3A_592 {strides = array<i32>} : memref<16x2048xf32, #tpu.memory_space<vmem>>, vector<1x16xf32>,
        %parallel_loop3A_593 = arith.constant 432 : i32
        %parallel_loop3A_594 = arith.addi %mul3A_105, %parallel_loop3A_593 : i32
        %parallel_loop3A_595 = arith.index_cast %parallel_loop3A_268 : i32 to index
        %parallel_loop3A_596 = arith.index_cast %parallel_loop3A_594 : i32 to index
        %parallel_loop3A_597 = tpu.vector_load %arg6[%parallel_loop3A_595, %parallel_loop3A_596] {strides = array<i32>} : memref<16x2048xf32, #tpu.memory_space<vmem>>, vector<1x16xf32>,
        %parallel_loop3A_598 = vector.shape_cast %parallel_loop3A_597 : vector<1x16xf32> to vector<16xf32>
        %parallel_loop3A_599 = arith.addf %parallel_loop3A_598, %get3A_244 : vector<16xf32>
        %parallel_loop3A_600 = arith.index_cast %parallel_loop3A_268 : i32 to index
        %parallel_loop3A_601 = arith.index_cast %parallel_loop3A_594 : i32 to index
        %parallel_loop3A_602 = tpu.vector_load %arg6[%parallel_loop3A_600, %parallel_loop3A_601] {strides = array<i32>} : memref<16x2048xf32, #tpu.memory_space<vmem>>, vector<1x16xf32>,
        %parallel_loop3A_603 = vector.shape_cast %parallel_loop3A_602 : vector<1x16xf32> to vector<16xf32>
        %parallel_loop3A_604 = vector.shape_cast %parallel_loop3A_599 : vector<16xf32> to vector<1x16xf32>
        tpu.vector_store %arg6[%parallel_loop3A_600, %parallel_loop3A_601], %parallel_loop3A_604 {strides = array<i32>} : memref<16x2048xf32, #tpu.memory_space<vmem>>, vector<1x16xf32>,
        %parallel_loop3A_605 = arith.constant 448 : i32
        %parallel_loop3A_606 = arith.addi %mul3A_105, %parallel_loop3A_605 : i32
        %parallel_loop3A_607 = arith.index_cast %parallel_loop3A_268 : i32 to index
        %parallel_loop3A_608 = arith.index_cast %parallel_loop3A_606 : i32 to index
        %parallel_loop3A_609 = tpu.vector_load %arg6[%parallel_loop3A_607, %parallel_loop3A_608] {strides = array<i32>} : memref<16x2048xf32, #tpu.memory_space<vmem>>, vector<1x16xf32>,
        %parallel_loop3A_610 = vector.shape_cast %parallel_loop3A_609 : vector<1x16xf32> to vector<16xf32>
        %parallel_loop3A_611 = arith.addf %parallel_loop3A_610, %get3A_249 : vector<16xf32>
        %parallel_loop3A_612 = arith.index_cast %parallel_loop3A_268 : i32 to index
        %parallel_loop3A_613 = arith.index_cast %parallel_loop3A_606 : i32 to index
        %parallel_loop3A_614 = tpu.vector_load %arg6[%parallel_loop3A_612, %parallel_loop3A_613] {strides = array<i32>} : memref<16x2048xf32, #tpu.memory_space<vmem>>, vector<1x16xf32>,
        %parallel_loop3A_615 = vector.shape_cast %parallel_loop3A_614 : vector<1x16xf32> to vector<16xf32>
        %parallel_loop3A_616 = vector.shape_cast %parallel_loop3A_611 : vector<16xf32> to vector<1x16xf32>
        tpu.vector_store %arg6[%parallel_loop3A_612, %parallel_loop3A_613], %parallel_loop3A_616 {strides = array<i32>} : memref<16x2048xf32, #tpu.memory_space<vmem>>, vector<1x16xf32>,
        %parallel_loop3A_617 = arith.constant 464 : i32
        %parallel_loop3A_618 = arith.addi %mul3A_105, %parallel_loop3A_617 : i32
        %parallel_loop3A_619 = arith.index_cast %parallel_loop3A_268 : i32 to index
        %parallel_loop3A_620 = arith.index_cast %parallel_loop3A_618 : i32 to index
        %parallel_loop3A_621 = tpu.vector_load %arg6[%parallel_loop3A_619, %parallel_loop3A_620] {strides = array<i32>} : memref<16x2048xf32, #tpu.memory_space<vmem>>, vector<1x16xf32>,
        %parallel_loop3A_622 = vector.shape_cast %parallel_loop3A_621 : vector<1x16xf32> to vector<16xf32>
        %parallel_loop3A_623 = arith.addf %parallel_loop3A_622, %get3A_254 : vector<16xf32>
        %parallel_loop3A_624 = arith.index_cast %parallel_loop3A_268 : i32 to index
        %parallel_loop3A_625 = arith.index_cast %parallel_loop3A_618 : i32 to index
        %parallel_loop3A_626 = tpu.vector_load %arg6[%parallel_loop3A_624, %parallel_loop3A_625] {strides = array<i32>} : memref<16x2048xf32, #tpu.memory_space<vmem>>, vector<1x16xf32>,
        %parallel_loop3A_627 = vector.shape_cast %parallel_loop3A_626 : vector<1x16xf32> to vector<16xf32>
        %parallel_loop3A_628 = vector.shape_cast %parallel_loop3A_623 : vector<16xf32> to vector<1x16xf32>
        tpu.vector_store %arg6[%parallel_loop3A_624, %parallel_loop3A_625], %parallel_loop3A_628 {strides = array<i32>} : memref<16x2048xf32, #tpu.memory_space<vmem>>, vector<1x16xf32>,
        %parallel_loop3A_629 = arith.constant 480 : i32
        %parallel_loop3A_630 = arith.addi %mul3A_105, %parallel_loop3A_629 : i32
        %parallel_loop3A_631 = arith.index_cast %parallel_loop3A_268 : i32 to index
        %parallel_loop3A_632 = arith.index_cast %parallel_loop3A_630 : i32 to index
        %parallel_loop3A_633 = tpu.vector_load %arg6[%parallel_loop3A_631, %parallel_loop3A_632] {strides = array<i32>} : memref<16x2048xf32, #tpu.memory_space<vmem>>, vector<1x16xf32>,
        %parallel_loop3A_634 = vector.shape_cast %parallel_loop3A_633 : vector<1x16xf32> to vector<16xf32>
        %parallel_loop3A_635 = arith.addf %parallel_loop3A_634, %get3A_259 : vector<16xf32>
        %parallel_loop3A_636 = arith.index_cast %parallel_loop3A_268 : i32 to index
        %parallel_loop3A_637 = arith.index_cast %parallel_loop3A_630 : i32 to index
        %parallel_loop3A_638 = tpu.vector_load %arg6[%parallel_loop3A_636, %parallel_loop3A_637] {strides = array<i32>} : memref<16x2048xf32, #tpu.memory_space<vmem>>, vector<1x16xf32>,
        %parallel_loop3A_639 = vector.shape_cast %parallel_loop3A_638 : vector<1x16xf32> to vector<16xf32>
        %parallel_loop3A_640 = vector.shape_cast %parallel_loop3A_635 : vector<16xf32> to vector<1x16xf32>
        tpu.vector_store %arg6[%parallel_loop3A_636, %parallel_loop3A_637], %parallel_loop3A_640 {strides = array<i32>} : memref<16x2048xf32, #tpu.memory_space<vmem>>, vector<1x16xf32>,
        %parallel_loop3A_641 = arith.constant 496 : i32
        %parallel_loop3A_642 = arith.addi %mul3A_105, %parallel_loop3A_641 : i32
        %parallel_loop3A_643 = arith.index_cast %parallel_loop3A_268 : i32 to index
        %parallel_loop3A_644 = arith.index_cast %parallel_loop3A_642 : i32 to index
        %parallel_loop3A_645 = tpu.vector_load %arg6[%parallel_loop3A_643, %parallel_loop3A_644] {strides = array<i32>} : memref<16x2048xf32, #tpu.memory_space<vmem>>, vector<1x16xf32>,
        %parallel_loop3A_646 = vector.shape_cast %parallel_loop3A_645 : vector<1x16xf32> to vector<16xf32>
        %parallel_loop3A_647 = arith.addf %parallel_loop3A_646, %get3A_264 : vector<16xf32>
        %parallel_loop3A_648 = arith.index_cast %parallel_loop3A_268 : i32 to index
        %parallel_loop3A_649 = arith.index_cast %parallel_loop3A_642 : i32 to index
        %parallel_loop3A_650 = tpu.vector_load %arg6[%parallel_loop3A_648, %parallel_loop3A_649] {strides = array<i32>} : memref<16x2048xf32, #tpu.memory_space<vmem>>, vector<1x16xf32>,
        %parallel_loop3A_651 = vector.shape_cast %parallel_loop3A_650 : vector<1x16xf32> to vector<16xf32>
        %parallel_loop3A_652 = vector.shape_cast %parallel_loop3A_647 : vector<16xf32> to vector<1x16xf32>
        tpu.vector_store %arg6[%parallel_loop3A_648, %parallel_loop3A_649], %parallel_loop3A_652 {strides = array<i32>} : memref<16x2048xf32, #tpu.memory_space<vmem>>, vector<1x16xf32>,
      } {sc.loop_unroll_factor = 4 : i64, sc.parallel_access}
      %scan3A_267 = arith.constant 0 : i32
      scf.yield %scan3A_267 : i32
    }
    %scan3A_83 = arith.constant 4 : i32
    %dma_start3A_84 = arith.constant 0 : i32
    %dma_start3A_85 = tpu.memref_slice %arg4[%add3A_10, %dma_start3A_84] : memref<2048x2048xf32, #tpu.memory_space<hbm>> -> memref<16x2048xf32, #tpu.memory_space<hbm>>
    %dma_start3A_86 = arith.constant 0 : i32
    %dma_start3A_87 = tpu.memref_slice %arg4[%add3A_10, %dma_start3A_86] : memref<2048x2048xf32, #tpu.memory_space<hbm>> -> memref<16x2048xf32, #tpu.memory_space<hbm>>
    tpu.enqueue_dma source(%arg6 : memref<16x2048xf32, #tpu.memory_space<vmem>>) target(%dma_start3A_87 : memref<16x2048xf32, #tpu.memory_space<hbm>>) target_semaphore(%arg12 : memref<!tpu.dma_semaphore, #tpu.memory_space<semaphore_mem>>)
    %dma_wait3A_88 = arith.constant 0 : i32
    %dma_wait3A_89 = tpu.memref_slice %arg4[%add3A_6, %dma_wait3A_88] : memref<2048x2048xf32, #tpu.memory_space<hbm>> -> memref<16x2048xf32, #tpu.memory_space<hbm>>
    %dma_wait3A_90 = arith.constant 0 : i32
    %dma_wait3A_91 = tpu.memref_slice %arg4[%add3A_6, %dma_wait3A_90] : memref<2048x2048xf32, #tpu.memory_space<hbm>> -> memref<16x2048xf32, #tpu.memory_space<hbm>>
    tpu.wait_dma2 semaphore(%arg13 : memref<!tpu.dma_semaphore, #tpu.memory_space<semaphore_mem>>) src(%arg7 : memref<16x2048xf32, #tpu.memory_space<vmem>>) dst(%dma_wait3A_91 : memref<16x2048xf32, #tpu.memory_space<hbm>>)
    %dma_wait3A_92 = arith.constant 0 : i32
    %dma_wait3A_93 = tpu.memref_slice %arg4[%add3A_8, %dma_wait3A_92] : memref<2048x2048xf32, #tpu.memory_space<hbm>> -> memref<16x2048xf32, #tpu.memory_space<hbm>>
    %dma_wait3A_94 = arith.constant 0 : i32
    %dma_wait3A_95 = tpu.memref_slice %arg4[%add3A_8, %dma_wait3A_94] : memref<2048x2048xf32, #tpu.memory_space<hbm>> -> memref<16x2048xf32, #tpu.memory_space<hbm>>
    tpu.wait_dma2 semaphore(%arg14 : memref<!tpu.dma_semaphore, #tpu.memory_space<semaphore_mem>>) src(%arg8 : memref<16x2048xf32, #tpu.memory_space<vmem>>) dst(%dma_wait3A_95 : memref<16x2048xf32, #tpu.memory_space<hbm>>)
    %dma_wait3A_96 = arith.constant 0 : i32
    %dma_wait3A_97 = tpu.memref_slice %arg4[%add3A_10, %dma_wait3A_96] : memref<2048x2048xf32, #tpu.memory_space<hbm>> -> memref<16x2048xf32, #tpu.memory_space<hbm>>
    %dma_wait3A_98 = arith.constant 0 : i32
    %dma_wait3A_99 = tpu.memref_slice %arg4[%add3A_10, %dma_wait3A_98] : memref<2048x2048xf32, #tpu.memory_space<hbm>> -> memref<16x2048xf32, #tpu.memory_space<hbm>>
    tpu.wait_dma2 semaphore(%arg12 : memref<!tpu.dma_semaphore, #tpu.memory_space<semaphore_mem>>) src(%arg6 : memref<16x2048xf32, #tpu.memory_space<vmem>>) dst(%dma_wait3A_99 : memref<16x2048xf32, #tpu.memory_space<hbm>>)
    return
  }
}

module attributes {stable_mosaic.version = 14 : i64} {
  func.func @_tc_add_kernel(%arg0: i32, %arg1: memref<1x2048xf32, #tpu.memory_space<vmem>>, %arg2: memref<512x2048xf32, #tpu.memory_space<vmem>>, %arg3: memref<512x2048xf32, #tpu.memory_space<vmem>>) attributes {dimension_semantics = [#tpu.dimension_semantics<arbitrary>], iteration_bounds = array<i64: 4>, scalar_prefetch = 0 : i64, scratch_operands = 0 : i64, tpu.core_type = #tpu.core_type<tc>, window_params = [{pipeline_mode = #tpu.pipeline_mode<synchronous>, transform_indices = @transform_0, window_bounds = array<i64: 1, 2048>}, {transform_indices = @transform_1, window_bounds = array<i64: 512, 2048>}, {transform_indices = @transform_2, window_bounds = array<i64: 512, 2048>}]} {
    %get3A = arith.constant 0 : index
    %get3A_0 = arith.constant 0 : index
    %get3A_1 = vector.load %arg2[%get3A, %get3A_0] : memref<512x2048xf32, #tpu.memory_space<vmem>>, vector<512x2048xf32>
    %get3A_2 = arith.constant 0 : index
    %get3A_3 = arith.constant 0 : index
    %get3A_4 = vector.load %arg1[%get3A_2, %get3A_3] : memref<1x2048xf32, #tpu.memory_space<vmem>>, vector<1x2048xf32>
    %add3A = vector.broadcast %get3A_4 : vector<1x2048xf32> to vector<512x2048xf32>
    %add3A_5 = arith.addf %get3A_1, %add3A : vector<512x2048xf32>
    %swap3A = arith.constant 0 : index
    %swap3A_6 = arith.constant 0 : index
    %swap3A_7 = vector.load %arg3[%swap3A, %swap3A_6] : memref<512x2048xf32, #tpu.memory_space<vmem>>, vector<512x2048xf32>
    tpu.vector_store %arg3[%swap3A, %swap3A_6], %add3A_5 {strides = array<i32>} : memref<512x2048xf32, #tpu.memory_space<vmem>>, vector<512x2048xf32>,
    return
  }
  func.func @transform_0(%arg0: i32) -> (i32, i32) {
    %c0_i32 = arith.constant 0 : i32
    %c0_i32_0 = arith.constant 0 : i32
    %c0_i32_1 = arith.constant 0 : i32
    return %c0_i32, %c0_i32_0 : i32, i32
  }
  func.func @transform_1(%arg0: i32) -> (i32, i32) {
    %c0_i32 = arith.constant 0 : i32
    %c0_i32_0 = arith.constant 0 : i32
    return %arg0, %c0_i32 : i32, i32
  }
  func.func @transform_2(%arg0: i32) -> (i32, i32) {
    %c0_i32 = arith.constant 0 : i32
    %c0_i32_0 = arith.constant 0 : i32
    return %arg0, %c0_i32 : i32, i32
  }
}

</mosaic_0001>

<sc_bundles>
// kernel: kernel.4.cloned.1.call-start
scs
__scs_entry_jumppad:
0x0: {  	(pc) =	sbr.rel $0x88, $3  }
0x1: {  	(tag) =	ssettag $0x0;
	lr =	simm.s32 $0x1  }
0x2: {  	[smem:$0x3F9D] =	sst lr;
	_ =	strace $0xD0000000  }
0x3: {  	_ = 	snop  }
0x4: {  	_ = 	snop  }
0x5: {  	_ = 	snop  }
0x6: {  	_ = 	snop  }
0x7: {  	_ = 	snop  }
__scs_overlays_trampoline_lowered:
0x8: {  	[smem:$0x3FAC] =	sst s0  }
0x9: {  	[smem:$0x3FAD] =	sst s1  }
0xa: {  	[smem:$0x3FAE] =	sst s2  }
0xb: {  	[smem:$0x3FAF] =	sst s3  }
0xc: {  	[smem:$0x3FB0] =	sst s4  }
0xd: {  	[smem:$0x3FB1] =	sst s5  }
0xe: {  	[smem:$0x3FB2] =	sst s6  }
0xf: {  	[smem:$0x3FB3] =	sst s7  }
0x10: {  	[smem:$0x3FB4] =	sst s8  }
0x11: {  	[smem:$0x3FB5] =	sst s9;
	s0 =	simm.s32 @!p0 $0x0  }
0x12: {  	s1 =	sld [smem:$0x3F9B];
	s0 =	simm.s32 @p0 $0x1  }
0x13: {  	[smem:$0x3FB6] =	sst s0;
	s0 =	simm.s32 @!p1 $0x0  }
0x14: {  	s2 =	sld [smem:$0x3F9A];
	s0 =	simm.s32 @p1 $0x1  }
0x15: {  	[smem:$0x3FB7] =	sst s0;
	s0 =	simm.s32 @!p2 $0x0  }
0x16: {  	s3 =	sld [smem:$0x3FDB];
	s0 =	simm.s32 @p2 $0x1  }
0x17: {  	s4 =	simm.s32 $0x1BF5;
	[smem:$0x3FB9] =	sst s0  }
0x18: {  	s0 =	sld [smem:$0x3F9C];
	_ =	swait.ge [sflag:s4], $0x0  }
0x19: {  	s7 =	sld [smem:$0x3F9D]  }
0x1a: {  	s8 =	sadd.s32 $0xFFFFE003, lr  }
0x1b: {  	s9 =	sadd.s32 $0xFFFFFEF7, lr;
	s5 =	simm.s32 $0xFFFFFFFF;
	p2 =	slt.u32 s8, $0xFFFFF086  }
0x1c: {  	p1 =	slt.u32 s9, $0xF7A;
	s5 =	simm.s32 @!p2 $0x0  }
0x1d: {  	s5 =	simm.s32 @p1 $0x1;
	p0 =	seq.s32 s7, s2  }
0x1e: {  	s7 =	smul.u32 @!p0 $0xF7A, s2;
	p2 =	seq.s32 @!p0 s5, $0x0  }
0x1f: {  	s9 =	smul.u32 $0xF7A, s1;
	s8 =	simm.s32 @!p0 $0x1BF5;
	p2 =	por !p2, p0  }
0x20: {  	[sflag:s8] =	ssyncset.s32 @!p0 $0xFFFFF086;
	s6 =	sadd.s32 @!p0 s3, s7;
	s7 =	simm.s32 @!p0 $0x108  }
0x21: {  	s3 =	sadd.s32 s3, s9;
	s6 =	sadd.s32 @!p0 $0x88, s6;
	s7 =	simm.s32 @p2 $0x1082  }
0x22: {  	[simem:s7], [sflag:s8] =	dma.local @!p0 [hbm:s6], $0xF7A  }
0x23: {  	s9 =	sor.u32 $0xD0000000, s2;
	s6 =	simm.s32 $0x108;
	_ =	swait.ge @!p0 [sflag:s8], $0x0  }
0x24: {  	s3 =	sadd.s32 $0x88, s3;
	s6 =	simm.s32 @!p1 $0x1082;
	[sflag:s4] =	ssyncset.s32 $0xFFFFF086  }
0x25: {  	[simem:s6], [sflag:s4] =	dma.local [hbm:s3], $0xF7A  }
0x26: {  	[smem:$0x3F9D] =	sst s1;
	(tag) =	ssettag s2;
	_ =	strace s9  }
0x27: {  	s1 =	sld [smem:$0x3FAD]  }
0x28: {  	s2 =	sld [smem:$0x3FAE]  }
0x29: {  	s4 =	sld [smem:$0x3FB0]  }
0x2a: {  	p0 =	seq.s32 s5, $0x0;
	s5 =	sld [smem:$0x3FB1]  }
0x2b: {  	s6 =	sld [smem:$0x3FB2]  }
0x2c: {  	s7 =	sld [smem:$0x3FB3]  }
0x2d: {  	s3 =	simm.s32 $0x108;
	s8 =	sld [smem:$0x3FB4]  }
0x2e: {  	s3 =	simm.s32 @!p0 $0x1082;
	s9 =	sld [smem:$0x3FB5]  }
0x2f: {  	lr =	sadd.s32 s0, s3;
	s0 =	sld [smem:$0x3FAC]  }
0x30: {  	s3 =	sld [smem:$0x3FAF]  }
0x31: {  	[smem:$0x3FB8] =	sst s10  }
0x32: {  	s10 =	sld [smem:$0x3FB6];
	_ =	sdelay $0x3  }
0x33: {  	p0 =	seq.s32 s10, $0x1;
	s10 =	sld [smem:$0x3FB8];
	_ =	sdelay $0x3  }
0x34: {  	[smem:$0x3FB8] =	sst s10  }
0x35: {  	s10 =	sld [smem:$0x3FB7];
	_ =	sdelay $0x3  }
0x36: {  	p1 =	seq.s32 s10, $0x1;
	s10 =	sld [smem:$0x3FB8];
	_ =	sdelay $0x3  }
0x37: {  	[smem:$0x3FB8] =	sst s10  }
0x38: {  	s10 =	sld [smem:$0x3FB9]  }
0x39: {  	_ = 	snop;
	(pc) =	sbr.ind lr, $3  }
0x3a: {  	_ = 	snop  }
0x3b: {  	_ = 	snop  }
0x3c: {  	p2 =	seq.s32 s10, $0x1;
	s10 =	sld [smem:$0x3FB8]  }
0x3d: {  	_ =	shalt  }
0x3e: {  	_ =	shalt  }
0x3f: {  	_ =	shalt  }
0x40: {  	_ =	shalt  }
0x41: {  	_ =	shalt  }
0x42: {  	_ =	shalt  }
0x43: {  	_ =	shalt  }
0x44: {  	_ =	shalt  }
0x45: {  	_ =	shalt  }
0x46: {  	_ =	shalt  }
0x47: {  	_ =	shalt  }
0x48: {  	_ =	shalt  }
0x49: {  	_ =	shalt  }
0x4a: {  	_ =	shalt  }
0x4b: {  	_ =	shalt  }
0x4c: {  	_ =	shalt  }
0x4d: {  	_ =	shalt  }
0x4e: {  	_ =	shalt  }
0x4f: {  	_ =	shalt  }
0x50: {  	_ =	shalt  }
0x51: {  	_ =	shalt  }
0x52: {  	_ =	shalt  }
0x53: {  	_ =	shalt  }
0x54: {  	_ =	shalt  }
0x55: {  	_ =	shalt  }
0x56: {  	_ =	shalt  }
0x57: {  	_ =	shalt  }
0x58: {  	_ =	shalt  }
0x59: {  	_ =	shalt  }
0x5a: {  	_ =	shalt  }
0x5b: {  	_ =	shalt  }
0x5c: {  	_ =	shalt  }
0x5d: {  	_ =	shalt  }
0x5e: {  	_ =	shalt  }
0x5f: {  	_ =	shalt  }
0x60: {  	_ =	shalt  }
0x61: {  	_ =	shalt  }
0x62: {  	_ =	shalt  }
0x63: {  	_ =	shalt  }
0x64: {  	_ =	shalt  }
0x65: {  	_ =	shalt  }
0x66: {  	_ =	shalt  }
0x67: {  	_ =	shalt  }
0x68: {  	_ =	shalt  }
0x69: {  	_ =	shalt  }
0x6a: {  	_ =	shalt  }
0x6b: {  	_ =	shalt  }
0x6c: {  	_ =	shalt  }
0x6d: {  	_ =	shalt  }
0x6e: {  	_ =	shalt  }
0x6f: {  	_ =	shalt  }
0x70: {  	_ =	shalt  }
0x71: {  	_ =	shalt  }
0x72: {  	_ =	shalt  }
0x73: {  	_ =	shalt  }
0x74: {  	_ =	shalt  }
0x75: {  	_ =	shalt  }
0x76: {  	_ =	shalt  }
0x77: {  	_ =	shalt  }
0x78: {  	_ =	shalt  }
0x79: {  	_ =	shalt  }
0x7a: {  	_ =	shalt  }
0x7b: {  	_ =	shalt  }
0x7c: {  	_ =	shalt  }
0x7d: {  	_ =	shalt  }
0x7e: {  	_ =	shalt  }
0x7f: {  	_ =	shalt  }
0x80: {  	_ =	shalt  }
0x81: {  	_ =	shalt  }
0x82: {  	_ =	shalt  }
0x83: {  	_ =	shalt  }
0x84: {  	_ =	shalt  }
0x85: {  	_ =	shalt  }
0x86: {  	_ =	shalt  }
0x87: {  	_ =	shalt  }
.Lfunc_end0:
.L_simem_size_0:
called_computation_lowered:
.L_overlay_start_0:
0x88: {  	s2 =	sld [smem:$0x3FD9]  }
0x89: {  	s3 =	sld [smem:$0x3FFE];
	_ =	sdelay $0x1  }
0x8a: {  	s1 =	srdreg.scid  }
0x8b: {  	s0 =	sand.u32 $0x1, s1  }
0x8c: {  	s15 =	sshll.u32 s0, $0xA;
	s2 =	sadd.s32 s3, s2  }
0x8d: {  	s2 =	sadd.s32 s2, s15  }
0x8e: {  	[smem:$0x3FC4] =	sst s2  }
0x8f: {  	_ = 	snop  }
0x90: {  	s2 =	sld [smem:$0x3FD0];
	_ =	sdelay $0x1  }
0x91: {  	s16 =	sld [smem:$0x3FC8]  }
0x92: {  	s5 =	simm.s32 $0xA;
	s6 =	simm.s32 $0x10;
	s4 =	sld [smem:$0x3FC6]  }
0x93: {  	[smem:s6], [sflag:s5] =	dma.local [hbm:s2], $0x1  }
0x94: {  	_ =	swait.eq [sflag:s5], $0x1  }
0x95: {  	[sflag:s5] =	ssyncset.done $0x0  }
0x96: {  	[sflag:s5] =	ssyncadd.s32 $0xFFFFFFFF  }
0x97: {  	s17 =	sld [smem:$0x11];
	(tm) =	ssettm $0x1  }
0x98: {  	s18 =	sld [smem:$0x3FFB];
	_ =	sdelay $0x3  }
0x99: {  	_ =	strace s18  }
0x9a: {  	s5 =	sld [smem:$0x3FFC];
	_ =	sdelay $0x3  }
0x9b: {  	_ =	strace s5  }
0x9c: {  	s5 =	sld [smem:$0x3FFD];
	_ =	sdelay $0x3  }
0x9d: {  	_ =	strace s5  }
0x9e: {  	_ =	strace $0x8FFFFFFF  }
0x9f: {  	s19 =	sld [smem:$0x3FDB];
	_ =	sdelay $0x1  }
0xa0: {  	s20 =	simm.s32 $_scs_section_size  }
0xa1: {  	s7 =	simm.s32 $_size__tile_overlayer_lowered;
	s8 =	simm.s32 $_tile_overlayer_lowered  }
0xa2: {  	s23 =	simm.s32 $0x1BFF;
	s22 =	sshll.u32 s8, $0x1;
	s5 =	sadd.s32 s20, s19  }
0xa3: {  	s9 =	simm.s32 $0x0;
	s21 =	sshll.u32 s7, $0x1;
	s7 =	sadd.s32 s22, s5  }
0xa4: {  	[timem:s9], [sflag:s23] =	dma.local [hbm:s7], s21  }
0xa5: {  	_ =	swait.ge [sflag:s23], s21  }
0xa6: {  	s6 =	ssub.s32 $0x0, s21;
	[sflag:s23] =	ssyncset.done $0x0  }
0xa7: {  	[sflag:s23] =	ssyncadd.s32 s6;
	_ =	sdelay $0x1  }
0xa8: {  	s24 =	simm.s32 $0x1B8B  }
0xa9: {  	_ =	swait.ge [sflag:s24], $0x1  }
0xaa: {  	[sflag:s24] =	ssyncset.done $0x0  }
0xab: {  	s25 =	simm.s32 $0x1B8E;
	[sflag:s24] =	ssyncadd.s32 $0xFFFFFFFF  }
0xac: {  	s26 =	simm.s32 $execute0_lowered;
	[smem:$0x3FD2] =	sst s25  }
0xad: {  	s6 =	sshll.u32 s26, $0x1;
	_ =	strace $0x80000046;
	[dreg:$0x1] =	wrdreg $0xFFFFFFFF  }
0xae: {  	s28 =	simm.s32 $_size_execute0_lowered;
	s5 =	sadd.s32 s5, s6;
	[dreg:$0x0] =	wrdreg $0x0  }
0xaf: {  	s6 =	sshll.u32 s28, $0x1;
	[dreg:$0x2] =	wrdreg s5  }
0xb0: {  	[dreg:$0x3] =	wrdreg s6  }
0xb1: {  	[dreg:$0x4] =	wrdreg $0xC0  }
0xb2: {  	_ =	task [dreg:s9], $0x5FFFF  }
0xb3: {  	[dreg:$0x1] =	wrdreg $0xFFFFFFFF  }
0xb4: {  	[dreg:$0x0] =	wrdreg $0x60  }
0xb5: {  	[dreg:$0x2] =	wrdreg s16  }
0xb6: {  	[dreg:$0x3] =	wrdreg s4  }
0xb7: {  	[dreg:$0x4] =	wrdreg s17  }
0xb8: {  	[dreg:$0x5] =	wrdreg $0x9  }
0xb9: {  	_ =	task.clear_ibuf [dreg:s9], $0x6FFFF;
	_ =	strace $0x90000046  }
0xba: {  	s29 =	simm.s32 $0x9;
	_ =	strace $0x80000048  }
0xbb: {  	_ =	swait.ge [sflag:s29], $0x1  }
0xbc: {  	[sflag:s29] =	ssyncadd.s32 $0xFFFFFFFF  }
0xbd: {  	_ =	strace $0x90000048  }
0xbe: {  	_ =	sfence  }
0xbf: {  	s30 =	sld [smem:$0x0];
	_ =	sdelay $0x2  }
0xc0: {  	s31 =	sshll.u32 s1, $0xD;
	s1 =	sshrl.u32 s1, $0x2  }
0xc1: {  	s3 =	sand.u32 $0x4000, s31;
	s1 =	sadd.s32 s1, s30  }
0xc2: {  	s0 =	sor.u32 s3, s0;
	s1 =	sshll.u32 s1, $0x11  }
0xc3: {  	s0 =	sor.u32 s1, s0  }
0xc4: {  	s0 =	sadd.s32 $0x8F2B, s0  }
0xc5: {  	[sflag:s0] =	ssyncadd.remote.s32 $0x1  }
0xc6: {  	_ =	sfence.sel $0xFFFF  }
0xc7: {  	[dreg:$0x0] =	wrdreg $0xFFFFFFFF;
	(pc) =	sbr.abs _section_cstart, $3  }
0xc8: {  	[dreg:$0x1] =	wrdreg $0xFFFFFFFF  }
0xc9: {  	_ =	task.clear_ibuf [dreg:s9], $0x2FFFF;
	_ =	strace $0x9FFFFFFF  }
0xca: {  	(tm) =	ssettm $0x7FFFFFFF  }
0xcb: {  	_ =	shalt  }
tec
execute0_lowered:
.L_overlay_start_1:
0x0: {  	(tag) =	ssettag $0x1  }
0x1: {  	s0 =	rddreg [dreg:$0x1];
	s3 =	simm.s32 $0x0;
	s2 =	srdreg.scid  }
0x2: {  	s5 =	stileid.u32;
	[smem:$0x7FF] =	sst s3;
	s2 =	sand.u32 $0x1, s2  }
0x3: {  	s5 =	sshll.u32 s5, $0xF;
	s4 =	ssub.s32 $0x2, s2;
	s2 =	sshll.u32 s2, $0xE  }
0x4: {  	s1 =	rddreg [dreg:$0x2];
	_ =	strace $0x80000047;
	s2 =	sor.u32 s2, s5  }
0x5: {  	s5 =	sadd.s32 s0, s2;
	s24 =	sor.u32 $0x1000, s2;
	s26 =	sor.u32 $0x2000, s2  }
0x6: {  	s7 =	sor.u32 $0x3000, s2;
	s2 =	sadd.s32 s1, s2;
	[dreg:$0x8] =	wrdreg s5  }
0x7: {  	s25 =	sadd.s32 s0, s24;
	[dreg:$0xb] =	wrdreg s2  }
0x8: {  	s8 =	sadd.s32 s0, s26;
	[dreg:$0x9] =	wrdreg s25  }
0x9: {  	s0 =	sadd.s32 s0, s7;
	[dreg:$0xa] =	wrdreg s8  }
0xa: {  	s13 =	simm.s32 $0x800;
	s28 =	sadd.s32 s1, s24;
	[dreg:$0xc] =	wrdreg s0  }
0xb: {  	s6 =	sshrl.u32 s4, $0x1;
	s29 =	sadd.s32 s1, s26;
	[dreg:$0xd] =	wrdreg s28  }
0xc: {  	s4 =	ssub.s32 s4, s6;
	s30 =	sadd.s32 s1, s7;
	[dreg:$0xe] =	wrdreg s29  }
0xd: {  	s17 =	simm.s32 $0x1;
	s31 =	smax.u32 s4, $0x1;
	[dreg:$0xf] =	wrdreg s30  }
0xe: {  	s18 =	simm.s32 $0x4;
	s23 =	simm.s32 $0x0;
	[dreg:$0x10] =	wrdreg s31  }
.LBB2_1:
0xf: {  	s0 =	rddreg [dreg:$0x8]  }
0x10: {  	[tilespmem:s13], [sflag:$0x1] =	stream.linear.gather [hbm4b:s0+s3], $0x8000, $0x38;
	[tilespmem:$0x18800] =	vst v63  }
0x11: {  	s26 =	rddreg [dreg:$0x9];
	s1 =	simm.s32 $0x8800  }
0x12: {  	[tilespmem:s1], [sflag:$0x2] =	stream.linear.gather [hbm4b:s26+s3], $0x8000, $0x38;
	[tilespmem:$0x18800] =	vst v63  }
0x13: {  	s28 =	rddreg [dreg:$0x0];
	s29 =	simm.s32 $0x7  }
0x14: {  	[tilespmem:s3], [sflag:$0x7] =	stream.linear.gather [hbm4b:s28+s3], $0x800, $0x38;
	[tilespmem:$0x18800] =	vst v63  }
0x15: {  	_ =	swait.ge [sflag:s29], $0x800  }
0x16: {  	[sflag:s29] =	ssyncset.done $0x0  }
0x17: {  	s31 =	simm.s32 $0x10800;
	s30 =	rddreg [dreg:$0xa];
	[sflag:s29] =	ssyncadd.s32 $0xFFFFF800  }
0x18: {  	[tilespmem:s31], [sflag:$0x3] =	stream.linear.gather [hbm4b:s30+s3], $0x8000, $0x38;
	[tilespmem:$0x18800] =	vst v63  }
0x19: {  	_ =	swait.ge [sflag:s17], $0x8000  }
0x1a: {  	[sflag:s17] =	ssyncset.done $0x0  }
0x1b: {  	s24 =	simm.s32 $0x0;
	[sflag:s17] =	ssyncadd.s32 $0xFFFF8000  }
.LBB2_2:
0x1c: {  	s0 =	sshll.u32 s24, $0x9  }
0x1d: {  	s0 =	sand.u32 $0x3FFFFE00, s0  }
0x1e: {  	v0 =	vld [tilespmem:s0+$0x0]  }
0x1f: {  	v1 =	vld [tilespmem:s0+$0x10]  }
0x20: {  	v2 =	vld [tilespmem:s0+$0x20]  }
0x21: {  	v3 =	vld [tilespmem:s0+$0x30]  }
0x22: {  	s1 =	sshll.u32 s24, $0x2;
	v4 =	vld [tilespmem:s0+$0x40]  }
0x23: {  	s6 =	sor.u32 $0x1, s1;
	v5 =	vld [tilespmem:s0+$0x50]  }
0x24: {  	v6 =	vld [tilespmem:s0+$0x60];
	s2 =	sshll.u32 s6, $0x7  }
0x25: {  	v7 =	vld [tilespmem:s0+$0x70];
	s12 =	sand.u32 $0x3FFFFE80, s2  }
0x26: {  	v8 =	vld [tilespmem:s12+$0x0]  }
0x27: {  	v9 =	vld [tilespmem:s12+$0x10]  }
0x28: {  	v10 =	vld [tilespmem:s12+$0x20]  }
0x29: {  	v11 =	vld [tilespmem:s12+$0x30]  }
0x2a: {  	v12 =	vld [tilespmem:s12+$0x40]  }
0x2b: {  	s4 =	sor.u32 $0x2, s1;
	v13 =	vld [tilespmem:s12+$0x50]  }
0x2c: {  	s1 =	sshll.u32 s4, $0x7;
	v14 =	vld [tilespmem:s12+$0x60]  }
0x2d: {  	s14 =	sand.u32 $0x3FFFFF00, s1;
	v15 =	vld [tilespmem:s12+$0x70]  }
0x2e: {  	v20 =	vld [tilespmem:s14+$0x0]  }
0x2f: {  	v23 =	vld [tilespmem:s14+$0x10]  }
0x30: {  	v25 =	vld [tilespmem:s14+$0x20]  }
0x31: {  	v26 =	vld [tilespmem:s14+$0x30]  }
0x32: {  	v27 =	vld [tilespmem:s14+$0x40]  }
0x33: {  	s15 =	sshllo.u32 s24, $0x2;
	v28 =	vld [tilespmem:s14+$0x50]  }
0x34: {  	s16 =	sshll.u32 s15, $0x7;
	v29 =	vld [tilespmem:s14+$0x60]  }
0x35: {  	s1 =	sand.u32 $0x3FFFFF80, s16;
	v30 =	vld [tilespmem:s14+$0x70]  }
0x36: {  	v21 =	vld [tilespmem:s1+$0x0]  }
0x37: {  	s19 =	sshll.u32 s24, $0xE;
	v17 =	vld [tilespmem:s1+$0x10]  }
0x38: {  	s25 =	simm.s32 $0x0;
	s0 =	sshrl.u32 s19, $0x2;
	v16 =	vld [tilespmem:s1+$0x20]  }
0x39: {  	s5 =	sand.u32 $0x4000, s25;
	[dreg:$0x4] =	wrdreg s0;
	v18 =	vld [tilespmem:s1+$0x30]  }
0x3a: {  	s5 =	sor.u32 $0x800, s5;
	s0 =	sand.u32 $0x200, s25;
	s7 =	rddreg [dreg:$0x4];
	v19 =	vld [tilespmem:s1+$0x40]  }
0x3b: {  	v22 =	vld [tilespmem:s1+$0x50];
	s9 =	sor.u32 $0x180, s0;
	s10 =	sadd.s32 s7, s5  }
0x3c: {  	v24 =	vld [tilespmem:s1+$0x60];
	s7 =	sadd.s32 s9, s10  }
0x3d: {  	v31 =	vld [tilespmem:s7+$0x0]  }
0x3e: {  	v32 =	vld [tilespmem:s7+$0x10]  }
0x3f: {  	v33 =	vld [tilespmem:s7+$0x20]  }
0x40: {  	v34 =	vld [tilespmem:s7+$0x30]  }
0x41: {  	v35 =	vld [tilespmem:s7+$0x40]  }
0x42: {  	v37 =	vld [tilespmem:s7+$0x50]  }
0x43: {  	s12 =	sadd.s32 s0, s10;
	v38 =	vld [tilespmem:s7+$0x60]  }
0x44: {  	v43 =	vld [tilespmem:s12+$0x0];
	v36 =	vadd.f32 v31, v0  }
0x45: {  	v46 =	vld [tilespmem:s12+$0x20];
	v32 =	vadd.f32 v32, v1  }
0x46: {  	v31 =	vld [tilespmem:s1+$0x70];
	v33 =	vadd.f32 v33, v2;
	[tilespmem:s7+$0x0] =	vst v36  }
0x47: {  	v47 =	vld [tilespmem:s12+$0x30];
	v39 =	vadd.f32 v34, v3;
	[tilespmem:s7+$0x10] =	vst v32  }
0x48: {  	v57 =	vld [tilespmem:s12+$0x60];
	v41 =	vadd.f32 v35, v4;
	[tilespmem:s7+$0x20] =	vst v33  }
0x49: {  	v58 =	vld [tilespmem:s12+$0x70];
	v42 =	vadd.f32 v37, v5;
	[tilespmem:s7+$0x30] =	vst v39  }
0x4a: {  	v40 =	vld [tilespmem:s7+$0x70];
	v48 =	vadd.f32 v43, v0;
	[tilespmem:s7+$0x40] =	vst v41  }
0x4b: {  	v44 =	vld [tilespmem:s12+$0x10];
	v50 =	vadd.f32 v46, v2;
	s1 =	sor.u32 $0x80, s0;
	[tilespmem:s7+$0x50] =	vst v42  }
0x4c: {  	v56 =	vld [tilespmem:s12+$0x50];
	v45 =	vadd.f32 v38, v6;
	v38 =	vadd.f32 v47, v3;
	s11 =	sadd.s32 s1, s10;
	[tilespmem:s12+$0x0] =	vst v48  }
0x4d: {  	s20 =	sshll.u32 s6, $0xC;
	v63 =	vadd.f32 v57, v6;
	[tilespmem:s12+$0x20] =	vst v50;
	v59 =	vld [tilespmem:s11+$0x0]  }
0x4e: {  	s26 =	sshrl.u32 s20, $0x2;
	s14 =	sor.u32 $0x100, s0;
	v43 =	vadd.f32 v58, v7;
	[tilespmem:s12+$0x30] =	vst v38;
	v47 =	vld [tilespmem:s11+$0x30]  }
0x4f: {  	s8 =	sadd.s32 s26, s5;
	s10 =	sadd.s32 s14, s10;
	[tilespmem:s12+$0x60] =	vst v63;
	v50 =	vld [tilespmem:s11+$0x60]  }
0x50: {  	s21 =	sadd.s32 s9, s8;
	v34 =	vadd.f32 v40, v7;
	[tilespmem:s12+$0x70] =	vst v43;
	v63 =	vld [tilespmem:s10+$0x60]  }
0x51: {  	v33 =	vadd.f32 v44, v1;
	v32 =	vld [tilespmem:s21+$0x10];
	[tilespmem:s7+$0x60] =	vst v45  }
0x52: {  	v36 =	vld [tilespmem:s21+$0x20];
	[tilespmem:s7+$0x70] =	vst v34;
	v34 =	vadd.f32 v56, v5  }
0x53: {  	v55 =	vld [tilespmem:s12+$0x40];
	[tilespmem:s12+$0x10] =	vst v33;
	v45 =	vadd.f32 v59, v0  }
0x54: {  	v49 =	vld [tilespmem:s21+$0x30];
	[tilespmem:s12+$0x50] =	vst v34;
	v34 =	vadd.f32 v47, v3  }
0x55: {  	v39 =	vld [tilespmem:s21+$0x40];
	v56 =	vadd.f32 v50, v6;
	[tilespmem:s11+$0x0] =	vst v45  }
0x56: {  	v51 =	vld [tilespmem:s21+$0x50];
	v50 =	vadd.f32 v63, v6;
	[tilespmem:s11+$0x30] =	vst v34  }
0x57: {  	v52 =	vld [tilespmem:s21+$0x60];
	v32 =	vadd.f32 v32, v9;
	[tilespmem:s11+$0x60] =	vst v56  }
0x58: {  	v54 =	vld [tilespmem:s21+$0x70];
	v53 =	vadd.f32 v36, v10;
	[tilespmem:s10+$0x60] =	vst v50  }
0x59: {  	v60 =	vld [tilespmem:s11+$0x10];
	[tilespmem:s21+$0x10] =	vst v32;
	v35 =	vadd.f32 v49, v11  }
0x5a: {  	v61 =	vld [tilespmem:s11+$0x20];
	v39 =	vadd.f32 v39, v12;
	[tilespmem:s21+$0x20] =	vst v53  }
0x5b: {  	v48 =	vld [tilespmem:s11+$0x40];
	v37 =	vadd.f32 v51, v13;
	[tilespmem:s21+$0x30] =	vst v35  }
0x5c: {  	v57 =	vld [tilespmem:s10+$0x30];
	v33 =	vadd.f32 v52, v14;
	[tilespmem:s21+$0x40] =	vst v39  }
0x5d: {  	v36 =	vadd.f32 v54, v15;
	v49 =	vld [tilespmem:s11+$0x50];
	[tilespmem:s21+$0x50] =	vst v37  }
0x5e: {  	s4 =	sshll.u32 s4, $0xC;
	v32 =	vadd.f32 v55, v4;
	v51 =	vld [tilespmem:s11+$0x70];
	[tilespmem:s21+$0x60] =	vst v33  }
0x5f: {  	s28 =	sshrl.u32 s4, $0x2;
	v52 =	vld [tilespmem:s10+$0x0];
	[tilespmem:s21+$0x70] =	vst v36;
	v33 =	vadd.f32 v60, v1  }
0x60: {  	s22 =	sadd.s32 s28, s5;
	v55 =	vld [tilespmem:s10+$0x20];
	[tilespmem:s12+$0x40] =	vst v32;
	v36 =	vadd.f32 v61, v2  }
0x61: {  	s4 =	sadd.s32 s9, s22;
	v32 =	vadd.f32 v48, v4;
	v61 =	vld [tilespmem:s10+$0x50];
	[tilespmem:s11+$0x10] =	vst v33  }
0x62: {  	v62 =	vld [tilespmem:s4+$0x40];
	[tilespmem:s11+$0x20] =	vst v36;
	v33 =	vadd.f32 v49, v5  }
0x63: {  	v42 =	vld [tilespmem:s4+$0x50];
	[tilespmem:s11+$0x40] =	vst v32;
	v58 =	vadd.f32 v51, v7  }
0x64: {  	v44 =	vld [tilespmem:s4+$0x60];
	v60 =	vadd.f32 v52, v0;
	[tilespmem:s11+$0x50] =	vst v33  }
0x65: {  	v46 =	vld [tilespmem:s4+$0x70];
	v43 =	vadd.f32 v55, v2;
	[tilespmem:s11+$0x70] =	vst v58  }
0x66: {  	v53 =	vld [tilespmem:s10+$0x10];
	[tilespmem:s10+$0x0] =	vst v60;
	v48 =	vadd.f32 v61, v5  }
0x67: {  	s2 =	sshll.u32 s15, $0xC;
	s15 =	sadd.s32 s0, s8;
	v59 =	vld [tilespmem:s10+$0x40];
	[tilespmem:s10+$0x20] =	vst v43;
	v38 =	vadd.f32 v62, v27  }
0x68: {  	v45 =	vld [tilespmem:s15+$0x10];
	v35 =	vadd.f32 v42, v28;
	[tilespmem:s10+$0x50] =	vst v48  }
0x69: {  	v47 =	vld [tilespmem:s15+$0x20];
	v39 =	vadd.f32 v44, v29;
	[tilespmem:s4+$0x40] =	vst v38  }
0x6a: {  	v49 =	vld [tilespmem:s15+$0x30];
	v37 =	vadd.f32 v46, v30;
	[tilespmem:s4+$0x50] =	vst v35  }
0x6b: {  	v51 =	vld [tilespmem:s15+$0x40];
	v62 =	vadd.f32 v53, v1;
	[tilespmem:s4+$0x60] =	vst v39  }
0x6c: {  	v52 =	vld [tilespmem:s15+$0x50];
	v46 =	vadd.f32 v59, v4;
	[tilespmem:s4+$0x70] =	vst v37  }
0x6d: {  	v42 =	vld [tilespmem:s10+$0x70];
	v32 =	vadd.f32 v45, v9;
	[tilespmem:s10+$0x10] =	vst v62  }
0x6e: {  	v44 =	vld [tilespmem:s15+$0x0];
	v55 =	vadd.f32 v47, v10;
	[tilespmem:s10+$0x40] =	vst v46  }
0x6f: {  	s16 =	sadd.s32 s1, s8;
	v53 =	vld [tilespmem:s15+$0x60];
	v38 =	vadd.f32 v57, v3;
	[tilespmem:s15+$0x10] =	vst v32  }
0x70: {  	v56 =	vld [tilespmem:s16+$0x0];
	v57 =	vadd.f32 v49, v11;
	[tilespmem:s15+$0x20] =	vst v55  }
0x71: {  	s29 =	sshrl.u32 s2, $0x2;
	v58 =	vld [tilespmem:s16+$0x10];
	v59 =	vadd.f32 v51, v12;
	[tilespmem:s10+$0x30] =	vst v38  }
0x72: {  	s5 =	sadd.s32 s29, s5;
	v60 =	vld [tilespmem:s16+$0x20];
	v61 =	vadd.f32 v52, v13;
	[tilespmem:s15+$0x30] =	vst v57  }
0x73: {  	s30 =	sadd.s32 s9, s5;
	v63 =	vld [tilespmem:s16+$0x40];
	[tilespmem:s15+$0x40] =	vst v59;
	v36 =	vadd.f32 v42, v7  }
0x74: {  	v54 =	vld [tilespmem:s30+$0x70];
	[tilespmem:s15+$0x50] =	vst v61;
	v34 =	vadd.f32 v44, v8  }
0x75: {  	v45 =	vld [tilespmem:s16+$0x60];
	v33 =	vadd.f32 v53, v14;
	[tilespmem:s10+$0x70] =	vst v36  }
0x76: {  	v47 =	vld [tilespmem:s16+$0x70];
	v44 =	vadd.f32 v56, v8;
	[tilespmem:s15+$0x0] =	vst v34  }
0x77: {  	v62 =	vld [tilespmem:s16+$0x30];
	v46 =	vadd.f32 v58, v9;
	[tilespmem:s15+$0x60] =	vst v33  }
0x78: {  	v48 =	vadd.f32 v60, v10;
	[tilespmem:s16+$0x0] =	vst v44  }
0x79: {  	v52 =	vadd.f32 v63, v12;
	[tilespmem:s16+$0x10] =	vst v46;
	v41 =	vadd.f32 v54, v31;
	v54 =	vld [tilespmem:s15+$0x70]  }
0x7a: {  	s8 =	sadd.s32 s14, s8;
	v43 =	vld [tilespmem:s16+$0x50];
	v56 =	vadd.f32 v45, v14;
	[tilespmem:s16+$0x20] =	vst v48  }
0x7b: {  	v58 =	vadd.f32 v47, v15;
	[tilespmem:s16+$0x40] =	vst v52;
	v49 =	vld [tilespmem:s8+$0x0]  }
0x7c: {  	v50 =	vadd.f32 v62, v11;
	[tilespmem:s16+$0x60] =	vst v56;
	v51 =	vld [tilespmem:s8+$0x10]  }
0x7d: {  	[tilespmem:s16+$0x70] =	vst v58;
	v53 =	vld [tilespmem:s8+$0x20]  }
0x7e: {  	v55 =	vld [tilespmem:s8+$0x30];
	[tilespmem:s16+$0x30] =	vst v50;
	v42 =	vadd.f32 v54, v15  }
0x7f: {  	v57 =	vld [tilespmem:s8+$0x40];
	[tilespmem:s30+$0x70] =	vst v41;
	v54 =	vadd.f32 v43, v13  }
0x80: {  	v59 =	vld [tilespmem:s8+$0x50];
	v60 =	vadd.f32 v49, v8;
	[tilespmem:s15+$0x70] =	vst v42  }
0x81: {  	v61 =	vld [tilespmem:s8+$0x60];
	v62 =	vadd.f32 v51, v9;
	[tilespmem:s16+$0x50] =	vst v54  }
0x82: {  	v63 =	vld [tilespmem:s8+$0x70];
	v41 =	vadd.f32 v53, v10;
	[tilespmem:s8+$0x0] =	vst v60  }
0x83: {  	s19 =	sadd.s32 s0, s22;
	v43 =	vadd.f32 v55, v11;
	v42 =	vld [tilespmem:s21+$0x0];
	[tilespmem:s8+$0x10] =	vst v62  }
0x84: {  	v45 =	vadd.f32 v57, v12;
	[tilespmem:s8+$0x20] =	vst v41;
	v44 =	vld [tilespmem:s19+$0x0]  }
0x85: {  	v47 =	vadd.f32 v59, v13;
	[tilespmem:s8+$0x30] =	vst v43;
	v46 =	vld [tilespmem:s19+$0x10]  }
0x86: {  	v49 =	vadd.f32 v61, v14;
	[tilespmem:s8+$0x40] =	vst v45;
	v48 =	vld [tilespmem:s19+$0x20]  }
0x87: {  	v51 =	vadd.f32 v63, v15;
	[tilespmem:s8+$0x50] =	vst v47;
	v50 =	vld [tilespmem:s19+$0x30]  }
0x88: {  	[tilespmem:s8+$0x60] =	vst v49;
	v52 =	vld [tilespmem:s19+$0x40];
	v53 =	vadd.f32 v42, v8  }
0x89: {  	[tilespmem:s8+$0x70] =	vst v51;
	v54 =	vld [tilespmem:s19+$0x50];
	v36 =	vadd.f32 v44, v20  }
0x8a: {  	v55 =	vld [tilespmem:s19+$0x60];
	v35 =	vadd.f32 v46, v23;
	[tilespmem:s21+$0x0] =	vst v53  }
0x8b: {  	s20 =	sadd.s32 s1, s22;
	v56 =	vld [tilespmem:s19+$0x70];
	v57 =	vadd.f32 v48, v25;
	[tilespmem:s19+$0x0] =	vst v36  }
0x8c: {  	v58 =	vld [tilespmem:s20+$0x0];
	v59 =	vadd.f32 v50, v26;
	[tilespmem:s19+$0x10] =	vst v35  }
0x8d: {  	v60 =	vld [tilespmem:s20+$0x10];
	v61 =	vadd.f32 v52, v27;
	[tilespmem:s19+$0x20] =	vst v57  }
0x8e: {  	v62 =	vld [tilespmem:s20+$0x20];
	v34 =	vadd.f32 v54, v28;
	[tilespmem:s19+$0x30] =	vst v59  }
0x8f: {  	v63 =	vld [tilespmem:s20+$0x30];
	v32 =	vadd.f32 v55, v29;
	[tilespmem:s19+$0x40] =	vst v61  }
0x90: {  	v43 =	vld [tilespmem:s20+$0x50];
	v33 =	vadd.f32 v56, v30;
	[tilespmem:s19+$0x50] =	vst v34  }
0x91: {  	v45 =	vld [tilespmem:s20+$0x60];
	v44 =	vadd.f32 v58, v20;
	[tilespmem:s19+$0x60] =	vst v32  }
0x92: {  	v47 =	vld [tilespmem:s20+$0x70];
	v46 =	vadd.f32 v60, v23;
	[tilespmem:s19+$0x70] =	vst v33  }
0x93: {  	v42 =	vld [tilespmem:s20+$0x40];
	v48 =	vadd.f32 v62, v25;
	s21 =	sadd.s32 s14, s22;
	[tilespmem:s20+$0x0] =	vst v44  }
0x94: {  	v50 =	vadd.f32 v63, v26;
	v49 =	vld [tilespmem:s21+$0x0];
	[tilespmem:s20+$0x10] =	vst v46  }
0x95: {  	v54 =	vadd.f32 v43, v28;
	v51 =	vld [tilespmem:s21+$0x10];
	[tilespmem:s20+$0x20] =	vst v48  }
0x96: {  	v56 =	vadd.f32 v45, v29;
	v53 =	vld [tilespmem:s21+$0x20];
	[tilespmem:s20+$0x30] =	vst v50  }
0x97: {  	v58 =	vadd.f32 v47, v30;
	v55 =	vld [tilespmem:s21+$0x30];
	[tilespmem:s20+$0x50] =	vst v54  }
0x98: {  	v57 =	vld [tilespmem:s21+$0x40];
	[tilespmem:s20+$0x60] =	vst v56;
	v52 =	vadd.f32 v42, v27  }
0x99: {  	v59 =	vld [tilespmem:s21+$0x50];
	[tilespmem:s20+$0x70] =	vst v58;
	v60 =	vadd.f32 v49, v20  }
0x9a: {  	v61 =	vld [tilespmem:s21+$0x60];
	[tilespmem:s20+$0x40] =	vst v52;
	v62 =	vadd.f32 v51, v23  }
0x9b: {  	v63 =	vld [tilespmem:s21+$0x70];
	v41 =	vadd.f32 v53, v25;
	[tilespmem:s21+$0x0] =	vst v60  }
0x9c: {  	v44 =	vld [tilespmem:s4+$0x10];
	v43 =	vadd.f32 v55, v26;
	[tilespmem:s21+$0x10] =	vst v62  }
0x9d: {  	v46 =	vld [tilespmem:s4+$0x20];
	v45 =	vadd.f32 v57, v27;
	[tilespmem:s21+$0x20] =	vst v41  }
0x9e: {  	s0 =	sadd.s32 s0, s5;
	v48 =	vld [tilespmem:s4+$0x30];
	v47 =	vadd.f32 v59, v28;
	[tilespmem:s21+$0x30] =	vst v43  }
0x9f: {  	v50 =	vld [tilespmem:s0+$0x0];
	v49 =	vadd.f32 v61, v29;
	[tilespmem:s21+$0x40] =	vst v45  }
0xa0: {  	v54 =	vld [tilespmem:s0+$0x20];
	v51 =	vadd.f32 v63, v30;
	[tilespmem:s21+$0x50] =	vst v47  }
0xa1: {  	v56 =	vld [tilespmem:s0+$0x30];
	v55 =	vadd.f32 v44, v23;
	[tilespmem:s21+$0x60] =	vst v49  }
0xa2: {  	v42 =	vld [tilespmem:s4+$0x0];
	v57 =	vadd.f32 v46, v25;
	[tilespmem:s21+$0x70] =	vst v51  }
0xa3: {  	v58 =	vld [tilespmem:s0+$0x40];
	v59 =	vadd.f32 v48, v26;
	[tilespmem:s4+$0x10] =	vst v55  }
0xa4: {  	v52 =	vld [tilespmem:s0+$0x10];
	v38 =	vadd.f32 v50, v21;
	[tilespmem:s4+$0x20] =	vst v57  }
0xa5: {  	s22 =	sadd.s32 s1, s5;
	v61 =	vld [tilespmem:s0+$0x60];
	v36 =	vadd.f32 v54, v16;
	[tilespmem:s4+$0x30] =	vst v59  }
0xa6: {  	v63 =	vld [tilespmem:s22+$0x0];
	v34 =	vadd.f32 v56, v18;
	[tilespmem:s0+$0x0] =	vst v38  }
0xa7: {  	v44 =	vld [tilespmem:s22+$0x20];
	v53 =	vadd.f32 v42, v20;
	[tilespmem:s0+$0x20] =	vst v36  }
0xa8: {  	v46 =	vld [tilespmem:s22+$0x30];
	v43 =	vadd.f32 v58, v19;
	[tilespmem:s0+$0x30] =	vst v34  }
0xa9: {  	v48 =	vld [tilespmem:s22+$0x50];
	[tilespmem:s4+$0x0] =	vst v53;
	v35 =	vadd.f32 v52, v17  }
0xaa: {  	v50 =	vld [tilespmem:s22+$0x60];
	[tilespmem:s0+$0x40] =	vst v43;
	v32 =	vadd.f32 v61, v24  }
0xab: {  	v60 =	vld [tilespmem:s0+$0x50];
	v49 =	vadd.f32 v63, v21;
	[tilespmem:s0+$0x10] =	vst v35  }
0xac: {  	v62 =	vld [tilespmem:s0+$0x70];
	v53 =	vadd.f32 v44, v16;
	[tilespmem:s0+$0x60] =	vst v32  }
0xad: {  	v42 =	vld [tilespmem:s22+$0x10];
	v55 =	vadd.f32 v46, v18;
	[tilespmem:s22+$0x0] =	vst v49  }
0xae: {  	s1 =	sadd.s32 s14, s5;
	v47 =	vld [tilespmem:s22+$0x40];
	v58 =	vadd.f32 v48, v22;
	[tilespmem:s22+$0x20] =	vst v53  }
0xaf: {  	v54 =	vld [tilespmem:s1+$0x0];
	v59 =	vadd.f32 v50, v24;
	[tilespmem:s22+$0x30] =	vst v55  }
0xb0: {  	v56 =	vld [tilespmem:s1+$0x10];
	v45 =	vadd.f32 v60, v22;
	[tilespmem:s22+$0x50] =	vst v58  }
0xb1: {  	v40 =	vld [tilespmem:s1+$0x20];
	v33 =	vadd.f32 v62, v31;
	[tilespmem:s22+$0x60] =	vst v59  }
0xb2: {  	v52 =	vld [tilespmem:s22+$0x70];
	v51 =	vadd.f32 v42, v17;
	[tilespmem:s0+$0x50] =	vst v45  }
0xb3: {  	v41 =	vld [tilespmem:s1+$0x30];
	v57 =	vadd.f32 v47, v19;
	[tilespmem:s0+$0x70] =	vst v33  }
0xb4: {  	v42 =	vld [tilespmem:s1+$0x40];
	v60 =	vadd.f32 v54, v21;
	[tilespmem:s22+$0x10] =	vst v51  }
0xb5: {  	v36 =	vld [tilespmem:s1+$0x50];
	v62 =	vadd.f32 v56, v17;
	[tilespmem:s22+$0x40] =	vst v57  }
0xb6: {  	v34 =	vld [tilespmem:s1+$0x70];
	v63 =	vadd.f32 v40, v16;
	[tilespmem:s1+$0x0] =	vst v60  }
0xb7: {  	v35 =	vld [tilespmem:s1+$0x60];
	v61 =	vadd.f32 v52, v31;
	[tilespmem:s1+$0x10] =	vst v62  }
0xb8: {  	v32 =	vld [tilespmem:s30+$0x10];
	[tilespmem:s1+$0x20] =	vst v63  }
0xb9: {  	s31 =	simm.s32 $0x0;
	v38 =	vadd.f32 v41, v18;
	v33 =	vld [tilespmem:s30+$0x0];
	s0 =	simm.s32 $0x0;
	[tilespmem:s22+$0x70] =	vst v61;
	v37 =	vadd.f32 v42, v19  }
.LBB2_3:
0xba: {  	v46 =	vld [tilespmem:s30+$0x20];
	s25 =	sadd.s32 $0x2000, s25  }
0xbb: {  	v47 =	vld [tilespmem:s30+$0x30];
	s0 =	sadd.s32 $0x200, s0;
	s5 =	sand.u32 $0x4000, s25  }
0xbc: {  	s4 =	rddreg [dreg:$0x4];
	v48 =	vld [tilespmem:s30+$0x40];
	s2 =	sand.u32 $0x200, s0;
	s16 =	sor.u32 $0x800, s5  }
0xbd: {  	v49 =	vld [tilespmem:s30+$0x50];
	[tilespmem:s1+$0x30] =	vst v38;
	s15 =	sor.u32 $0x180, s2;
	s5 =	sadd.s32 s4, s16;
	v36 =	vadd.f32 v36, v22  }
0xbe: {  	v50 =	vld [tilespmem:s30+$0x60];
	[tilespmem:s1+$0x40] =	vst v37;
	v35 =	vadd.f32 v35, v24;
	s4 =	sadd.s32 s15, s5  }
0xbf: {  	v34 =	vadd.f32 v34, v31;
	s21 =	sadd.s32 s2, s5;
	v39 =	vld [tilespmem:s4+$0x0];
	[tilespmem:s1+$0x50] =	vst v36  }
0xc0: {  	v33 =	vadd.f32 v33, v21;
	v43 =	vld [tilespmem:s21+$0x0];
	[tilespmem:s1+$0x60] =	vst v35  }
0xc1: {  	v32 =	vadd.f32 v32, v17;
	v45 =	vld [tilespmem:s21+$0x10];
	[tilespmem:s1+$0x70] =	vst v34  }
0xc2: {  	v51 =	vadd.f32 v46, v16;
	v53 =	vadd.f32 v47, v18;
	v47 =	vld [tilespmem:s21+$0x20];
	[tilespmem:s30+$0x0] =	vst v33  }
0xc3: {  	v52 =	vld [tilespmem:s4+$0x10];
	[tilespmem:s30+$0x10] =	vst v32  }
0xc4: {  	v55 =	vadd.f32 v48, v19;
	v54 =	vld [tilespmem:s4+$0x20];
	[tilespmem:s30+$0x20] =	vst v51  }
0xc5: {  	v57 =	vadd.f32 v49, v22;
	v56 =	vld [tilespmem:s4+$0x30];
	[tilespmem:s30+$0x30] =	vst v53  }
0xc6: {  	v59 =	vadd.f32 v50, v24;
	v58 =	vld [tilespmem:s4+$0x40];
	[tilespmem:s30+$0x40] =	vst v55  }
0xc7: {  	v60 =	vadd.f32 v39, v0;
	v61 =	vld [tilespmem:s4+$0x50];
	[tilespmem:s30+$0x50] =	vst v57  }
0xc8: {  	v37 =	vadd.f32 v43, v0;
	v63 =	vld [tilespmem:s4+$0x60];
	[tilespmem:s30+$0x60] =	vst v59  }
0xc9: {  	v49 =	vld [tilespmem:s21+$0x30];
	v36 =	vadd.f32 v45, v1;
	[tilespmem:s4+$0x0] =	vst v60  }
0xca: {  	s19 =	sor.u32 $0x80, s2;
	v35 =	vadd.f32 v47, v2;
	[tilespmem:s21+$0x0] =	vst v37  }
0xcb: {  	s12 =	sadd.s32 s19, s5;
	v62 =	vadd.f32 v52, v1;
	[tilespmem:s21+$0x10] =	vst v36  }
0xcc: {  	v47 =	vld [tilespmem:s12+$0x10];
	[tilespmem:s21+$0x20] =	vst v35;
	v41 =	vadd.f32 v54, v2  }
0xcd: {  	v60 =	vld [tilespmem:s21+$0x40];
	[tilespmem:s4+$0x10] =	vst v62;
	v44 =	vadd.f32 v56, v3  }
0xce: {  	v42 =	vld [tilespmem:s4+$0x70];
	v56 =	vadd.f32 v49, v3;
	[tilespmem:s4+$0x20] =	vst v41  }
0xcf: {  	v46 =	vadd.f32 v58, v4;
	[tilespmem:s4+$0x30] =	vst v44  }
0xd0: {  	s22 =	sadd.s32 s26, s16;
	v48 =	vadd.f32 v61, v5;
	[tilespmem:s21+$0x30] =	vst v56;
	v61 =	vld [tilespmem:s21+$0x50]  }
0xd1: {  	s6 =	sadd.s32 s15, s22;
	v56 =	vadd.f32 v47, v1;
	[tilespmem:s4+$0x40] =	vst v46;
	v50 =	vadd.f32 v63, v6;
	v63 =	vld [tilespmem:s21+$0x60]  }
0xd2: {  	[tilespmem:s4+$0x50] =	vst v48;
	v52 =	vld [tilespmem:s6+$0x10]  }
0xd3: {  	v46 =	vadd.f32 v60, v4;
	v51 =	vadd.f32 v42, v7;
	v42 =	vld [tilespmem:s21+$0x70];
	[tilespmem:s12+$0x10] =	vst v56  }
0xd4: {  	[tilespmem:s4+$0x60] =	vst v50;
	v53 =	vld [tilespmem:s6+$0x20]  }
0xd5: {  	[tilespmem:s21+$0x40] =	vst v46;
	v54 =	vld [tilespmem:s6+$0x30];
	v48 =	vadd.f32 v61, v5  }
0xd6: {  	v44 =	vld [tilespmem:s12+$0x0];
	[tilespmem:s4+$0x70] =	vst v51;
	v50 =	vadd.f32 v63, v6  }
0xd7: {  	v55 =	vld [tilespmem:s6+$0x40];
	v34 =	vadd.f32 v52, v9;
	[tilespmem:s21+$0x50] =	vst v48  }
0xd8: {  	v57 =	vld [tilespmem:s6+$0x50];
	v52 =	vadd.f32 v42, v7;
	[tilespmem:s21+$0x60] =	vst v50  }
0xd9: {  	v58 =	vld [tilespmem:s6+$0x60];
	v33 =	vadd.f32 v53, v10;
	[tilespmem:s6+$0x10] =	vst v34  }
0xda: {  	v59 =	vld [tilespmem:s6+$0x70];
	v32 =	vadd.f32 v54, v11;
	[tilespmem:s21+$0x70] =	vst v52  }
0xdb: {  	v49 =	vld [tilespmem:s12+$0x20];
	v54 =	vadd.f32 v44, v0;
	[tilespmem:s6+$0x20] =	vst v33  }
0xdc: {  	v60 =	vld [tilespmem:s12+$0x40];
	v62 =	vadd.f32 v55, v12;
	[tilespmem:s6+$0x30] =	vst v32  }
0xdd: {  	s20 =	sor.u32 $0x100, s2;
	v61 =	vld [tilespmem:s12+$0x50];
	v41 =	vadd.f32 v57, v13;
	[tilespmem:s12+$0x0] =	vst v54  }
0xde: {  	s10 =	sadd.s32 s20, s5;
	v63 =	vld [tilespmem:s12+$0x70];
	v43 =	vadd.f32 v58, v14;
	[tilespmem:s6+$0x40] =	vst v62  }
0xdf: {  	v42 =	vld [tilespmem:s10+$0x10];
	v45 =	vadd.f32 v59, v15;
	[tilespmem:s6+$0x50] =	vst v41  }
0xe0: {  	v52 =	vld [tilespmem:s10+$0x60];
	v58 =	vadd.f32 v49, v2;
	[tilespmem:s6+$0x60] =	vst v43  }
0xe1: {  	s11 =	sadd.s32 s2, s22;
	v59 =	vld [tilespmem:s12+$0x30];
	v33 =	vadd.f32 v60, v4;
	[tilespmem:s6+$0x70] =	vst v45  }
0xe2: {  	v32 =	vadd.f32 v61, v5;
	v61 =	vld [tilespmem:s11+$0x40];
	[tilespmem:s12+$0x20] =	vst v58  }
0xe3: {  	v46 =	vadd.f32 v63, v7;
	v62 =	vld [tilespmem:s12+$0x60];
	[tilespmem:s12+$0x40] =	vst v33  }
0xe4: {  	v41 =	vld [tilespmem:s10+$0x0];
	v50 =	vadd.f32 v42, v1;
	[tilespmem:s12+$0x50] =	vst v32  }
0xe5: {  	s4 =	sadd.s32 s28, s16;
	v54 =	vld [tilespmem:s10+$0x70];
	[tilespmem:s12+$0x70] =	vst v46;
	v60 =	vadd.f32 v52, v6  }
0xe6: {  	s14 =	sadd.s32 s15, s4;
	v42 =	vld [tilespmem:s11+$0x50];
	[tilespmem:s10+$0x10] =	vst v50;
	v34 =	vadd.f32 v59, v3  }
0xe7: {  	v51 =	vld [tilespmem:s14+$0x40];
	[tilespmem:s10+$0x60] =	vst v60;
	v33 =	vadd.f32 v61, v12  }
0xe8: {  	v53 =	vld [tilespmem:s14+$0x50];
	[tilespmem:s12+$0x30] =	vst v34;
	v44 =	vadd.f32 v62, v6  }
0xe9: {  	v55 =	vld [tilespmem:s14+$0x60];
	v48 =	vadd.f32 v41, v0;
	[tilespmem:s11+$0x40] =	vst v33  }
0xea: {  	v57 =	vld [tilespmem:s14+$0x70];
	v62 =	vadd.f32 v54, v7;
	[tilespmem:s12+$0x60] =	vst v44  }
0xeb: {  	v45 =	vld [tilespmem:s10+$0x20];
	v50 =	vadd.f32 v42, v13;
	[tilespmem:s10+$0x0] =	vst v48  }
0xec: {  	v49 =	vld [tilespmem:s10+$0x40];
	v36 =	vadd.f32 v51, v27;
	[tilespmem:s10+$0x70] =	vst v62  }
0xed: {  	v58 =	vld [tilespmem:s11+$0x20];
	v37 =	vadd.f32 v53, v28;
	[tilespmem:s11+$0x50] =	vst v50  }
0xee: {  	v46 =	vld [tilespmem:s11+$0x70];
	v35 =	vadd.f32 v55, v29;
	[tilespmem:s14+$0x40] =	vst v36  }
0xef: {  	v47 =	vld [tilespmem:s10+$0x30];
	v40 =	vadd.f32 v57, v30;
	[tilespmem:s14+$0x50] =	vst v37  }
0xf0: {  	v59 =	vld [tilespmem:s11+$0x30];
	v53 =	vadd.f32 v45, v2;
	[tilespmem:s14+$0x60] =	vst v35  }
0xf1: {  	v51 =	vld [tilespmem:s10+$0x50];
	v57 =	vadd.f32 v49, v4;
	[tilespmem:s14+$0x70] =	vst v40  }
0xf2: {  	s9 =	sadd.s32 s19, s22;
	v55 =	vld [tilespmem:s11+$0x0];
	v45 =	vadd.f32 v58, v10;
	[tilespmem:s10+$0x20] =	vst v53  }
0xf3: {  	v49 =	vld [tilespmem:s9+$0x10];
	v54 =	vadd.f32 v46, v15;
	[tilespmem:s10+$0x40] =	vst v57  }
0xf4: {  	v44 =	vld [tilespmem:s11+$0x60];
	v36 =	vadd.f32 v47, v3;
	[tilespmem:s11+$0x20] =	vst v45  }
0xf5: {  	v47 =	vadd.f32 v59, v11;
	v53 =	vld [tilespmem:s9+$0x30];
	[tilespmem:s11+$0x70] =	vst v54  }
0xf6: {  	v57 =	vld [tilespmem:s9+$0x50];
	[tilespmem:s10+$0x30] =	vst v36;
	v35 =	vadd.f32 v51, v5  }
0xf7: {  	s21 =	sadd.s32 s29, s16;
	v59 =	vld [tilespmem:s9+$0x60];
	[tilespmem:s11+$0x30] =	vst v47;
	v63 =	vadd.f32 v55, v8  }
0xf8: {  	s30 =	sadd.s32 s15, s21;
	v61 =	vld [tilespmem:s9+$0x70];
	v58 =	vadd.f32 v49, v9;
	[tilespmem:s10+$0x50] =	vst v35  }
0xf9: {  	v43 =	vld [tilespmem:s30+$0x70];
	v52 =	vadd.f32 v44, v14;
	[tilespmem:s11+$0x0] =	vst v63  }
0xfa: {  	v56 =	vld [tilespmem:s11+$0x10];
	[tilespmem:s9+$0x10] =	vst v58;
	v62 =	vadd.f32 v53, v11  }
0xfb: {  	v48 =	vld [tilespmem:s9+$0x0];
	v42 =	vadd.f32 v57, v13;
	[tilespmem:s11+$0x60] =	vst v52  }
0xfc: {  	v51 =	vld [tilespmem:s9+$0x20];
	v44 =	vadd.f32 v59, v14;
	[tilespmem:s9+$0x30] =	vst v62  }
0xfd: {  	s7 =	sadd.s32 s20, s22;
	v55 =	vld [tilespmem:s9+$0x40];
	v46 =	vadd.f32 v61, v15;
	[tilespmem:s9+$0x50] =	vst v42  }
0xfe: {  	v41 =	vld [tilespmem:s7+$0x10];
	v34 =	vadd.f32 v43, v31;
	[tilespmem:s9+$0x60] =	vst v44  }
0xff: {  	v63 =	vld [tilespmem:s7+$0x0];
	v43 =	vadd.f32 v56, v9;
	[tilespmem:s9+$0x70] =	vst v46  }
0x100: {  	v56 =	vadd.f32 v48, v8;
	v45 =	vld [tilespmem:s7+$0x30];
	[tilespmem:s30+$0x70] =	vst v34  }
0x101: {  	v47 =	vld [tilespmem:s7+$0x40];
	[tilespmem:s11+$0x10] =	vst v43;
	v60 =	vadd.f32 v51, v10  }
0x102: {  	v49 =	vld [tilespmem:s7+$0x50];
	[tilespmem:s9+$0x0] =	vst v56;
	v40 =	vadd.f32 v55, v12  }
0x103: {  	v53 =	vld [tilespmem:s7+$0x70];
	v50 =	vadd.f32 v41, v9;
	[tilespmem:s9+$0x20] =	vst v60  }
0x104: {  	v43 =	vld [tilespmem:s7+$0x20];
	[tilespmem:s9+$0x40] =	vst v40;
	v48 =	vadd.f32 v63, v8  }
0x105: {  	v51 =	vld [tilespmem:s7+$0x60];
	[tilespmem:s7+$0x10] =	vst v50;
	v54 =	vadd.f32 v45, v11  }
0x106: {  	s8 =	sadd.s32 s2, s4;
	v55 =	vld [tilespmem:s6+$0x0];
	v57 =	vadd.f32 v47, v12;
	[tilespmem:s7+$0x0] =	vst v48  }
0x107: {  	v56 =	vld [tilespmem:s8+$0x0];
	v59 =	vadd.f32 v49, v13;
	[tilespmem:s7+$0x30] =	vst v54  }
0x108: {  	v58 =	vld [tilespmem:s8+$0x10];
	v63 =	vadd.f32 v53, v15;
	[tilespmem:s7+$0x40] =	vst v57  }
0x109: {  	v62 =	vld [tilespmem:s8+$0x30];
	v52 =	vadd.f32 v43, v10;
	[tilespmem:s7+$0x50] =	vst v59  }
0x10a: {  	v60 =	vld [tilespmem:s8+$0x20];
	v61 =	vadd.f32 v51, v14;
	[tilespmem:s7+$0x70] =	vst v63  }
0x10b: {  	v42 =	vld [tilespmem:s8+$0x40];
	v43 =	vadd.f32 v55, v8;
	[tilespmem:s7+$0x20] =	vst v52  }
0x10c: {  	v45 =	vld [tilespmem:s8+$0x50];
	v44 =	vadd.f32 v56, v20;
	[tilespmem:s7+$0x60] =	vst v61  }
0x10d: {  	v47 =	vld [tilespmem:s8+$0x60];
	v46 =	vadd.f32 v58, v23;
	[tilespmem:s6+$0x0] =	vst v43  }
0x10e: {  	s5 =	sadd.s32 s19, s4;
	v49 =	vld [tilespmem:s8+$0x70];
	v50 =	vadd.f32 v62, v26;
	[tilespmem:s8+$0x0] =	vst v44  }
0x10f: {  	v53 =	vld [tilespmem:s5+$0x10];
	v48 =	vadd.f32 v60, v25;
	[tilespmem:s8+$0x10] =	vst v46  }
0x110: {  	v41 =	vld [tilespmem:s5+$0x70];
	v52 =	vadd.f32 v42, v27;
	[tilespmem:s8+$0x30] =	vst v50  }
0x111: {  	v51 =	vld [tilespmem:s5+$0x0];
	v54 =	vadd.f32 v45, v28;
	[tilespmem:s8+$0x20] =	vst v48  }
0x112: {  	v55 =	vld [tilespmem:s5+$0x20];
	v56 =	vadd.f32 v47, v29;
	[tilespmem:s8+$0x40] =	vst v52  }
0x113: {  	v57 =	vld [tilespmem:s5+$0x30];
	v58 =	vadd.f32 v49, v30;
	[tilespmem:s8+$0x50] =	vst v54  }
0x114: {  	v59 =	vld [tilespmem:s5+$0x40];
	v62 =	vadd.f32 v53, v23;
	[tilespmem:s8+$0x60] =	vst v56  }
0x115: {  	v63 =	vld [tilespmem:s5+$0x60];
	v50 =	vadd.f32 v41, v30;
	[tilespmem:s8+$0x70] =	vst v58  }
0x116: {  	s4 =	sadd.s32 s20, s4;
	v61 =	vld [tilespmem:s5+$0x50];
	v60 =	vadd.f32 v51, v20;
	[tilespmem:s5+$0x10] =	vst v62  }
0x117: {  	v43 =	vld [tilespmem:s4+$0x0];
	v40 =	vadd.f32 v55, v25;
	[tilespmem:s5+$0x70] =	vst v50  }
0x118: {  	v45 =	vld [tilespmem:s4+$0x10];
	v42 =	vadd.f32 v57, v26;
	[tilespmem:s5+$0x0] =	vst v60  }
0x119: {  	v47 =	vld [tilespmem:s4+$0x20];
	v44 =	vadd.f32 v59, v27;
	[tilespmem:s5+$0x20] =	vst v40  }
0x11a: {  	v49 =	vld [tilespmem:s4+$0x30];
	v48 =	vadd.f32 v63, v29;
	[tilespmem:s5+$0x30] =	vst v42  }
0x11b: {  	v53 =	vld [tilespmem:s4+$0x50];
	v46 =	vadd.f32 v61, v28;
	[tilespmem:s5+$0x40] =	vst v44  }
0x11c: {  	v51 =	vld [tilespmem:s4+$0x40];
	[tilespmem:s5+$0x60] =	vst v48;
	v52 =	vadd.f32 v43, v20  }
0x11d: {  	v55 =	vld [tilespmem:s4+$0x60];
	v54 =	vadd.f32 v45, v23;
	[tilespmem:s5+$0x50] =	vst v46  }
0x11e: {  	v57 =	vld [tilespmem:s4+$0x70];
	v56 =	vadd.f32 v47, v25;
	[tilespmem:s4+$0x0] =	vst v52  }
0x11f: {  	v59 =	vld [tilespmem:s14+$0x0];
	v58 =	vadd.f32 v49, v26;
	[tilespmem:s4+$0x10] =	vst v54  }
0x120: {  	v63 =	vld [tilespmem:s14+$0x20];
	v62 =	vadd.f32 v53, v28;
	[tilespmem:s4+$0x20] =	vst v56  }
0x121: {  	s16 =	sadd.s32 s2, s21;
	v61 =	vld [tilespmem:s14+$0x10];
	v60 =	vadd.f32 v51, v27;
	[tilespmem:s4+$0x30] =	vst v58  }
0x122: {  	v44 =	vld [tilespmem:s16+$0x0];
	v42 =	vadd.f32 v55, v29;
	[tilespmem:s4+$0x50] =	vst v62  }
0x123: {  	v48 =	vld [tilespmem:s16+$0x20];
	v45 =	vadd.f32 v57, v30;
	[tilespmem:s4+$0x40] =	vst v60  }
0x124: {  	v50 =	vld [tilespmem:s16+$0x30];
	v47 =	vadd.f32 v59, v20;
	[tilespmem:s4+$0x60] =	vst v42  }
0x125: {  	v43 =	vld [tilespmem:s14+$0x30];
	v51 =	vadd.f32 v63, v25;
	[tilespmem:s4+$0x70] =	vst v45  }
0x126: {  	v46 =	vld [tilespmem:s16+$0x10];
	v49 =	vadd.f32 v61, v23;
	[tilespmem:s14+$0x0] =	vst v47  }
0x127: {  	v52 =	vld [tilespmem:s16+$0x40];
	v54 =	vadd.f32 v44, v21;
	[tilespmem:s14+$0x20] =	vst v51  }
0x128: {  	v55 =	vld [tilespmem:s16+$0x50];
	v58 =	vadd.f32 v48, v16;
	[tilespmem:s14+$0x10] =	vst v49  }
0x129: {  	v57 =	vld [tilespmem:s16+$0x60];
	v60 =	vadd.f32 v50, v18;
	[tilespmem:s16+$0x0] =	vst v54  }
0x12a: {  	s22 =	sadd.s32 s19, s21;
	v59 =	vld [tilespmem:s16+$0x70];
	v53 =	vadd.f32 v43, v26;
	[tilespmem:s16+$0x20] =	vst v58  }
0x12b: {  	v63 =	vld [tilespmem:s22+$0x10];
	v56 =	vadd.f32 v46, v17;
	[tilespmem:s16+$0x30] =	vst v60  }
0x12c: {  	v41 =	vld [tilespmem:s22+$0x20];
	[tilespmem:s14+$0x30] =	vst v53;
	v62 =	vadd.f32 v52, v19  }
0x12d: {  	v61 =	vld [tilespmem:s22+$0x0];
	v40 =	vadd.f32 v55, v22;
	[tilespmem:s16+$0x10] =	vst v56  }
0x12e: {  	v45 =	vld [tilespmem:s22+$0x40];
	v42 =	vadd.f32 v57, v24;
	[tilespmem:s16+$0x40] =	vst v62  }
0x12f: {  	v47 =	vld [tilespmem:s22+$0x50];
	v44 =	vadd.f32 v59, v31;
	[tilespmem:s16+$0x50] =	vst v40  }
0x130: {  	v51 =	vld [tilespmem:s22+$0x70];
	v48 =	vadd.f32 v63, v17;
	[tilespmem:s16+$0x60] =	vst v42  }
0x131: {  	v43 =	vld [tilespmem:s22+$0x30];
	v50 =	vadd.f32 v41, v16;
	[tilespmem:s16+$0x70] =	vst v44  }
0x132: {  	s1 =	sadd.s32 s20, s21;
	v49 =	vld [tilespmem:s22+$0x60];
	v46 =	vadd.f32 v61, v21;
	[tilespmem:s22+$0x10] =	vst v48  }
0x133: {  	v53 =	vld [tilespmem:s1+$0x0];
	[tilespmem:s22+$0x20] =	vst v50;
	v54 =	vadd.f32 v45, v19  }
0x134: {  	v55 =	vld [tilespmem:s1+$0x10];
	v56 =	vadd.f32 v47, v22;
	[tilespmem:s22+$0x0] =	vst v46  }
0x135: {  	v57 =	vld [tilespmem:s1+$0x20];
	v60 =	vadd.f32 v51, v31;
	[tilespmem:s22+$0x40] =	vst v54  }
0x136: {  	s31 =	sadd.s32 $0x4, s31;
	v59 =	vld [tilespmem:s1+$0x30];
	v52 =	vadd.f32 v43, v18;
	[tilespmem:s22+$0x50] =	vst v56  }
0x137: {  	p0 =	slt.u32 s31, $0xC;
	v40 =	vld [tilespmem:s1+$0x40];
	v58 =	vadd.f32 v49, v24;
	[tilespmem:s22+$0x70] =	vst v60  }
.Ltmp0:
0x138: {  	v36 =	vld [tilespmem:s1+$0x50];
	[tilespmem:s22+$0x30] =	vst v52;
	v61 =	vadd.f32 v53, v21;
	(pc) =	sbr.rel @p0 .LBB2_3-.Ltmp0, $4  }
0x139: {  	v35 =	vld [tilespmem:s1+$0x60];
	v62 =	vadd.f32 v55, v17;
	[tilespmem:s22+$0x60] =	vst v58  }
0x13a: {  	v34 =	vld [tilespmem:s1+$0x70];
	v63 =	vadd.f32 v57, v16;
	[tilespmem:s1+$0x0] =	vst v61  }
0x13b: {  	v33 =	vld [tilespmem:s30+$0x0];
	[tilespmem:s1+$0x10] =	vst v62  }
0x13c: {  	v32 =	vld [tilespmem:s30+$0x10];
	v38 =	vadd.f32 v59, v18;
	[tilespmem:s1+$0x20] =	vst v63;
	v37 =	vadd.f32 v40, v19  }
0x13d: {  	_ = 	snop  }
0x13e: {  	v0 =	vadd.f32 v36, v22;
	v1 =	vld [tilespmem:s30+$0x20];
	[tilespmem:s1+$0x30] =	vst v38  }
0x13f: {  	v3 =	vld [tilespmem:s30+$0x30];
	[tilespmem:s1+$0x40] =	vst v37;
	v2 =	vadd.f32 v35, v24  }
0x140: {  	v4 =	vld [tilespmem:s30+$0x40];
	[tilespmem:s1+$0x50] =	vst v0;
	v57 =	vadd.f32 v34, v31  }
0x141: {  	v5 =	vld [tilespmem:s30+$0x50];
	[tilespmem:s1+$0x60] =	vst v2;
	v58 =	vadd.f32 v33, v21  }
0x142: {  	v6 =	vld [tilespmem:s30+$0x60];
	[tilespmem:s1+$0x70] =	vst v57;
	v59 =	vadd.f32 v32, v17  }
0x143: {  	s24 =	sadd.s32 $0x1, s24;
	[tilespmem:s30+$0x0] =	vst v58;
	v1 =	vadd.f32 v1, v16  }
0x144: {  	p0 =	sne.s32 s24, $0x4;
	v60 =	vadd.f32 v3, v18;
	[tilespmem:s30+$0x10] =	vst v59  }
.Ltmp1:
0x145: {  	v61 =	vadd.f32 v4, v19;
	[tilespmem:s30+$0x20] =	vst v1;
	(pc) =	sbr.rel @p0 .LBB2_2-.Ltmp1, $4  }
0x146: {  	v62 =	vadd.f32 v5, v22;
	[tilespmem:s30+$0x30] =	vst v60  }
0x147: {  	v63 =	vadd.f32 v6, v24;
	[tilespmem:s30+$0x40] =	vst v61  }
0x148: {  	[tilespmem:s30+$0x50] =	vst v62  }
0x149: {  	[tilespmem:s30+$0x60] =	vst v63  }
0x14a: {  	s24 =	simm.s32 $0x0;
	s0 =	rddreg [dreg:$0xb]  }
0x14b: {  	[hbm4b:s0+s24] =	stream.linear.scatter [tilespmem:s13], [sflag:$0x4], $0x8000, $0x38;
	[tilespmem:$0x18800] =	vst v63  }
0x14c: {  	_ =	swait.ge [sflag:s18], $0x8000  }
0x14d: {  	[sflag:s18] =	ssyncset.done $0x0  }
0x14e: {  	s31 =	simm.s32 $0x2;
	s30 =	rddreg [dreg:$0xc];
	[sflag:s18] =	ssyncadd.s32 $0xFFFF8000  }
0x14f: {  	[tilespmem:s13], [sflag:$0x1] =	stream.linear.gather [hbm4b:s30+s24], $0x8000, $0x38;
	[tilespmem:$0x18800] =	vst v63  }
0x150: {  	_ =	swait.ge [sflag:s31], $0x8000  }
0x151: {  	[sflag:s31] =	ssyncset.done $0x0  }
0x152: {  	s25 =	simm.s32 $0x0;
	[sflag:s31] =	ssyncadd.s32 $0xFFFF8000  }
.LBB2_6:
0x153: {  	s0 =	sshll.u32 s25, $0x9  }
0x154: {  	s0 =	sand.u32 $0x3FFFFE00, s0  }
0x155: {  	v0 =	vld [tilespmem:s0+$0x0]  }
0x156: {  	v1 =	vld [tilespmem:s0+$0x10]  }
0x157: {  	v2 =	vld [tilespmem:s0+$0x20]  }
0x158: {  	v3 =	vld [tilespmem:s0+$0x30]  }
0x159: {  	s1 =	sshll.u32 s25, $0x2;
	v4 =	vld [tilespmem:s0+$0x40]  }
0x15a: {  	s6 =	sor.u32 $0x1, s1;
	v5 =	vld [tilespmem:s0+$0x50]  }
0x15b: {  	v6 =	vld [tilespmem:s0+$0x60];
	s2 =	sshll.u32 s6, $0x7  }
0x15c: {  	v7 =	vld [tilespmem:s0+$0x70];
	s12 =	sand.u32 $0x3FFFFE80, s2  }
0x15d: {  	v8 =	vld [tilespmem:s12+$0x0]  }
0x15e: {  	v9 =	vld [tilespmem:s12+$0x10]  }
0x15f: {  	v10 =	vld [tilespmem:s12+$0x20]  }
0x160: {  	v11 =	vld [tilespmem:s12+$0x30]  }
0x161: {  	v12 =	vld [tilespmem:s12+$0x40]  }
0x162: {  	s4 =	sor.u32 $0x2, s1;
	v13 =	vld [tilespmem:s12+$0x50]  }
0x163: {  	s1 =	sshll.u32 s4, $0x7;
	v14 =	vld [tilespmem:s12+$0x60]  }
0x164: {  	s14 =	sand.u32 $0x3FFFFF00, s1;
	v15 =	vld [tilespmem:s12+$0x70]  }
0x165: {  	v21 =	vld [tilespmem:s14+$0x0]  }
0x166: {  	v24 =	vld [tilespmem:s14+$0x10]  }
0x167: {  	v25 =	vld [tilespmem:s14+$0x20]  }
0x168: {  	v26 =	vld [tilespmem:s14+$0x30]  }
0x169: {  	v27 =	vld [tilespmem:s14+$0x40]  }
0x16a: {  	s15 =	sshllo.u32 s25, $0x2;
	v28 =	vld [tilespmem:s14+$0x50]  }
0x16b: {  	s16 =	sshll.u32 s15, $0x7;
	v29 =	vld [tilespmem:s14+$0x60]  }
0x16c: {  	s1 =	sand.u32 $0x3FFFFF80, s16;
	v30 =	vld [tilespmem:s14+$0x70]  }
0x16d: {  	v22 =	vld [tilespmem:s1+$0x0]  }
0x16e: {  	s19 =	sshll.u32 s25, $0xE;
	v19 =	vld [tilespmem:s1+$0x10]  }
0x16f: {  	s0 =	sshrl.u32 s19, $0x2;
	v16 =	vld [tilespmem:s1+$0x20]  }
0x170: {  	s5 =	sand.u32 $0x4000, s24;
	[dreg:$0x5] =	wrdreg s0;
	v17 =	vld [tilespmem:s1+$0x30]  }
0x171: {  	s5 =	sor.u32 $0x8800, s5;
	s0 =	sand.u32 $0x200, s24;
	s7 =	rddreg [dreg:$0x5];
	v18 =	vld [tilespmem:s1+$0x40]  }
0x172: {  	v20 =	vld [tilespmem:s1+$0x50];
	s9 =	sor.u32 $0x180, s0;
	s10 =	sadd.s32 s7, s5  }
0x173: {  	v23 =	vld [tilespmem:s1+$0x60];
	s7 =	sadd.s32 s9, s10  }
0x174: {  	v31 =	vld [tilespmem:s7+$0x0]  }
0x175: {  	v32 =	vld [tilespmem:s7+$0x10]  }
0x176: {  	v33 =	vld [tilespmem:s7+$0x20]  }
0x177: {  	v34 =	vld [tilespmem:s7+$0x30]  }
0x178: {  	v35 =	vld [tilespmem:s7+$0x40]  }
0x179: {  	v37 =	vld [tilespmem:s7+$0x50]  }
0x17a: {  	s12 =	sadd.s32 s0, s10;
	v38 =	vld [tilespmem:s7+$0x60]  }
0x17b: {  	v43 =	vld [tilespmem:s12+$0x0];
	v36 =	vadd.f32 v31, v0  }
0x17c: {  	v46 =	vld [tilespmem:s12+$0x20];
	v32 =	vadd.f32 v32, v1  }
0x17d: {  	v31 =	vld [tilespmem:s1+$0x70];
	v33 =	vadd.f32 v33, v2;
	[tilespmem:s7+$0x0] =	vst v36  }
0x17e: {  	v47 =	vld [tilespmem:s12+$0x30];
	v39 =	vadd.f32 v34, v3;
	[tilespmem:s7+$0x10] =	vst v32  }
0x17f: {  	v57 =	vld [tilespmem:s12+$0x60];
	v41 =	vadd.f32 v35, v4;
	[tilespmem:s7+$0x20] =	vst v33  }
0x180: {  	v58 =	vld [tilespmem:s12+$0x70];
	v42 =	vadd.f32 v37, v5;
	[tilespmem:s7+$0x30] =	vst v39  }
0x181: {  	v40 =	vld [tilespmem:s7+$0x70];
	v48 =	vadd.f32 v43, v0;
	[tilespmem:s7+$0x40] =	vst v41  }
0x182: {  	v44 =	vld [tilespmem:s12+$0x10];
	v50 =	vadd.f32 v46, v2;
	s1 =	sor.u32 $0x80, s0;
	[tilespmem:s7+$0x50] =	vst v42  }
0x183: {  	v56 =	vld [tilespmem:s12+$0x50];
	v45 =	vadd.f32 v38, v6;
	v38 =	vadd.f32 v47, v3;
	s11 =	sadd.s32 s1, s10;
	[tilespmem:s12+$0x0] =	vst v48  }
0x184: {  	s20 =	sshll.u32 s6, $0xC;
	v63 =	vadd.f32 v57, v6;
	[tilespmem:s12+$0x20] =	vst v50;
	v59 =	vld [tilespmem:s11+$0x0]  }
0x185: {  	s26 =	sshrl.u32 s20, $0x2;
	s14 =	sor.u32 $0x100, s0;
	v43 =	vadd.f32 v58, v7;
	[tilespmem:s12+$0x30] =	vst v38;
	v47 =	vld [tilespmem:s11+$0x30]  }
0x186: {  	s8 =	sadd.s32 s26, s5;
	s10 =	sadd.s32 s14, s10;
	[tilespmem:s12+$0x60] =	vst v63;
	v50 =	vld [tilespmem:s11+$0x60]  }
0x187: {  	s21 =	sadd.s32 s9, s8;
	v34 =	vadd.f32 v40, v7;
	[tilespmem:s12+$0x70] =	vst v43;
	v63 =	vld [tilespmem:s10+$0x60]  }
0x188: {  	v33 =	vadd.f32 v44, v1;
	v32 =	vld [tilespmem:s21+$0x10];
	[tilespmem:s7+$0x60] =	vst v45  }
0x189: {  	v36 =	vld [tilespmem:s21+$0x20];
	[tilespmem:s7+$0x70] =	vst v34;
	v34 =	vadd.f32 v56, v5  }
0x18a: {  	v55 =	vld [tilespmem:s12+$0x40];
	[tilespmem:s12+$0x10] =	vst v33;
	v45 =	vadd.f32 v59, v0  }
0x18b: {  	v49 =	vld [tilespmem:s21+$0x30];
	[tilespmem:s12+$0x50] =	vst v34;
	v34 =	vadd.f32 v47, v3  }
0x18c: {  	v39 =	vld [tilespmem:s21+$0x40];
	v56 =	vadd.f32 v50, v6;
	[tilespmem:s11+$0x0] =	vst v45  }
0x18d: {  	v51 =	vld [tilespmem:s21+$0x50];
	v50 =	vadd.f32 v63, v6;
	[tilespmem:s11+$0x30] =	vst v34  }
0x18e: {  	v52 =	vld [tilespmem:s21+$0x60];
	v32 =	vadd.f32 v32, v9;
	[tilespmem:s11+$0x60] =	vst v56  }
0x18f: {  	v54 =	vld [tilespmem:s21+$0x70];
	v53 =	vadd.f32 v36, v10;
	[tilespmem:s10+$0x60] =	vst v50  }
0x190: {  	v60 =	vld [tilespmem:s11+$0x10];
	[tilespmem:s21+$0x10] =	vst v32;
	v35 =	vadd.f32 v49, v11  }
0x191: {  	v61 =	vld [tilespmem:s11+$0x20];
	v39 =	vadd.f32 v39, v12;
	[tilespmem:s21+$0x20] =	vst v53  }
0x192: {  	v48 =	vld [tilespmem:s11+$0x40];
	v37 =	vadd.f32 v51, v13;
	[tilespmem:s21+$0x30] =	vst v35  }
0x193: {  	v57 =	vld [tilespmem:s10+$0x30];
	v33 =	vadd.f32 v52, v14;
	[tilespmem:s21+$0x40] =	vst v39  }
0x194: {  	v36 =	vadd.f32 v54, v15;
	v49 =	vld [tilespmem:s11+$0x50];
	[tilespmem:s21+$0x50] =	vst v37  }
0x195: {  	s4 =	sshll.u32 s4, $0xC;
	v32 =	vadd.f32 v55, v4;
	v51 =	vld [tilespmem:s11+$0x70];
	[tilespmem:s21+$0x60] =	vst v33  }
0x196: {  	s28 =	sshrl.u32 s4, $0x2;
	v52 =	vld [tilespmem:s10+$0x0];
	[tilespmem:s21+$0x70] =	vst v36;
	v33 =	vadd.f32 v60, v1  }
0x197: {  	s22 =	sadd.s32 s28, s5;
	v55 =	vld [tilespmem:s10+$0x20];
	[tilespmem:s12+$0x40] =	vst v32;
	v36 =	vadd.f32 v61, v2  }
0x198: {  	s4 =	sadd.s32 s9, s22;
	v32 =	vadd.f32 v48, v4;
	v61 =	vld [tilespmem:s10+$0x50];
	[tilespmem:s11+$0x10] =	vst v33  }
0x199: {  	v62 =	vld [tilespmem:s4+$0x40];
	[tilespmem:s11+$0x20] =	vst v36;
	v33 =	vadd.f32 v49, v5  }
0x19a: {  	v42 =	vld [tilespmem:s4+$0x50];
	[tilespmem:s11+$0x40] =	vst v32;
	v58 =	vadd.f32 v51, v7  }
0x19b: {  	v44 =	vld [tilespmem:s4+$0x60];
	v60 =	vadd.f32 v52, v0;
	[tilespmem:s11+$0x50] =	vst v33  }
0x19c: {  	v46 =	vld [tilespmem:s4+$0x70];
	v43 =	vadd.f32 v55, v2;
	[tilespmem:s11+$0x70] =	vst v58  }
0x19d: {  	v53 =	vld [tilespmem:s10+$0x10];
	[tilespmem:s10+$0x0] =	vst v60;
	v48 =	vadd.f32 v61, v5  }
0x19e: {  	s2 =	sshll.u32 s15, $0xC;
	s15 =	sadd.s32 s0, s8;
	v59 =	vld [tilespmem:s10+$0x40];
	[tilespmem:s10+$0x20] =	vst v43;
	v38 =	vadd.f32 v62, v27  }
0x19f: {  	v45 =	vld [tilespmem:s15+$0x10];
	v35 =	vadd.f32 v42, v28;
	[tilespmem:s10+$0x50] =	vst v48  }
0x1a0: {  	v47 =	vld [tilespmem:s15+$0x20];
	v39 =	vadd.f32 v44, v29;
	[tilespmem:s4+$0x40] =	vst v38  }
0x1a1: {  	v49 =	vld [tilespmem:s15+$0x30];
	v37 =	vadd.f32 v46, v30;
	[tilespmem:s4+$0x50] =	vst v35  }
0x1a2: {  	v51 =	vld [tilespmem:s15+$0x40];
	v62 =	vadd.f32 v53, v1;
	[tilespmem:s4+$0x60] =	vst v39  }
0x1a3: {  	v52 =	vld [tilespmem:s15+$0x50];
	v46 =	vadd.f32 v59, v4;
	[tilespmem:s4+$0x70] =	vst v37  }
0x1a4: {  	v42 =	vld [tilespmem:s10+$0x70];
	v32 =	vadd.f32 v45, v9;
	[tilespmem:s10+$0x10] =	vst v62  }
0x1a5: {  	v44 =	vld [tilespmem:s15+$0x0];
	v55 =	vadd.f32 v47, v10;
	[tilespmem:s10+$0x40] =	vst v46  }
0x1a6: {  	s16 =	sadd.s32 s1, s8;
	v53 =	vld [tilespmem:s15+$0x60];
	v38 =	vadd.f32 v57, v3;
	[tilespmem:s15+$0x10] =	vst v32  }
0x1a7: {  	v56 =	vld [tilespmem:s16+$0x0];
	v57 =	vadd.f32 v49, v11;
	[tilespmem:s15+$0x20] =	vst v55  }
0x1a8: {  	s29 =	sshrl.u32 s2, $0x2;
	v58 =	vld [tilespmem:s16+$0x10];
	v59 =	vadd.f32 v51, v12;
	[tilespmem:s10+$0x30] =	vst v38  }
0x1a9: {  	s5 =	sadd.s32 s29, s5;
	v60 =	vld [tilespmem:s16+$0x20];
	v61 =	vadd.f32 v52, v13;
	[tilespmem:s15+$0x30] =	vst v57  }
0x1aa: {  	s30 =	sadd.s32 s9, s5;
	v63 =	vld [tilespmem:s16+$0x40];
	[tilespmem:s15+$0x40] =	vst v59;
	v36 =	vadd.f32 v42, v7  }
0x1ab: {  	v54 =	vld [tilespmem:s30+$0x70];
	[tilespmem:s15+$0x50] =	vst v61;
	v34 =	vadd.f32 v44, v8  }
0x1ac: {  	v45 =	vld [tilespmem:s16+$0x60];
	v33 =	vadd.f32 v53, v14;
	[tilespmem:s10+$0x70] =	vst v36  }
0x1ad: {  	v47 =	vld [tilespmem:s16+$0x70];
	v44 =	vadd.f32 v56, v8;
	[tilespmem:s15+$0x0] =	vst v34  }
0x1ae: {  	v62 =	vld [tilespmem:s16+$0x30];
	v46 =	vadd.f32 v58, v9;
	[tilespmem:s15+$0x60] =	vst v33  }
0x1af: {  	v48 =	vadd.f32 v60, v10;
	[tilespmem:s16+$0x0] =	vst v44  }
0x1b0: {  	v52 =	vadd.f32 v63, v12;
	[tilespmem:s16+$0x10] =	vst v46;
	v41 =	vadd.f32 v54, v31;
	v54 =	vld [tilespmem:s15+$0x70]  }
0x1b1: {  	s8 =	sadd.s32 s14, s8;
	v43 =	vld [tilespmem:s16+$0x50];
	v56 =	vadd.f32 v45, v14;
	[tilespmem:s16+$0x20] =	vst v48  }
0x1b2: {  	v58 =	vadd.f32 v47, v15;
	[tilespmem:s16+$0x40] =	vst v52;
	v49 =	vld [tilespmem:s8+$0x0]  }
0x1b3: {  	v50 =	vadd.f32 v62, v11;
	[tilespmem:s16+$0x60] =	vst v56;
	v51 =	vld [tilespmem:s8+$0x10]  }
0x1b4: {  	[tilespmem:s16+$0x70] =	vst v58;
	v53 =	vld [tilespmem:s8+$0x20]  }
0x1b5: {  	v55 =	vld [tilespmem:s8+$0x30];
	[tilespmem:s16+$0x30] =	vst v50;
	v42 =	vadd.f32 v54, v15  }
0x1b6: {  	v57 =	vld [tilespmem:s8+$0x40];
	[tilespmem:s30+$0x70] =	vst v41;
	v54 =	vadd.f32 v43, v13  }
0x1b7: {  	v59 =	vld [tilespmem:s8+$0x50];
	v60 =	vadd.f32 v49, v8;
	[tilespmem:s15+$0x70] =	vst v42  }
0x1b8: {  	v61 =	vld [tilespmem:s8+$0x60];
	v62 =	vadd.f32 v51, v9;
	[tilespmem:s16+$0x50] =	vst v54  }
0x1b9: {  	v63 =	vld [tilespmem:s8+$0x70];
	v41 =	vadd.f32 v53, v10;
	[tilespmem:s8+$0x0] =	vst v60  }
0x1ba: {  	s19 =	sadd.s32 s0, s22;
	v43 =	vadd.f32 v55, v11;
	v42 =	vld [tilespmem:s21+$0x0];
	[tilespmem:s8+$0x10] =	vst v62  }
0x1bb: {  	v45 =	vadd.f32 v57, v12;
	[tilespmem:s8+$0x20] =	vst v41;
	v44 =	vld [tilespmem:s19+$0x0]  }
0x1bc: {  	v47 =	vadd.f32 v59, v13;
	[tilespmem:s8+$0x30] =	vst v43;
	v46 =	vld [tilespmem:s19+$0x10]  }
0x1bd: {  	v49 =	vadd.f32 v61, v14;
	[tilespmem:s8+$0x40] =	vst v45;
	v48 =	vld [tilespmem:s19+$0x20]  }
0x1be: {  	v51 =	vadd.f32 v63, v15;
	[tilespmem:s8+$0x50] =	vst v47;
	v50 =	vld [tilespmem:s19+$0x30]  }
0x1bf: {  	[tilespmem:s8+$0x60] =	vst v49;
	v52 =	vld [tilespmem:s19+$0x40];
	v53 =	vadd.f32 v42, v8  }
0x1c0: {  	[tilespmem:s8+$0x70] =	vst v51;
	v54 =	vld [tilespmem:s19+$0x50];
	v36 =	vadd.f32 v44, v21  }
0x1c1: {  	v55 =	vld [tilespmem:s19+$0x60];
	v35 =	vadd.f32 v46, v24;
	[tilespmem:s21+$0x0] =	vst v53  }
0x1c2: {  	s20 =	sadd.s32 s1, s22;
	v56 =	vld [tilespmem:s19+$0x70];
	v57 =	vadd.f32 v48, v25;
	[tilespmem:s19+$0x0] =	vst v36  }
0x1c3: {  	v58 =	vld [tilespmem:s20+$0x0];
	v59 =	vadd.f32 v50, v26;
	[tilespmem:s19+$0x10] =	vst v35  }
0x1c4: {  	v60 =	vld [tilespmem:s20+$0x10];
	v61 =	vadd.f32 v52, v27;
	[tilespmem:s19+$0x20] =	vst v57  }
0x1c5: {  	v62 =	vld [tilespmem:s20+$0x20];
	v34 =	vadd.f32 v54, v28;
	[tilespmem:s19+$0x30] =	vst v59  }
0x1c6: {  	v63 =	vld [tilespmem:s20+$0x30];
	v32 =	vadd.f32 v55, v29;
	[tilespmem:s19+$0x40] =	vst v61  }
0x1c7: {  	v43 =	vld [tilespmem:s20+$0x50];
	v33 =	vadd.f32 v56, v30;
	[tilespmem:s19+$0x50] =	vst v34  }
0x1c8: {  	v45 =	vld [tilespmem:s20+$0x60];
	v44 =	vadd.f32 v58, v21;
	[tilespmem:s19+$0x60] =	vst v32  }
0x1c9: {  	v47 =	vld [tilespmem:s20+$0x70];
	v46 =	vadd.f32 v60, v24;
	[tilespmem:s19+$0x70] =	vst v33  }
0x1ca: {  	v42 =	vld [tilespmem:s20+$0x40];
	v48 =	vadd.f32 v62, v25;
	s21 =	sadd.s32 s14, s22;
	[tilespmem:s20+$0x0] =	vst v44  }
0x1cb: {  	v50 =	vadd.f32 v63, v26;
	v49 =	vld [tilespmem:s21+$0x0];
	[tilespmem:s20+$0x10] =	vst v46  }
0x1cc: {  	v54 =	vadd.f32 v43, v28;
	v51 =	vld [tilespmem:s21+$0x10];
	[tilespmem:s20+$0x20] =	vst v48  }
0x1cd: {  	v56 =	vadd.f32 v45, v29;
	v53 =	vld [tilespmem:s21+$0x20];
	[tilespmem:s20+$0x30] =	vst v50  }
0x1ce: {  	v58 =	vadd.f32 v47, v30;
	v55 =	vld [tilespmem:s21+$0x30];
	[tilespmem:s20+$0x50] =	vst v54  }
0x1cf: {  	v57 =	vld [tilespmem:s21+$0x40];
	[tilespmem:s20+$0x60] =	vst v56;
	v52 =	vadd.f32 v42, v27  }
0x1d0: {  	v59 =	vld [tilespmem:s21+$0x50];
	[tilespmem:s20+$0x70] =	vst v58;
	v60 =	vadd.f32 v49, v21  }
0x1d1: {  	v61 =	vld [tilespmem:s21+$0x60];
	[tilespmem:s20+$0x40] =	vst v52;
	v62 =	vadd.f32 v51, v24  }
0x1d2: {  	v63 =	vld [tilespmem:s21+$0x70];
	v41 =	vadd.f32 v53, v25;
	[tilespmem:s21+$0x0] =	vst v60  }
0x1d3: {  	v44 =	vld [tilespmem:s4+$0x10];
	v43 =	vadd.f32 v55, v26;
	[tilespmem:s21+$0x10] =	vst v62  }
0x1d4: {  	v46 =	vld [tilespmem:s4+$0x20];
	v45 =	vadd.f32 v57, v27;
	[tilespmem:s21+$0x20] =	vst v41  }
0x1d5: {  	s0 =	sadd.s32 s0, s5;
	v48 =	vld [tilespmem:s4+$0x30];
	v47 =	vadd.f32 v59, v28;
	[tilespmem:s21+$0x30] =	vst v43  }
0x1d6: {  	v50 =	vld [tilespmem:s0+$0x0];
	v49 =	vadd.f32 v61, v29;
	[tilespmem:s21+$0x40] =	vst v45  }
0x1d7: {  	v54 =	vld [tilespmem:s0+$0x20];
	v51 =	vadd.f32 v63, v30;
	[tilespmem:s21+$0x50] =	vst v47  }
0x1d8: {  	v56 =	vld [tilespmem:s0+$0x30];
	v55 =	vadd.f32 v44, v24;
	[tilespmem:s21+$0x60] =	vst v49  }
0x1d9: {  	v42 =	vld [tilespmem:s4+$0x0];
	v57 =	vadd.f32 v46, v25;
	[tilespmem:s21+$0x70] =	vst v51  }
0x1da: {  	v58 =	vld [tilespmem:s0+$0x40];
	v59 =	vadd.f32 v48, v26;
	[tilespmem:s4+$0x10] =	vst v55  }
0x1db: {  	v52 =	vld [tilespmem:s0+$0x10];
	v38 =	vadd.f32 v50, v22;
	[tilespmem:s4+$0x20] =	vst v57  }
0x1dc: {  	s22 =	sadd.s32 s1, s5;
	v61 =	vld [tilespmem:s0+$0x60];
	v36 =	vadd.f32 v54, v16;
	[tilespmem:s4+$0x30] =	vst v59  }
0x1dd: {  	v63 =	vld [tilespmem:s22+$0x0];
	v34 =	vadd.f32 v56, v17;
	[tilespmem:s0+$0x0] =	vst v38  }
0x1de: {  	v44 =	vld [tilespmem:s22+$0x20];
	v53 =	vadd.f32 v42, v21;
	[tilespmem:s0+$0x20] =	vst v36  }
0x1df: {  	v46 =	vld [tilespmem:s22+$0x30];
	v43 =	vadd.f32 v58, v18;
	[tilespmem:s0+$0x30] =	vst v34  }
0x1e0: {  	v48 =	vld [tilespmem:s22+$0x50];
	[tilespmem:s4+$0x0] =	vst v53;
	v35 =	vadd.f32 v52, v19  }
0x1e1: {  	v50 =	vld [tilespmem:s22+$0x60];
	[tilespmem:s0+$0x40] =	vst v43;
	v32 =	vadd.f32 v61, v23  }
0x1e2: {  	v60 =	vld [tilespmem:s0+$0x50];
	v49 =	vadd.f32 v63, v22;
	[tilespmem:s0+$0x10] =	vst v35  }
0x1e3: {  	v62 =	vld [tilespmem:s0+$0x70];
	v53 =	vadd.f32 v44, v16;
	[tilespmem:s0+$0x60] =	vst v32  }
0x1e4: {  	v42 =	vld [tilespmem:s22+$0x10];
	v55 =	vadd.f32 v46, v17;
	[tilespmem:s22+$0x0] =	vst v49  }
0x1e5: {  	s1 =	sadd.s32 s14, s5;
	v47 =	vld [tilespmem:s22+$0x40];
	v58 =	vadd.f32 v48, v20;
	[tilespmem:s22+$0x20] =	vst v53  }
0x1e6: {  	v54 =	vld [tilespmem:s1+$0x0];
	v59 =	vadd.f32 v50, v23;
	[tilespmem:s22+$0x30] =	vst v55  }
0x1e7: {  	v56 =	vld [tilespmem:s1+$0x10];
	v45 =	vadd.f32 v60, v20;
	[tilespmem:s22+$0x50] =	vst v58  }
0x1e8: {  	v40 =	vld [tilespmem:s1+$0x20];
	v33 =	vadd.f32 v62, v31;
	[tilespmem:s22+$0x60] =	vst v59  }
0x1e9: {  	v52 =	vld [tilespmem:s22+$0x70];
	v51 =	vadd.f32 v42, v19;
	[tilespmem:s0+$0x50] =	vst v45  }
0x1ea: {  	v41 =	vld [tilespmem:s1+$0x30];
	v57 =	vadd.f32 v47, v18;
	[tilespmem:s0+$0x70] =	vst v33  }
0x1eb: {  	v42 =	vld [tilespmem:s1+$0x40];
	v60 =	vadd.f32 v54, v22;
	[tilespmem:s22+$0x10] =	vst v51  }
0x1ec: {  	v36 =	vld [tilespmem:s1+$0x50];
	v62 =	vadd.f32 v56, v19;
	[tilespmem:s22+$0x40] =	vst v57  }
0x1ed: {  	v34 =	vld [tilespmem:s1+$0x70];
	v63 =	vadd.f32 v40, v16;
	[tilespmem:s1+$0x0] =	vst v60  }
0x1ee: {  	v35 =	vld [tilespmem:s1+$0x60];
	v61 =	vadd.f32 v52, v31;
	[tilespmem:s1+$0x10] =	vst v62  }
0x1ef: {  	v32 =	vld [tilespmem:s30+$0x10];
	[tilespmem:s1+$0x20] =	vst v63  }
0x1f0: {  	s31 =	simm.s32 $0x0;
	s2 =	simm.s32 $0x0;
	v38 =	vadd.f32 v41, v17;
	v33 =	vld [tilespmem:s30+$0x0];
	s0 =	simm.s32 $0x0;
	[tilespmem:s22+$0x70] =	vst v61;
	v37 =	vadd.f32 v42, v18  }
.LBB2_7:
0x1f1: {  	v46 =	vld [tilespmem:s30+$0x20];
	s0 =	sadd.s32 $0x2000, s0  }
0x1f2: {  	v47 =	vld [tilespmem:s30+$0x30];
	s2 =	sadd.s32 $0x200, s2;
	s6 =	sand.u32 $0x4000, s0  }
0x1f3: {  	s5 =	rddreg [dreg:$0x5];
	v48 =	vld [tilespmem:s30+$0x40];
	s4 =	sand.u32 $0x200, s2;
	s21 =	sor.u32 $0x8800, s6  }
0x1f4: {  	v49 =	vld [tilespmem:s30+$0x50];
	[tilespmem:s1+$0x30] =	vst v38;
	s19 =	sor.u32 $0x180, s4;
	s6 =	sadd.s32 s5, s21;
	v36 =	vadd.f32 v36, v20  }
0x1f5: {  	v50 =	vld [tilespmem:s30+$0x60];
	[tilespmem:s1+$0x40] =	vst v37;
	v35 =	vadd.f32 v35, v23;
	s5 =	sadd.s32 s19, s6  }
0x1f6: {  	v34 =	vadd.f32 v34, v31;
	s22 =	sadd.s32 s4, s6;
	v39 =	vld [tilespmem:s5+$0x0];
	[tilespmem:s1+$0x50] =	vst v36  }
0x1f7: {  	v33 =	vadd.f32 v33, v22;
	v43 =	vld [tilespmem:s22+$0x0];
	[tilespmem:s1+$0x60] =	vst v35  }
0x1f8: {  	v32 =	vadd.f32 v32, v19;
	v45 =	vld [tilespmem:s22+$0x10];
	[tilespmem:s1+$0x70] =	vst v34  }
0x1f9: {  	v51 =	vadd.f32 v46, v16;
	v53 =	vadd.f32 v47, v17;
	v47 =	vld [tilespmem:s22+$0x20];
	[tilespmem:s30+$0x0] =	vst v33  }
0x1fa: {  	v52 =	vld [tilespmem:s5+$0x10];
	[tilespmem:s30+$0x10] =	vst v32  }
0x1fb: {  	v55 =	vadd.f32 v48, v18;
	v54 =	vld [tilespmem:s5+$0x20];
	[tilespmem:s30+$0x20] =	vst v51  }
0x1fc: {  	v57 =	vadd.f32 v49, v20;
	v56 =	vld [tilespmem:s5+$0x30];
	[tilespmem:s30+$0x30] =	vst v53  }
0x1fd: {  	v59 =	vadd.f32 v50, v23;
	v58 =	vld [tilespmem:s5+$0x40];
	[tilespmem:s30+$0x40] =	vst v55  }
0x1fe: {  	v60 =	vadd.f32 v39, v0;
	v61 =	vld [tilespmem:s5+$0x50];
	[tilespmem:s30+$0x50] =	vst v57  }
0x1ff: {  	v37 =	vadd.f32 v43, v0;
	v63 =	vld [tilespmem:s5+$0x60];
	[tilespmem:s30+$0x60] =	vst v59  }
0x200: {  	v49 =	vld [tilespmem:s22+$0x30];
	v36 =	vadd.f32 v45, v1;
	[tilespmem:s5+$0x0] =	vst v60  }
0x201: {  	s14 =	sor.u32 $0x80, s4;
	v35 =	vadd.f32 v47, v2;
	[tilespmem:s22+$0x0] =	vst v37  }
0x202: {  	s15 =	sadd.s32 s14, s6;
	v62 =	vadd.f32 v52, v1;
	[tilespmem:s22+$0x10] =	vst v36  }
0x203: {  	v47 =	vld [tilespmem:s15+$0x10];
	[tilespmem:s22+$0x20] =	vst v35;
	v41 =	vadd.f32 v54, v2  }
0x204: {  	v60 =	vld [tilespmem:s22+$0x40];
	[tilespmem:s5+$0x10] =	vst v62;
	v44 =	vadd.f32 v56, v3  }
0x205: {  	v42 =	vld [tilespmem:s5+$0x70];
	v56 =	vadd.f32 v49, v3;
	[tilespmem:s5+$0x20] =	vst v41  }
0x206: {  	v46 =	vadd.f32 v58, v4;
	[tilespmem:s5+$0x30] =	vst v44  }
0x207: {  	s16 =	sadd.s32 s26, s21;
	v48 =	vadd.f32 v61, v5;
	[tilespmem:s22+$0x30] =	vst v56;
	v61 =	vld [tilespmem:s22+$0x50]  }
0x208: {  	s7 =	sadd.s32 s19, s16;
	v56 =	vadd.f32 v47, v1;
	[tilespmem:s5+$0x40] =	vst v46;
	v50 =	vadd.f32 v63, v6;
	v63 =	vld [tilespmem:s22+$0x60]  }
0x209: {  	[tilespmem:s5+$0x50] =	vst v48;
	v52 =	vld [tilespmem:s7+$0x10]  }
0x20a: {  	v46 =	vadd.f32 v60, v4;
	v51 =	vadd.f32 v42, v7;
	v42 =	vld [tilespmem:s22+$0x70];
	[tilespmem:s15+$0x10] =	vst v56  }
0x20b: {  	[tilespmem:s5+$0x60] =	vst v50;
	v53 =	vld [tilespmem:s7+$0x20]  }
0x20c: {  	[tilespmem:s22+$0x40] =	vst v46;
	v54 =	vld [tilespmem:s7+$0x30];
	v48 =	vadd.f32 v61, v5  }
0x20d: {  	v44 =	vld [tilespmem:s15+$0x0];
	[tilespmem:s5+$0x70] =	vst v51;
	v50 =	vadd.f32 v63, v6  }
0x20e: {  	v55 =	vld [tilespmem:s7+$0x40];
	v34 =	vadd.f32 v52, v9;
	[tilespmem:s22+$0x50] =	vst v48  }
0x20f: {  	v57 =	vld [tilespmem:s7+$0x50];
	v52 =	vadd.f32 v42, v7;
	[tilespmem:s22+$0x60] =	vst v50  }
0x210: {  	v58 =	vld [tilespmem:s7+$0x60];
	v33 =	vadd.f32 v53, v10;
	[tilespmem:s7+$0x10] =	vst v34  }
0x211: {  	v59 =	vld [tilespmem:s7+$0x70];
	v32 =	vadd.f32 v54, v11;
	[tilespmem:s22+$0x70] =	vst v52  }
0x212: {  	v49 =	vld [tilespmem:s15+$0x20];
	v54 =	vadd.f32 v44, v0;
	[tilespmem:s7+$0x20] =	vst v33  }
0x213: {  	v60 =	vld [tilespmem:s15+$0x40];
	v62 =	vadd.f32 v55, v12;
	[tilespmem:s7+$0x30] =	vst v32  }
0x214: {  	s20 =	sor.u32 $0x100, s4;
	v61 =	vld [tilespmem:s15+$0x50];
	v41 =	vadd.f32 v57, v13;
	[tilespmem:s15+$0x0] =	vst v54  }
0x215: {  	s11 =	sadd.s32 s20, s6;
	v63 =	vld [tilespmem:s15+$0x70];
	v43 =	vadd.f32 v58, v14;
	[tilespmem:s7+$0x40] =	vst v62  }
0x216: {  	v42 =	vld [tilespmem:s11+$0x10];
	v45 =	vadd.f32 v59, v15;
	[tilespmem:s7+$0x50] =	vst v41  }
0x217: {  	v52 =	vld [tilespmem:s11+$0x60];
	v58 =	vadd.f32 v49, v2;
	[tilespmem:s7+$0x60] =	vst v43  }
0x218: {  	s12 =	sadd.s32 s4, s16;
	v59 =	vld [tilespmem:s15+$0x30];
	v33 =	vadd.f32 v60, v4;
	[tilespmem:s7+$0x70] =	vst v45  }
0x219: {  	v32 =	vadd.f32 v61, v5;
	v61 =	vld [tilespmem:s12+$0x40];
	[tilespmem:s15+$0x20] =	vst v58  }
0x21a: {  	v46 =	vadd.f32 v63, v7;
	v62 =	vld [tilespmem:s15+$0x60];
	[tilespmem:s15+$0x40] =	vst v33  }
0x21b: {  	v41 =	vld [tilespmem:s11+$0x0];
	v50 =	vadd.f32 v42, v1;
	[tilespmem:s15+$0x50] =	vst v32  }
0x21c: {  	s5 =	sadd.s32 s28, s21;
	v54 =	vld [tilespmem:s11+$0x70];
	[tilespmem:s15+$0x70] =	vst v46;
	v60 =	vadd.f32 v52, v6  }
0x21d: {  	s10 =	sadd.s32 s14, s16;
	s8 =	sadd.s32 s20, s16;
	s16 =	sadd.s32 s19, s5;
	v42 =	vld [tilespmem:s12+$0x50];
	[tilespmem:s11+$0x10] =	vst v50;
	v34 =	vadd.f32 v59, v3  }
0x21e: {  	v51 =	vld [tilespmem:s16+$0x40];
	[tilespmem:s11+$0x60] =	vst v60;
	v33 =	vadd.f32 v61, v12  }
0x21f: {  	v53 =	vld [tilespmem:s16+$0x50];
	[tilespmem:s15+$0x30] =	vst v34;
	v44 =	vadd.f32 v62, v6  }
0x220: {  	v55 =	vld [tilespmem:s16+$0x60];
	v48 =	vadd.f32 v41, v0;
	[tilespmem:s12+$0x40] =	vst v33  }
0x221: {  	v57 =	vld [tilespmem:s16+$0x70];
	v62 =	vadd.f32 v54, v7;
	[tilespmem:s15+$0x60] =	vst v44  }
0x222: {  	v45 =	vld [tilespmem:s11+$0x20];
	v50 =	vadd.f32 v42, v13;
	[tilespmem:s11+$0x0] =	vst v48  }
0x223: {  	v49 =	vld [tilespmem:s11+$0x40];
	v36 =	vadd.f32 v51, v27;
	[tilespmem:s11+$0x70] =	vst v62  }
0x224: {  	v58 =	vld [tilespmem:s12+$0x20];
	v37 =	vadd.f32 v53, v28;
	[tilespmem:s12+$0x50] =	vst v50  }
0x225: {  	v46 =	vld [tilespmem:s12+$0x70];
	v35 =	vadd.f32 v55, v29;
	[tilespmem:s16+$0x40] =	vst v36  }
0x226: {  	v47 =	vld [tilespmem:s11+$0x30];
	v40 =	vadd.f32 v57, v30;
	[tilespmem:s16+$0x50] =	vst v37  }
0x227: {  	v59 =	vld [tilespmem:s12+$0x30];
	v53 =	vadd.f32 v45, v2;
	[tilespmem:s16+$0x60] =	vst v35  }
0x228: {  	v51 =	vld [tilespmem:s11+$0x50];
	v57 =	vadd.f32 v49, v4;
	[tilespmem:s16+$0x70] =	vst v40  }
0x229: {  	v55 =	vld [tilespmem:s12+$0x0];
	v45 =	vadd.f32 v58, v10;
	[tilespmem:s11+$0x20] =	vst v53  }
0x22a: {  	v49 =	vld [tilespmem:s10+$0x10];
	v54 =	vadd.f32 v46, v15;
	[tilespmem:s11+$0x40] =	vst v57  }
0x22b: {  	v44 =	vld [tilespmem:s12+$0x60];
	v36 =	vadd.f32 v47, v3;
	[tilespmem:s12+$0x20] =	vst v45  }
0x22c: {  	v47 =	vadd.f32 v59, v11;
	v53 =	vld [tilespmem:s10+$0x30];
	[tilespmem:s12+$0x70] =	vst v54  }
0x22d: {  	v57 =	vld [tilespmem:s10+$0x50];
	[tilespmem:s11+$0x30] =	vst v36;
	v35 =	vadd.f32 v51, v5  }
0x22e: {  	s22 =	sadd.s32 s29, s21;
	v59 =	vld [tilespmem:s10+$0x60];
	[tilespmem:s12+$0x30] =	vst v47;
	v63 =	vadd.f32 v55, v8  }
0x22f: {  	s30 =	sadd.s32 s19, s22;
	v61 =	vld [tilespmem:s10+$0x70];
	v58 =	vadd.f32 v49, v9;
	[tilespmem:s11+$0x50] =	vst v35  }
0x230: {  	v43 =	vld [tilespmem:s30+$0x70];
	v52 =	vadd.f32 v44, v14;
	[tilespmem:s12+$0x0] =	vst v63  }
0x231: {  	v56 =	vld [tilespmem:s12+$0x10];
	[tilespmem:s10+$0x10] =	vst v58;
	v62 =	vadd.f32 v53, v11  }
0x232: {  	v48 =	vld [tilespmem:s10+$0x0];
	v42 =	vadd.f32 v57, v13;
	[tilespmem:s12+$0x60] =	vst v52  }
0x233: {  	v51 =	vld [tilespmem:s10+$0x20];
	v44 =	vadd.f32 v59, v14;
	[tilespmem:s10+$0x30] =	vst v62  }
0x234: {  	v55 =	vld [tilespmem:s10+$0x40];
	v46 =	vadd.f32 v61, v15;
	[tilespmem:s10+$0x50] =	vst v42  }
0x235: {  	v41 =	vld [tilespmem:s8+$0x10];
	v34 =	vadd.f32 v43, v31;
	[tilespmem:s10+$0x60] =	vst v44  }
0x236: {  	v63 =	vld [tilespmem:s8+$0x0];
	v43 =	vadd.f32 v56, v9;
	[tilespmem:s10+$0x70] =	vst v46  }
0x237: {  	v56 =	vadd.f32 v48, v8;
	v45 =	vld [tilespmem:s8+$0x30];
	[tilespmem:s30+$0x70] =	vst v34  }
0x238: {  	v47 =	vld [tilespmem:s8+$0x40];
	[tilespmem:s12+$0x10] =	vst v43;
	v60 =	vadd.f32 v51, v10  }
0x239: {  	v49 =	vld [tilespmem:s8+$0x50];
	[tilespmem:s10+$0x0] =	vst v56;
	v40 =	vadd.f32 v55, v12  }
0x23a: {  	v53 =	vld [tilespmem:s8+$0x70];
	v50 =	vadd.f32 v41, v9;
	[tilespmem:s10+$0x20] =	vst v60  }
0x23b: {  	v43 =	vld [tilespmem:s8+$0x20];
	[tilespmem:s10+$0x40] =	vst v40;
	v48 =	vadd.f32 v63, v8  }
0x23c: {  	v51 =	vld [tilespmem:s8+$0x60];
	[tilespmem:s8+$0x10] =	vst v50;
	v54 =	vadd.f32 v45, v11  }
0x23d: {  	s9 =	sadd.s32 s4, s5;
	v55 =	vld [tilespmem:s7+$0x0];
	v57 =	vadd.f32 v47, v12;
	[tilespmem:s8+$0x0] =	vst v48  }
0x23e: {  	v56 =	vld [tilespmem:s9+$0x0];
	v59 =	vadd.f32 v49, v13;
	[tilespmem:s8+$0x30] =	vst v54  }
0x23f: {  	v58 =	vld [tilespmem:s9+$0x10];
	v63 =	vadd.f32 v53, v15;
	[tilespmem:s8+$0x40] =	vst v57  }
0x240: {  	v62 =	vld [tilespmem:s9+$0x30];
	v52 =	vadd.f32 v43, v10;
	[tilespmem:s8+$0x50] =	vst v59  }
0x241: {  	v60 =	vld [tilespmem:s9+$0x20];
	v61 =	vadd.f32 v51, v14;
	[tilespmem:s8+$0x70] =	vst v63  }
0x242: {  	v42 =	vld [tilespmem:s9+$0x40];
	v43 =	vadd.f32 v55, v8;
	[tilespmem:s8+$0x20] =	vst v52  }
0x243: {  	v45 =	vld [tilespmem:s9+$0x50];
	v44 =	vadd.f32 v56, v21;
	[tilespmem:s8+$0x60] =	vst v61  }
0x244: {  	v47 =	vld [tilespmem:s9+$0x60];
	v46 =	vadd.f32 v58, v24;
	[tilespmem:s7+$0x0] =	vst v43  }
0x245: {  	s6 =	sadd.s32 s14, s5;
	v49 =	vld [tilespmem:s9+$0x70];
	v50 =	vadd.f32 v62, v26;
	[tilespmem:s9+$0x0] =	vst v44  }
0x246: {  	v53 =	vld [tilespmem:s6+$0x10];
	v48 =	vadd.f32 v60, v25;
	[tilespmem:s9+$0x10] =	vst v46  }
0x247: {  	v41 =	vld [tilespmem:s6+$0x70];
	v52 =	vadd.f32 v42, v27;
	[tilespmem:s9+$0x30] =	vst v50  }
0x248: {  	v51 =	vld [tilespmem:s6+$0x0];
	v54 =	vadd.f32 v45, v28;
	[tilespmem:s9+$0x20] =	vst v48  }
0x249: {  	v55 =	vld [tilespmem:s6+$0x20];
	v56 =	vadd.f32 v47, v29;
	[tilespmem:s9+$0x40] =	vst v52  }
0x24a: {  	v57 =	vld [tilespmem:s6+$0x30];
	v58 =	vadd.f32 v49, v30;
	[tilespmem:s9+$0x50] =	vst v54  }
0x24b: {  	v59 =	vld [tilespmem:s6+$0x40];
	v62 =	vadd.f32 v53, v24;
	[tilespmem:s9+$0x60] =	vst v56  }
0x24c: {  	v63 =	vld [tilespmem:s6+$0x60];
	v50 =	vadd.f32 v41, v30;
	[tilespmem:s9+$0x70] =	vst v58  }
0x24d: {  	s5 =	sadd.s32 s20, s5;
	v61 =	vld [tilespmem:s6+$0x50];
	v60 =	vadd.f32 v51, v21;
	[tilespmem:s6+$0x10] =	vst v62  }
0x24e: {  	v43 =	vld [tilespmem:s5+$0x0];
	v40 =	vadd.f32 v55, v25;
	[tilespmem:s6+$0x70] =	vst v50  }
0x24f: {  	v45 =	vld [tilespmem:s5+$0x10];
	v42 =	vadd.f32 v57, v26;
	[tilespmem:s6+$0x0] =	vst v60  }
0x250: {  	v47 =	vld [tilespmem:s5+$0x20];
	v44 =	vadd.f32 v59, v27;
	[tilespmem:s6+$0x20] =	vst v40  }
0x251: {  	v49 =	vld [tilespmem:s5+$0x30];
	v48 =	vadd.f32 v63, v29;
	[tilespmem:s6+$0x30] =	vst v42  }
0x252: {  	v53 =	vld [tilespmem:s5+$0x50];
	v46 =	vadd.f32 v61, v28;
	[tilespmem:s6+$0x40] =	vst v44  }
0x253: {  	v51 =	vld [tilespmem:s5+$0x40];
	[tilespmem:s6+$0x60] =	vst v48;
	v52 =	vadd.f32 v43, v21  }
0x254: {  	v55 =	vld [tilespmem:s5+$0x60];
	v54 =	vadd.f32 v45, v24;
	[tilespmem:s6+$0x50] =	vst v46  }
0x255: {  	v57 =	vld [tilespmem:s5+$0x70];
	v56 =	vadd.f32 v47, v25;
	[tilespmem:s5+$0x0] =	vst v52  }
0x256: {  	v59 =	vld [tilespmem:s16+$0x0];
	v58 =	vadd.f32 v49, v26;
	[tilespmem:s5+$0x10] =	vst v54  }
0x257: {  	v63 =	vld [tilespmem:s16+$0x20];
	v62 =	vadd.f32 v53, v28;
	[tilespmem:s5+$0x20] =	vst v56  }
0x258: {  	s4 =	sadd.s32 s4, s22;
	v61 =	vld [tilespmem:s16+$0x10];
	v60 =	vadd.f32 v51, v27;
	[tilespmem:s5+$0x30] =	vst v58  }
0x259: {  	v44 =	vld [tilespmem:s4+$0x0];
	v42 =	vadd.f32 v55, v29;
	[tilespmem:s5+$0x50] =	vst v62  }
0x25a: {  	v48 =	vld [tilespmem:s4+$0x20];
	v45 =	vadd.f32 v57, v30;
	[tilespmem:s5+$0x40] =	vst v60  }
0x25b: {  	v50 =	vld [tilespmem:s4+$0x30];
	v47 =	vadd.f32 v59, v21;
	[tilespmem:s5+$0x60] =	vst v42  }
0x25c: {  	v43 =	vld [tilespmem:s16+$0x30];
	v51 =	vadd.f32 v63, v25;
	[tilespmem:s5+$0x70] =	vst v45  }
0x25d: {  	v46 =	vld [tilespmem:s4+$0x10];
	v49 =	vadd.f32 v61, v24;
	[tilespmem:s16+$0x0] =	vst v47  }
0x25e: {  	v52 =	vld [tilespmem:s4+$0x40];
	v54 =	vadd.f32 v44, v22;
	[tilespmem:s16+$0x20] =	vst v51  }
0x25f: {  	v55 =	vld [tilespmem:s4+$0x50];
	v58 =	vadd.f32 v48, v16;
	[tilespmem:s16+$0x10] =	vst v49  }
0x260: {  	v57 =	vld [tilespmem:s4+$0x60];
	v60 =	vadd.f32 v50, v17;
	[tilespmem:s4+$0x0] =	vst v54  }
0x261: {  	s14 =	sadd.s32 s14, s22;
	v59 =	vld [tilespmem:s4+$0x70];
	v53 =	vadd.f32 v43, v26;
	[tilespmem:s4+$0x20] =	vst v58  }
0x262: {  	v63 =	vld [tilespmem:s14+$0x10];
	v56 =	vadd.f32 v46, v19;
	[tilespmem:s4+$0x30] =	vst v60  }
0x263: {  	v41 =	vld [tilespmem:s14+$0x20];
	[tilespmem:s16+$0x30] =	vst v53;
	v62 =	vadd.f32 v52, v18  }
0x264: {  	v61 =	vld [tilespmem:s14+$0x0];
	v40 =	vadd.f32 v55, v20;
	[tilespmem:s4+$0x10] =	vst v56  }
0x265: {  	v45 =	vld [tilespmem:s14+$0x40];
	v42 =	vadd.f32 v57, v23;
	[tilespmem:s4+$0x40] =	vst v62  }
0x266: {  	v47 =	vld [tilespmem:s14+$0x50];
	v44 =	vadd.f32 v59, v31;
	[tilespmem:s4+$0x50] =	vst v40  }
0x267: {  	v51 =	vld [tilespmem:s14+$0x70];
	v48 =	vadd.f32 v63, v19;
	[tilespmem:s4+$0x60] =	vst v42  }
0x268: {  	v43 =	vld [tilespmem:s14+$0x30];
	v50 =	vadd.f32 v41, v16;
	[tilespmem:s4+$0x70] =	vst v44  }
0x269: {  	s1 =	sadd.s32 s20, s22;
	v49 =	vld [tilespmem:s14+$0x60];
	v46 =	vadd.f32 v61, v22;
	[tilespmem:s14+$0x10] =	vst v48  }
0x26a: {  	v53 =	vld [tilespmem:s1+$0x0];
	[tilespmem:s14+$0x20] =	vst v50;
	v54 =	vadd.f32 v45, v18  }
0x26b: {  	v55 =	vld [tilespmem:s1+$0x10];
	v56 =	vadd.f32 v47, v20;
	[tilespmem:s14+$0x0] =	vst v46  }
0x26c: {  	v57 =	vld [tilespmem:s1+$0x20];
	v60 =	vadd.f32 v51, v31;
	[tilespmem:s14+$0x40] =	vst v54  }
0x26d: {  	s31 =	sadd.s32 $0x4, s31;
	v59 =	vld [tilespmem:s1+$0x30];
	v52 =	vadd.f32 v43, v17;
	[tilespmem:s14+$0x50] =	vst v56  }
0x26e: {  	p0 =	slt.u32 s31, $0xC;
	v40 =	vld [tilespmem:s1+$0x40];
	v58 =	vadd.f32 v49, v23;
	[tilespmem:s14+$0x70] =	vst v60  }
.Ltmp2:
0x26f: {  	v36 =	vld [tilespmem:s1+$0x50];
	[tilespmem:s14+$0x30] =	vst v52;
	v61 =	vadd.f32 v53, v22;
	(pc) =	sbr.rel @p0 .LBB2_7-.Ltmp2, $4  }
0x270: {  	v35 =	vld [tilespmem:s1+$0x60];
	v62 =	vadd.f32 v55, v19;
	[tilespmem:s14+$0x60] =	vst v58  }
0x271: {  	v34 =	vld [tilespmem:s1+$0x70];
	v63 =	vadd.f32 v57, v16;
	[tilespmem:s1+$0x0] =	vst v61  }
0x272: {  	v33 =	vld [tilespmem:s30+$0x0];
	[tilespmem:s1+$0x10] =	vst v62  }
0x273: {  	v32 =	vld [tilespmem:s30+$0x10];
	v38 =	vadd.f32 v59, v17;
	[tilespmem:s1+$0x20] =	vst v63;
	v37 =	vadd.f32 v40, v18  }
0x274: {  	_ = 	snop  }
0x275: {  	v0 =	vadd.f32 v36, v20;
	v1 =	vld [tilespmem:s30+$0x20];
	[tilespmem:s1+$0x30] =	vst v38  }
0x276: {  	v3 =	vld [tilespmem:s30+$0x30];
	[tilespmem:s1+$0x40] =	vst v37;
	v2 =	vadd.f32 v35, v23  }
0x277: {  	v4 =	vld [tilespmem:s30+$0x40];
	[tilespmem:s1+$0x50] =	vst v0;
	v57 =	vadd.f32 v34, v31  }
0x278: {  	v5 =	vld [tilespmem:s30+$0x50];
	[tilespmem:s1+$0x60] =	vst v2;
	v58 =	vadd.f32 v33, v22  }
0x279: {  	v6 =	vld [tilespmem:s30+$0x60];
	[tilespmem:s1+$0x70] =	vst v57;
	v59 =	vadd.f32 v32, v19  }
0x27a: {  	s25 =	sadd.s32 $0x1, s25;
	[tilespmem:s30+$0x0] =	vst v58;
	v1 =	vadd.f32 v1, v16  }
0x27b: {  	p0 =	sne.s32 s25, $0x4;
	v60 =	vadd.f32 v3, v17;
	[tilespmem:s30+$0x10] =	vst v59  }
.Ltmp3:
0x27c: {  	v61 =	vadd.f32 v4, v18;
	[tilespmem:s30+$0x20] =	vst v1;
	(pc) =	sbr.rel @p0 .LBB2_6-.Ltmp3, $4  }
0x27d: {  	v62 =	vadd.f32 v5, v20;
	[tilespmem:s30+$0x30] =	vst v60  }
0x27e: {  	v63 =	vadd.f32 v6, v23;
	[tilespmem:s30+$0x40] =	vst v61  }
0x27f: {  	[tilespmem:s30+$0x50] =	vst v62  }
0x280: {  	[tilespmem:s30+$0x60] =	vst v63  }
0x281: {  	s24 =	simm.s32 $0x0  }
0x282: {  	s0 =	rddreg [dreg:$0xd];
	s1 =	simm.s32 $0x8800;
	s31 =	simm.s32 $0x3  }
0x283: {  	[hbm4b:s0+s24] =	stream.linear.scatter [tilespmem:s1], [sflag:$0x5], $0x8000, $0x38;
	[tilespmem:$0x18800] =	vst v63  }
0x284: {  	_ =	swait.ge [sflag:s31], $0x8000  }
0x285: {  	[sflag:s31] =	ssyncset.done $0x0  }
0x286: {  	s25 =	simm.s32 $0x0;
	[sflag:s31] =	ssyncadd.s32 $0xFFFF8000  }
.LBB2_10:
0x287: {  	s0 =	sshll.u32 s25, $0x9  }
0x288: {  	s0 =	sand.u32 $0x3FFFFE00, s0  }
0x289: {  	v0 =	vld [tilespmem:s0+$0x0]  }
0x28a: {  	v1 =	vld [tilespmem:s0+$0x10]  }
0x28b: {  	v2 =	vld [tilespmem:s0+$0x20]  }
0x28c: {  	v3 =	vld [tilespmem:s0+$0x30]  }
0x28d: {  	s1 =	sshll.u32 s25, $0x2;
	v4 =	vld [tilespmem:s0+$0x40]  }
0x28e: {  	s6 =	sor.u32 $0x1, s1;
	v5 =	vld [tilespmem:s0+$0x50]  }
0x28f: {  	v6 =	vld [tilespmem:s0+$0x60];
	s2 =	sshll.u32 s6, $0x7  }
0x290: {  	v7 =	vld [tilespmem:s0+$0x70];
	s12 =	sand.u32 $0x3FFFFE80, s2  }
0x291: {  	v8 =	vld [tilespmem:s12+$0x0]  }
0x292: {  	v9 =	vld [tilespmem:s12+$0x10]  }
0x293: {  	v10 =	vld [tilespmem:s12+$0x20]  }
0x294: {  	v11 =	vld [tilespmem:s12+$0x30]  }
0x295: {  	v12 =	vld [tilespmem:s12+$0x40]  }
0x296: {  	s4 =	sor.u32 $0x2, s1;
	v13 =	vld [tilespmem:s12+$0x50]  }
0x297: {  	s1 =	sshll.u32 s4, $0x7;
	v14 =	vld [tilespmem:s12+$0x60]  }
0x298: {  	s14 =	sand.u32 $0x3FFFFF00, s1;
	v15 =	vld [tilespmem:s12+$0x70]  }
0x299: {  	v21 =	vld [tilespmem:s14+$0x0]  }
0x29a: {  	v24 =	vld [tilespmem:s14+$0x10]  }
0x29b: {  	v25 =	vld [tilespmem:s14+$0x20]  }
0x29c: {  	v26 =	vld [tilespmem:s14+$0x30]  }
0x29d: {  	v27 =	vld [tilespmem:s14+$0x40]  }
0x29e: {  	s15 =	sshllo.u32 s25, $0x2;
	v28 =	vld [tilespmem:s14+$0x50]  }
0x29f: {  	s16 =	sshll.u32 s15, $0x7;
	v29 =	vld [tilespmem:s14+$0x60]  }
0x2a0: {  	s1 =	sand.u32 $0x3FFFFF80, s16;
	v30 =	vld [tilespmem:s14+$0x70]  }
0x2a1: {  	v22 =	vld [tilespmem:s1+$0x0]  }
0x2a2: {  	s19 =	sshll.u32 s25, $0xE;
	v19 =	vld [tilespmem:s1+$0x10]  }
0x2a3: {  	s0 =	sshrl.u32 s19, $0x2;
	v16 =	vld [tilespmem:s1+$0x20]  }
0x2a4: {  	s5 =	sand.u32 $0x4000, s24;
	[dreg:$0x6] =	wrdreg s0;
	v17 =	vld [tilespmem:s1+$0x30]  }
0x2a5: {  	s5 =	sor.u32 $0x10800, s5;
	s0 =	sand.u32 $0x200, s24;
	s7 =	rddreg [dreg:$0x6];
	v18 =	vld [tilespmem:s1+$0x40]  }
0x2a6: {  	v20 =	vld [tilespmem:s1+$0x50];
	s9 =	sor.u32 $0x180, s0;
	s10 =	sadd.s32 s7, s5  }
0x2a7: {  	v23 =	vld [tilespmem:s1+$0x60];
	s7 =	sadd.s32 s9, s10  }
0x2a8: {  	v31 =	vld [tilespmem:s7+$0x0]  }
0x2a9: {  	v32 =	vld [tilespmem:s7+$0x10]  }
0x2aa: {  	v33 =	vld [tilespmem:s7+$0x20]  }
0x2ab: {  	v34 =	vld [tilespmem:s7+$0x30]  }
0x2ac: {  	v35 =	vld [tilespmem:s7+$0x40]  }
0x2ad: {  	v37 =	vld [tilespmem:s7+$0x50]  }
0x2ae: {  	s12 =	sadd.s32 s0, s10;
	v38 =	vld [tilespmem:s7+$0x60]  }
0x2af: {  	v43 =	vld [tilespmem:s12+$0x0];
	v36 =	vadd.f32 v31, v0  }
0x2b0: {  	v46 =	vld [tilespmem:s12+$0x20];
	v32 =	vadd.f32 v32, v1  }
0x2b1: {  	v31 =	vld [tilespmem:s1+$0x70];
	v33 =	vadd.f32 v33, v2;
	[tilespmem:s7+$0x0] =	vst v36  }
0x2b2: {  	v47 =	vld [tilespmem:s12+$0x30];
	v39 =	vadd.f32 v34, v3;
	[tilespmem:s7+$0x10] =	vst v32  }
0x2b3: {  	v57 =	vld [tilespmem:s12+$0x60];
	v41 =	vadd.f32 v35, v4;
	[tilespmem:s7+$0x20] =	vst v33  }
0x2b4: {  	v58 =	vld [tilespmem:s12+$0x70];
	v42 =	vadd.f32 v37, v5;
	[tilespmem:s7+$0x30] =	vst v39  }
0x2b5: {  	v40 =	vld [tilespmem:s7+$0x70];
	v48 =	vadd.f32 v43, v0;
	[tilespmem:s7+$0x40] =	vst v41  }
0x2b6: {  	v44 =	vld [tilespmem:s12+$0x10];
	v50 =	vadd.f32 v46, v2;
	s1 =	sor.u32 $0x80, s0;
	[tilespmem:s7+$0x50] =	vst v42  }
0x2b7: {  	v56 =	vld [tilespmem:s12+$0x50];
	v45 =	vadd.f32 v38, v6;
	v38 =	vadd.f32 v47, v3;
	s11 =	sadd.s32 s1, s10;
	[tilespmem:s12+$0x0] =	vst v48  }
0x2b8: {  	s20 =	sshll.u32 s6, $0xC;
	v63 =	vadd.f32 v57, v6;
	[tilespmem:s12+$0x20] =	vst v50;
	v59 =	vld [tilespmem:s11+$0x0]  }
0x2b9: {  	s26 =	sshrl.u32 s20, $0x2;
	s14 =	sor.u32 $0x100, s0;
	v43 =	vadd.f32 v58, v7;
	[tilespmem:s12+$0x30] =	vst v38;
	v47 =	vld [tilespmem:s11+$0x30]  }
0x2ba: {  	s8 =	sadd.s32 s26, s5;
	s10 =	sadd.s32 s14, s10;
	[tilespmem:s12+$0x60] =	vst v63;
	v50 =	vld [tilespmem:s11+$0x60]  }
0x2bb: {  	s21 =	sadd.s32 s9, s8;
	v34 =	vadd.f32 v40, v7;
	[tilespmem:s12+$0x70] =	vst v43;
	v63 =	vld [tilespmem:s10+$0x60]  }
0x2bc: {  	v33 =	vadd.f32 v44, v1;
	v32 =	vld [tilespmem:s21+$0x10];
	[tilespmem:s7+$0x60] =	vst v45  }
0x2bd: {  	v36 =	vld [tilespmem:s21+$0x20];
	[tilespmem:s7+$0x70] =	vst v34;
	v34 =	vadd.f32 v56, v5  }
0x2be: {  	v55 =	vld [tilespmem:s12+$0x40];
	[tilespmem:s12+$0x10] =	vst v33;
	v45 =	vadd.f32 v59, v0  }
0x2bf: {  	v49 =	vld [tilespmem:s21+$0x30];
	[tilespmem:s12+$0x50] =	vst v34;
	v34 =	vadd.f32 v47, v3  }
0x2c0: {  	v39 =	vld [tilespmem:s21+$0x40];
	v56 =	vadd.f32 v50, v6;
	[tilespmem:s11+$0x0] =	vst v45  }
0x2c1: {  	v51 =	vld [tilespmem:s21+$0x50];
	v50 =	vadd.f32 v63, v6;
	[tilespmem:s11+$0x30] =	vst v34  }
0x2c2: {  	v52 =	vld [tilespmem:s21+$0x60];
	v32 =	vadd.f32 v32, v9;
	[tilespmem:s11+$0x60] =	vst v56  }
0x2c3: {  	v54 =	vld [tilespmem:s21+$0x70];
	v53 =	vadd.f32 v36, v10;
	[tilespmem:s10+$0x60] =	vst v50  }
0x2c4: {  	v60 =	vld [tilespmem:s11+$0x10];
	[tilespmem:s21+$0x10] =	vst v32;
	v35 =	vadd.f32 v49, v11  }
0x2c5: {  	v61 =	vld [tilespmem:s11+$0x20];
	v39 =	vadd.f32 v39, v12;
	[tilespmem:s21+$0x20] =	vst v53  }
0x2c6: {  	v48 =	vld [tilespmem:s11+$0x40];
	v37 =	vadd.f32 v51, v13;
	[tilespmem:s21+$0x30] =	vst v35  }
0x2c7: {  	v57 =	vld [tilespmem:s10+$0x30];
	v33 =	vadd.f32 v52, v14;
	[tilespmem:s21+$0x40] =	vst v39  }
0x2c8: {  	v36 =	vadd.f32 v54, v15;
	v49 =	vld [tilespmem:s11+$0x50];
	[tilespmem:s21+$0x50] =	vst v37  }
0x2c9: {  	s4 =	sshll.u32 s4, $0xC;
	v32 =	vadd.f32 v55, v4;
	v51 =	vld [tilespmem:s11+$0x70];
	[tilespmem:s21+$0x60] =	vst v33  }
0x2ca: {  	s28 =	sshrl.u32 s4, $0x2;
	v52 =	vld [tilespmem:s10+$0x0];
	[tilespmem:s21+$0x70] =	vst v36;
	v33 =	vadd.f32 v60, v1  }
0x2cb: {  	s22 =	sadd.s32 s28, s5;
	v55 =	vld [tilespmem:s10+$0x20];
	[tilespmem:s12+$0x40] =	vst v32;
	v36 =	vadd.f32 v61, v2  }
0x2cc: {  	s4 =	sadd.s32 s9, s22;
	v32 =	vadd.f32 v48, v4;
	v61 =	vld [tilespmem:s10+$0x50];
	[tilespmem:s11+$0x10] =	vst v33  }
0x2cd: {  	v62 =	vld [tilespmem:s4+$0x40];
	[tilespmem:s11+$0x20] =	vst v36;
	v33 =	vadd.f32 v49, v5  }
0x2ce: {  	v42 =	vld [tilespmem:s4+$0x50];
	[tilespmem:s11+$0x40] =	vst v32;
	v58 =	vadd.f32 v51, v7  }
0x2cf: {  	v44 =	vld [tilespmem:s4+$0x60];
	v60 =	vadd.f32 v52, v0;
	[tilespmem:s11+$0x50] =	vst v33  }
0x2d0: {  	v46 =	vld [tilespmem:s4+$0x70];
	v43 =	vadd.f32 v55, v2;
	[tilespmem:s11+$0x70] =	vst v58  }
0x2d1: {  	v53 =	vld [tilespmem:s10+$0x10];
	[tilespmem:s10+$0x0] =	vst v60;
	v48 =	vadd.f32 v61, v5  }
0x2d2: {  	s2 =	sshll.u32 s15, $0xC;
	s15 =	sadd.s32 s0, s8;
	v59 =	vld [tilespmem:s10+$0x40];
	[tilespmem:s10+$0x20] =	vst v43;
	v38 =	vadd.f32 v62, v27  }
0x2d3: {  	v45 =	vld [tilespmem:s15+$0x10];
	v35 =	vadd.f32 v42, v28;
	[tilespmem:s10+$0x50] =	vst v48  }
0x2d4: {  	v47 =	vld [tilespmem:s15+$0x20];
	v39 =	vadd.f32 v44, v29;
	[tilespmem:s4+$0x40] =	vst v38  }
0x2d5: {  	v49 =	vld [tilespmem:s15+$0x30];
	v37 =	vadd.f32 v46, v30;
	[tilespmem:s4+$0x50] =	vst v35  }
0x2d6: {  	v51 =	vld [tilespmem:s15+$0x40];
	v62 =	vadd.f32 v53, v1;
	[tilespmem:s4+$0x60] =	vst v39  }
0x2d7: {  	v52 =	vld [tilespmem:s15+$0x50];
	v46 =	vadd.f32 v59, v4;
	[tilespmem:s4+$0x70] =	vst v37  }
0x2d8: {  	v42 =	vld [tilespmem:s10+$0x70];
	v32 =	vadd.f32 v45, v9;
	[tilespmem:s10+$0x10] =	vst v62  }
0x2d9: {  	v44 =	vld [tilespmem:s15+$0x0];
	v55 =	vadd.f32 v47, v10;
	[tilespmem:s10+$0x40] =	vst v46  }
0x2da: {  	s16 =	sadd.s32 s1, s8;
	v53 =	vld [tilespmem:s15+$0x60];
	v38 =	vadd.f32 v57, v3;
	[tilespmem:s15+$0x10] =	vst v32  }
0x2db: {  	v56 =	vld [tilespmem:s16+$0x0];
	v57 =	vadd.f32 v49, v11;
	[tilespmem:s15+$0x20] =	vst v55  }
0x2dc: {  	s29 =	sshrl.u32 s2, $0x2;
	v58 =	vld [tilespmem:s16+$0x10];
	v59 =	vadd.f32 v51, v12;
	[tilespmem:s10+$0x30] =	vst v38  }
0x2dd: {  	s5 =	sadd.s32 s29, s5;
	v60 =	vld [tilespmem:s16+$0x20];
	v61 =	vadd.f32 v52, v13;
	[tilespmem:s15+$0x30] =	vst v57  }
0x2de: {  	s30 =	sadd.s32 s9, s5;
	v63 =	vld [tilespmem:s16+$0x40];
	[tilespmem:s15+$0x40] =	vst v59;
	v36 =	vadd.f32 v42, v7  }
0x2df: {  	v54 =	vld [tilespmem:s30+$0x70];
	[tilespmem:s15+$0x50] =	vst v61;
	v34 =	vadd.f32 v44, v8  }
0x2e0: {  	v45 =	vld [tilespmem:s16+$0x60];
	v33 =	vadd.f32 v53, v14;
	[tilespmem:s10+$0x70] =	vst v36  }
0x2e1: {  	v47 =	vld [tilespmem:s16+$0x70];
	v44 =	vadd.f32 v56, v8;
	[tilespmem:s15+$0x0] =	vst v34  }
0x2e2: {  	v62 =	vld [tilespmem:s16+$0x30];
	v46 =	vadd.f32 v58, v9;
	[tilespmem:s15+$0x60] =	vst v33  }
0x2e3: {  	v48 =	vadd.f32 v60, v10;
	[tilespmem:s16+$0x0] =	vst v44  }
0x2e4: {  	v52 =	vadd.f32 v63, v12;
	[tilespmem:s16+$0x10] =	vst v46;
	v41 =	vadd.f32 v54, v31;
	v54 =	vld [tilespmem:s15+$0x70]  }
0x2e5: {  	s8 =	sadd.s32 s14, s8;
	v43 =	vld [tilespmem:s16+$0x50];
	v56 =	vadd.f32 v45, v14;
	[tilespmem:s16+$0x20] =	vst v48  }
0x2e6: {  	v58 =	vadd.f32 v47, v15;
	[tilespmem:s16+$0x40] =	vst v52;
	v49 =	vld [tilespmem:s8+$0x0]  }
0x2e7: {  	v50 =	vadd.f32 v62, v11;
	[tilespmem:s16+$0x60] =	vst v56;
	v51 =	vld [tilespmem:s8+$0x10]  }
0x2e8: {  	[tilespmem:s16+$0x70] =	vst v58;
	v53 =	vld [tilespmem:s8+$0x20]  }
0x2e9: {  	v55 =	vld [tilespmem:s8+$0x30];
	[tilespmem:s16+$0x30] =	vst v50;
	v42 =	vadd.f32 v54, v15  }
0x2ea: {  	v57 =	vld [tilespmem:s8+$0x40];
	[tilespmem:s30+$0x70] =	vst v41;
	v54 =	vadd.f32 v43, v13  }
0x2eb: {  	v59 =	vld [tilespmem:s8+$0x50];
	v60 =	vadd.f32 v49, v8;
	[tilespmem:s15+$0x70] =	vst v42  }
0x2ec: {  	v61 =	vld [tilespmem:s8+$0x60];
	v62 =	vadd.f32 v51, v9;
	[tilespmem:s16+$0x50] =	vst v54  }
0x2ed: {  	v63 =	vld [tilespmem:s8+$0x70];
	v41 =	vadd.f32 v53, v10;
	[tilespmem:s8+$0x0] =	vst v60  }
0x2ee: {  	s19 =	sadd.s32 s0, s22;
	v43 =	vadd.f32 v55, v11;
	v42 =	vld [tilespmem:s21+$0x0];
	[tilespmem:s8+$0x10] =	vst v62  }
0x2ef: {  	v45 =	vadd.f32 v57, v12;
	[tilespmem:s8+$0x20] =	vst v41;
	v44 =	vld [tilespmem:s19+$0x0]  }
0x2f0: {  	v47 =	vadd.f32 v59, v13;
	[tilespmem:s8+$0x30] =	vst v43;
	v46 =	vld [tilespmem:s19+$0x10]  }
0x2f1: {  	v49 =	vadd.f32 v61, v14;
	[tilespmem:s8+$0x40] =	vst v45;
	v48 =	vld [tilespmem:s19+$0x20]  }
0x2f2: {  	v51 =	vadd.f32 v63, v15;
	[tilespmem:s8+$0x50] =	vst v47;
	v50 =	vld [tilespmem:s19+$0x30]  }
0x2f3: {  	[tilespmem:s8+$0x60] =	vst v49;
	v52 =	vld [tilespmem:s19+$0x40];
	v53 =	vadd.f32 v42, v8  }
0x2f4: {  	[tilespmem:s8+$0x70] =	vst v51;
	v54 =	vld [tilespmem:s19+$0x50];
	v36 =	vadd.f32 v44, v21  }
0x2f5: {  	v55 =	vld [tilespmem:s19+$0x60];
	v35 =	vadd.f32 v46, v24;
	[tilespmem:s21+$0x0] =	vst v53  }
0x2f6: {  	s20 =	sadd.s32 s1, s22;
	v56 =	vld [tilespmem:s19+$0x70];
	v57 =	vadd.f32 v48, v25;
	[tilespmem:s19+$0x0] =	vst v36  }
0x2f7: {  	v58 =	vld [tilespmem:s20+$0x0];
	v59 =	vadd.f32 v50, v26;
	[tilespmem:s19+$0x10] =	vst v35  }
0x2f8: {  	v60 =	vld [tilespmem:s20+$0x10];
	v61 =	vadd.f32 v52, v27;
	[tilespmem:s19+$0x20] =	vst v57  }
0x2f9: {  	v62 =	vld [tilespmem:s20+$0x20];
	v34 =	vadd.f32 v54, v28;
	[tilespmem:s19+$0x30] =	vst v59  }
0x2fa: {  	v63 =	vld [tilespmem:s20+$0x30];
	v32 =	vadd.f32 v55, v29;
	[tilespmem:s19+$0x40] =	vst v61  }
0x2fb: {  	v43 =	vld [tilespmem:s20+$0x50];
	v33 =	vadd.f32 v56, v30;
	[tilespmem:s19+$0x50] =	vst v34  }
0x2fc: {  	v45 =	vld [tilespmem:s20+$0x60];
	v44 =	vadd.f32 v58, v21;
	[tilespmem:s19+$0x60] =	vst v32  }
0x2fd: {  	v47 =	vld [tilespmem:s20+$0x70];
	v46 =	vadd.f32 v60, v24;
	[tilespmem:s19+$0x70] =	vst v33  }
0x2fe: {  	v42 =	vld [tilespmem:s20+$0x40];
	v48 =	vadd.f32 v62, v25;
	s21 =	sadd.s32 s14, s22;
	[tilespmem:s20+$0x0] =	vst v44  }
0x2ff: {  	v50 =	vadd.f32 v63, v26;
	v49 =	vld [tilespmem:s21+$0x0];
	[tilespmem:s20+$0x10] =	vst v46  }
0x300: {  	v54 =	vadd.f32 v43, v28;
	v51 =	vld [tilespmem:s21+$0x10];
	[tilespmem:s20+$0x20] =	vst v48  }
0x301: {  	v56 =	vadd.f32 v45, v29;
	v53 =	vld [tilespmem:s21+$0x20];
	[tilespmem:s20+$0x30] =	vst v50  }
0x302: {  	v58 =	vadd.f32 v47, v30;
	v55 =	vld [tilespmem:s21+$0x30];
	[tilespmem:s20+$0x50] =	vst v54  }
0x303: {  	v57 =	vld [tilespmem:s21+$0x40];
	[tilespmem:s20+$0x60] =	vst v56;
	v52 =	vadd.f32 v42, v27  }
0x304: {  	v59 =	vld [tilespmem:s21+$0x50];
	[tilespmem:s20+$0x70] =	vst v58;
	v60 =	vadd.f32 v49, v21  }
0x305: {  	v61 =	vld [tilespmem:s21+$0x60];
	[tilespmem:s20+$0x40] =	vst v52;
	v62 =	vadd.f32 v51, v24  }
0x306: {  	v63 =	vld [tilespmem:s21+$0x70];
	v41 =	vadd.f32 v53, v25;
	[tilespmem:s21+$0x0] =	vst v60  }
0x307: {  	v44 =	vld [tilespmem:s4+$0x10];
	v43 =	vadd.f32 v55, v26;
	[tilespmem:s21+$0x10] =	vst v62  }
0x308: {  	v46 =	vld [tilespmem:s4+$0x20];
	v45 =	vadd.f32 v57, v27;
	[tilespmem:s21+$0x20] =	vst v41  }
0x309: {  	s0 =	sadd.s32 s0, s5;
	v48 =	vld [tilespmem:s4+$0x30];
	v47 =	vadd.f32 v59, v28;
	[tilespmem:s21+$0x30] =	vst v43  }
0x30a: {  	v50 =	vld [tilespmem:s0+$0x0];
	v49 =	vadd.f32 v61, v29;
	[tilespmem:s21+$0x40] =	vst v45  }
0x30b: {  	v54 =	vld [tilespmem:s0+$0x20];
	v51 =	vadd.f32 v63, v30;
	[tilespmem:s21+$0x50] =	vst v47  }
0x30c: {  	v56 =	vld [tilespmem:s0+$0x30];
	v55 =	vadd.f32 v44, v24;
	[tilespmem:s21+$0x60] =	vst v49  }
0x30d: {  	v42 =	vld [tilespmem:s4+$0x0];
	v57 =	vadd.f32 v46, v25;
	[tilespmem:s21+$0x70] =	vst v51  }
0x30e: {  	v58 =	vld [tilespmem:s0+$0x40];
	v59 =	vadd.f32 v48, v26;
	[tilespmem:s4+$0x10] =	vst v55  }
0x30f: {  	v52 =	vld [tilespmem:s0+$0x10];
	v38 =	vadd.f32 v50, v22;
	[tilespmem:s4+$0x20] =	vst v57  }
0x310: {  	s22 =	sadd.s32 s1, s5;
	v61 =	vld [tilespmem:s0+$0x60];
	v36 =	vadd.f32 v54, v16;
	[tilespmem:s4+$0x30] =	vst v59  }
0x311: {  	v63 =	vld [tilespmem:s22+$0x0];
	v34 =	vadd.f32 v56, v17;
	[tilespmem:s0+$0x0] =	vst v38  }
0x312: {  	v44 =	vld [tilespmem:s22+$0x20];
	v53 =	vadd.f32 v42, v21;
	[tilespmem:s0+$0x20] =	vst v36  }
0x313: {  	v46 =	vld [tilespmem:s22+$0x30];
	v43 =	vadd.f32 v58, v18;
	[tilespmem:s0+$0x30] =	vst v34  }
0x314: {  	v48 =	vld [tilespmem:s22+$0x50];
	[tilespmem:s4+$0x0] =	vst v53;
	v35 =	vadd.f32 v52, v19  }
0x315: {  	v50 =	vld [tilespmem:s22+$0x60];
	[tilespmem:s0+$0x40] =	vst v43;
	v32 =	vadd.f32 v61, v23  }
0x316: {  	v60 =	vld [tilespmem:s0+$0x50];
	v49 =	vadd.f32 v63, v22;
	[tilespmem:s0+$0x10] =	vst v35  }
0x317: {  	v62 =	vld [tilespmem:s0+$0x70];
	v53 =	vadd.f32 v44, v16;
	[tilespmem:s0+$0x60] =	vst v32  }
0x318: {  	v42 =	vld [tilespmem:s22+$0x10];
	v55 =	vadd.f32 v46, v17;
	[tilespmem:s22+$0x0] =	vst v49  }
0x319: {  	s1 =	sadd.s32 s14, s5;
	v47 =	vld [tilespmem:s22+$0x40];
	v58 =	vadd.f32 v48, v20;
	[tilespmem:s22+$0x20] =	vst v53  }
0x31a: {  	v54 =	vld [tilespmem:s1+$0x0];
	v59 =	vadd.f32 v50, v23;
	[tilespmem:s22+$0x30] =	vst v55  }
0x31b: {  	v56 =	vld [tilespmem:s1+$0x10];
	v45 =	vadd.f32 v60, v20;
	[tilespmem:s22+$0x50] =	vst v58  }
0x31c: {  	v40 =	vld [tilespmem:s1+$0x20];
	v33 =	vadd.f32 v62, v31;
	[tilespmem:s22+$0x60] =	vst v59  }
0x31d: {  	v52 =	vld [tilespmem:s22+$0x70];
	v51 =	vadd.f32 v42, v19;
	[tilespmem:s0+$0x50] =	vst v45  }
0x31e: {  	v41 =	vld [tilespmem:s1+$0x30];
	v57 =	vadd.f32 v47, v18;
	[tilespmem:s0+$0x70] =	vst v33  }
0x31f: {  	v42 =	vld [tilespmem:s1+$0x40];
	v60 =	vadd.f32 v54, v22;
	[tilespmem:s22+$0x10] =	vst v51  }
0x320: {  	v36 =	vld [tilespmem:s1+$0x50];
	v62 =	vadd.f32 v56, v19;
	[tilespmem:s22+$0x40] =	vst v57  }
0x321: {  	v34 =	vld [tilespmem:s1+$0x70];
	v63 =	vadd.f32 v40, v16;
	[tilespmem:s1+$0x0] =	vst v60  }
0x322: {  	v35 =	vld [tilespmem:s1+$0x60];
	v61 =	vadd.f32 v52, v31;
	[tilespmem:s1+$0x10] =	vst v62  }
0x323: {  	v32 =	vld [tilespmem:s30+$0x10];
	[tilespmem:s1+$0x20] =	vst v63  }
0x324: {  	s31 =	simm.s32 $0x0;
	s2 =	simm.s32 $0x0;
	v38 =	vadd.f32 v41, v17;
	v33 =	vld [tilespmem:s30+$0x0];
	s0 =	simm.s32 $0x0;
	[tilespmem:s22+$0x70] =	vst v61;
	v37 =	vadd.f32 v42, v18  }
.LBB2_11:
0x325: {  	v46 =	vld [tilespmem:s30+$0x20];
	s0 =	sadd.s32 $0x2000, s0  }
0x326: {  	v47 =	vld [tilespmem:s30+$0x30];
	s2 =	sadd.s32 $0x200, s2;
	s6 =	sand.u32 $0x4000, s0  }
0x327: {  	s5 =	rddreg [dreg:$0x6];
	v48 =	vld [tilespmem:s30+$0x40];
	s4 =	sand.u32 $0x200, s2;
	s21 =	sor.u32 $0x10800, s6  }
0x328: {  	v49 =	vld [tilespmem:s30+$0x50];
	[tilespmem:s1+$0x30] =	vst v38;
	s19 =	sor.u32 $0x180, s4;
	s6 =	sadd.s32 s5, s21;
	v36 =	vadd.f32 v36, v20  }
0x329: {  	v50 =	vld [tilespmem:s30+$0x60];
	[tilespmem:s1+$0x40] =	vst v37;
	v35 =	vadd.f32 v35, v23;
	s5 =	sadd.s32 s19, s6  }
0x32a: {  	v34 =	vadd.f32 v34, v31;
	s22 =	sadd.s32 s4, s6;
	v39 =	vld [tilespmem:s5+$0x0];
	[tilespmem:s1+$0x50] =	vst v36  }
0x32b: {  	v33 =	vadd.f32 v33, v22;
	v43 =	vld [tilespmem:s22+$0x0];
	[tilespmem:s1+$0x60] =	vst v35  }
0x32c: {  	v32 =	vadd.f32 v32, v19;
	v45 =	vld [tilespmem:s22+$0x10];
	[tilespmem:s1+$0x70] =	vst v34  }
0x32d: {  	v51 =	vadd.f32 v46, v16;
	v53 =	vadd.f32 v47, v17;
	v47 =	vld [tilespmem:s22+$0x20];
	[tilespmem:s30+$0x0] =	vst v33  }
0x32e: {  	v52 =	vld [tilespmem:s5+$0x10];
	[tilespmem:s30+$0x10] =	vst v32  }
0x32f: {  	v55 =	vadd.f32 v48, v18;
	v54 =	vld [tilespmem:s5+$0x20];
	[tilespmem:s30+$0x20] =	vst v51  }
0x330: {  	v57 =	vadd.f32 v49, v20;
	v56 =	vld [tilespmem:s5+$0x30];
	[tilespmem:s30+$0x30] =	vst v53  }
0x331: {  	v59 =	vadd.f32 v50, v23;
	v58 =	vld [tilespmem:s5+$0x40];
	[tilespmem:s30+$0x40] =	vst v55  }
0x332: {  	v60 =	vadd.f32 v39, v0;
	v61 =	vld [tilespmem:s5+$0x50];
	[tilespmem:s30+$0x50] =	vst v57  }
0x333: {  	v37 =	vadd.f32 v43, v0;
	v63 =	vld [tilespmem:s5+$0x60];
	[tilespmem:s30+$0x60] =	vst v59  }
0x334: {  	v49 =	vld [tilespmem:s22+$0x30];
	v36 =	vadd.f32 v45, v1;
	[tilespmem:s5+$0x0] =	vst v60  }
0x335: {  	s14 =	sor.u32 $0x80, s4;
	v35 =	vadd.f32 v47, v2;
	[tilespmem:s22+$0x0] =	vst v37  }
0x336: {  	s15 =	sadd.s32 s14, s6;
	v62 =	vadd.f32 v52, v1;
	[tilespmem:s22+$0x10] =	vst v36  }
0x337: {  	v47 =	vld [tilespmem:s15+$0x10];
	[tilespmem:s22+$0x20] =	vst v35;
	v41 =	vadd.f32 v54, v2  }
0x338: {  	v60 =	vld [tilespmem:s22+$0x40];
	[tilespmem:s5+$0x10] =	vst v62;
	v44 =	vadd.f32 v56, v3  }
0x339: {  	v42 =	vld [tilespmem:s5+$0x70];
	v56 =	vadd.f32 v49, v3;
	[tilespmem:s5+$0x20] =	vst v41  }
0x33a: {  	v46 =	vadd.f32 v58, v4;
	[tilespmem:s5+$0x30] =	vst v44  }
0x33b: {  	s16 =	sadd.s32 s26, s21;
	v48 =	vadd.f32 v61, v5;
	[tilespmem:s22+$0x30] =	vst v56;
	v61 =	vld [tilespmem:s22+$0x50]  }
0x33c: {  	s7 =	sadd.s32 s19, s16;
	v56 =	vadd.f32 v47, v1;
	[tilespmem:s5+$0x40] =	vst v46;
	v50 =	vadd.f32 v63, v6;
	v63 =	vld [tilespmem:s22+$0x60]  }
0x33d: {  	[tilespmem:s5+$0x50] =	vst v48;
	v52 =	vld [tilespmem:s7+$0x10]  }
0x33e: {  	v46 =	vadd.f32 v60, v4;
	v51 =	vadd.f32 v42, v7;
	v42 =	vld [tilespmem:s22+$0x70];
	[tilespmem:s15+$0x10] =	vst v56  }
0x33f: {  	[tilespmem:s5+$0x60] =	vst v50;
	v53 =	vld [tilespmem:s7+$0x20]  }
0x340: {  	[tilespmem:s22+$0x40] =	vst v46;
	v54 =	vld [tilespmem:s7+$0x30];
	v48 =	vadd.f32 v61, v5  }
0x341: {  	v44 =	vld [tilespmem:s15+$0x0];
	[tilespmem:s5+$0x70] =	vst v51;
	v50 =	vadd.f32 v63, v6  }
0x342: {  	v55 =	vld [tilespmem:s7+$0x40];
	v34 =	vadd.f32 v52, v9;
	[tilespmem:s22+$0x50] =	vst v48  }
0x343: {  	v57 =	vld [tilespmem:s7+$0x50];
	v52 =	vadd.f32 v42, v7;
	[tilespmem:s22+$0x60] =	vst v50  }
0x344: {  	v58 =	vld [tilespmem:s7+$0x60];
	v33 =	vadd.f32 v53, v10;
	[tilespmem:s7+$0x10] =	vst v34  }
0x345: {  	v59 =	vld [tilespmem:s7+$0x70];
	v32 =	vadd.f32 v54, v11;
	[tilespmem:s22+$0x70] =	vst v52  }
0x346: {  	v49 =	vld [tilespmem:s15+$0x20];
	v54 =	vadd.f32 v44, v0;
	[tilespmem:s7+$0x20] =	vst v33  }
0x347: {  	v60 =	vld [tilespmem:s15+$0x40];
	v62 =	vadd.f32 v55, v12;
	[tilespmem:s7+$0x30] =	vst v32  }
0x348: {  	s20 =	sor.u32 $0x100, s4;
	v61 =	vld [tilespmem:s15+$0x50];
	v41 =	vadd.f32 v57, v13;
	[tilespmem:s15+$0x0] =	vst v54  }
0x349: {  	s11 =	sadd.s32 s20, s6;
	v63 =	vld [tilespmem:s15+$0x70];
	v43 =	vadd.f32 v58, v14;
	[tilespmem:s7+$0x40] =	vst v62  }
0x34a: {  	v42 =	vld [tilespmem:s11+$0x10];
	v45 =	vadd.f32 v59, v15;
	[tilespmem:s7+$0x50] =	vst v41  }
0x34b: {  	v52 =	vld [tilespmem:s11+$0x60];
	v58 =	vadd.f32 v49, v2;
	[tilespmem:s7+$0x60] =	vst v43  }
0x34c: {  	s12 =	sadd.s32 s4, s16;
	v59 =	vld [tilespmem:s15+$0x30];
	v33 =	vadd.f32 v60, v4;
	[tilespmem:s7+$0x70] =	vst v45  }
0x34d: {  	v32 =	vadd.f32 v61, v5;
	v61 =	vld [tilespmem:s12+$0x40];
	[tilespmem:s15+$0x20] =	vst v58  }
0x34e: {  	v46 =	vadd.f32 v63, v7;
	v62 =	vld [tilespmem:s15+$0x60];
	[tilespmem:s15+$0x40] =	vst v33  }
0x34f: {  	v41 =	vld [tilespmem:s11+$0x0];
	v50 =	vadd.f32 v42, v1;
	[tilespmem:s15+$0x50] =	vst v32  }
0x350: {  	s5 =	sadd.s32 s28, s21;
	v54 =	vld [tilespmem:s11+$0x70];
	[tilespmem:s15+$0x70] =	vst v46;
	v60 =	vadd.f32 v52, v6  }
0x351: {  	s10 =	sadd.s32 s14, s16;
	s8 =	sadd.s32 s20, s16;
	s16 =	sadd.s32 s19, s5;
	v42 =	vld [tilespmem:s12+$0x50];
	[tilespmem:s11+$0x10] =	vst v50;
	v34 =	vadd.f32 v59, v3  }
0x352: {  	v51 =	vld [tilespmem:s16+$0x40];
	[tilespmem:s11+$0x60] =	vst v60;
	v33 =	vadd.f32 v61, v12  }
0x353: {  	v53 =	vld [tilespmem:s16+$0x50];
	[tilespmem:s15+$0x30] =	vst v34;
	v44 =	vadd.f32 v62, v6  }
0x354: {  	v55 =	vld [tilespmem:s16+$0x60];
	v48 =	vadd.f32 v41, v0;
	[tilespmem:s12+$0x40] =	vst v33  }
0x355: {  	v57 =	vld [tilespmem:s16+$0x70];
	v62 =	vadd.f32 v54, v7;
	[tilespmem:s15+$0x60] =	vst v44  }
0x356: {  	v45 =	vld [tilespmem:s11+$0x20];
	v50 =	vadd.f32 v42, v13;
	[tilespmem:s11+$0x0] =	vst v48  }
0x357: {  	v49 =	vld [tilespmem:s11+$0x40];
	v36 =	vadd.f32 v51, v27;
	[tilespmem:s11+$0x70] =	vst v62  }
0x358: {  	v58 =	vld [tilespmem:s12+$0x20];
	v37 =	vadd.f32 v53, v28;
	[tilespmem:s12+$0x50] =	vst v50  }
0x359: {  	v46 =	vld [tilespmem:s12+$0x70];
	v35 =	vadd.f32 v55, v29;
	[tilespmem:s16+$0x40] =	vst v36  }
0x35a: {  	v47 =	vld [tilespmem:s11+$0x30];
	v40 =	vadd.f32 v57, v30;
	[tilespmem:s16+$0x50] =	vst v37  }
0x35b: {  	v59 =	vld [tilespmem:s12+$0x30];
	v53 =	vadd.f32 v45, v2;
	[tilespmem:s16+$0x60] =	vst v35  }
0x35c: {  	v51 =	vld [tilespmem:s11+$0x50];
	v57 =	vadd.f32 v49, v4;
	[tilespmem:s16+$0x70] =	vst v40  }
0x35d: {  	v55 =	vld [tilespmem:s12+$0x0];
	v45 =	vadd.f32 v58, v10;
	[tilespmem:s11+$0x20] =	vst v53  }
0x35e: {  	v49 =	vld [tilespmem:s10+$0x10];
	v54 =	vadd.f32 v46, v15;
	[tilespmem:s11+$0x40] =	vst v57  }
0x35f: {  	v44 =	vld [tilespmem:s12+$0x60];
	v36 =	vadd.f32 v47, v3;
	[tilespmem:s12+$0x20] =	vst v45  }
0x360: {  	v47 =	vadd.f32 v59, v11;
	v53 =	vld [tilespmem:s10+$0x30];
	[tilespmem:s12+$0x70] =	vst v54  }
0x361: {  	v57 =	vld [tilespmem:s10+$0x50];
	[tilespmem:s11+$0x30] =	vst v36;
	v35 =	vadd.f32 v51, v5  }
0x362: {  	s22 =	sadd.s32 s29, s21;
	v59 =	vld [tilespmem:s10+$0x60];
	[tilespmem:s12+$0x30] =	vst v47;
	v63 =	vadd.f32 v55, v8  }
0x363: {  	s30 =	sadd.s32 s19, s22;
	v61 =	vld [tilespmem:s10+$0x70];
	v58 =	vadd.f32 v49, v9;
	[tilespmem:s11+$0x50] =	vst v35  }
0x364: {  	v43 =	vld [tilespmem:s30+$0x70];
	v52 =	vadd.f32 v44, v14;
	[tilespmem:s12+$0x0] =	vst v63  }
0x365: {  	v56 =	vld [tilespmem:s12+$0x10];
	[tilespmem:s10+$0x10] =	vst v58;
	v62 =	vadd.f32 v53, v11  }
0x366: {  	v48 =	vld [tilespmem:s10+$0x0];
	v42 =	vadd.f32 v57, v13;
	[tilespmem:s12+$0x60] =	vst v52  }
0x367: {  	v51 =	vld [tilespmem:s10+$0x20];
	v44 =	vadd.f32 v59, v14;
	[tilespmem:s10+$0x30] =	vst v62  }
0x368: {  	v55 =	vld [tilespmem:s10+$0x40];
	v46 =	vadd.f32 v61, v15;
	[tilespmem:s10+$0x50] =	vst v42  }
0x369: {  	v41 =	vld [tilespmem:s8+$0x10];
	v34 =	vadd.f32 v43, v31;
	[tilespmem:s10+$0x60] =	vst v44  }
0x36a: {  	v63 =	vld [tilespmem:s8+$0x0];
	v43 =	vadd.f32 v56, v9;
	[tilespmem:s10+$0x70] =	vst v46  }
0x36b: {  	v56 =	vadd.f32 v48, v8;
	v45 =	vld [tilespmem:s8+$0x30];
	[tilespmem:s30+$0x70] =	vst v34  }
0x36c: {  	v47 =	vld [tilespmem:s8+$0x40];
	[tilespmem:s12+$0x10] =	vst v43;
	v60 =	vadd.f32 v51, v10  }
0x36d: {  	v49 =	vld [tilespmem:s8+$0x50];
	[tilespmem:s10+$0x0] =	vst v56;
	v40 =	vadd.f32 v55, v12  }
0x36e: {  	v53 =	vld [tilespmem:s8+$0x70];
	v50 =	vadd.f32 v41, v9;
	[tilespmem:s10+$0x20] =	vst v60  }
0x36f: {  	v43 =	vld [tilespmem:s8+$0x20];
	[tilespmem:s10+$0x40] =	vst v40;
	v48 =	vadd.f32 v63, v8  }
0x370: {  	v51 =	vld [tilespmem:s8+$0x60];
	[tilespmem:s8+$0x10] =	vst v50;
	v54 =	vadd.f32 v45, v11  }
0x371: {  	s9 =	sadd.s32 s4, s5;
	v55 =	vld [tilespmem:s7+$0x0];
	v57 =	vadd.f32 v47, v12;
	[tilespmem:s8+$0x0] =	vst v48  }
0x372: {  	v56 =	vld [tilespmem:s9+$0x0];
	v59 =	vadd.f32 v49, v13;
	[tilespmem:s8+$0x30] =	vst v54  }
0x373: {  	v58 =	vld [tilespmem:s9+$0x10];
	v63 =	vadd.f32 v53, v15;
	[tilespmem:s8+$0x40] =	vst v57  }
0x374: {  	v62 =	vld [tilespmem:s9+$0x30];
	v52 =	vadd.f32 v43, v10;
	[tilespmem:s8+$0x50] =	vst v59  }
0x375: {  	v60 =	vld [tilespmem:s9+$0x20];
	v61 =	vadd.f32 v51, v14;
	[tilespmem:s8+$0x70] =	vst v63  }
0x376: {  	v42 =	vld [tilespmem:s9+$0x40];
	v43 =	vadd.f32 v55, v8;
	[tilespmem:s8+$0x20] =	vst v52  }
0x377: {  	v45 =	vld [tilespmem:s9+$0x50];
	v44 =	vadd.f32 v56, v21;
	[tilespmem:s8+$0x60] =	vst v61  }
0x378: {  	v47 =	vld [tilespmem:s9+$0x60];
	v46 =	vadd.f32 v58, v24;
	[tilespmem:s7+$0x0] =	vst v43  }
0x379: {  	s6 =	sadd.s32 s14, s5;
	v49 =	vld [tilespmem:s9+$0x70];
	v50 =	vadd.f32 v62, v26;
	[tilespmem:s9+$0x0] =	vst v44  }
0x37a: {  	v53 =	vld [tilespmem:s6+$0x10];
	v48 =	vadd.f32 v60, v25;
	[tilespmem:s9+$0x10] =	vst v46  }
0x37b: {  	v41 =	vld [tilespmem:s6+$0x70];
	v52 =	vadd.f32 v42, v27;
	[tilespmem:s9+$0x30] =	vst v50  }
0x37c: {  	v51 =	vld [tilespmem:s6+$0x0];
	v54 =	vadd.f32 v45, v28;
	[tilespmem:s9+$0x20] =	vst v48  }
0x37d: {  	v55 =	vld [tilespmem:s6+$0x20];
	v56 =	vadd.f32 v47, v29;
	[tilespmem:s9+$0x40] =	vst v52  }
0x37e: {  	v57 =	vld [tilespmem:s6+$0x30];
	v58 =	vadd.f32 v49, v30;
	[tilespmem:s9+$0x50] =	vst v54  }
0x37f: {  	v59 =	vld [tilespmem:s6+$0x40];
	v62 =	vadd.f32 v53, v24;
	[tilespmem:s9+$0x60] =	vst v56  }
0x380: {  	v63 =	vld [tilespmem:s6+$0x60];
	v50 =	vadd.f32 v41, v30;
	[tilespmem:s9+$0x70] =	vst v58  }
0x381: {  	s5 =	sadd.s32 s20, s5;
	v61 =	vld [tilespmem:s6+$0x50];
	v60 =	vadd.f32 v51, v21;
	[tilespmem:s6+$0x10] =	vst v62  }
0x382: {  	v43 =	vld [tilespmem:s5+$0x0];
	v40 =	vadd.f32 v55, v25;
	[tilespmem:s6+$0x70] =	vst v50  }
0x383: {  	v45 =	vld [tilespmem:s5+$0x10];
	v42 =	vadd.f32 v57, v26;
	[tilespmem:s6+$0x0] =	vst v60  }
0x384: {  	v47 =	vld [tilespmem:s5+$0x20];
	v44 =	vadd.f32 v59, v27;
	[tilespmem:s6+$0x20] =	vst v40  }
0x385: {  	v49 =	vld [tilespmem:s5+$0x30];
	v48 =	vadd.f32 v63, v29;
	[tilespmem:s6+$0x30] =	vst v42  }
0x386: {  	v53 =	vld [tilespmem:s5+$0x50];
	v46 =	vadd.f32 v61, v28;
	[tilespmem:s6+$0x40] =	vst v44  }
0x387: {  	v51 =	vld [tilespmem:s5+$0x40];
	[tilespmem:s6+$0x60] =	vst v48;
	v52 =	vadd.f32 v43, v21  }
0x388: {  	v55 =	vld [tilespmem:s5+$0x60];
	v54 =	vadd.f32 v45, v24;
	[tilespmem:s6+$0x50] =	vst v46  }
0x389: {  	v57 =	vld [tilespmem:s5+$0x70];
	v56 =	vadd.f32 v47, v25;
	[tilespmem:s5+$0x0] =	vst v52  }
0x38a: {  	v59 =	vld [tilespmem:s16+$0x0];
	v58 =	vadd.f32 v49, v26;
	[tilespmem:s5+$0x10] =	vst v54  }
0x38b: {  	v63 =	vld [tilespmem:s16+$0x20];
	v62 =	vadd.f32 v53, v28;
	[tilespmem:s5+$0x20] =	vst v56  }
0x38c: {  	s4 =	sadd.s32 s4, s22;
	v61 =	vld [tilespmem:s16+$0x10];
	v60 =	vadd.f32 v51, v27;
	[tilespmem:s5+$0x30] =	vst v58  }
0x38d: {  	v44 =	vld [tilespmem:s4+$0x0];
	v42 =	vadd.f32 v55, v29;
	[tilespmem:s5+$0x50] =	vst v62  }
0x38e: {  	v48 =	vld [tilespmem:s4+$0x20];
	v45 =	vadd.f32 v57, v30;
	[tilespmem:s5+$0x40] =	vst v60  }
0x38f: {  	v50 =	vld [tilespmem:s4+$0x30];
	v47 =	vadd.f32 v59, v21;
	[tilespmem:s5+$0x60] =	vst v42  }
0x390: {  	v43 =	vld [tilespmem:s16+$0x30];
	v51 =	vadd.f32 v63, v25;
	[tilespmem:s5+$0x70] =	vst v45  }
0x391: {  	v46 =	vld [tilespmem:s4+$0x10];
	v49 =	vadd.f32 v61, v24;
	[tilespmem:s16+$0x0] =	vst v47  }
0x392: {  	v52 =	vld [tilespmem:s4+$0x40];
	v54 =	vadd.f32 v44, v22;
	[tilespmem:s16+$0x20] =	vst v51  }
0x393: {  	v55 =	vld [tilespmem:s4+$0x50];
	v58 =	vadd.f32 v48, v16;
	[tilespmem:s16+$0x10] =	vst v49  }
0x394: {  	v57 =	vld [tilespmem:s4+$0x60];
	v60 =	vadd.f32 v50, v17;
	[tilespmem:s4+$0x0] =	vst v54  }
0x395: {  	s14 =	sadd.s32 s14, s22;
	v59 =	vld [tilespmem:s4+$0x70];
	v53 =	vadd.f32 v43, v26;
	[tilespmem:s4+$0x20] =	vst v58  }
0x396: {  	v63 =	vld [tilespmem:s14+$0x10];
	v56 =	vadd.f32 v46, v19;
	[tilespmem:s4+$0x30] =	vst v60  }
0x397: {  	v41 =	vld [tilespmem:s14+$0x20];
	[tilespmem:s16+$0x30] =	vst v53;
	v62 =	vadd.f32 v52, v18  }
0x398: {  	v61 =	vld [tilespmem:s14+$0x0];
	v40 =	vadd.f32 v55, v20;
	[tilespmem:s4+$0x10] =	vst v56  }
0x399: {  	v45 =	vld [tilespmem:s14+$0x40];
	v42 =	vadd.f32 v57, v23;
	[tilespmem:s4+$0x40] =	vst v62  }
0x39a: {  	v47 =	vld [tilespmem:s14+$0x50];
	v44 =	vadd.f32 v59, v31;
	[tilespmem:s4+$0x50] =	vst v40  }
0x39b: {  	v51 =	vld [tilespmem:s14+$0x70];
	v48 =	vadd.f32 v63, v19;
	[tilespmem:s4+$0x60] =	vst v42  }
0x39c: {  	v43 =	vld [tilespmem:s14+$0x30];
	v50 =	vadd.f32 v41, v16;
	[tilespmem:s4+$0x70] =	vst v44  }
0x39d: {  	s1 =	sadd.s32 s20, s22;
	v49 =	vld [tilespmem:s14+$0x60];
	v46 =	vadd.f32 v61, v22;
	[tilespmem:s14+$0x10] =	vst v48  }
0x39e: {  	v53 =	vld [tilespmem:s1+$0x0];
	[tilespmem:s14+$0x20] =	vst v50;
	v54 =	vadd.f32 v45, v18  }
0x39f: {  	v55 =	vld [tilespmem:s1+$0x10];
	v56 =	vadd.f32 v47, v20;
	[tilespmem:s14+$0x0] =	vst v46  }
0x3a0: {  	v57 =	vld [tilespmem:s1+$0x20];
	v60 =	vadd.f32 v51, v31;
	[tilespmem:s14+$0x40] =	vst v54  }
0x3a1: {  	s31 =	sadd.s32 $0x4, s31;
	v59 =	vld [tilespmem:s1+$0x30];
	v52 =	vadd.f32 v43, v17;
	[tilespmem:s14+$0x50] =	vst v56  }
0x3a2: {  	p0 =	slt.u32 s31, $0xC;
	v40 =	vld [tilespmem:s1+$0x40];
	v58 =	vadd.f32 v49, v23;
	[tilespmem:s14+$0x70] =	vst v60  }
.Ltmp4:
0x3a3: {  	v36 =	vld [tilespmem:s1+$0x50];
	[tilespmem:s14+$0x30] =	vst v52;
	v61 =	vadd.f32 v53, v22;
	(pc) =	sbr.rel @p0 .LBB2_11-.Ltmp4, $4  }
0x3a4: {  	v35 =	vld [tilespmem:s1+$0x60];
	v62 =	vadd.f32 v55, v19;
	[tilespmem:s14+$0x60] =	vst v58  }
0x3a5: {  	v34 =	vld [tilespmem:s1+$0x70];
	v63 =	vadd.f32 v57, v16;
	[tilespmem:s1+$0x0] =	vst v61  }
0x3a6: {  	v33 =	vld [tilespmem:s30+$0x0];
	[tilespmem:s1+$0x10] =	vst v62  }
0x3a7: {  	v32 =	vld [tilespmem:s30+$0x10];
	v38 =	vadd.f32 v59, v17;
	[tilespmem:s1+$0x20] =	vst v63;
	v37 =	vadd.f32 v40, v18  }
0x3a8: {  	_ = 	snop  }
0x3a9: {  	v0 =	vadd.f32 v36, v20;
	v1 =	vld [tilespmem:s30+$0x20];
	[tilespmem:s1+$0x30] =	vst v38  }
0x3aa: {  	v3 =	vld [tilespmem:s30+$0x30];
	[tilespmem:s1+$0x40] =	vst v37;
	v2 =	vadd.f32 v35, v23  }
0x3ab: {  	v4 =	vld [tilespmem:s30+$0x40];
	[tilespmem:s1+$0x50] =	vst v0;
	v57 =	vadd.f32 v34, v31  }
0x3ac: {  	v5 =	vld [tilespmem:s30+$0x50];
	[tilespmem:s1+$0x60] =	vst v2;
	v58 =	vadd.f32 v33, v22  }
0x3ad: {  	v6 =	vld [tilespmem:s30+$0x60];
	[tilespmem:s1+$0x70] =	vst v57;
	v59 =	vadd.f32 v32, v19  }
0x3ae: {  	s25 =	sadd.s32 $0x1, s25;
	[tilespmem:s30+$0x0] =	vst v58;
	v1 =	vadd.f32 v1, v16  }
0x3af: {  	p0 =	sne.s32 s25, $0x4;
	v60 =	vadd.f32 v3, v17;
	[tilespmem:s30+$0x10] =	vst v59  }
.Ltmp5:
0x3b0: {  	v61 =	vadd.f32 v4, v18;
	[tilespmem:s30+$0x20] =	vst v1;
	(pc) =	sbr.rel @p0 .LBB2_10-.Ltmp5, $4  }
0x3b1: {  	v62 =	vadd.f32 v5, v20;
	[tilespmem:s30+$0x30] =	vst v60  }
0x3b2: {  	v63 =	vadd.f32 v6, v23;
	[tilespmem:s30+$0x40] =	vst v61  }
0x3b3: {  	[tilespmem:s30+$0x50] =	vst v62  }
0x3b4: {  	[tilespmem:s30+$0x60] =	vst v63  }
0x3b5: {  	s24 =	simm.s32 $0x0;
	s0 =	rddreg [dreg:$0xe];
	s1 =	simm.s32 $0x10800  }
0x3b6: {  	[hbm4b:s0+s24] =	stream.linear.scatter [tilespmem:s1], [sflag:$0x6], $0x8000, $0x38;
	[tilespmem:$0x18800] =	vst v63  }
0x3b7: {  	_ =	swait.ge [sflag:s17], $0x8000  }
0x3b8: {  	[sflag:s17] =	ssyncset.done $0x0  }
0x3b9: {  	s25 =	simm.s32 $0x0;
	[sflag:s17] =	ssyncadd.s32 $0xFFFF8000  }
.LBB2_14:
0x3ba: {  	s0 =	sshll.u32 s25, $0x9  }
0x3bb: {  	s0 =	sand.u32 $0x3FFFFE00, s0  }
0x3bc: {  	v0 =	vld [tilespmem:s0+$0x0]  }
0x3bd: {  	v1 =	vld [tilespmem:s0+$0x10]  }
0x3be: {  	v2 =	vld [tilespmem:s0+$0x20]  }
0x3bf: {  	v3 =	vld [tilespmem:s0+$0x30]  }
0x3c0: {  	s1 =	sshll.u32 s25, $0x2;
	v4 =	vld [tilespmem:s0+$0x40]  }
0x3c1: {  	s6 =	sor.u32 $0x1, s1;
	v5 =	vld [tilespmem:s0+$0x50]  }
0x3c2: {  	v6 =	vld [tilespmem:s0+$0x60];
	s2 =	sshll.u32 s6, $0x7  }
0x3c3: {  	v7 =	vld [tilespmem:s0+$0x70];
	s12 =	sand.u32 $0x3FFFFE80, s2  }
0x3c4: {  	v8 =	vld [tilespmem:s12+$0x0]  }
0x3c5: {  	v9 =	vld [tilespmem:s12+$0x10]  }
0x3c6: {  	v10 =	vld [tilespmem:s12+$0x20]  }
0x3c7: {  	v11 =	vld [tilespmem:s12+$0x30]  }
0x3c8: {  	v12 =	vld [tilespmem:s12+$0x40]  }
0x3c9: {  	s4 =	sor.u32 $0x2, s1;
	v13 =	vld [tilespmem:s12+$0x50]  }
0x3ca: {  	s1 =	sshll.u32 s4, $0x7;
	v14 =	vld [tilespmem:s12+$0x60]  }
0x3cb: {  	s14 =	sand.u32 $0x3FFFFF00, s1;
	v15 =	vld [tilespmem:s12+$0x70]  }
0x3cc: {  	v21 =	vld [tilespmem:s14+$0x0]  }
0x3cd: {  	v24 =	vld [tilespmem:s14+$0x10]  }
0x3ce: {  	v25 =	vld [tilespmem:s14+$0x20]  }
0x3cf: {  	v26 =	vld [tilespmem:s14+$0x30]  }
0x3d0: {  	v27 =	vld [tilespmem:s14+$0x40]  }
0x3d1: {  	s15 =	sshllo.u32 s25, $0x2;
	v28 =	vld [tilespmem:s14+$0x50]  }
0x3d2: {  	s16 =	sshll.u32 s15, $0x7;
	v29 =	vld [tilespmem:s14+$0x60]  }
0x3d3: {  	s1 =	sand.u32 $0x3FFFFF80, s16;
	v30 =	vld [tilespmem:s14+$0x70]  }
0x3d4: {  	v22 =	vld [tilespmem:s1+$0x0]  }
0x3d5: {  	s19 =	sshll.u32 s25, $0xE;
	v19 =	vld [tilespmem:s1+$0x10]  }
0x3d6: {  	s0 =	sshrl.u32 s19, $0x2;
	v16 =	vld [tilespmem:s1+$0x20]  }
0x3d7: {  	s5 =	sand.u32 $0x4000, s24;
	[dreg:$0x7] =	wrdreg s0;
	v17 =	vld [tilespmem:s1+$0x30]  }
0x3d8: {  	s5 =	sor.u32 $0x800, s5;
	s0 =	sand.u32 $0x200, s24;
	s7 =	rddreg [dreg:$0x7];
	v18 =	vld [tilespmem:s1+$0x40]  }
0x3d9: {  	v20 =	vld [tilespmem:s1+$0x50];
	s9 =	sor.u32 $0x180, s0;
	s10 =	sadd.s32 s7, s5  }
0x3da: {  	v23 =	vld [tilespmem:s1+$0x60];
	s7 =	sadd.s32 s9, s10  }
0x3db: {  	v31 =	vld [tilespmem:s7+$0x0]  }
0x3dc: {  	v32 =	vld [tilespmem:s7+$0x10]  }
0x3dd: {  	v33 =	vld [tilespmem:s7+$0x20]  }
0x3de: {  	v34 =	vld [tilespmem:s7+$0x30]  }
0x3df: {  	v35 =	vld [tilespmem:s7+$0x40]  }
0x3e0: {  	v37 =	vld [tilespmem:s7+$0x50]  }
0x3e1: {  	s12 =	sadd.s32 s0, s10;
	v38 =	vld [tilespmem:s7+$0x60]  }
0x3e2: {  	v43 =	vld [tilespmem:s12+$0x0];
	v36 =	vadd.f32 v31, v0  }
0x3e3: {  	v46 =	vld [tilespmem:s12+$0x20];
	v32 =	vadd.f32 v32, v1  }
0x3e4: {  	v31 =	vld [tilespmem:s1+$0x70];
	v33 =	vadd.f32 v33, v2;
	[tilespmem:s7+$0x0] =	vst v36  }
0x3e5: {  	v47 =	vld [tilespmem:s12+$0x30];
	v39 =	vadd.f32 v34, v3;
	[tilespmem:s7+$0x10] =	vst v32  }
0x3e6: {  	v57 =	vld [tilespmem:s12+$0x60];
	v41 =	vadd.f32 v35, v4;
	[tilespmem:s7+$0x20] =	vst v33  }
0x3e7: {  	v58 =	vld [tilespmem:s12+$0x70];
	v42 =	vadd.f32 v37, v5;
	[tilespmem:s7+$0x30] =	vst v39  }
0x3e8: {  	v40 =	vld [tilespmem:s7+$0x70];
	v48 =	vadd.f32 v43, v0;
	[tilespmem:s7+$0x40] =	vst v41  }
0x3e9: {  	v44 =	vld [tilespmem:s12+$0x10];
	v50 =	vadd.f32 v46, v2;
	s1 =	sor.u32 $0x80, s0;
	[tilespmem:s7+$0x50] =	vst v42  }
0x3ea: {  	v56 =	vld [tilespmem:s12+$0x50];
	v45 =	vadd.f32 v38, v6;
	v38 =	vadd.f32 v47, v3;
	s11 =	sadd.s32 s1, s10;
	[tilespmem:s12+$0x0] =	vst v48  }
0x3eb: {  	s20 =	sshll.u32 s6, $0xC;
	v63 =	vadd.f32 v57, v6;
	[tilespmem:s12+$0x20] =	vst v50;
	v59 =	vld [tilespmem:s11+$0x0]  }
0x3ec: {  	s26 =	sshrl.u32 s20, $0x2;
	s14 =	sor.u32 $0x100, s0;
	v43 =	vadd.f32 v58, v7;
	[tilespmem:s12+$0x30] =	vst v38;
	v47 =	vld [tilespmem:s11+$0x30]  }
0x3ed: {  	s8 =	sadd.s32 s26, s5;
	s10 =	sadd.s32 s14, s10;
	[tilespmem:s12+$0x60] =	vst v63;
	v50 =	vld [tilespmem:s11+$0x60]  }
0x3ee: {  	s21 =	sadd.s32 s9, s8;
	v34 =	vadd.f32 v40, v7;
	[tilespmem:s12+$0x70] =	vst v43;
	v63 =	vld [tilespmem:s10+$0x60]  }
0x3ef: {  	v33 =	vadd.f32 v44, v1;
	v32 =	vld [tilespmem:s21+$0x10];
	[tilespmem:s7+$0x60] =	vst v45  }
0x3f0: {  	v36 =	vld [tilespmem:s21+$0x20];
	[tilespmem:s7+$0x70] =	vst v34;
	v34 =	vadd.f32 v56, v5  }
0x3f1: {  	v55 =	vld [tilespmem:s12+$0x40];
	[tilespmem:s12+$0x10] =	vst v33;
	v45 =	vadd.f32 v59, v0  }
0x3f2: {  	v49 =	vld [tilespmem:s21+$0x30];
	[tilespmem:s12+$0x50] =	vst v34;
	v34 =	vadd.f32 v47, v3  }
0x3f3: {  	v39 =	vld [tilespmem:s21+$0x40];
	v56 =	vadd.f32 v50, v6;
	[tilespmem:s11+$0x0] =	vst v45  }
0x3f4: {  	v51 =	vld [tilespmem:s21+$0x50];
	v50 =	vadd.f32 v63, v6;
	[tilespmem:s11+$0x30] =	vst v34  }
0x3f5: {  	v52 =	vld [tilespmem:s21+$0x60];
	v32 =	vadd.f32 v32, v9;
	[tilespmem:s11+$0x60] =	vst v56  }
0x3f6: {  	v54 =	vld [tilespmem:s21+$0x70];
	v53 =	vadd.f32 v36, v10;
	[tilespmem:s10+$0x60] =	vst v50  }
0x3f7: {  	v60 =	vld [tilespmem:s11+$0x10];
	[tilespmem:s21+$0x10] =	vst v32;
	v35 =	vadd.f32 v49, v11  }
0x3f8: {  	v61 =	vld [tilespmem:s11+$0x20];
	v39 =	vadd.f32 v39, v12;
	[tilespmem:s21+$0x20] =	vst v53  }
0x3f9: {  	v48 =	vld [tilespmem:s11+$0x40];
	v37 =	vadd.f32 v51, v13;
	[tilespmem:s21+$0x30] =	vst v35  }
0x3fa: {  	v57 =	vld [tilespmem:s10+$0x30];
	v33 =	vadd.f32 v52, v14;
	[tilespmem:s21+$0x40] =	vst v39  }
0x3fb: {  	v36 =	vadd.f32 v54, v15;
	v49 =	vld [tilespmem:s11+$0x50];
	[tilespmem:s21+$0x50] =	vst v37  }
0x3fc: {  	s4 =	sshll.u32 s4, $0xC;
	v32 =	vadd.f32 v55, v4;
	v51 =	vld [tilespmem:s11+$0x70];
	[tilespmem:s21+$0x60] =	vst v33  }
0x3fd: {  	s28 =	sshrl.u32 s4, $0x2;
	v52 =	vld [tilespmem:s10+$0x0];
	[tilespmem:s21+$0x70] =	vst v36;
	v33 =	vadd.f32 v60, v1  }
0x3fe: {  	s22 =	sadd.s32 s28, s5;
	v55 =	vld [tilespmem:s10+$0x20];
	[tilespmem:s12+$0x40] =	vst v32;
	v36 =	vadd.f32 v61, v2  }
0x3ff: {  	s4 =	sadd.s32 s9, s22;
	v32 =	vadd.f32 v48, v4;
	v61 =	vld [tilespmem:s10+$0x50];
	[tilespmem:s11+$0x10] =	vst v33  }
0x400: {  	v62 =	vld [tilespmem:s4+$0x40];
	[tilespmem:s11+$0x20] =	vst v36;
	v33 =	vadd.f32 v49, v5  }
0x401: {  	v42 =	vld [tilespmem:s4+$0x50];
	[tilespmem:s11+$0x40] =	vst v32;
	v58 =	vadd.f32 v51, v7  }
0x402: {  	v44 =	vld [tilespmem:s4+$0x60];
	v60 =	vadd.f32 v52, v0;
	[tilespmem:s11+$0x50] =	vst v33  }
0x403: {  	v46 =	vld [tilespmem:s4+$0x70];
	v43 =	vadd.f32 v55, v2;
	[tilespmem:s11+$0x70] =	vst v58  }
0x404: {  	v53 =	vld [tilespmem:s10+$0x10];
	[tilespmem:s10+$0x0] =	vst v60;
	v48 =	vadd.f32 v61, v5  }
0x405: {  	s2 =	sshll.u32 s15, $0xC;
	s15 =	sadd.s32 s0, s8;
	v59 =	vld [tilespmem:s10+$0x40];
	[tilespmem:s10+$0x20] =	vst v43;
	v38 =	vadd.f32 v62, v27  }
0x406: {  	v45 =	vld [tilespmem:s15+$0x10];
	v35 =	vadd.f32 v42, v28;
	[tilespmem:s10+$0x50] =	vst v48  }
0x407: {  	v47 =	vld [tilespmem:s15+$0x20];
	v39 =	vadd.f32 v44, v29;
	[tilespmem:s4+$0x40] =	vst v38  }
0x408: {  	v49 =	vld [tilespmem:s15+$0x30];
	v37 =	vadd.f32 v46, v30;
	[tilespmem:s4+$0x50] =	vst v35  }
0x409: {  	v51 =	vld [tilespmem:s15+$0x40];
	v62 =	vadd.f32 v53, v1;
	[tilespmem:s4+$0x60] =	vst v39  }
0x40a: {  	v52 =	vld [tilespmem:s15+$0x50];
	v46 =	vadd.f32 v59, v4;
	[tilespmem:s4+$0x70] =	vst v37  }
0x40b: {  	v42 =	vld [tilespmem:s10+$0x70];
	v32 =	vadd.f32 v45, v9;
	[tilespmem:s10+$0x10] =	vst v62  }
0x40c: {  	v44 =	vld [tilespmem:s15+$0x0];
	v55 =	vadd.f32 v47, v10;
	[tilespmem:s10+$0x40] =	vst v46  }
0x40d: {  	s16 =	sadd.s32 s1, s8;
	v53 =	vld [tilespmem:s15+$0x60];
	v38 =	vadd.f32 v57, v3;
	[tilespmem:s15+$0x10] =	vst v32  }
0x40e: {  	v56 =	vld [tilespmem:s16+$0x0];
	v57 =	vadd.f32 v49, v11;
	[tilespmem:s15+$0x20] =	vst v55  }
0x40f: {  	s29 =	sshrl.u32 s2, $0x2;
	v58 =	vld [tilespmem:s16+$0x10];
	v59 =	vadd.f32 v51, v12;
	[tilespmem:s10+$0x30] =	vst v38  }
0x410: {  	s5 =	sadd.s32 s29, s5;
	v60 =	vld [tilespmem:s16+$0x20];
	v61 =	vadd.f32 v52, v13;
	[tilespmem:s15+$0x30] =	vst v57  }
0x411: {  	s30 =	sadd.s32 s9, s5;
	v63 =	vld [tilespmem:s16+$0x40];
	[tilespmem:s15+$0x40] =	vst v59;
	v36 =	vadd.f32 v42, v7  }
0x412: {  	v54 =	vld [tilespmem:s30+$0x70];
	[tilespmem:s15+$0x50] =	vst v61;
	v34 =	vadd.f32 v44, v8  }
0x413: {  	v45 =	vld [tilespmem:s16+$0x60];
	v33 =	vadd.f32 v53, v14;
	[tilespmem:s10+$0x70] =	vst v36  }
0x414: {  	v47 =	vld [tilespmem:s16+$0x70];
	v44 =	vadd.f32 v56, v8;
	[tilespmem:s15+$0x0] =	vst v34  }
0x415: {  	v62 =	vld [tilespmem:s16+$0x30];
	v46 =	vadd.f32 v58, v9;
	[tilespmem:s15+$0x60] =	vst v33  }
0x416: {  	v48 =	vadd.f32 v60, v10;
	[tilespmem:s16+$0x0] =	vst v44  }
0x417: {  	v52 =	vadd.f32 v63, v12;
	[tilespmem:s16+$0x10] =	vst v46;
	v41 =	vadd.f32 v54, v31;
	v54 =	vld [tilespmem:s15+$0x70]  }
0x418: {  	s8 =	sadd.s32 s14, s8;
	v43 =	vld [tilespmem:s16+$0x50];
	v56 =	vadd.f32 v45, v14;
	[tilespmem:s16+$0x20] =	vst v48  }
0x419: {  	v58 =	vadd.f32 v47, v15;
	[tilespmem:s16+$0x40] =	vst v52;
	v49 =	vld [tilespmem:s8+$0x0]  }
0x41a: {  	v50 =	vadd.f32 v62, v11;
	[tilespmem:s16+$0x60] =	vst v56;
	v51 =	vld [tilespmem:s8+$0x10]  }
0x41b: {  	[tilespmem:s16+$0x70] =	vst v58;
	v53 =	vld [tilespmem:s8+$0x20]  }
0x41c: {  	v55 =	vld [tilespmem:s8+$0x30];
	[tilespmem:s16+$0x30] =	vst v50;
	v42 =	vadd.f32 v54, v15  }
0x41d: {  	v57 =	vld [tilespmem:s8+$0x40];
	[tilespmem:s30+$0x70] =	vst v41;
	v54 =	vadd.f32 v43, v13  }
0x41e: {  	v59 =	vld [tilespmem:s8+$0x50];
	v60 =	vadd.f32 v49, v8;
	[tilespmem:s15+$0x70] =	vst v42  }
0x41f: {  	v61 =	vld [tilespmem:s8+$0x60];
	v62 =	vadd.f32 v51, v9;
	[tilespmem:s16+$0x50] =	vst v54  }
0x420: {  	v63 =	vld [tilespmem:s8+$0x70];
	v41 =	vadd.f32 v53, v10;
	[tilespmem:s8+$0x0] =	vst v60  }
0x421: {  	s19 =	sadd.s32 s0, s22;
	v43 =	vadd.f32 v55, v11;
	v42 =	vld [tilespmem:s21+$0x0];
	[tilespmem:s8+$0x10] =	vst v62  }
0x422: {  	v45 =	vadd.f32 v57, v12;
	[tilespmem:s8+$0x20] =	vst v41;
	v44 =	vld [tilespmem:s19+$0x0]  }
0x423: {  	v47 =	vadd.f32 v59, v13;
	[tilespmem:s8+$0x30] =	vst v43;
	v46 =	vld [tilespmem:s19+$0x10]  }
0x424: {  	v49 =	vadd.f32 v61, v14;
	[tilespmem:s8+$0x40] =	vst v45;
	v48 =	vld [tilespmem:s19+$0x20]  }
0x425: {  	v51 =	vadd.f32 v63, v15;
	[tilespmem:s8+$0x50] =	vst v47;
	v50 =	vld [tilespmem:s19+$0x30]  }
0x426: {  	[tilespmem:s8+$0x60] =	vst v49;
	v52 =	vld [tilespmem:s19+$0x40];
	v53 =	vadd.f32 v42, v8  }
0x427: {  	[tilespmem:s8+$0x70] =	vst v51;
	v54 =	vld [tilespmem:s19+$0x50];
	v36 =	vadd.f32 v44, v21  }
0x428: {  	v55 =	vld [tilespmem:s19+$0x60];
	v35 =	vadd.f32 v46, v24;
	[tilespmem:s21+$0x0] =	vst v53  }
0x429: {  	s20 =	sadd.s32 s1, s22;
	v56 =	vld [tilespmem:s19+$0x70];
	v57 =	vadd.f32 v48, v25;
	[tilespmem:s19+$0x0] =	vst v36  }
0x42a: {  	v58 =	vld [tilespmem:s20+$0x0];
	v59 =	vadd.f32 v50, v26;
	[tilespmem:s19+$0x10] =	vst v35  }
0x42b: {  	v60 =	vld [tilespmem:s20+$0x10];
	v61 =	vadd.f32 v52, v27;
	[tilespmem:s19+$0x20] =	vst v57  }
0x42c: {  	v62 =	vld [tilespmem:s20+$0x20];
	v34 =	vadd.f32 v54, v28;
	[tilespmem:s19+$0x30] =	vst v59  }
0x42d: {  	v63 =	vld [tilespmem:s20+$0x30];
	v32 =	vadd.f32 v55, v29;
	[tilespmem:s19+$0x40] =	vst v61  }
0x42e: {  	v43 =	vld [tilespmem:s20+$0x50];
	v33 =	vadd.f32 v56, v30;
	[tilespmem:s19+$0x50] =	vst v34  }
0x42f: {  	v45 =	vld [tilespmem:s20+$0x60];
	v44 =	vadd.f32 v58, v21;
	[tilespmem:s19+$0x60] =	vst v32  }
0x430: {  	v47 =	vld [tilespmem:s20+$0x70];
	v46 =	vadd.f32 v60, v24;
	[tilespmem:s19+$0x70] =	vst v33  }
0x431: {  	v42 =	vld [tilespmem:s20+$0x40];
	v48 =	vadd.f32 v62, v25;
	s21 =	sadd.s32 s14, s22;
	[tilespmem:s20+$0x0] =	vst v44  }
0x432: {  	v50 =	vadd.f32 v63, v26;
	v49 =	vld [tilespmem:s21+$0x0];
	[tilespmem:s20+$0x10] =	vst v46  }
0x433: {  	v54 =	vadd.f32 v43, v28;
	v51 =	vld [tilespmem:s21+$0x10];
	[tilespmem:s20+$0x20] =	vst v48  }
0x434: {  	v56 =	vadd.f32 v45, v29;
	v53 =	vld [tilespmem:s21+$0x20];
	[tilespmem:s20+$0x30] =	vst v50  }
0x435: {  	v58 =	vadd.f32 v47, v30;
	v55 =	vld [tilespmem:s21+$0x30];
	[tilespmem:s20+$0x50] =	vst v54  }
0x436: {  	v57 =	vld [tilespmem:s21+$0x40];
	[tilespmem:s20+$0x60] =	vst v56;
	v52 =	vadd.f32 v42, v27  }
0x437: {  	v59 =	vld [tilespmem:s21+$0x50];
	[tilespmem:s20+$0x70] =	vst v58;
	v60 =	vadd.f32 v49, v21  }
0x438: {  	v61 =	vld [tilespmem:s21+$0x60];
	[tilespmem:s20+$0x40] =	vst v52;
	v62 =	vadd.f32 v51, v24  }
0x439: {  	v63 =	vld [tilespmem:s21+$0x70];
	v41 =	vadd.f32 v53, v25;
	[tilespmem:s21+$0x0] =	vst v60  }
0x43a: {  	v44 =	vld [tilespmem:s4+$0x10];
	v43 =	vadd.f32 v55, v26;
	[tilespmem:s21+$0x10] =	vst v62  }
0x43b: {  	v46 =	vld [tilespmem:s4+$0x20];
	v45 =	vadd.f32 v57, v27;
	[tilespmem:s21+$0x20] =	vst v41  }
0x43c: {  	s0 =	sadd.s32 s0, s5;
	v48 =	vld [tilespmem:s4+$0x30];
	v47 =	vadd.f32 v59, v28;
	[tilespmem:s21+$0x30] =	vst v43  }
0x43d: {  	v50 =	vld [tilespmem:s0+$0x0];
	v49 =	vadd.f32 v61, v29;
	[tilespmem:s21+$0x40] =	vst v45  }
0x43e: {  	v54 =	vld [tilespmem:s0+$0x20];
	v51 =	vadd.f32 v63, v30;
	[tilespmem:s21+$0x50] =	vst v47  }
0x43f: {  	v56 =	vld [tilespmem:s0+$0x30];
	v55 =	vadd.f32 v44, v24;
	[tilespmem:s21+$0x60] =	vst v49  }
0x440: {  	v42 =	vld [tilespmem:s4+$0x0];
	v57 =	vadd.f32 v46, v25;
	[tilespmem:s21+$0x70] =	vst v51  }
0x441: {  	v58 =	vld [tilespmem:s0+$0x40];
	v59 =	vadd.f32 v48, v26;
	[tilespmem:s4+$0x10] =	vst v55  }
0x442: {  	v52 =	vld [tilespmem:s0+$0x10];
	v38 =	vadd.f32 v50, v22;
	[tilespmem:s4+$0x20] =	vst v57  }
0x443: {  	s22 =	sadd.s32 s1, s5;
	v61 =	vld [tilespmem:s0+$0x60];
	v36 =	vadd.f32 v54, v16;
	[tilespmem:s4+$0x30] =	vst v59  }
0x444: {  	v63 =	vld [tilespmem:s22+$0x0];
	v34 =	vadd.f32 v56, v17;
	[tilespmem:s0+$0x0] =	vst v38  }
0x445: {  	v44 =	vld [tilespmem:s22+$0x20];
	v53 =	vadd.f32 v42, v21;
	[tilespmem:s0+$0x20] =	vst v36  }
0x446: {  	v46 =	vld [tilespmem:s22+$0x30];
	v43 =	vadd.f32 v58, v18;
	[tilespmem:s0+$0x30] =	vst v34  }
0x447: {  	v48 =	vld [tilespmem:s22+$0x50];
	[tilespmem:s4+$0x0] =	vst v53;
	v35 =	vadd.f32 v52, v19  }
0x448: {  	v50 =	vld [tilespmem:s22+$0x60];
	[tilespmem:s0+$0x40] =	vst v43;
	v32 =	vadd.f32 v61, v23  }
0x449: {  	v60 =	vld [tilespmem:s0+$0x50];
	v49 =	vadd.f32 v63, v22;
	[tilespmem:s0+$0x10] =	vst v35  }
0x44a: {  	v62 =	vld [tilespmem:s0+$0x70];
	v53 =	vadd.f32 v44, v16;
	[tilespmem:s0+$0x60] =	vst v32  }
0x44b: {  	v42 =	vld [tilespmem:s22+$0x10];
	v55 =	vadd.f32 v46, v17;
	[tilespmem:s22+$0x0] =	vst v49  }
0x44c: {  	s1 =	sadd.s32 s14, s5;
	v47 =	vld [tilespmem:s22+$0x40];
	v58 =	vadd.f32 v48, v20;
	[tilespmem:s22+$0x20] =	vst v53  }
0x44d: {  	v54 =	vld [tilespmem:s1+$0x0];
	v59 =	vadd.f32 v50, v23;
	[tilespmem:s22+$0x30] =	vst v55  }
0x44e: {  	v56 =	vld [tilespmem:s1+$0x10];
	v45 =	vadd.f32 v60, v20;
	[tilespmem:s22+$0x50] =	vst v58  }
0x44f: {  	v40 =	vld [tilespmem:s1+$0x20];
	v33 =	vadd.f32 v62, v31;
	[tilespmem:s22+$0x60] =	vst v59  }
0x450: {  	v52 =	vld [tilespmem:s22+$0x70];
	v51 =	vadd.f32 v42, v19;
	[tilespmem:s0+$0x50] =	vst v45  }
0x451: {  	v41 =	vld [tilespmem:s1+$0x30];
	v57 =	vadd.f32 v47, v18;
	[tilespmem:s0+$0x70] =	vst v33  }
0x452: {  	v42 =	vld [tilespmem:s1+$0x40];
	v60 =	vadd.f32 v54, v22;
	[tilespmem:s22+$0x10] =	vst v51  }
0x453: {  	v36 =	vld [tilespmem:s1+$0x50];
	v62 =	vadd.f32 v56, v19;
	[tilespmem:s22+$0x40] =	vst v57  }
0x454: {  	v34 =	vld [tilespmem:s1+$0x70];
	v63 =	vadd.f32 v40, v16;
	[tilespmem:s1+$0x0] =	vst v60  }
0x455: {  	v35 =	vld [tilespmem:s1+$0x60];
	v61 =	vadd.f32 v52, v31;
	[tilespmem:s1+$0x10] =	vst v62  }
0x456: {  	v32 =	vld [tilespmem:s30+$0x10];
	[tilespmem:s1+$0x20] =	vst v63  }
0x457: {  	s31 =	simm.s32 $0x0;
	s2 =	simm.s32 $0x0;
	v38 =	vadd.f32 v41, v17;
	v33 =	vld [tilespmem:s30+$0x0];
	s0 =	simm.s32 $0x0;
	[tilespmem:s22+$0x70] =	vst v61;
	v37 =	vadd.f32 v42, v18  }
.LBB2_15:
0x458: {  	v46 =	vld [tilespmem:s30+$0x20];
	s0 =	sadd.s32 $0x2000, s0  }
0x459: {  	v47 =	vld [tilespmem:s30+$0x30];
	s2 =	sadd.s32 $0x200, s2;
	s6 =	sand.u32 $0x4000, s0  }
0x45a: {  	s5 =	rddreg [dreg:$0x7];
	v48 =	vld [tilespmem:s30+$0x40];
	s4 =	sand.u32 $0x200, s2;
	s21 =	sor.u32 $0x800, s6  }
0x45b: {  	v49 =	vld [tilespmem:s30+$0x50];
	[tilespmem:s1+$0x30] =	vst v38;
	s19 =	sor.u32 $0x180, s4;
	s6 =	sadd.s32 s5, s21;
	v36 =	vadd.f32 v36, v20  }
0x45c: {  	v50 =	vld [tilespmem:s30+$0x60];
	[tilespmem:s1+$0x40] =	vst v37;
	v35 =	vadd.f32 v35, v23;
	s5 =	sadd.s32 s19, s6  }
0x45d: {  	v34 =	vadd.f32 v34, v31;
	s22 =	sadd.s32 s4, s6;
	v39 =	vld [tilespmem:s5+$0x0];
	[tilespmem:s1+$0x50] =	vst v36  }
0x45e: {  	v33 =	vadd.f32 v33, v22;
	v43 =	vld [tilespmem:s22+$0x0];
	[tilespmem:s1+$0x60] =	vst v35  }
0x45f: {  	v32 =	vadd.f32 v32, v19;
	v45 =	vld [tilespmem:s22+$0x10];
	[tilespmem:s1+$0x70] =	vst v34  }
0x460: {  	v51 =	vadd.f32 v46, v16;
	v53 =	vadd.f32 v47, v17;
	v47 =	vld [tilespmem:s22+$0x20];
	[tilespmem:s30+$0x0] =	vst v33  }
0x461: {  	v52 =	vld [tilespmem:s5+$0x10];
	[tilespmem:s30+$0x10] =	vst v32  }
0x462: {  	v55 =	vadd.f32 v48, v18;
	v54 =	vld [tilespmem:s5+$0x20];
	[tilespmem:s30+$0x20] =	vst v51  }
0x463: {  	v57 =	vadd.f32 v49, v20;
	v56 =	vld [tilespmem:s5+$0x30];
	[tilespmem:s30+$0x30] =	vst v53  }
0x464: {  	v59 =	vadd.f32 v50, v23;
	v58 =	vld [tilespmem:s5+$0x40];
	[tilespmem:s30+$0x40] =	vst v55  }
0x465: {  	v60 =	vadd.f32 v39, v0;
	v61 =	vld [tilespmem:s5+$0x50];
	[tilespmem:s30+$0x50] =	vst v57  }
0x466: {  	v37 =	vadd.f32 v43, v0;
	v63 =	vld [tilespmem:s5+$0x60];
	[tilespmem:s30+$0x60] =	vst v59  }
0x467: {  	v49 =	vld [tilespmem:s22+$0x30];
	v36 =	vadd.f32 v45, v1;
	[tilespmem:s5+$0x0] =	vst v60  }
0x468: {  	s14 =	sor.u32 $0x80, s4;
	v35 =	vadd.f32 v47, v2;
	[tilespmem:s22+$0x0] =	vst v37  }
0x469: {  	s15 =	sadd.s32 s14, s6;
	v62 =	vadd.f32 v52, v1;
	[tilespmem:s22+$0x10] =	vst v36  }
0x46a: {  	v47 =	vld [tilespmem:s15+$0x10];
	[tilespmem:s22+$0x20] =	vst v35;
	v41 =	vadd.f32 v54, v2  }
0x46b: {  	v60 =	vld [tilespmem:s22+$0x40];
	[tilespmem:s5+$0x10] =	vst v62;
	v44 =	vadd.f32 v56, v3  }
0x46c: {  	v42 =	vld [tilespmem:s5+$0x70];
	v56 =	vadd.f32 v49, v3;
	[tilespmem:s5+$0x20] =	vst v41  }
0x46d: {  	v46 =	vadd.f32 v58, v4;
	[tilespmem:s5+$0x30] =	vst v44  }
0x46e: {  	s16 =	sadd.s32 s26, s21;
	v48 =	vadd.f32 v61, v5;
	[tilespmem:s22+$0x30] =	vst v56;
	v61 =	vld [tilespmem:s22+$0x50]  }
0x46f: {  	s7 =	sadd.s32 s19, s16;
	v56 =	vadd.f32 v47, v1;
	[tilespmem:s5+$0x40] =	vst v46;
	v50 =	vadd.f32 v63, v6;
	v63 =	vld [tilespmem:s22+$0x60]  }
0x470: {  	[tilespmem:s5+$0x50] =	vst v48;
	v52 =	vld [tilespmem:s7+$0x10]  }
0x471: {  	v46 =	vadd.f32 v60, v4;
	v51 =	vadd.f32 v42, v7;
	v42 =	vld [tilespmem:s22+$0x70];
	[tilespmem:s15+$0x10] =	vst v56  }
0x472: {  	[tilespmem:s5+$0x60] =	vst v50;
	v53 =	vld [tilespmem:s7+$0x20]  }
0x473: {  	[tilespmem:s22+$0x40] =	vst v46;
	v54 =	vld [tilespmem:s7+$0x30];
	v48 =	vadd.f32 v61, v5  }
0x474: {  	v44 =	vld [tilespmem:s15+$0x0];
	[tilespmem:s5+$0x70] =	vst v51;
	v50 =	vadd.f32 v63, v6  }
0x475: {  	v55 =	vld [tilespmem:s7+$0x40];
	v34 =	vadd.f32 v52, v9;
	[tilespmem:s22+$0x50] =	vst v48  }
0x476: {  	v57 =	vld [tilespmem:s7+$0x50];
	v52 =	vadd.f32 v42, v7;
	[tilespmem:s22+$0x60] =	vst v50  }
0x477: {  	v58 =	vld [tilespmem:s7+$0x60];
	v33 =	vadd.f32 v53, v10;
	[tilespmem:s7+$0x10] =	vst v34  }
0x478: {  	v59 =	vld [tilespmem:s7+$0x70];
	v32 =	vadd.f32 v54, v11;
	[tilespmem:s22+$0x70] =	vst v52  }
0x479: {  	v49 =	vld [tilespmem:s15+$0x20];
	v54 =	vadd.f32 v44, v0;
	[tilespmem:s7+$0x20] =	vst v33  }
0x47a: {  	v60 =	vld [tilespmem:s15+$0x40];
	v62 =	vadd.f32 v55, v12;
	[tilespmem:s7+$0x30] =	vst v32  }
0x47b: {  	s20 =	sor.u32 $0x100, s4;
	v61 =	vld [tilespmem:s15+$0x50];
	v41 =	vadd.f32 v57, v13;
	[tilespmem:s15+$0x0] =	vst v54  }
0x47c: {  	s11 =	sadd.s32 s20, s6;
	v63 =	vld [tilespmem:s15+$0x70];
	v43 =	vadd.f32 v58, v14;
	[tilespmem:s7+$0x40] =	vst v62  }
0x47d: {  	v42 =	vld [tilespmem:s11+$0x10];
	v45 =	vadd.f32 v59, v15;
	[tilespmem:s7+$0x50] =	vst v41  }
0x47e: {  	v52 =	vld [tilespmem:s11+$0x60];
	v58 =	vadd.f32 v49, v2;
	[tilespmem:s7+$0x60] =	vst v43  }
0x47f: {  	s12 =	sadd.s32 s4, s16;
	v59 =	vld [tilespmem:s15+$0x30];
	v33 =	vadd.f32 v60, v4;
	[tilespmem:s7+$0x70] =	vst v45  }
0x480: {  	v32 =	vadd.f32 v61, v5;
	v61 =	vld [tilespmem:s12+$0x40];
	[tilespmem:s15+$0x20] =	vst v58  }
0x481: {  	v46 =	vadd.f32 v63, v7;
	v62 =	vld [tilespmem:s15+$0x60];
	[tilespmem:s15+$0x40] =	vst v33  }
0x482: {  	v41 =	vld [tilespmem:s11+$0x0];
	v50 =	vadd.f32 v42, v1;
	[tilespmem:s15+$0x50] =	vst v32  }
0x483: {  	s5 =	sadd.s32 s28, s21;
	v54 =	vld [tilespmem:s11+$0x70];
	[tilespmem:s15+$0x70] =	vst v46;
	v60 =	vadd.f32 v52, v6  }
0x484: {  	s10 =	sadd.s32 s14, s16;
	s8 =	sadd.s32 s20, s16;
	s16 =	sadd.s32 s19, s5;
	v42 =	vld [tilespmem:s12+$0x50];
	[tilespmem:s11+$0x10] =	vst v50;
	v34 =	vadd.f32 v59, v3  }
0x485: {  	v51 =	vld [tilespmem:s16+$0x40];
	[tilespmem:s11+$0x60] =	vst v60;
	v33 =	vadd.f32 v61, v12  }
0x486: {  	v53 =	vld [tilespmem:s16+$0x50];
	[tilespmem:s15+$0x30] =	vst v34;
	v44 =	vadd.f32 v62, v6  }
0x487: {  	v55 =	vld [tilespmem:s16+$0x60];
	v48 =	vadd.f32 v41, v0;
	[tilespmem:s12+$0x40] =	vst v33  }
0x488: {  	v57 =	vld [tilespmem:s16+$0x70];
	v62 =	vadd.f32 v54, v7;
	[tilespmem:s15+$0x60] =	vst v44  }
0x489: {  	v45 =	vld [tilespmem:s11+$0x20];
	v50 =	vadd.f32 v42, v13;
	[tilespmem:s11+$0x0] =	vst v48  }
0x48a: {  	v49 =	vld [tilespmem:s11+$0x40];
	v36 =	vadd.f32 v51, v27;
	[tilespmem:s11+$0x70] =	vst v62  }
0x48b: {  	v58 =	vld [tilespmem:s12+$0x20];
	v37 =	vadd.f32 v53, v28;
	[tilespmem:s12+$0x50] =	vst v50  }
0x48c: {  	v46 =	vld [tilespmem:s12+$0x70];
	v35 =	vadd.f32 v55, v29;
	[tilespmem:s16+$0x40] =	vst v36  }
0x48d: {  	v47 =	vld [tilespmem:s11+$0x30];
	v40 =	vadd.f32 v57, v30;
	[tilespmem:s16+$0x50] =	vst v37  }
0x48e: {  	v59 =	vld [tilespmem:s12+$0x30];
	v53 =	vadd.f32 v45, v2;
	[tilespmem:s16+$0x60] =	vst v35  }
0x48f: {  	v51 =	vld [tilespmem:s11+$0x50];
	v57 =	vadd.f32 v49, v4;
	[tilespmem:s16+$0x70] =	vst v40  }
0x490: {  	v55 =	vld [tilespmem:s12+$0x0];
	v45 =	vadd.f32 v58, v10;
	[tilespmem:s11+$0x20] =	vst v53  }
0x491: {  	v49 =	vld [tilespmem:s10+$0x10];
	v54 =	vadd.f32 v46, v15;
	[tilespmem:s11+$0x40] =	vst v57  }
0x492: {  	v44 =	vld [tilespmem:s12+$0x60];
	v36 =	vadd.f32 v47, v3;
	[tilespmem:s12+$0x20] =	vst v45  }
0x493: {  	v47 =	vadd.f32 v59, v11;
	v53 =	vld [tilespmem:s10+$0x30];
	[tilespmem:s12+$0x70] =	vst v54  }
0x494: {  	v57 =	vld [tilespmem:s10+$0x50];
	[tilespmem:s11+$0x30] =	vst v36;
	v35 =	vadd.f32 v51, v5  }
0x495: {  	s22 =	sadd.s32 s29, s21;
	v59 =	vld [tilespmem:s10+$0x60];
	[tilespmem:s12+$0x30] =	vst v47;
	v63 =	vadd.f32 v55, v8  }
0x496: {  	s30 =	sadd.s32 s19, s22;
	v61 =	vld [tilespmem:s10+$0x70];
	v58 =	vadd.f32 v49, v9;
	[tilespmem:s11+$0x50] =	vst v35  }
0x497: {  	v43 =	vld [tilespmem:s30+$0x70];
	v52 =	vadd.f32 v44, v14;
	[tilespmem:s12+$0x0] =	vst v63  }
0x498: {  	v56 =	vld [tilespmem:s12+$0x10];
	[tilespmem:s10+$0x10] =	vst v58;
	v62 =	vadd.f32 v53, v11  }
0x499: {  	v48 =	vld [tilespmem:s10+$0x0];
	v42 =	vadd.f32 v57, v13;
	[tilespmem:s12+$0x60] =	vst v52  }
0x49a: {  	v51 =	vld [tilespmem:s10+$0x20];
	v44 =	vadd.f32 v59, v14;
	[tilespmem:s10+$0x30] =	vst v62  }
0x49b: {  	v55 =	vld [tilespmem:s10+$0x40];
	v46 =	vadd.f32 v61, v15;
	[tilespmem:s10+$0x50] =	vst v42  }
0x49c: {  	v41 =	vld [tilespmem:s8+$0x10];
	v34 =	vadd.f32 v43, v31;
	[tilespmem:s10+$0x60] =	vst v44  }
0x49d: {  	v63 =	vld [tilespmem:s8+$0x0];
	v43 =	vadd.f32 v56, v9;
	[tilespmem:s10+$0x70] =	vst v46  }
0x49e: {  	v56 =	vadd.f32 v48, v8;
	v45 =	vld [tilespmem:s8+$0x30];
	[tilespmem:s30+$0x70] =	vst v34  }
0x49f: {  	v47 =	vld [tilespmem:s8+$0x40];
	[tilespmem:s12+$0x10] =	vst v43;
	v60 =	vadd.f32 v51, v10  }
0x4a0: {  	v49 =	vld [tilespmem:s8+$0x50];
	[tilespmem:s10+$0x0] =	vst v56;
	v40 =	vadd.f32 v55, v12  }
0x4a1: {  	v53 =	vld [tilespmem:s8+$0x70];
	v50 =	vadd.f32 v41, v9;
	[tilespmem:s10+$0x20] =	vst v60  }
0x4a2: {  	v43 =	vld [tilespmem:s8+$0x20];
	[tilespmem:s10+$0x40] =	vst v40;
	v48 =	vadd.f32 v63, v8  }
0x4a3: {  	v51 =	vld [tilespmem:s8+$0x60];
	[tilespmem:s8+$0x10] =	vst v50;
	v54 =	vadd.f32 v45, v11  }
0x4a4: {  	s9 =	sadd.s32 s4, s5;
	v55 =	vld [tilespmem:s7+$0x0];
	v57 =	vadd.f32 v47, v12;
	[tilespmem:s8+$0x0] =	vst v48  }
0x4a5: {  	v56 =	vld [tilespmem:s9+$0x0];
	v59 =	vadd.f32 v49, v13;
	[tilespmem:s8+$0x30] =	vst v54  }
0x4a6: {  	v58 =	vld [tilespmem:s9+$0x10];
	v63 =	vadd.f32 v53, v15;
	[tilespmem:s8+$0x40] =	vst v57  }
0x4a7: {  	v62 =	vld [tilespmem:s9+$0x30];
	v52 =	vadd.f32 v43, v10;
	[tilespmem:s8+$0x50] =	vst v59  }
0x4a8: {  	v60 =	vld [tilespmem:s9+$0x20];
	v61 =	vadd.f32 v51, v14;
	[tilespmem:s8+$0x70] =	vst v63  }
0x4a9: {  	v42 =	vld [tilespmem:s9+$0x40];
	v43 =	vadd.f32 v55, v8;
	[tilespmem:s8+$0x20] =	vst v52  }
0x4aa: {  	v45 =	vld [tilespmem:s9+$0x50];
	v44 =	vadd.f32 v56, v21;
	[tilespmem:s8+$0x60] =	vst v61  }
0x4ab: {  	v47 =	vld [tilespmem:s9+$0x60];
	v46 =	vadd.f32 v58, v24;
	[tilespmem:s7+$0x0] =	vst v43  }
0x4ac: {  	s6 =	sadd.s32 s14, s5;
	v49 =	vld [tilespmem:s9+$0x70];
	v50 =	vadd.f32 v62, v26;
	[tilespmem:s9+$0x0] =	vst v44  }
0x4ad: {  	v53 =	vld [tilespmem:s6+$0x10];
	v48 =	vadd.f32 v60, v25;
	[tilespmem:s9+$0x10] =	vst v46  }
0x4ae: {  	v41 =	vld [tilespmem:s6+$0x70];
	v52 =	vadd.f32 v42, v27;
	[tilespmem:s9+$0x30] =	vst v50  }
0x4af: {  	v51 =	vld [tilespmem:s6+$0x0];
	v54 =	vadd.f32 v45, v28;
	[tilespmem:s9+$0x20] =	vst v48  }
0x4b0: {  	v55 =	vld [tilespmem:s6+$0x20];
	v56 =	vadd.f32 v47, v29;
	[tilespmem:s9+$0x40] =	vst v52  }
0x4b1: {  	v57 =	vld [tilespmem:s6+$0x30];
	v58 =	vadd.f32 v49, v30;
	[tilespmem:s9+$0x50] =	vst v54  }
0x4b2: {  	v59 =	vld [tilespmem:s6+$0x40];
	v62 =	vadd.f32 v53, v24;
	[tilespmem:s9+$0x60] =	vst v56  }
0x4b3: {  	v63 =	vld [tilespmem:s6+$0x60];
	v50 =	vadd.f32 v41, v30;
	[tilespmem:s9+$0x70] =	vst v58  }
0x4b4: {  	s5 =	sadd.s32 s20, s5;
	v61 =	vld [tilespmem:s6+$0x50];
	v60 =	vadd.f32 v51, v21;
	[tilespmem:s6+$0x10] =	vst v62  }
0x4b5: {  	v43 =	vld [tilespmem:s5+$0x0];
	v40 =	vadd.f32 v55, v25;
	[tilespmem:s6+$0x70] =	vst v50  }
0x4b6: {  	v45 =	vld [tilespmem:s5+$0x10];
	v42 =	vadd.f32 v57, v26;
	[tilespmem:s6+$0x0] =	vst v60  }
0x4b7: {  	v47 =	vld [tilespmem:s5+$0x20];
	v44 =	vadd.f32 v59, v27;
	[tilespmem:s6+$0x20] =	vst v40  }
0x4b8: {  	v49 =	vld [tilespmem:s5+$0x30];
	v48 =	vadd.f32 v63, v29;
	[tilespmem:s6+$0x30] =	vst v42  }
0x4b9: {  	v53 =	vld [tilespmem:s5+$0x50];
	v46 =	vadd.f32 v61, v28;
	[tilespmem:s6+$0x40] =	vst v44  }
0x4ba: {  	v51 =	vld [tilespmem:s5+$0x40];
	[tilespmem:s6+$0x60] =	vst v48;
	v52 =	vadd.f32 v43, v21  }
0x4bb: {  	v55 =	vld [tilespmem:s5+$0x60];
	v54 =	vadd.f32 v45, v24;
	[tilespmem:s6+$0x50] =	vst v46  }
0x4bc: {  	v57 =	vld [tilespmem:s5+$0x70];
	v56 =	vadd.f32 v47, v25;
	[tilespmem:s5+$0x0] =	vst v52  }
0x4bd: {  	v59 =	vld [tilespmem:s16+$0x0];
	v58 =	vadd.f32 v49, v26;
	[tilespmem:s5+$0x10] =	vst v54  }
0x4be: {  	v63 =	vld [tilespmem:s16+$0x20];
	v62 =	vadd.f32 v53, v28;
	[tilespmem:s5+$0x20] =	vst v56  }
0x4bf: {  	s4 =	sadd.s32 s4, s22;
	v61 =	vld [tilespmem:s16+$0x10];
	v60 =	vadd.f32 v51, v27;
	[tilespmem:s5+$0x30] =	vst v58  }
0x4c0: {  	v44 =	vld [tilespmem:s4+$0x0];
	v42 =	vadd.f32 v55, v29;
	[tilespmem:s5+$0x50] =	vst v62  }
0x4c1: {  	v48 =	vld [tilespmem:s4+$0x20];
	v45 =	vadd.f32 v57, v30;
	[tilespmem:s5+$0x40] =	vst v60  }
0x4c2: {  	v50 =	vld [tilespmem:s4+$0x30];
	v47 =	vadd.f32 v59, v21;
	[tilespmem:s5+$0x60] =	vst v42  }
0x4c3: {  	v43 =	vld [tilespmem:s16+$0x30];
	v51 =	vadd.f32 v63, v25;
	[tilespmem:s5+$0x70] =	vst v45  }
0x4c4: {  	v46 =	vld [tilespmem:s4+$0x10];
	v49 =	vadd.f32 v61, v24;
	[tilespmem:s16+$0x0] =	vst v47  }
0x4c5: {  	v52 =	vld [tilespmem:s4+$0x40];
	v54 =	vadd.f32 v44, v22;
	[tilespmem:s16+$0x20] =	vst v51  }
0x4c6: {  	v55 =	vld [tilespmem:s4+$0x50];
	v58 =	vadd.f32 v48, v16;
	[tilespmem:s16+$0x10] =	vst v49  }
0x4c7: {  	v57 =	vld [tilespmem:s4+$0x60];
	v60 =	vadd.f32 v50, v17;
	[tilespmem:s4+$0x0] =	vst v54  }
0x4c8: {  	s14 =	sadd.s32 s14, s22;
	v59 =	vld [tilespmem:s4+$0x70];
	v53 =	vadd.f32 v43, v26;
	[tilespmem:s4+$0x20] =	vst v58  }
0x4c9: {  	v63 =	vld [tilespmem:s14+$0x10];
	v56 =	vadd.f32 v46, v19;
	[tilespmem:s4+$0x30] =	vst v60  }
0x4ca: {  	v41 =	vld [tilespmem:s14+$0x20];
	[tilespmem:s16+$0x30] =	vst v53;
	v62 =	vadd.f32 v52, v18  }
0x4cb: {  	v61 =	vld [tilespmem:s14+$0x0];
	v40 =	vadd.f32 v55, v20;
	[tilespmem:s4+$0x10] =	vst v56  }
0x4cc: {  	v45 =	vld [tilespmem:s14+$0x40];
	v42 =	vadd.f32 v57, v23;
	[tilespmem:s4+$0x40] =	vst v62  }
0x4cd: {  	v47 =	vld [tilespmem:s14+$0x50];
	v44 =	vadd.f32 v59, v31;
	[tilespmem:s4+$0x50] =	vst v40  }
0x4ce: {  	v51 =	vld [tilespmem:s14+$0x70];
	v48 =	vadd.f32 v63, v19;
	[tilespmem:s4+$0x60] =	vst v42  }
0x4cf: {  	v43 =	vld [tilespmem:s14+$0x30];
	v50 =	vadd.f32 v41, v16;
	[tilespmem:s4+$0x70] =	vst v44  }
0x4d0: {  	s1 =	sadd.s32 s20, s22;
	v49 =	vld [tilespmem:s14+$0x60];
	v46 =	vadd.f32 v61, v22;
	[tilespmem:s14+$0x10] =	vst v48  }
0x4d1: {  	v53 =	vld [tilespmem:s1+$0x0];
	[tilespmem:s14+$0x20] =	vst v50;
	v54 =	vadd.f32 v45, v18  }
0x4d2: {  	v55 =	vld [tilespmem:s1+$0x10];
	v56 =	vadd.f32 v47, v20;
	[tilespmem:s14+$0x0] =	vst v46  }
0x4d3: {  	v57 =	vld [tilespmem:s1+$0x20];
	v60 =	vadd.f32 v51, v31;
	[tilespmem:s14+$0x40] =	vst v54  }
0x4d4: {  	s31 =	sadd.s32 $0x4, s31;
	v59 =	vld [tilespmem:s1+$0x30];
	v52 =	vadd.f32 v43, v17;
	[tilespmem:s14+$0x50] =	vst v56  }
0x4d5: {  	p0 =	slt.u32 s31, $0xC;
	v40 =	vld [tilespmem:s1+$0x40];
	v58 =	vadd.f32 v49, v23;
	[tilespmem:s14+$0x70] =	vst v60  }
.Ltmp6:
0x4d6: {  	v36 =	vld [tilespmem:s1+$0x50];
	[tilespmem:s14+$0x30] =	vst v52;
	v61 =	vadd.f32 v53, v22;
	(pc) =	sbr.rel @p0 .LBB2_15-.Ltmp6, $4  }
0x4d7: {  	v35 =	vld [tilespmem:s1+$0x60];
	v62 =	vadd.f32 v55, v19;
	[tilespmem:s14+$0x60] =	vst v58  }
0x4d8: {  	v34 =	vld [tilespmem:s1+$0x70];
	v63 =	vadd.f32 v57, v16;
	[tilespmem:s1+$0x0] =	vst v61  }
0x4d9: {  	v33 =	vld [tilespmem:s30+$0x0];
	[tilespmem:s1+$0x10] =	vst v62  }
0x4da: {  	v32 =	vld [tilespmem:s30+$0x10];
	v38 =	vadd.f32 v59, v17;
	[tilespmem:s1+$0x20] =	vst v63;
	v37 =	vadd.f32 v40, v18  }
0x4db: {  	_ = 	snop  }
0x4dc: {  	v0 =	vadd.f32 v36, v20;
	v1 =	vld [tilespmem:s30+$0x20];
	[tilespmem:s1+$0x30] =	vst v38  }
0x4dd: {  	v3 =	vld [tilespmem:s30+$0x30];
	[tilespmem:s1+$0x40] =	vst v37;
	v2 =	vadd.f32 v35, v23  }
0x4de: {  	v4 =	vld [tilespmem:s30+$0x40];
	[tilespmem:s1+$0x50] =	vst v0;
	v57 =	vadd.f32 v34, v31  }
0x4df: {  	v5 =	vld [tilespmem:s30+$0x50];
	[tilespmem:s1+$0x60] =	vst v2;
	v58 =	vadd.f32 v33, v22  }
0x4e0: {  	v6 =	vld [tilespmem:s30+$0x60];
	[tilespmem:s1+$0x70] =	vst v57;
	v59 =	vadd.f32 v32, v19  }
0x4e1: {  	s25 =	sadd.s32 $0x1, s25;
	[tilespmem:s30+$0x0] =	vst v58;
	v1 =	vadd.f32 v1, v16  }
0x4e2: {  	p0 =	sne.s32 s25, $0x4;
	v60 =	vadd.f32 v3, v17;
	[tilespmem:s30+$0x10] =	vst v59  }
.Ltmp7:
0x4e3: {  	v61 =	vadd.f32 v4, v18;
	[tilespmem:s30+$0x20] =	vst v1;
	(pc) =	sbr.rel @p0 .LBB2_14-.Ltmp7, $4  }
0x4e4: {  	v62 =	vadd.f32 v5, v20;
	[tilespmem:s30+$0x30] =	vst v60  }
0x4e5: {  	v63 =	vadd.f32 v6, v23;
	[tilespmem:s30+$0x40] =	vst v61  }
0x4e6: {  	[tilespmem:s30+$0x50] =	vst v62  }
0x4e7: {  	[tilespmem:s30+$0x60] =	vst v63  }
0x4e8: {  	s0 =	rddreg [dreg:$0xf];
	s29 =	simm.s32 $0x5  }
0x4e9: {  	[hbm4b:s0+s3] =	stream.linear.scatter [tilespmem:s13], [sflag:$0x4], $0x8000, $0x38;
	[tilespmem:$0x18800] =	vst v63  }
0x4ea: {  	_ =	swait.ge [sflag:s29], $0x8000  }
0x4eb: {  	[sflag:s29] =	ssyncset.done $0x0  }
0x4ec: {  	s30 =	simm.s32 $0x6;
	[sflag:s29] =	ssyncadd.s32 $0xFFFF8000  }
0x4ed: {  	_ =	swait.ge [sflag:s30], $0x8000  }
0x4ee: {  	[sflag:s30] =	ssyncset.done $0x0  }
0x4ef: {  	[sflag:s30] =	ssyncadd.s32 $0xFFFF8000  }
0x4f0: {  	_ =	swait.ge [sflag:s18], $0x8000  }
0x4f1: {  	s23 =	sadd.s32 $0x1, s23;
	s31 =	rddreg [dreg:$0x10]  }
0x4f2: {  	p0 =	sne.s32 s23, s31  }
.Ltmp8:
0x4f3: {  	_ = 	snop;
	(pc) =	sbr.rel @p0 .LBB2_1-.Ltmp8, $3  }
0x4f4: {  	_ =	sdelay $0x1  }
0x4f5: {  	[sflag:s18] =	ssyncset.done $0x0  }
0x4f6: {  	[sflag:s18] =	ssyncadd.s32 $0xFFFF8000  }
0x4f7: {  	_ =	sfence.sel $0x180000  }
0x4f8: {  	[bflag:$0x0] =	sbarrier.arrive $0xFFFF  }
0x4f9: {  	_ =	strace $0x90000047  }
0x4fa: {  	s0 =	stileid.u32;
	[bflag:$0x2] =	sbarrier.arrive $0xFFFF  }
0x4fb: {  	p0 =	sne.s32 s0, $0x0;
	s0 =	rddreg [dreg:$0x3]  }
0x4fc: {  	s0 =	sadd.s32 @!p0 $0x100000, s0  }
0x4fd: {  	[sflag:s0] =	ssyncadd.tile.s32 @!p0 $0x1;
	_ =	shalt  }
.Lfunc_end2:
_tile_overlayer_lowered:
.L_overlay_start_2:
0x4fe: {  	(tag) =	ssettag $0x2  }
0x4ff: {  	s0 =	rddreg [dreg:$0x0];
	s2 =	stileid.u32  }
0x500: {  	s1 =	rddreg [dreg:$0x1];
	p0 =	sne.s32 s2, $0x0  }
0x501: {  	s3 =	rddreg [dreg:$0x2];
	[bflag:$0x3] =	sbarrier.arrive $0xFFFF;
	s2 =	simm.s32 @!p0 $0x1C07  }
0x502: {  	[timem:s3], [sflag:s2] =	dma.local @!p0 [hbm:s0], s1  }
0x503: {  	s0 =	simm.s32 @!p0 $0x7  }
0x504: {  	_ =	swait.ge @!p0 [sflag:s0], s1  }
0x505: {  	s1 =	ssub.s32 @!p0 $0x0, s1;
	[sflag:s0] =	ssyncset.done @!p0 $0x0  }
0x506: {  	[sflag:s0] =	ssyncadd.s32 @!p0 s1  }
0x507: {  	[bflag:$0x3] =	sbarrier.arrive $0xFFFF  }
0x508: {  	_ =	shalt  }

</sc_bundles>
